<compile_context>
chip_gen: v7x
topology: tpu7x:2x2x1
jax: 0.10.2.dev20260603
libtpu: 0.0.44.dev20260713+nightly
codegen_flags: <defaults>
</compile_context>

<pallas_src>
import functools

import jax
import jax.numpy as jnp
from jax import lax
from jax.experimental import pallas as pl
from jax.experimental.pallas import tpu as pltpu
from jax.experimental.pallas import tpu_sc as plsc

N = 10000
E = 320000
IN_DIM = 128
HID = 256
ACT = 32
NG = 64

E_PAD = 327680
EROWS = E_PAD // 64
EROWS_T = EROWS // 16
DEG_T = E_PAD // 32
DEGP = 10240
ACC_R = 10112
DUMMY = 10000

MB = 1000
GRID = N // MB

_mesh = plsc.VectorSubcoreMesh(core_axis_name="c", subcore_axis_name="s")


@functools.partial(
    pl.kernel,
    out_type=jax.ShapeDtypeStruct((2, DEGP), jnp.float32),
    mesh=_mesh,
    scratch_types=[
        pltpu.VMEM((DEG_T,), jnp.int32),
        pltpu.VMEM((DEGP,), jnp.float32),
        pltpu.VMEM((16, 640), jnp.float32),
        pltpu.VMEM((640,), jnp.float32),
        pltpu.VMEM_SHARED((16, DEGP), jnp.float32),
    ],
    compiler_params=pltpu.CompilerParams(needs_layout_passes=False),
)
def _deg_call(dst_hbm, out_hbm, dst_v, deg_v, part_v, acc_v, stage):
    c = lax.axis_index("c")
    s = lax.axis_index("s")
    wid = c * 16 + s

    pltpu.sync_copy(dst_hbm.at[pl.ds(wid * DEG_T, DEG_T)], dst_v)

    def zero(i, carry):
        deg_v[pl.ds(i * 16, 16)] = jnp.zeros((16,), jnp.float32)
        return carry

    lax.fori_loop(0, DEGP // 16, zero, 0)

    ones = jnp.ones((16,), jnp.float32)

    def count(i, carry):
        idx = dst_v[pl.ds(i * 16, 16)]
        plsc.addupdate_scatter(deg_v, [idx], ones)
        return carry

    lax.fori_loop(0, DEG_T // 16, count, 0)

    pltpu.sync_copy(deg_v, stage.at[s])
    plsc.subcore_barrier()

    pltpu.sync_copy(stage.at[pl.ds(0, 16), pl.ds(s * 640, 640)], part_v)

    def comb(j, carry):
        v = part_v[0, pl.ds(j * 16, 16)]
        for t in range(1, 16):
            v = v + part_v[t, pl.ds(j * 16, 16)]
        acc_v[pl.ds(j * 16, 16)] = v
        return carry

    lax.fori_loop(0, 40, comb, 0)
    pltpu.sync_copy(acc_v, out_hbm.at[c, pl.ds(s * 640, 640)])


@functools.partial(
    pl.kernel,
    out_type=jax.ShapeDtypeStruct((2, ACC_R, 128), jnp.float32),
    mesh=_mesh,
    scratch_types=[
        pltpu.VMEM((32, 64), jnp.int32),
        pltpu.VMEM((32, 64), jnp.int32),
        pltpu.VMEM((32, 64), jnp.int32),
        pltpu.VMEM((32, 64), jnp.int32),
        pltpu.VMEM((64, 128), jnp.float32),
        pltpu.VMEM((64, 128), jnp.float32),
        pltpu.VMEM((64, 128), jnp.float32),
        pltpu.VMEM((64, 128), jnp.float32),
        pltpu.VMEM_SHARED((ACC_R, 128), jnp.float32),
        pltpu.SemaphoreType.DMA,
        pltpu.SemaphoreType.DMA,
        pltpu.SemaphoreType.DMA,
        pltpu.SemaphoreType.DMA,
        pltpu.SemaphoreType.DMA,
        pltpu.SemaphoreType.DMA,
        pltpu.SemaphoreType.DMA,
        pltpu.SemaphoreType.DMA,
    ],
)
def _agg_call(hna_hbm, hnb_hbm, src_hbm, dst_hbm, out_hbm,
              sa_v, da_v, sb_v, db_v, r0, r1, r2, r3, acc,
              g0, g1, g2, g3, s0, s1, s2, s3):
    c = lax.axis_index("c")
    s = lax.axis_index("s")
    bufs = (r0, r1, r2, r3)
    gsems = (g0, g1, g2, g3)
    ssems = (s0, s1, s2, s3)

    def zz(i, carry):
        r0[i // 8, pl.ds((i % 8) * 16, 16)] = jnp.zeros((16,), jnp.float32)
        return carry

    lax.fori_loop(0, 512, zz, 0)

    off = s * (ACC_R // 16)
    for o, n in ((0, 64), (64, 64), (128, 64), (192, 64), (256, 64),
                 (320, 64), (384, 64), (448, 64), (512, 64), (576, 56)):
        pltpu.sync_copy(r0.at[pl.ds(0, n)], acc.at[pl.ds(off + o, n)])
    plsc.subcore_barrier()

    def run(hn_ref):
        tbase = s * 320

        def block(outer, carry):
            for half, (sv, dv) in ((0, (sa_v, da_v)), (1, (sb_v, db_v))):
                b = 2 * outer + half
                pltpu.sync_copy(src_hbm.at[pl.ds(tbase + b * 32, 32)], sv)
                pltpu.sync_copy(dst_hbm.at[pl.ds(tbase + b * 32, 32)], dv)

                def super_it(u, carry2):
                    gu = b * 8 + u
                    for q in range(4):
                        @pl.when(gu > 0)
                        def _():
                            pltpu.make_async_copy(
                                hn_ref.at[pl.ds(0, 64)], bufs[q],
                                ssems[q]).wait()
                        pltpu.async_copy(hn_ref.at[sv.at[u * 4 + q]],
                                         bufs[q], gsems[q])
                    for q in range(4):
                        pltpu.make_async_copy(hn_ref.at[pl.ds(0, 64)],
                                              bufs[q], gsems[q]).wait()
                        pltpu.async_copy(bufs[q], acc.at[dv.at[u * 4 + q]],
                                         ssems[q], add=True)
                    return carry2

                lax.fori_loop(0, 8, super_it, carry)
            return carry

        lax.fori_loop(0, 5, block, 0)
        for q in range(4):
            pltpu.make_async_copy(hn_ref.at[pl.ds(0, 64)], bufs[q],
                                  ssems[q]).wait()

    @pl.when(c == 0)
    def _():
        run(hna_hbm)

    @pl.when(c == 1)
    def _():
        run(hnb_hbm)

    plsc.subcore_barrier()
    nrows = ACC_R // 16
    pltpu.sync_copy(acc.at[pl.ds(off, nrows)], out_hbm.at[c, pl.ds(off, nrows)])


def _mm1_body(x_ref, w_ref, da_ref, db_ref, hna_ref, hnb_ref, dinv_ref):
    d = da_ref[...] + db_ref[...] + 1.0
    dinv = lax.rsqrt(d)
    h = jnp.dot(x_ref[...], w_ref[...], preferred_element_type=jnp.float32)
    hn = h * dinv
    hna_ref[...] = hn[:, :128]
    hnb_ref[...] = hn[:, 128:]
    dinv_ref[...] = dinv


_mm1 = pl.pallas_call(
    _mm1_body,
    grid=(GRID,),
    in_specs=[
        pl.BlockSpec((MB, IN_DIM), lambda i: (i, 0)),
        pl.BlockSpec((IN_DIM, HID), lambda i: (0, 0)),
        pl.BlockSpec((MB, 1), lambda i: (i, 0)),
        pl.BlockSpec((MB, 1), lambda i: (i, 0)),
    ],
    out_specs=[
        pl.BlockSpec((MB, 128), lambda i: (i, 0)),
        pl.BlockSpec((MB, 128), lambda i: (i, 0)),
        pl.BlockSpec((MB, 1), lambda i: (i, 0)),
    ],
    out_shape=[
        jax.ShapeDtypeStruct((N, 128), jnp.float32),
        jax.ShapeDtypeStruct((N, 128), jnp.float32),
        jax.ShapeDtypeStruct((N, 1), jnp.float32),
    ],
)


def _mm2_body(aa_ref, ab_ref, ha_ref, hb_ref, dinv_ref, b1a_ref, b1b_ref,
              w2a_ref, w2b_ref, oa_ref, ob_ref):
    dv = dinv_ref[...]
    za = jnp.maximum(dv * (aa_ref[...] + ha_ref[...]) + b1a_ref[...], 0.0)
    zb = jnp.maximum(dv * (ab_ref[...] + hb_ref[...]) + b1b_ref[...], 0.0)
    h2 = (jnp.dot(za, w2a_ref[...], preferred_element_type=jnp.float32)
          + jnp.dot(zb, w2b_ref[...], preferred_element_type=jnp.float32))
    hn2 = h2 * dv
    oa_ref[...] = hn2[:, :128]
    ob_ref[...] = hn2[:, 128:]


_mm2 = pl.pallas_call(
    _mm2_body,
    grid=(GRID,),
    in_specs=[
        pl.BlockSpec((MB, 128), lambda i: (i, 0)),
        pl.BlockSpec((MB, 128), lambda i: (i, 0)),
        pl.BlockSpec((MB, 128), lambda i: (i, 0)),
        pl.BlockSpec((MB, 128), lambda i: (i, 0)),
        pl.BlockSpec((MB, 1), lambda i: (i, 0)),
        pl.BlockSpec((1, 128), lambda i: (0, 0)),
        pl.BlockSpec((1, 128), lambda i: (0, 0)),
        pl.BlockSpec((128, HID), lambda i: (0, 0)),
        pl.BlockSpec((128, HID), lambda i: (0, 0)),
    ],
    out_specs=[
        pl.BlockSpec((MB, 128), lambda i: (i, 0)),
        pl.BlockSpec((MB, 128), lambda i: (i, 0)),
    ],
    out_shape=[
        jax.ShapeDtypeStruct((N, 128), jnp.float32),
        jax.ShapeDtypeStruct((N, 128), jnp.float32),
    ],
)


def _pool_body(aa_ref, ab_ref, ha_ref, hb_ref, dinv_ref, b2a_ref, b2b_ref,
               batch_ref, wl_ref, bl_ref, out_ref, sums, counts):
    i = pl.program_id(0)

    @pl.when(i == 0)
    def _():
        sums[...] = jnp.zeros((NG, HID), jnp.float32)
        counts[...] = jnp.zeros((NG, 128), jnp.float32)

    dv = dinv_ref[...]
    za = jnp.maximum(dv * (aa_ref[...] + ha_ref[...]) + b2a_ref[...], 0.0)
    zb = jnp.maximum(dv * (ab_ref[...] + hb_ref[...]) + b2b_ref[...], 0.0)
    z = jnp.concatenate([za, zb], axis=1)
    ids = lax.broadcasted_iota(jnp.int32, (MB, NG), 1)
    e = (batch_ref[...] == ids).astype(jnp.float32)
    sums[...] += lax.dot_general(e, z, (((0,), (0,)), ((), ())),
                                 preferred_element_type=jnp.float32)
    counts[...] += lax.dot_general(e, jnp.ones((MB, 128), jnp.float32),
                                   (((0,), (0,)), ((), ())),
                                   preferred_element_type=jnp.float32)

    @pl.when(i == GRID - 1)
    def _():
        cnt = counts[...][:, 0:1]
        pooled = sums[...] / jnp.maximum(cnt, 1.0)
        out_ref[...] = (jnp.dot(pooled, wl_ref[...],
                                preferred_element_type=jnp.float32)
                        + bl_ref[...])


_pool = pl.pallas_call(
    _pool_body,
    grid=(GRID,),
    in_specs=[
        pl.BlockSpec((MB, 128), lambda i: (i, 0)),
        pl.BlockSpec((MB, 128), lambda i: (i, 0)),
        pl.BlockSpec((MB, 128), lambda i: (i, 0)),
        pl.BlockSpec((MB, 128), lambda i: (i, 0)),
        pl.BlockSpec((MB, 1), lambda i: (i, 0)),
        pl.BlockSpec((1, 128), lambda i: (0, 0)),
        pl.BlockSpec((1, 128), lambda i: (0, 0)),
        pl.BlockSpec((MB, 1), lambda i: (i, 0)),
        pl.BlockSpec((HID, ACT), lambda i: (0, 0)),
        pl.BlockSpec((1, ACT), lambda i: (0, 0)),
    ],
    out_specs=pl.BlockSpec((NG, ACT), lambda i: (0, 0)),
    out_shape=jax.ShapeDtypeStruct((NG, ACT), jnp.float32),
    scratch_shapes=[
        pltpu.VMEM((NG, HID), jnp.float32),
        pltpu.VMEM((NG, 128), jnp.float32),
    ],
)


def kernel(x, edge_index, edge_attr, batch, W1, b1, W2, b2, Wl, bl):
    del edge_attr
    src = edge_index[0].astype(jnp.int32)
    dst = edge_index[1].astype(jnp.int32)
    pad = E_PAD - E
    srcp = jnp.concatenate([src, jnp.zeros((pad,), jnp.int32)])
    dstp = jnp.concatenate([dst, jnp.full((pad,), DUMMY, jnp.int32)])
    src2 = srcp.reshape(EROWS, 64)
    dst2 = dstp.reshape(EROWS, 64)

    degs = _deg_call(dstp)
    dega = degs[0, :N].reshape(N, 1)
    degb = degs[1, :N].reshape(N, 1)

    hna, hnb, dinv = _mm1(x, W1, dega, degb)

    agg1 = _agg_call(hna, hnb, src2, dst2)
    hn2a, hn2b = _mm2(agg1[0, :N], agg1[1, :N], hna, hnb, dinv,
                      b1[:128].reshape(1, 128), b1[128:].reshape(1, 128),
                      W2[:128], W2[128:])

    agg2 = _agg_call(hn2a, hn2b, src2, dst2)
    out = _pool(agg2[0, :N], agg2[1, :N], hn2a, hn2b, dinv,
                b2[:128].reshape(1, 128), b2[128:].reshape(1, 128),
                batch.astype(jnp.int32).reshape(N, 1), Wl,
                bl.reshape(1, ACT))
    return out

# --- scband reference (transcript-rebuilt; emitter-appended) ---
"""Pipeline reference for scband-rtca-gnn-2491081031921 (READ-ONLY COPY).

The authoritative reference and input builder live on the scoring server;
editing this copy changes nothing except your own understanding.
"""

import jax, jax.numpy as jnp
import numpy as np

N_NODES = 10000
N_EDGES = 320000
IN_DIM = 128
HIDDEN = 256
ACTIONS = 32
N_GRAPHS = 64


def gcn_conv(x, edge_index, W, b):
    N = x.shape[0]
    loop = jnp.arange(N, dtype=edge_index.dtype)
    src = jnp.concatenate([edge_index[0], loop])
    dst = jnp.concatenate([edge_index[1], loop])
    deg = jnp.zeros((N,), dtype=x.dtype).at[dst].add(1.0)
    dinv = jnp.where(deg > 0, 1.0 / jnp.sqrt(deg), 0.0)
    norm = dinv[src] * dinv[dst]
    h = x @ W
    msg = h[src] * norm[:, None]
    out = jnp.zeros((N, W.shape[1]), dtype=x.dtype).at[dst].add(msg)
    return out + b


def setup_inputs(seed: int = 0):
    key = jax.random.key(seed)
    ks = jax.random.split(key, 10)
    x = jax.random.normal(ks[0], (N_NODES, IN_DIM), dtype=jnp.float32)
    edge_index = jax.random.randint(ks[1], (2, N_EDGES), 0, N_NODES, dtype=jnp.int32)
    edge_attr = jax.random.normal(ks[2], (N_EDGES, 16), dtype=jnp.float32)
    batch = jnp.sort(jax.random.randint(ks[3], (N_NODES,), 0, N_GRAPHS, dtype=jnp.int32))
    s1 = float(1.0 / np.sqrt(IN_DIM))
    s2 = float(1.0 / np.sqrt(HIDDEN))
    W1 = jax.random.uniform(ks[4], (IN_DIM, HIDDEN), jnp.float32, -s1, s1)
    b1 = jnp.zeros((HIDDEN,), jnp.float32)
    W2 = jax.random.uniform(ks[5], (HIDDEN, HIDDEN), jnp.float32, -s2, s2)
    b2 = jnp.zeros((HIDDEN,), jnp.float32)
    Wl = jax.random.uniform(ks[6], (HIDDEN, ACTIONS), jnp.float32, -s2, s2)
    bl = jax.random.uniform(ks[7], (ACTIONS,), jnp.float32, -s2, s2)
    return {"x": x, "edge_index": edge_index, "edge_attr": edge_attr, "batch": batch, "W1": W1, "b1": b1, "W2": W2, "b2": b2, "Wl": Wl, "bl": bl}


def reference(x, edge_index, edge_attr, batch, W1, b1, W2, b2, Wl, bl):
    # edge_attr is accepted but unused, matching the torch module's forward
    h = jax.nn.relu(gcn_conv(x, edge_index, W1, b1))
    # dropout is identity in eval mode
    h = jax.nn.relu(gcn_conv(h, edge_index, W2, b2))
    sums = jax.ops.segment_sum(h, batch, num_segments=N_GRAPHS)
    counts = jax.ops.segment_sum(jnp.ones((h.shape[0],), h.dtype), batch, num_segments=N_GRAPHS)
    pooled = sums / jnp.maximum(counts, 1.0)[:, None]
    return pooled @ Wl + bl

if __name__ == "__main__":
    import jax
    _d = setup_inputs()
    print(jax.jit(kernel)(*tuple(_d.values())))

</pallas_src>

<mosaic_0001>
#map = affine_map<(d0, d1) -> (0, 0)>
#map1 = affine_map<(d0, d1) -> (0, 0, 0)>
module attributes {stable_mosaic.version = 14 : i64} {
  func.func @_agg_call(%arg0: i32, %arg1: i32, %arg2: memref<10000x128xf32, #tpu.memory_space<hbm>>, %arg3: memref<10000x128xf32, #tpu.memory_space<hbm>>, %arg4: memref<5120x64xi32, #tpu.memory_space<hbm>>, %arg5: memref<5120x64xi32, #tpu.memory_space<hbm>>, %arg6: memref<2x10112x128xf32, #tpu.memory_space<hbm>>, %arg7: memref<32x64xi32, #tpu.memory_space<vmem>>, %arg8: memref<32x64xi32, #tpu.memory_space<vmem>>, %arg9: memref<32x64xi32, #tpu.memory_space<vmem>>, %arg10: memref<32x64xi32, #tpu.memory_space<vmem>>, %arg11: memref<64x128xf32, #tpu.memory_space<vmem>>, %arg12: memref<64x128xf32, #tpu.memory_space<vmem>>, %arg13: memref<64x128xf32, #tpu.memory_space<vmem>>, %arg14: memref<64x128xf32, #tpu.memory_space<vmem>>, %arg15: memref<10112x128xf32, #tpu.memory_space<vmem_shared>>, %arg16: memref<!tpu.dma_semaphore, #tpu.memory_space<semaphore_mem>>, %arg17: memref<!tpu.dma_semaphore, #tpu.memory_space<semaphore_mem>>, %arg18: memref<!tpu.dma_semaphore, #tpu.memory_space<semaphore_mem>>, %arg19: memref<!tpu.dma_semaphore, #tpu.memory_space<semaphore_mem>>, %arg20: memref<!tpu.dma_semaphore, #tpu.memory_space<semaphore_mem>>, %arg21: memref<!tpu.dma_semaphore, #tpu.memory_space<semaphore_mem>>, %arg22: memref<!tpu.dma_semaphore, #tpu.memory_space<semaphore_mem>>, %arg23: memref<!tpu.dma_semaphore, #tpu.memory_space<semaphore_mem>>) attributes {dimension_semantics = [#tpu.dimension_semantics<core_parallel>, #tpu.dimension_semantics<subcore_parallel>], iteration_bounds = array<i64: 2, 16>, scalar_prefetch = 0 : i64, scratch_operands = 17 : i64, tpu.core_type = #tpu.core_type<sc_vector_subcore>, window_params = [{transform_indices = #map}, {transform_indices = #map}, {transform_indices = #map}, {transform_indices = #map}, {transform_indices = #map1}]} {
    %scan3A = arith.constant 0 : i32
    %scan3A_0 = arith.constant 0 : i32
    %scan3A_1 = arith.constant 512 : i32
    %scan3A_2 = arith.addi %scan3A_0, %scan3A_1 : i32
    %scan3A_3 = arith.constant 1 : i32
    scf.for %scan3A_33 = %scan3A_0 to %scan3A_2 step %scan3A_3  : i32 {
      %broadcast_in_dim3A = arith.constant 0.000000e+00 : f32
      %broadcast_in_dim3A_34 = vector.broadcast %broadcast_in_dim3A : f32 to vector<16xf32>
      %jit3A = arith.constant 8 : i32
      %div3A = arith.divsi %scan3A_33, %jit3A : i32
      %sign3A = arith.constant 0 : i32
      %sign3A_35 = arith.cmpi sgt, %scan3A_33, %sign3A : i32
      %sign3A_36 = arith.extui %sign3A_35 : i1 to i32
      %sign3A_37 = arith.constant 0 : i32
      %sign3A_38 = arith.cmpi slt, %scan3A_33, %sign3A_37 : i32
      %sign3A_39 = arith.extui %sign3A_38 : i1 to i32
      %sign3A_40 = arith.subi %sign3A_36, %sign3A_39 : i32
      %sign3A_41 = arith.constant 0 : i32
      %sign3A_42 = arith.cmpi sgt, %jit3A, %sign3A_41 : i32
      %sign3A_43 = arith.extui %sign3A_42 : i1 to i32
      %sign3A_44 = arith.constant 0 : i32
      %sign3A_45 = arith.cmpi slt, %jit3A, %sign3A_44 : i32
      %sign3A_46 = arith.extui %sign3A_45 : i1 to i32
      %sign3A_47 = arith.subi %sign3A_43, %sign3A_46 : i32
      %ne3A = arith.cmpi ne, %sign3A_40, %sign3A_47 : i32
      %rem3A = arith.remsi %scan3A_33, %jit3A : i32
      %ne3A_48 = arith.constant 0 : i32
      %ne3A_49 = arith.cmpi ne, %rem3A, %ne3A_48 : i32
      %and3A = arith.andi %ne3A, %ne3A_49 : i1
      %sub3A = arith.constant 1 : i32
      %sub3A_50 = arith.subi %div3A, %sub3A : i32
      %select_n3A = arith.select %and3A, %sub3A_50, %div3A : i32
      %jit3A_51 = arith.constant 8 : i32
      %eq3A_52 = arith.constant 0 : i32
      %eq3A_53 = arith.cmpi eq, %jit3A_51, %eq3A_52 : i32
      %jit3A_54 = arith.constant 1 : i32
      %select_n3A_55 = arith.select %eq3A_53, %jit3A_54, %jit3A_51 : i32
      %rem3A_56 = arith.remsi %scan3A_33, %select_n3A_55 : i32
      %ne3A_57 = arith.constant 0 : i32
      %ne3A_58 = arith.cmpi ne, %rem3A_56, %ne3A_57 : i32
      %lt3A = arith.constant 0 : i32
      %lt3A_59 = arith.cmpi slt, %rem3A_56, %lt3A : i32
      %lt3A_60 = arith.constant 0 : i32
      %lt3A_61 = arith.cmpi slt, %select_n3A_55, %lt3A_60 : i32
      %ne3A_62 = arith.xori %lt3A_59, %lt3A_61 : i1
      %and3A_63 = arith.andi %ne3A_62, %ne3A_58 : i1
      %add3A_64 = arith.addi %rem3A_56, %select_n3A_55 : i32
      %select_n3A_65 = arith.select %and3A_63, %add3A_64, %rem3A_56 : i32
      %mul3A_66 = arith.constant 16 : i32
      %mul3A_67 = arith.muli %select_n3A_65, %mul3A_66 : i32
      %swap3A = arith.index_cast %select_n3A : i32 to index
      %swap3A_68 = arith.index_cast %mul3A_67 : i32 to index
      %swap3A_69 = tpu.vector_load %arg11[%swap3A, %swap3A_68] {strides = array<i32>} : memref<64x128xf32, #tpu.memory_space<vmem>>, vector<1x16xf32>,
      %swap3A_70 = vector.shape_cast %swap3A_69 : vector<1x16xf32> to vector<16xf32>
      %swap3A_71 = vector.shape_cast %broadcast_in_dim3A_34 : vector<16xf32> to vector<1x16xf32>
      tpu.vector_store %arg11[%swap3A, %swap3A_68], %swap3A_71 {strides = array<i32>} : memref<64x128xf32, #tpu.memory_space<vmem>>, vector<1x16xf32>,
    }
    %scan3A_4 = arith.constant 512 : i32
    %mul3A = arith.constant 632 : i32
    %mul3A_5 = arith.muli %arg1, %mul3A : i32
    %add3A = arith.constant 0 : i32
    %add3A_6 = arith.addi %mul3A_5, %add3A : i32
    "tpu.region"() ({
      %run_scoped3A = tpu.sem_alloc : memref<!tpu.dma_semaphore, #tpu.memory_space<semaphore_mem>>
      %dma_start3A = arith.constant 0 : i32
      %dma_start3A_33 = arith.constant 0 : i32
      %dma_start3A_34 = tpu.memref_slice %arg11[%dma_start3A, %dma_start3A_33] : memref<64x128xf32, #tpu.memory_space<vmem>> -> memref<64x128xf32, #tpu.memory_space<vmem>>
      %dma_start3A_35 = arith.constant 0 : i32
      %dma_start3A_36 = tpu.memref_slice %arg15[%add3A_6, %dma_start3A_35] : memref<10112x128xf32, #tpu.memory_space<vmem_shared>> -> memref<64x128xf32, #tpu.memory_space<vmem_shared>>
      %dma_start3A_37 = arith.constant 0 : i32
      %dma_start3A_38 = tpu.memref_slice %arg15[%add3A_6, %dma_start3A_37] : memref<10112x128xf32, #tpu.memory_space<vmem_shared>> -> memref<64x128xf32, #tpu.memory_space<vmem_shared>>
      %dma_start3A_39 = arith.constant 0 : i32
      %dma_start3A_40 = arith.constant 0 : i32
      %dma_start3A_41 = tpu.memref_slice %arg11[%dma_start3A_39, %dma_start3A_40] : memref<64x128xf32, #tpu.memory_space<vmem>> -> memref<64x128xf32, #tpu.memory_space<vmem>>
      tpu.enqueue_dma source(%dma_start3A_41 : memref<64x128xf32, #tpu.memory_space<vmem>>) target(%dma_start3A_38 : memref<64x128xf32, #tpu.memory_space<vmem_shared>>) target_semaphore(%run_scoped3A : memref<!tpu.dma_semaphore, #tpu.memory_space<semaphore_mem>>)
      %dma_wait3A = arith.constant 0 : i32
      %dma_wait3A_42 = arith.constant 0 : i32
      %dma_wait3A_43 = tpu.memref_slice %arg11[%dma_wait3A, %dma_wait3A_42] : memref<64x128xf32, #tpu.memory_space<vmem>> -> memref<64x128xf32, #tpu.memory_space<vmem>>
      %dma_wait3A_44 = arith.constant 0 : i32
      %dma_wait3A_45 = tpu.memref_slice %arg15[%add3A_6, %dma_wait3A_44] : memref<10112x128xf32, #tpu.memory_space<vmem_shared>> -> memref<64x128xf32, #tpu.memory_space<vmem_shared>>
      %dma_wait3A_46 = arith.constant 0 : i32
      %dma_wait3A_47 = tpu.memref_slice %arg15[%add3A_6, %dma_wait3A_46] : memref<10112x128xf32, #tpu.memory_space<vmem_shared>> -> memref<64x128xf32, #tpu.memory_space<vmem_shared>>
      %dma_wait3A_48 = arith.constant 0 : i32
      %dma_wait3A_49 = arith.constant 0 : i32
      %dma_wait3A_50 = tpu.memref_slice %arg11[%dma_wait3A_48, %dma_wait3A_49] : memref<64x128xf32, #tpu.memory_space<vmem>> -> memref<64x128xf32, #tpu.memory_space<vmem>>
      tpu.wait_dma2 semaphore(%run_scoped3A : memref<!tpu.dma_semaphore, #tpu.memory_space<semaphore_mem>>) src(%dma_wait3A_50 : memref<64x128xf32, #tpu.memory_space<vmem>>) dst(%dma_wait3A_47 : memref<64x128xf32, #tpu.memory_space<vmem_shared>>)
      tpu.yield
    }) : () -> ()
    %add3A_7 = arith.constant 64 : i32
    %add3A_8 = arith.addi %mul3A_5, %add3A_7 : i32
    "tpu.region"() ({
      %run_scoped3A = tpu.sem_alloc : memref<!tpu.dma_semaphore, #tpu.memory_space<semaphore_mem>>
      %dma_start3A = arith.constant 0 : i32
      %dma_start3A_33 = arith.constant 0 : i32
      %dma_start3A_34 = tpu.memref_slice %arg11[%dma_start3A, %dma_start3A_33] : memref<64x128xf32, #tpu.memory_space<vmem>> -> memref<64x128xf32, #tpu.memory_space<vmem>>
      %dma_start3A_35 = arith.constant 0 : i32
      %dma_start3A_36 = tpu.memref_slice %arg15[%add3A_8, %dma_start3A_35] : memref<10112x128xf32, #tpu.memory_space<vmem_shared>> -> memref<64x128xf32, #tpu.memory_space<vmem_shared>>
      %dma_start3A_37 = arith.constant 0 : i32
      %dma_start3A_38 = tpu.memref_slice %arg15[%add3A_8, %dma_start3A_37] : memref<10112x128xf32, #tpu.memory_space<vmem_shared>> -> memref<64x128xf32, #tpu.memory_space<vmem_shared>>
      %dma_start3A_39 = arith.constant 0 : i32
      %dma_start3A_40 = arith.constant 0 : i32
      %dma_start3A_41 = tpu.memref_slice %arg11[%dma_start3A_39, %dma_start3A_40] : memref<64x128xf32, #tpu.memory_space<vmem>> -> memref<64x128xf32, #tpu.memory_space<vmem>>
      tpu.enqueue_dma source(%dma_start3A_41 : memref<64x128xf32, #tpu.memory_space<vmem>>) target(%dma_start3A_38 : memref<64x128xf32, #tpu.memory_space<vmem_shared>>) target_semaphore(%run_scoped3A : memref<!tpu.dma_semaphore, #tpu.memory_space<semaphore_mem>>)
      %dma_wait3A = arith.constant 0 : i32
      %dma_wait3A_42 = arith.constant 0 : i32
      %dma_wait3A_43 = tpu.memref_slice %arg11[%dma_wait3A, %dma_wait3A_42] : memref<64x128xf32, #tpu.memory_space<vmem>> -> memref<64x128xf32, #tpu.memory_space<vmem>>
      %dma_wait3A_44 = arith.constant 0 : i32
      %dma_wait3A_45 = tpu.memref_slice %arg15[%add3A_8, %dma_wait3A_44] : memref<10112x128xf32, #tpu.memory_space<vmem_shared>> -> memref<64x128xf32, #tpu.memory_space<vmem_shared>>
      %dma_wait3A_46 = arith.constant 0 : i32
      %dma_wait3A_47 = tpu.memref_slice %arg15[%add3A_8, %dma_wait3A_46] : memref<10112x128xf32, #tpu.memory_space<vmem_shared>> -> memref<64x128xf32, #tpu.memory_space<vmem_shared>>
      %dma_wait3A_48 = arith.constant 0 : i32
      %dma_wait3A_49 = arith.constant 0 : i32
      %dma_wait3A_50 = tpu.memref_slice %arg11[%dma_wait3A_48, %dma_wait3A_49] : memref<64x128xf32, #tpu.memory_space<vmem>> -> memref<64x128xf32, #tpu.memory_space<vmem>>
      tpu.wait_dma2 semaphore(%run_scoped3A : memref<!tpu.dma_semaphore, #tpu.memory_space<semaphore_mem>>) src(%dma_wait3A_50 : memref<64x128xf32, #tpu.memory_space<vmem>>) dst(%dma_wait3A_47 : memref<64x128xf32, #tpu.memory_space<vmem_shared>>)
      tpu.yield
    }) : () -> ()
    %add3A_9 = arith.constant 128 : i32
    %add3A_10 = arith.addi %mul3A_5, %add3A_9 : i32
    "tpu.region"() ({
      %run_scoped3A = tpu.sem_alloc : memref<!tpu.dma_semaphore, #tpu.memory_space<semaphore_mem>>
      %dma_start3A = arith.constant 0 : i32
      %dma_start3A_33 = arith.constant 0 : i32
      %dma_start3A_34 = tpu.memref_slice %arg11[%dma_start3A, %dma_start3A_33] : memref<64x128xf32, #tpu.memory_space<vmem>> -> memref<64x128xf32, #tpu.memory_space<vmem>>
      %dma_start3A_35 = arith.constant 0 : i32
      %dma_start3A_36 = tpu.memref_slice %arg15[%add3A_10, %dma_start3A_35] : memref<10112x128xf32, #tpu.memory_space<vmem_shared>> -> memref<64x128xf32, #tpu.memory_space<vmem_shared>>
      %dma_start3A_37 = arith.constant 0 : i32
      %dma_start3A_38 = tpu.memref_slice %arg15[%add3A_10, %dma_start3A_37] : memref<10112x128xf32, #tpu.memory_space<vmem_shared>> -> memref<64x128xf32, #tpu.memory_space<vmem_shared>>
      %dma_start3A_39 = arith.constant 0 : i32
      %dma_start3A_40 = arith.constant 0 : i32
      %dma_start3A_41 = tpu.memref_slice %arg11[%dma_start3A_39, %dma_start3A_40] : memref<64x128xf32, #tpu.memory_space<vmem>> -> memref<64x128xf32, #tpu.memory_space<vmem>>
      tpu.enqueue_dma source(%dma_start3A_41 : memref<64x128xf32, #tpu.memory_space<vmem>>) target(%dma_start3A_38 : memref<64x128xf32, #tpu.memory_space<vmem_shared>>) target_semaphore(%run_scoped3A : memref<!tpu.dma_semaphore, #tpu.memory_space<semaphore_mem>>)
      %dma_wait3A = arith.constant 0 : i32
      %dma_wait3A_42 = arith.constant 0 : i32
      %dma_wait3A_43 = tpu.memref_slice %arg11[%dma_wait3A, %dma_wait3A_42] : memref<64x128xf32, #tpu.memory_space<vmem>> -> memref<64x128xf32, #tpu.memory_space<vmem>>
      %dma_wait3A_44 = arith.constant 0 : i32
      %dma_wait3A_45 = tpu.memref_slice %arg15[%add3A_10, %dma_wait3A_44] : memref<10112x128xf32, #tpu.memory_space<vmem_shared>> -> memref<64x128xf32, #tpu.memory_space<vmem_shared>>
      %dma_wait3A_46 = arith.constant 0 : i32
      %dma_wait3A_47 = tpu.memref_slice %arg15[%add3A_10, %dma_wait3A_46] : memref<10112x128xf32, #tpu.memory_space<vmem_shared>> -> memref<64x128xf32, #tpu.memory_space<vmem_shared>>
      %dma_wait3A_48 = arith.constant 0 : i32
      %dma_wait3A_49 = arith.constant 0 : i32
      %dma_wait3A_50 = tpu.memref_slice %arg11[%dma_wait3A_48, %dma_wait3A_49] : memref<64x128xf32, #tpu.memory_space<vmem>> -> memref<64x128xf32, #tpu.memory_space<vmem>>
      tpu.wait_dma2 semaphore(%run_scoped3A : memref<!tpu.dma_semaphore, #tpu.memory_space<semaphore_mem>>) src(%dma_wait3A_50 : memref<64x128xf32, #tpu.memory_space<vmem>>) dst(%dma_wait3A_47 : memref<64x128xf32, #tpu.memory_space<vmem_shared>>)
      tpu.yield
    }) : () -> ()
    %add3A_11 = arith.constant 192 : i32
    %add3A_12 = arith.addi %mul3A_5, %add3A_11 : i32
    "tpu.region"() ({
      %run_scoped3A = tpu.sem_alloc : memref<!tpu.dma_semaphore, #tpu.memory_space<semaphore_mem>>
      %dma_start3A = arith.constant 0 : i32
      %dma_start3A_33 = arith.constant 0 : i32
      %dma_start3A_34 = tpu.memref_slice %arg11[%dma_start3A, %dma_start3A_33] : memref<64x128xf32, #tpu.memory_space<vmem>> -> memref<64x128xf32, #tpu.memory_space<vmem>>
      %dma_start3A_35 = arith.constant 0 : i32
      %dma_start3A_36 = tpu.memref_slice %arg15[%add3A_12, %dma_start3A_35] : memref<10112x128xf32, #tpu.memory_space<vmem_shared>> -> memref<64x128xf32, #tpu.memory_space<vmem_shared>>
      %dma_start3A_37 = arith.constant 0 : i32
      %dma_start3A_38 = tpu.memref_slice %arg15[%add3A_12, %dma_start3A_37] : memref<10112x128xf32, #tpu.memory_space<vmem_shared>> -> memref<64x128xf32, #tpu.memory_space<vmem_shared>>
      %dma_start3A_39 = arith.constant 0 : i32
      %dma_start3A_40 = arith.constant 0 : i32
      %dma_start3A_41 = tpu.memref_slice %arg11[%dma_start3A_39, %dma_start3A_40] : memref<64x128xf32, #tpu.memory_space<vmem>> -> memref<64x128xf32, #tpu.memory_space<vmem>>
      tpu.enqueue_dma source(%dma_start3A_41 : memref<64x128xf32, #tpu.memory_space<vmem>>) target(%dma_start3A_38 : memref<64x128xf32, #tpu.memory_space<vmem_shared>>) target_semaphore(%run_scoped3A : memref<!tpu.dma_semaphore, #tpu.memory_space<semaphore_mem>>)
      %dma_wait3A = arith.constant 0 : i32
      %dma_wait3A_42 = arith.constant 0 : i32
      %dma_wait3A_43 = tpu.memref_slice %arg11[%dma_wait3A, %dma_wait3A_42] : memref<64x128xf32, #tpu.memory_space<vmem>> -> memref<64x128xf32, #tpu.memory_space<vmem>>
      %dma_wait3A_44 = arith.constant 0 : i32
      %dma_wait3A_45 = tpu.memref_slice %arg15[%add3A_12, %dma_wait3A_44] : memref<10112x128xf32, #tpu.memory_space<vmem_shared>> -> memref<64x128xf32, #tpu.memory_space<vmem_shared>>
      %dma_wait3A_46 = arith.constant 0 : i32
      %dma_wait3A_47 = tpu.memref_slice %arg15[%add3A_12, %dma_wait3A_46] : memref<10112x128xf32, #tpu.memory_space<vmem_shared>> -> memref<64x128xf32, #tpu.memory_space<vmem_shared>>
      %dma_wait3A_48 = arith.constant 0 : i32
      %dma_wait3A_49 = arith.constant 0 : i32
      %dma_wait3A_50 = tpu.memref_slice %arg11[%dma_wait3A_48, %dma_wait3A_49] : memref<64x128xf32, #tpu.memory_space<vmem>> -> memref<64x128xf32, #tpu.memory_space<vmem>>
      tpu.wait_dma2 semaphore(%run_scoped3A : memref<!tpu.dma_semaphore, #tpu.memory_space<semaphore_mem>>) src(%dma_wait3A_50 : memref<64x128xf32, #tpu.memory_space<vmem>>) dst(%dma_wait3A_47 : memref<64x128xf32, #tpu.memory_space<vmem_shared>>)
      tpu.yield
    }) : () -> ()
    %add3A_13 = arith.constant 256 : i32
    %add3A_14 = arith.addi %mul3A_5, %add3A_13 : i32
    "tpu.region"() ({
      %run_scoped3A = tpu.sem_alloc : memref<!tpu.dma_semaphore, #tpu.memory_space<semaphore_mem>>
      %dma_start3A = arith.constant 0 : i32
      %dma_start3A_33 = arith.constant 0 : i32
      %dma_start3A_34 = tpu.memref_slice %arg11[%dma_start3A, %dma_start3A_33] : memref<64x128xf32, #tpu.memory_space<vmem>> -> memref<64x128xf32, #tpu.memory_space<vmem>>
      %dma_start3A_35 = arith.constant 0 : i32
      %dma_start3A_36 = tpu.memref_slice %arg15[%add3A_14, %dma_start3A_35] : memref<10112x128xf32, #tpu.memory_space<vmem_shared>> -> memref<64x128xf32, #tpu.memory_space<vmem_shared>>
      %dma_start3A_37 = arith.constant 0 : i32
      %dma_start3A_38 = tpu.memref_slice %arg15[%add3A_14, %dma_start3A_37] : memref<10112x128xf32, #tpu.memory_space<vmem_shared>> -> memref<64x128xf32, #tpu.memory_space<vmem_shared>>
      %dma_start3A_39 = arith.constant 0 : i32
      %dma_start3A_40 = arith.constant 0 : i32
      %dma_start3A_41 = tpu.memref_slice %arg11[%dma_start3A_39, %dma_start3A_40] : memref<64x128xf32, #tpu.memory_space<vmem>> -> memref<64x128xf32, #tpu.memory_space<vmem>>
      tpu.enqueue_dma source(%dma_start3A_41 : memref<64x128xf32, #tpu.memory_space<vmem>>) target(%dma_start3A_38 : memref<64x128xf32, #tpu.memory_space<vmem_shared>>) target_semaphore(%run_scoped3A : memref<!tpu.dma_semaphore, #tpu.memory_space<semaphore_mem>>)
      %dma_wait3A = arith.constant 0 : i32
      %dma_wait3A_42 = arith.constant 0 : i32
      %dma_wait3A_43 = tpu.memref_slice %arg11[%dma_wait3A, %dma_wait3A_42] : memref<64x128xf32, #tpu.memory_space<vmem>> -> memref<64x128xf32, #tpu.memory_space<vmem>>
      %dma_wait3A_44 = arith.constant 0 : i32
      %dma_wait3A_45 = tpu.memref_slice %arg15[%add3A_14, %dma_wait3A_44] : memref<10112x128xf32, #tpu.memory_space<vmem_shared>> -> memref<64x128xf32, #tpu.memory_space<vmem_shared>>
      %dma_wait3A_46 = arith.constant 0 : i32
      %dma_wait3A_47 = tpu.memref_slice %arg15[%add3A_14, %dma_wait3A_46] : memref<10112x128xf32, #tpu.memory_space<vmem_shared>> -> memref<64x128xf32, #tpu.memory_space<vmem_shared>>
      %dma_wait3A_48 = arith.constant 0 : i32
      %dma_wait3A_49 = arith.constant 0 : i32
      %dma_wait3A_50 = tpu.memref_slice %arg11[%dma_wait3A_48, %dma_wait3A_49] : memref<64x128xf32, #tpu.memory_space<vmem>> -> memref<64x128xf32, #tpu.memory_space<vmem>>
      tpu.wait_dma2 semaphore(%run_scoped3A : memref<!tpu.dma_semaphore, #tpu.memory_space<semaphore_mem>>) src(%dma_wait3A_50 : memref<64x128xf32, #tpu.memory_space<vmem>>) dst(%dma_wait3A_47 : memref<64x128xf32, #tpu.memory_space<vmem_shared>>)
      tpu.yield
    }) : () -> ()
    %add3A_15 = arith.constant 320 : i32
    %add3A_16 = arith.addi %mul3A_5, %add3A_15 : i32
    "tpu.region"() ({
      %run_scoped3A = tpu.sem_alloc : memref<!tpu.dma_semaphore, #tpu.memory_space<semaphore_mem>>
      %dma_start3A = arith.constant 0 : i32
      %dma_start3A_33 = arith.constant 0 : i32
      %dma_start3A_34 = tpu.memref_slice %arg11[%dma_start3A, %dma_start3A_33] : memref<64x128xf32, #tpu.memory_space<vmem>> -> memref<64x128xf32, #tpu.memory_space<vmem>>
      %dma_start3A_35 = arith.constant 0 : i32
      %dma_start3A_36 = tpu.memref_slice %arg15[%add3A_16, %dma_start3A_35] : memref<10112x128xf32, #tpu.memory_space<vmem_shared>> -> memref<64x128xf32, #tpu.memory_space<vmem_shared>>
      %dma_start3A_37 = arith.constant 0 : i32
      %dma_start3A_38 = tpu.memref_slice %arg15[%add3A_16, %dma_start3A_37] : memref<10112x128xf32, #tpu.memory_space<vmem_shared>> -> memref<64x128xf32, #tpu.memory_space<vmem_shared>>
      %dma_start3A_39 = arith.constant 0 : i32
      %dma_start3A_40 = arith.constant 0 : i32
      %dma_start3A_41 = tpu.memref_slice %arg11[%dma_start3A_39, %dma_start3A_40] : memref<64x128xf32, #tpu.memory_space<vmem>> -> memref<64x128xf32, #tpu.memory_space<vmem>>
      tpu.enqueue_dma source(%dma_start3A_41 : memref<64x128xf32, #tpu.memory_space<vmem>>) target(%dma_start3A_38 : memref<64x128xf32, #tpu.memory_space<vmem_shared>>) target_semaphore(%run_scoped3A : memref<!tpu.dma_semaphore, #tpu.memory_space<semaphore_mem>>)
      %dma_wait3A = arith.constant 0 : i32
      %dma_wait3A_42 = arith.constant 0 : i32
      %dma_wait3A_43 = tpu.memref_slice %arg11[%dma_wait3A, %dma_wait3A_42] : memref<64x128xf32, #tpu.memory_space<vmem>> -> memref<64x128xf32, #tpu.memory_space<vmem>>
      %dma_wait3A_44 = arith.constant 0 : i32
      %dma_wait3A_45 = tpu.memref_slice %arg15[%add3A_16, %dma_wait3A_44] : memref<10112x128xf32, #tpu.memory_space<vmem_shared>> -> memref<64x128xf32, #tpu.memory_space<vmem_shared>>
      %dma_wait3A_46 = arith.constant 0 : i32
      %dma_wait3A_47 = tpu.memref_slice %arg15[%add3A_16, %dma_wait3A_46] : memref<10112x128xf32, #tpu.memory_space<vmem_shared>> -> memref<64x128xf32, #tpu.memory_space<vmem_shared>>
      %dma_wait3A_48 = arith.constant 0 : i32
      %dma_wait3A_49 = arith.constant 0 : i32
      %dma_wait3A_50 = tpu.memref_slice %arg11[%dma_wait3A_48, %dma_wait3A_49] : memref<64x128xf32, #tpu.memory_space<vmem>> -> memref<64x128xf32, #tpu.memory_space<vmem>>
      tpu.wait_dma2 semaphore(%run_scoped3A : memref<!tpu.dma_semaphore, #tpu.memory_space<semaphore_mem>>) src(%dma_wait3A_50 : memref<64x128xf32, #tpu.memory_space<vmem>>) dst(%dma_wait3A_47 : memref<64x128xf32, #tpu.memory_space<vmem_shared>>)
      tpu.yield
    }) : () -> ()
    %add3A_17 = arith.constant 384 : i32
    %add3A_18 = arith.addi %mul3A_5, %add3A_17 : i32
    "tpu.region"() ({
      %run_scoped3A = tpu.sem_alloc : memref<!tpu.dma_semaphore, #tpu.memory_space<semaphore_mem>>
      %dma_start3A = arith.constant 0 : i32
      %dma_start3A_33 = arith.constant 0 : i32
      %dma_start3A_34 = tpu.memref_slice %arg11[%dma_start3A, %dma_start3A_33] : memref<64x128xf32, #tpu.memory_space<vmem>> -> memref<64x128xf32, #tpu.memory_space<vmem>>
      %dma_start3A_35 = arith.constant 0 : i32
      %dma_start3A_36 = tpu.memref_slice %arg15[%add3A_18, %dma_start3A_35] : memref<10112x128xf32, #tpu.memory_space<vmem_shared>> -> memref<64x128xf32, #tpu.memory_space<vmem_shared>>
      %dma_start3A_37 = arith.constant 0 : i32
      %dma_start3A_38 = tpu.memref_slice %arg15[%add3A_18, %dma_start3A_37] : memref<10112x128xf32, #tpu.memory_space<vmem_shared>> -> memref<64x128xf32, #tpu.memory_space<vmem_shared>>
      %dma_start3A_39 = arith.constant 0 : i32
      %dma_start3A_40 = arith.constant 0 : i32
      %dma_start3A_41 = tpu.memref_slice %arg11[%dma_start3A_39, %dma_start3A_40] : memref<64x128xf32, #tpu.memory_space<vmem>> -> memref<64x128xf32, #tpu.memory_space<vmem>>
      tpu.enqueue_dma source(%dma_start3A_41 : memref<64x128xf32, #tpu.memory_space<vmem>>) target(%dma_start3A_38 : memref<64x128xf32, #tpu.memory_space<vmem_shared>>) target_semaphore(%run_scoped3A : memref<!tpu.dma_semaphore, #tpu.memory_space<semaphore_mem>>)
      %dma_wait3A = arith.constant 0 : i32
      %dma_wait3A_42 = arith.constant 0 : i32
      %dma_wait3A_43 = tpu.memref_slice %arg11[%dma_wait3A, %dma_wait3A_42] : memref<64x128xf32, #tpu.memory_space<vmem>> -> memref<64x128xf32, #tpu.memory_space<vmem>>
      %dma_wait3A_44 = arith.constant 0 : i32
      %dma_wait3A_45 = tpu.memref_slice %arg15[%add3A_18, %dma_wait3A_44] : memref<10112x128xf32, #tpu.memory_space<vmem_shared>> -> memref<64x128xf32, #tpu.memory_space<vmem_shared>>
      %dma_wait3A_46 = arith.constant 0 : i32
      %dma_wait3A_47 = tpu.memref_slice %arg15[%add3A_18, %dma_wait3A_46] : memref<10112x128xf32, #tpu.memory_space<vmem_shared>> -> memref<64x128xf32, #tpu.memory_space<vmem_shared>>
      %dma_wait3A_48 = arith.constant 0 : i32
      %dma_wait3A_49 = arith.constant 0 : i32
      %dma_wait3A_50 = tpu.memref_slice %arg11[%dma_wait3A_48, %dma_wait3A_49] : memref<64x128xf32, #tpu.memory_space<vmem>> -> memref<64x128xf32, #tpu.memory_space<vmem>>
      tpu.wait_dma2 semaphore(%run_scoped3A : memref<!tpu.dma_semaphore, #tpu.memory_space<semaphore_mem>>) src(%dma_wait3A_50 : memref<64x128xf32, #tpu.memory_space<vmem>>) dst(%dma_wait3A_47 : memref<64x128xf32, #tpu.memory_space<vmem_shared>>)
      tpu.yield
    }) : () -> ()
    %add3A_19 = arith.constant 448 : i32
    %add3A_20 = arith.addi %mul3A_5, %add3A_19 : i32
    "tpu.region"() ({
      %run_scoped3A = tpu.sem_alloc : memref<!tpu.dma_semaphore, #tpu.memory_space<semaphore_mem>>
      %dma_start3A = arith.constant 0 : i32
      %dma_start3A_33 = arith.constant 0 : i32
      %dma_start3A_34 = tpu.memref_slice %arg11[%dma_start3A, %dma_start3A_33] : memref<64x128xf32, #tpu.memory_space<vmem>> -> memref<64x128xf32, #tpu.memory_space<vmem>>
      %dma_start3A_35 = arith.constant 0 : i32
      %dma_start3A_36 = tpu.memref_slice %arg15[%add3A_20, %dma_start3A_35] : memref<10112x128xf32, #tpu.memory_space<vmem_shared>> -> memref<64x128xf32, #tpu.memory_space<vmem_shared>>
      %dma_start3A_37 = arith.constant 0 : i32
      %dma_start3A_38 = tpu.memref_slice %arg15[%add3A_20, %dma_start3A_37] : memref<10112x128xf32, #tpu.memory_space<vmem_shared>> -> memref<64x128xf32, #tpu.memory_space<vmem_shared>>
      %dma_start3A_39 = arith.constant 0 : i32
      %dma_start3A_40 = arith.constant 0 : i32
      %dma_start3A_41 = tpu.memref_slice %arg11[%dma_start3A_39, %dma_start3A_40] : memref<64x128xf32, #tpu.memory_space<vmem>> -> memref<64x128xf32, #tpu.memory_space<vmem>>
      tpu.enqueue_dma source(%dma_start3A_41 : memref<64x128xf32, #tpu.memory_space<vmem>>) target(%dma_start3A_38 : memref<64x128xf32, #tpu.memory_space<vmem_shared>>) target_semaphore(%run_scoped3A : memref<!tpu.dma_semaphore, #tpu.memory_space<semaphore_mem>>)
      %dma_wait3A = arith.constant 0 : i32
      %dma_wait3A_42 = arith.constant 0 : i32
      %dma_wait3A_43 = tpu.memref_slice %arg11[%dma_wait3A, %dma_wait3A_42] : memref<64x128xf32, #tpu.memory_space<vmem>> -> memref<64x128xf32, #tpu.memory_space<vmem>>
      %dma_wait3A_44 = arith.constant 0 : i32
      %dma_wait3A_45 = tpu.memref_slice %arg15[%add3A_20, %dma_wait3A_44] : memref<10112x128xf32, #tpu.memory_space<vmem_shared>> -> memref<64x128xf32, #tpu.memory_space<vmem_shared>>
      %dma_wait3A_46 = arith.constant 0 : i32
      %dma_wait3A_47 = tpu.memref_slice %arg15[%add3A_20, %dma_wait3A_46] : memref<10112x128xf32, #tpu.memory_space<vmem_shared>> -> memref<64x128xf32, #tpu.memory_space<vmem_shared>>
      %dma_wait3A_48 = arith.constant 0 : i32
      %dma_wait3A_49 = arith.constant 0 : i32
      %dma_wait3A_50 = tpu.memref_slice %arg11[%dma_wait3A_48, %dma_wait3A_49] : memref<64x128xf32, #tpu.memory_space<vmem>> -> memref<64x128xf32, #tpu.memory_space<vmem>>
      tpu.wait_dma2 semaphore(%run_scoped3A : memref<!tpu.dma_semaphore, #tpu.memory_space<semaphore_mem>>) src(%dma_wait3A_50 : memref<64x128xf32, #tpu.memory_space<vmem>>) dst(%dma_wait3A_47 : memref<64x128xf32, #tpu.memory_space<vmem_shared>>)
      tpu.yield
    }) : () -> ()
    %add3A_21 = arith.constant 512 : i32
    %add3A_22 = arith.addi %mul3A_5, %add3A_21 : i32
    "tpu.region"() ({
      %run_scoped3A = tpu.sem_alloc : memref<!tpu.dma_semaphore, #tpu.memory_space<semaphore_mem>>
      %dma_start3A = arith.constant 0 : i32
      %dma_start3A_33 = arith.constant 0 : i32
      %dma_start3A_34 = tpu.memref_slice %arg11[%dma_start3A, %dma_start3A_33] : memref<64x128xf32, #tpu.memory_space<vmem>> -> memref<64x128xf32, #tpu.memory_space<vmem>>
      %dma_start3A_35 = arith.constant 0 : i32
      %dma_start3A_36 = tpu.memref_slice %arg15[%add3A_22, %dma_start3A_35] : memref<10112x128xf32, #tpu.memory_space<vmem_shared>> -> memref<64x128xf32, #tpu.memory_space<vmem_shared>>
      %dma_start3A_37 = arith.constant 0 : i32
      %dma_start3A_38 = tpu.memref_slice %arg15[%add3A_22, %dma_start3A_37] : memref<10112x128xf32, #tpu.memory_space<vmem_shared>> -> memref<64x128xf32, #tpu.memory_space<vmem_shared>>
      %dma_start3A_39 = arith.constant 0 : i32
      %dma_start3A_40 = arith.constant 0 : i32
      %dma_start3A_41 = tpu.memref_slice %arg11[%dma_start3A_39, %dma_start3A_40] : memref<64x128xf32, #tpu.memory_space<vmem>> -> memref<64x128xf32, #tpu.memory_space<vmem>>
      tpu.enqueue_dma source(%dma_start3A_41 : memref<64x128xf32, #tpu.memory_space<vmem>>) target(%dma_start3A_38 : memref<64x128xf32, #tpu.memory_space<vmem_shared>>) target_semaphore(%run_scoped3A : memref<!tpu.dma_semaphore, #tpu.memory_space<semaphore_mem>>)
      %dma_wait3A = arith.constant 0 : i32
      %dma_wait3A_42 = arith.constant 0 : i32
      %dma_wait3A_43 = tpu.memref_slice %arg11[%dma_wait3A, %dma_wait3A_42] : memref<64x128xf32, #tpu.memory_space<vmem>> -> memref<64x128xf32, #tpu.memory_space<vmem>>
      %dma_wait3A_44 = arith.constant 0 : i32
      %dma_wait3A_45 = tpu.memref_slice %arg15[%add3A_22, %dma_wait3A_44] : memref<10112x128xf32, #tpu.memory_space<vmem_shared>> -> memref<64x128xf32, #tpu.memory_space<vmem_shared>>
      %dma_wait3A_46 = arith.constant 0 : i32
      %dma_wait3A_47 = tpu.memref_slice %arg15[%add3A_22, %dma_wait3A_46] : memref<10112x128xf32, #tpu.memory_space<vmem_shared>> -> memref<64x128xf32, #tpu.memory_space<vmem_shared>>
      %dma_wait3A_48 = arith.constant 0 : i32
      %dma_wait3A_49 = arith.constant 0 : i32
      %dma_wait3A_50 = tpu.memref_slice %arg11[%dma_wait3A_48, %dma_wait3A_49] : memref<64x128xf32, #tpu.memory_space<vmem>> -> memref<64x128xf32, #tpu.memory_space<vmem>>
      tpu.wait_dma2 semaphore(%run_scoped3A : memref<!tpu.dma_semaphore, #tpu.memory_space<semaphore_mem>>) src(%dma_wait3A_50 : memref<64x128xf32, #tpu.memory_space<vmem>>) dst(%dma_wait3A_47 : memref<64x128xf32, #tpu.memory_space<vmem_shared>>)
      tpu.yield
    }) : () -> ()
    %add3A_23 = arith.constant 576 : i32
    %add3A_24 = arith.addi %mul3A_5, %add3A_23 : i32
    "tpu.region"() ({
      %run_scoped3A = tpu.sem_alloc : memref<!tpu.dma_semaphore, #tpu.memory_space<semaphore_mem>>
      %dma_start3A = arith.constant 0 : i32
      %dma_start3A_33 = arith.constant 0 : i32
      %dma_start3A_34 = tpu.memref_slice %arg11[%dma_start3A, %dma_start3A_33] : memref<64x128xf32, #tpu.memory_space<vmem>> -> memref<56x128xf32, #tpu.memory_space<vmem>>
      %dma_start3A_35 = arith.constant 0 : i32
      %dma_start3A_36 = tpu.memref_slice %arg15[%add3A_24, %dma_start3A_35] : memref<10112x128xf32, #tpu.memory_space<vmem_shared>> -> memref<56x128xf32, #tpu.memory_space<vmem_shared>>
      %dma_start3A_37 = arith.constant 0 : i32
      %dma_start3A_38 = tpu.memref_slice %arg15[%add3A_24, %dma_start3A_37] : memref<10112x128xf32, #tpu.memory_space<vmem_shared>> -> memref<56x128xf32, #tpu.memory_space<vmem_shared>>
      %dma_start3A_39 = arith.constant 0 : i32
      %dma_start3A_40 = arith.constant 0 : i32
      %dma_start3A_41 = tpu.memref_slice %arg11[%dma_start3A_39, %dma_start3A_40] : memref<64x128xf32, #tpu.memory_space<vmem>> -> memref<56x128xf32, #tpu.memory_space<vmem>>
      tpu.enqueue_dma source(%dma_start3A_41 : memref<56x128xf32, #tpu.memory_space<vmem>>) target(%dma_start3A_38 : memref<56x128xf32, #tpu.memory_space<vmem_shared>>) target_semaphore(%run_scoped3A : memref<!tpu.dma_semaphore, #tpu.memory_space<semaphore_mem>>)
      %dma_wait3A = arith.constant 0 : i32
      %dma_wait3A_42 = arith.constant 0 : i32
      %dma_wait3A_43 = tpu.memref_slice %arg11[%dma_wait3A, %dma_wait3A_42] : memref<64x128xf32, #tpu.memory_space<vmem>> -> memref<56x128xf32, #tpu.memory_space<vmem>>
      %dma_wait3A_44 = arith.constant 0 : i32
      %dma_wait3A_45 = tpu.memref_slice %arg15[%add3A_24, %dma_wait3A_44] : memref<10112x128xf32, #tpu.memory_space<vmem_shared>> -> memref<56x128xf32, #tpu.memory_space<vmem_shared>>
      %dma_wait3A_46 = arith.constant 0 : i32
      %dma_wait3A_47 = tpu.memref_slice %arg15[%add3A_24, %dma_wait3A_46] : memref<10112x128xf32, #tpu.memory_space<vmem_shared>> -> memref<56x128xf32, #tpu.memory_space<vmem_shared>>
      %dma_wait3A_48 = arith.constant 0 : i32
      %dma_wait3A_49 = arith.constant 0 : i32
      %dma_wait3A_50 = tpu.memref_slice %arg11[%dma_wait3A_48, %dma_wait3A_49] : memref<64x128xf32, #tpu.memory_space<vmem>> -> memref<56x128xf32, #tpu.memory_space<vmem>>
      tpu.wait_dma2 semaphore(%run_scoped3A : memref<!tpu.dma_semaphore, #tpu.memory_space<semaphore_mem>>) src(%dma_wait3A_50 : memref<56x128xf32, #tpu.memory_space<vmem>>) dst(%dma_wait3A_47 : memref<56x128xf32, #tpu.memory_space<vmem_shared>>)
      tpu.yield
    }) : () -> ()
    %barrier3A = arith.constant 0 : index
    tpu.barrier barrier_id(%barrier3A)
    %eq3A = arith.constant 0 : i32
    %eq3A_25 = arith.cmpi eq, %arg0, %eq3A : i32
    %convert_element_type3A = arith.extui %eq3A_25 : i1 to i32
    %cond3A = arith.constant 0 : i32
    %cond3A_26 = arith.cmpi ne, %convert_element_type3A, %cond3A : i32
    scf.if %cond3A_26 {
      %mul3A_33 = arith.constant 320 : i32
      %mul3A_34 = arith.muli %arg1, %mul3A_33 : i32
      %scan3A_35 = arith.constant 0 : i32
      %scan3A_36 = arith.constant 0 : i32
      %scan3A_37 = arith.constant 5 : i32
      %scan3A_38 = arith.addi %scan3A_36, %scan3A_37 : i32
      %scan3A_39 = arith.constant 1 : i32
      scf.for %scan3A_64 = %scan3A_36 to %scan3A_38 step %scan3A_39  : i32 {
        %mul3A_65 = arith.constant 2 : i32
        %mul3A_66 = arith.muli %mul3A_65, %scan3A_64 : i32
        %add3A_67 = arith.constant 0 : i32
        %add3A_68 = arith.addi %mul3A_66, %add3A_67 : i32
        %mul3A_69 = arith.constant 32 : i32
        %mul3A_70 = arith.muli %add3A_68, %mul3A_69 : i32
        %add3A_71 = arith.addi %mul3A_34, %mul3A_70 : i32
        "tpu.region"() ({
          %run_scoped3A = tpu.sem_alloc : memref<!tpu.dma_semaphore, #tpu.memory_space<semaphore_mem>>
          %dma_start3A = arith.constant 0 : i32
          %dma_start3A_95 = tpu.memref_slice %arg4[%add3A_71, %dma_start3A] : memref<5120x64xi32, #tpu.memory_space<hbm>> -> memref<32x64xi32, #tpu.memory_space<hbm>>
          %dma_start3A_96 = arith.constant 0 : i32
          %dma_start3A_97 = tpu.memref_slice %arg4[%add3A_71, %dma_start3A_96] : memref<5120x64xi32, #tpu.memory_space<hbm>> -> memref<32x64xi32, #tpu.memory_space<hbm>>
          tpu.enqueue_dma source(%dma_start3A_97 : memref<32x64xi32, #tpu.memory_space<hbm>>) target(%arg7 : memref<32x64xi32, #tpu.memory_space<vmem>>) target_semaphore(%run_scoped3A : memref<!tpu.dma_semaphore, #tpu.memory_space<semaphore_mem>>)
          %dma_wait3A_98 = arith.constant 0 : i32
          %dma_wait3A_99 = tpu.memref_slice %arg4[%add3A_71, %dma_wait3A_98] : memref<5120x64xi32, #tpu.memory_space<hbm>> -> memref<32x64xi32, #tpu.memory_space<hbm>>
          %dma_wait3A_100 = arith.constant 0 : i32
          %dma_wait3A_101 = tpu.memref_slice %arg4[%add3A_71, %dma_wait3A_100] : memref<5120x64xi32, #tpu.memory_space<hbm>> -> memref<32x64xi32, #tpu.memory_space<hbm>>
          tpu.wait_dma2 semaphore(%run_scoped3A : memref<!tpu.dma_semaphore, #tpu.memory_space<semaphore_mem>>) src(%dma_wait3A_101 : memref<32x64xi32, #tpu.memory_space<hbm>>) dst(%arg7 : memref<32x64xi32, #tpu.memory_space<vmem>>)
          tpu.yield
        }) : () -> ()
        %mul3A_72 = arith.constant 32 : i32
        %mul3A_73 = arith.muli %add3A_68, %mul3A_72 : i32
        %add3A_74 = arith.addi %mul3A_34, %mul3A_73 : i32
        "tpu.region"() ({
          %run_scoped3A = tpu.sem_alloc : memref<!tpu.dma_semaphore, #tpu.memory_space<semaphore_mem>>
          %dma_start3A = arith.constant 0 : i32
          %dma_start3A_95 = tpu.memref_slice %arg5[%add3A_74, %dma_start3A] : memref<5120x64xi32, #tpu.memory_space<hbm>> -> memref<32x64xi32, #tpu.memory_space<hbm>>
          %dma_start3A_96 = arith.constant 0 : i32
          %dma_start3A_97 = tpu.memref_slice %arg5[%add3A_74, %dma_start3A_96] : memref<5120x64xi32, #tpu.memory_space<hbm>> -> memref<32x64xi32, #tpu.memory_space<hbm>>
          tpu.enqueue_dma source(%dma_start3A_97 : memref<32x64xi32, #tpu.memory_space<hbm>>) target(%arg8 : memref<32x64xi32, #tpu.memory_space<vmem>>) target_semaphore(%run_scoped3A : memref<!tpu.dma_semaphore, #tpu.memory_space<semaphore_mem>>)
          %dma_wait3A_98 = arith.constant 0 : i32
          %dma_wait3A_99 = tpu.memref_slice %arg5[%add3A_74, %dma_wait3A_98] : memref<5120x64xi32, #tpu.memory_space<hbm>> -> memref<32x64xi32, #tpu.memory_space<hbm>>
          %dma_wait3A_100 = arith.constant 0 : i32
          %dma_wait3A_101 = tpu.memref_slice %arg5[%add3A_74, %dma_wait3A_100] : memref<5120x64xi32, #tpu.memory_space<hbm>> -> memref<32x64xi32, #tpu.memory_space<hbm>>
          tpu.wait_dma2 semaphore(%run_scoped3A : memref<!tpu.dma_semaphore, #tpu.memory_space<semaphore_mem>>) src(%dma_wait3A_101 : memref<32x64xi32, #tpu.memory_space<hbm>>) dst(%arg8 : memref<32x64xi32, #tpu.memory_space<vmem>>)
          tpu.yield
        }) : () -> ()
        %scan3A_75 = arith.constant 0 : i32
        %scan3A_76 = arith.constant 8 : i32
        %scan3A_77 = arith.addi %scan3A_75, %scan3A_76 : i32
        %scan3A_78 = arith.constant 1 : i32
        scf.for %scan3A_95 = %scan3A_75 to %scan3A_77 step %scan3A_78  : i32 {
          %mul3A_96 = arith.constant 8 : i32
          %mul3A_97 = arith.muli %add3A_68, %mul3A_96 : i32
          %add3A_98 = arith.addi %mul3A_97, %scan3A_95 : i32
          %gt3A = arith.constant 0 : i32
          %gt3A_99 = arith.cmpi sgt, %add3A_98, %gt3A : i32
          %convert_element_type3A_100 = arith.extui %gt3A_99 : i1 to i32
          %cond3A_101 = arith.constant 0 : i32
          %cond3A_102 = arith.cmpi ne, %convert_element_type3A_100, %cond3A_101 : i32
          scf.if %cond3A_102 {
            %dma_wait3A_221 = arith.constant 0 : i32
            %dma_wait3A_222 = arith.constant 0 : i32
            %dma_wait3A_223 = tpu.memref_slice %arg2[%dma_wait3A_221, %dma_wait3A_222] : memref<10000x128xf32, #tpu.memory_space<hbm>> -> memref<64x128xf32, #tpu.memory_space<hbm>>
            %dma_wait3A_224 = arith.constant 0 : i32
            %dma_wait3A_225 = arith.constant 0 : i32
            %dma_wait3A_226 = tpu.memref_slice %arg2[%dma_wait3A_224, %dma_wait3A_225] : memref<10000x128xf32, #tpu.memory_space<hbm>> -> memref<64x128xf32, #tpu.memory_space<hbm>>
            tpu.wait_dma2 semaphore(%arg20 : memref<!tpu.dma_semaphore, #tpu.memory_space<semaphore_mem>>) src(%dma_wait3A_226 : memref<64x128xf32, #tpu.memory_space<hbm>>) dst(%arg11 : memref<64x128xf32, #tpu.memory_space<vmem>>)
          } else {
          }
          %mul3A_103 = arith.constant 4 : i32
          %mul3A_104 = arith.muli %scan3A_95, %mul3A_103 : i32
          %add3A_105 = arith.constant 0 : i32
          %add3A_106 = arith.addi %mul3A_104, %add3A_105 : i32
          %dma_start3A = arith.constant 0 : i32
          %dma_start3A_107 = tpu.memref_slice %arg7[%add3A_106, %dma_start3A] : memref<32x64xi32, #tpu.memory_space<vmem>> -> memref<1x64xi32, #tpu.memory_space<vmem>>
          %dma_start3A_108 = tpu.memref_squeeze %dma_start3A_107 : memref<1x64xi32, #tpu.memory_space<vmem>> -> memref<64xi32, #tpu.memory_space<vmem>>
          %dma_start3A_109 = arith.constant 0 : i32
          %dma_start3A_110 = arith.constant 0 : i32
          %dma_start3A_111 = tpu.memref_slice %arg2[%dma_start3A_109, %dma_start3A_110] : memref<10000x128xf32, #tpu.memory_space<hbm>> -> memref<10000x128xf32, #tpu.memory_space<hbm>>
          tpu.enqueue_indirect_dma source(%dma_start3A_111 : memref<10000x128xf32, #tpu.memory_space<hbm>>) target(%arg11 : memref<64x128xf32, #tpu.memory_space<vmem>>) offsets(%dma_start3A_108 : memref<64xi32, #tpu.memory_space<vmem>>) semaphore(%arg16 : memref<!tpu.dma_semaphore, #tpu.memory_space<semaphore_mem>>)
          %gt3A_112 = arith.constant 0 : i32
          %gt3A_113 = arith.cmpi sgt, %add3A_98, %gt3A_112 : i32
          %convert_element_type3A_114 = arith.extui %gt3A_113 : i1 to i32
          %cond3A_115 = arith.constant 0 : i32
          %cond3A_116 = arith.cmpi ne, %convert_element_type3A_114, %cond3A_115 : i32
          scf.if %cond3A_116 {
            %dma_wait3A_221 = arith.constant 0 : i32
            %dma_wait3A_222 = arith.constant 0 : i32
            %dma_wait3A_223 = tpu.memref_slice %arg2[%dma_wait3A_221, %dma_wait3A_222] : memref<10000x128xf32, #tpu.memory_space<hbm>> -> memref<64x128xf32, #tpu.memory_space<hbm>>
            %dma_wait3A_224 = arith.constant 0 : i32
            %dma_wait3A_225 = arith.constant 0 : i32
            %dma_wait3A_226 = tpu.memref_slice %arg2[%dma_wait3A_224, %dma_wait3A_225] : memref<10000x128xf32, #tpu.memory_space<hbm>> -> memref<64x128xf32, #tpu.memory_space<hbm>>
            tpu.wait_dma2 semaphore(%arg21 : memref<!tpu.dma_semaphore, #tpu.memory_space<semaphore_mem>>) src(%dma_wait3A_226 : memref<64x128xf32, #tpu.memory_space<hbm>>) dst(%arg12 : memref<64x128xf32, #tpu.memory_space<vmem>>)
          } else {
          }
          %mul3A_117 = arith.constant 4 : i32
          %mul3A_118 = arith.muli %scan3A_95, %mul3A_117 : i32
          %add3A_119 = arith.constant 1 : i32
          %add3A_120 = arith.addi %mul3A_118, %add3A_119 : i32
          %dma_start3A_121 = arith.constant 0 : i32
          %dma_start3A_122 = tpu.memref_slice %arg7[%add3A_120, %dma_start3A_121] : memref<32x64xi32, #tpu.memory_space<vmem>> -> memref<1x64xi32, #tpu.memory_space<vmem>>
          %dma_start3A_123 = tpu.memref_squeeze %dma_start3A_122 : memref<1x64xi32, #tpu.memory_space<vmem>> -> memref<64xi32, #tpu.memory_space<vmem>>
          %dma_start3A_124 = arith.constant 0 : i32
          %dma_start3A_125 = arith.constant 0 : i32
          %dma_start3A_126 = tpu.memref_slice %arg2[%dma_start3A_124, %dma_start3A_125] : memref<10000x128xf32, #tpu.memory_space<hbm>> -> memref<10000x128xf32, #tpu.memory_space<hbm>>
          tpu.enqueue_indirect_dma source(%dma_start3A_126 : memref<10000x128xf32, #tpu.memory_space<hbm>>) target(%arg12 : memref<64x128xf32, #tpu.memory_space<vmem>>) offsets(%dma_start3A_123 : memref<64xi32, #tpu.memory_space<vmem>>) semaphore(%arg17 : memref<!tpu.dma_semaphore, #tpu.memory_space<semaphore_mem>>)
          %gt3A_127 = arith.constant 0 : i32
          %gt3A_128 = arith.cmpi sgt, %add3A_98, %gt3A_127 : i32
          %convert_element_type3A_129 = arith.extui %gt3A_128 : i1 to i32
          %cond3A_130 = arith.constant 0 : i32
          %cond3A_131 = arith.cmpi ne, %convert_element_type3A_129, %cond3A_130 : i32
          scf.if %cond3A_131 {
            %dma_wait3A_221 = arith.constant 0 : i32
            %dma_wait3A_222 = arith.constant 0 : i32
            %dma_wait3A_223 = tpu.memref_slice %arg2[%dma_wait3A_221, %dma_wait3A_222] : memref<10000x128xf32, #tpu.memory_space<hbm>> -> memref<64x128xf32, #tpu.memory_space<hbm>>
            %dma_wait3A_224 = arith.constant 0 : i32
            %dma_wait3A_225 = arith.constant 0 : i32
            %dma_wait3A_226 = tpu.memref_slice %arg2[%dma_wait3A_224, %dma_wait3A_225] : memref<10000x128xf32, #tpu.memory_space<hbm>> -> memref<64x128xf32, #tpu.memory_space<hbm>>
            tpu.wait_dma2 semaphore(%arg22 : memref<!tpu.dma_semaphore, #tpu.memory_space<semaphore_mem>>) src(%dma_wait3A_226 : memref<64x128xf32, #tpu.memory_space<hbm>>) dst(%arg13 : memref<64x128xf32, #tpu.memory_space<vmem>>)
          } else {
          }
          %mul3A_132 = arith.constant 4 : i32
          %mul3A_133 = arith.muli %scan3A_95, %mul3A_132 : i32
          %add3A_134 = arith.constant 2 : i32
          %add3A_135 = arith.addi %mul3A_133, %add3A_134 : i32
          %dma_start3A_136 = arith.constant 0 : i32
          %dma_start3A_137 = tpu.memref_slice %arg7[%add3A_135, %dma_start3A_136] : memref<32x64xi32, #tpu.memory_space<vmem>> -> memref<1x64xi32, #tpu.memory_space<vmem>>
          %dma_start3A_138 = tpu.memref_squeeze %dma_start3A_137 : memref<1x64xi32, #tpu.memory_space<vmem>> -> memref<64xi32, #tpu.memory_space<vmem>>
          %dma_start3A_139 = arith.constant 0 : i32
          %dma_start3A_140 = arith.constant 0 : i32
          %dma_start3A_141 = tpu.memref_slice %arg2[%dma_start3A_139, %dma_start3A_140] : memref<10000x128xf32, #tpu.memory_space<hbm>> -> memref<10000x128xf32, #tpu.memory_space<hbm>>
          tpu.enqueue_indirect_dma source(%dma_start3A_141 : memref<10000x128xf32, #tpu.memory_space<hbm>>) target(%arg13 : memref<64x128xf32, #tpu.memory_space<vmem>>) offsets(%dma_start3A_138 : memref<64xi32, #tpu.memory_space<vmem>>) semaphore(%arg18 : memref<!tpu.dma_semaphore, #tpu.memory_space<semaphore_mem>>)
          %gt3A_142 = arith.constant 0 : i32
          %gt3A_143 = arith.cmpi sgt, %add3A_98, %gt3A_142 : i32
          %convert_element_type3A_144 = arith.extui %gt3A_143 : i1 to i32
          %cond3A_145 = arith.constant 0 : i32
          %cond3A_146 = arith.cmpi ne, %convert_element_type3A_144, %cond3A_145 : i32
          scf.if %cond3A_146 {
            %dma_wait3A_221 = arith.constant 0 : i32
            %dma_wait3A_222 = arith.constant 0 : i32
            %dma_wait3A_223 = tpu.memref_slice %arg2[%dma_wait3A_221, %dma_wait3A_222] : memref<10000x128xf32, #tpu.memory_space<hbm>> -> memref<64x128xf32, #tpu.memory_space<hbm>>
            %dma_wait3A_224 = arith.constant 0 : i32
            %dma_wait3A_225 = arith.constant 0 : i32
            %dma_wait3A_226 = tpu.memref_slice %arg2[%dma_wait3A_224, %dma_wait3A_225] : memref<10000x128xf32, #tpu.memory_space<hbm>> -> memref<64x128xf32, #tpu.memory_space<hbm>>
            tpu.wait_dma2 semaphore(%arg23 : memref<!tpu.dma_semaphore, #tpu.memory_space<semaphore_mem>>) src(%dma_wait3A_226 : memref<64x128xf32, #tpu.memory_space<hbm>>) dst(%arg14 : memref<64x128xf32, #tpu.memory_space<vmem>>)
          } else {
          }
          %mul3A_147 = arith.constant 4 : i32
          %mul3A_148 = arith.muli %scan3A_95, %mul3A_147 : i32
          %add3A_149 = arith.constant 3 : i32
          %add3A_150 = arith.addi %mul3A_148, %add3A_149 : i32
          %dma_start3A_151 = arith.constant 0 : i32
          %dma_start3A_152 = tpu.memref_slice %arg7[%add3A_150, %dma_start3A_151] : memref<32x64xi32, #tpu.memory_space<vmem>> -> memref<1x64xi32, #tpu.memory_space<vmem>>
          %dma_start3A_153 = tpu.memref_squeeze %dma_start3A_152 : memref<1x64xi32, #tpu.memory_space<vmem>> -> memref<64xi32, #tpu.memory_space<vmem>>
          %dma_start3A_154 = arith.constant 0 : i32
          %dma_start3A_155 = arith.constant 0 : i32
          %dma_start3A_156 = tpu.memref_slice %arg2[%dma_start3A_154, %dma_start3A_155] : memref<10000x128xf32, #tpu.memory_space<hbm>> -> memref<10000x128xf32, #tpu.memory_space<hbm>>
          tpu.enqueue_indirect_dma source(%dma_start3A_156 : memref<10000x128xf32, #tpu.memory_space<hbm>>) target(%arg14 : memref<64x128xf32, #tpu.memory_space<vmem>>) offsets(%dma_start3A_153 : memref<64xi32, #tpu.memory_space<vmem>>) semaphore(%arg19 : memref<!tpu.dma_semaphore, #tpu.memory_space<semaphore_mem>>)
          %dma_wait3A_157 = arith.constant 0 : i32
          %dma_wait3A_158 = arith.constant 0 : i32
          %dma_wait3A_159 = tpu.memref_slice %arg2[%dma_wait3A_157, %dma_wait3A_158] : memref<10000x128xf32, #tpu.memory_space<hbm>> -> memref<64x128xf32, #tpu.memory_space<hbm>>
          %dma_wait3A_160 = arith.constant 0 : i32
          %dma_wait3A_161 = arith.constant 0 : i32
          %dma_wait3A_162 = tpu.memref_slice %arg2[%dma_wait3A_160, %dma_wait3A_161] : memref<10000x128xf32, #tpu.memory_space<hbm>> -> memref<64x128xf32, #tpu.memory_space<hbm>>
          tpu.wait_dma2 semaphore(%arg16 : memref<!tpu.dma_semaphore, #tpu.memory_space<semaphore_mem>>) src(%dma_wait3A_162 : memref<64x128xf32, #tpu.memory_space<hbm>>) dst(%arg11 : memref<64x128xf32, #tpu.memory_space<vmem>>)
          %mul3A_163 = arith.constant 4 : i32
          %mul3A_164 = arith.muli %scan3A_95, %mul3A_163 : i32
          %add3A_165 = arith.constant 0 : i32
          %add3A_166 = arith.addi %mul3A_164, %add3A_165 : i32
          %dma_start3A_167 = arith.constant 0 : i32
          %dma_start3A_168 = tpu.memref_slice %arg8[%add3A_166, %dma_start3A_167] : memref<32x64xi32, #tpu.memory_space<vmem>> -> memref<1x64xi32, #tpu.memory_space<vmem>>
          %dma_start3A_169 = tpu.memref_squeeze %dma_start3A_168 : memref<1x64xi32, #tpu.memory_space<vmem>> -> memref<64xi32, #tpu.memory_space<vmem>>
          %dma_start3A_170 = arith.constant 0 : i32
          %dma_start3A_171 = arith.constant 0 : i32
          %dma_start3A_172 = tpu.memref_slice %arg15[%dma_start3A_170, %dma_start3A_171] : memref<10112x128xf32, #tpu.memory_space<vmem_shared>> -> memref<10112x128xf32, #tpu.memory_space<vmem_shared>>
          tpu.enqueue_indirect_dma source(%arg11 : memref<64x128xf32, #tpu.memory_space<vmem>>) target(%dma_start3A_172 : memref<10112x128xf32, #tpu.memory_space<vmem_shared>>) offsets(%dma_start3A_169 : memref<64xi32, #tpu.memory_space<vmem>>) semaphore(%arg20 : memref<!tpu.dma_semaphore, #tpu.memory_space<semaphore_mem>>) {add = true}
          %dma_wait3A_173 = arith.constant 0 : i32
          %dma_wait3A_174 = arith.constant 0 : i32
          %dma_wait3A_175 = tpu.memref_slice %arg2[%dma_wait3A_173, %dma_wait3A_174] : memref<10000x128xf32, #tpu.memory_space<hbm>> -> memref<64x128xf32, #tpu.memory_space<hbm>>
          %dma_wait3A_176 = arith.constant 0 : i32
          %dma_wait3A_177 = arith.constant 0 : i32
          %dma_wait3A_178 = tpu.memref_slice %arg2[%dma_wait3A_176, %dma_wait3A_177] : memref<10000x128xf32, #tpu.memory_space<hbm>> -> memref<64x128xf32, #tpu.memory_space<hbm>>
          tpu.wait_dma2 semaphore(%arg17 : memref<!tpu.dma_semaphore, #tpu.memory_space<semaphore_mem>>) src(%dma_wait3A_178 : memref<64x128xf32, #tpu.memory_space<hbm>>) dst(%arg12 : memref<64x128xf32, #tpu.memory_space<vmem>>)
          %mul3A_179 = arith.constant 4 : i32
          %mul3A_180 = arith.muli %scan3A_95, %mul3A_179 : i32
          %add3A_181 = arith.constant 1 : i32
          %add3A_182 = arith.addi %mul3A_180, %add3A_181 : i32
          %dma_start3A_183 = arith.constant 0 : i32
          %dma_start3A_184 = tpu.memref_slice %arg8[%add3A_182, %dma_start3A_183] : memref<32x64xi32, #tpu.memory_space<vmem>> -> memref<1x64xi32, #tpu.memory_space<vmem>>
          %dma_start3A_185 = tpu.memref_squeeze %dma_start3A_184 : memref<1x64xi32, #tpu.memory_space<vmem>> -> memref<64xi32, #tpu.memory_space<vmem>>
          %dma_start3A_186 = arith.constant 0 : i32
          %dma_start3A_187 = arith.constant 0 : i32
          %dma_start3A_188 = tpu.memref_slice %arg15[%dma_start3A_186, %dma_start3A_187] : memref<10112x128xf32, #tpu.memory_space<vmem_shared>> -> memref<10112x128xf32, #tpu.memory_space<vmem_shared>>
          tpu.enqueue_indirect_dma source(%arg12 : memref<64x128xf32, #tpu.memory_space<vmem>>) target(%dma_start3A_188 : memref<10112x128xf32, #tpu.memory_space<vmem_shared>>) offsets(%dma_start3A_185 : memref<64xi32, #tpu.memory_space<vmem>>) semaphore(%arg21 : memref<!tpu.dma_semaphore, #tpu.memory_space<semaphore_mem>>) {add = true}
          %dma_wait3A_189 = arith.constant 0 : i32
          %dma_wait3A_190 = arith.constant 0 : i32
          %dma_wait3A_191 = tpu.memref_slice %arg2[%dma_wait3A_189, %dma_wait3A_190] : memref<10000x128xf32, #tpu.memory_space<hbm>> -> memref<64x128xf32, #tpu.memory_space<hbm>>
          %dma_wait3A_192 = arith.constant 0 : i32
          %dma_wait3A_193 = arith.constant 0 : i32
          %dma_wait3A_194 = tpu.memref_slice %arg2[%dma_wait3A_192, %dma_wait3A_193] : memref<10000x128xf32, #tpu.memory_space<hbm>> -> memref<64x128xf32, #tpu.memory_space<hbm>>
          tpu.wait_dma2 semaphore(%arg18 : memref<!tpu.dma_semaphore, #tpu.memory_space<semaphore_mem>>) src(%dma_wait3A_194 : memref<64x128xf32, #tpu.memory_space<hbm>>) dst(%arg13 : memref<64x128xf32, #tpu.memory_space<vmem>>)
          %mul3A_195 = arith.constant 4 : i32
          %mul3A_196 = arith.muli %scan3A_95, %mul3A_195 : i32
          %add3A_197 = arith.constant 2 : i32
          %add3A_198 = arith.addi %mul3A_196, %add3A_197 : i32
          %dma_start3A_199 = arith.constant 0 : i32
          %dma_start3A_200 = tpu.memref_slice %arg8[%add3A_198, %dma_start3A_199] : memref<32x64xi32, #tpu.memory_space<vmem>> -> memref<1x64xi32, #tpu.memory_space<vmem>>
          %dma_start3A_201 = tpu.memref_squeeze %dma_start3A_200 : memref<1x64xi32, #tpu.memory_space<vmem>> -> memref<64xi32, #tpu.memory_space<vmem>>
          %dma_start3A_202 = arith.constant 0 : i32
          %dma_start3A_203 = arith.constant 0 : i32
          %dma_start3A_204 = tpu.memref_slice %arg15[%dma_start3A_202, %dma_start3A_203] : memref<10112x128xf32, #tpu.memory_space<vmem_shared>> -> memref<10112x128xf32, #tpu.memory_space<vmem_shared>>
          tpu.enqueue_indirect_dma source(%arg13 : memref<64x128xf32, #tpu.memory_space<vmem>>) target(%dma_start3A_204 : memref<10112x128xf32, #tpu.memory_space<vmem_shared>>) offsets(%dma_start3A_201 : memref<64xi32, #tpu.memory_space<vmem>>) semaphore(%arg22 : memref<!tpu.dma_semaphore, #tpu.memory_space<semaphore_mem>>) {add = true}
          %dma_wait3A_205 = arith.constant 0 : i32
          %dma_wait3A_206 = arith.constant 0 : i32
          %dma_wait3A_207 = tpu.memref_slice %arg2[%dma_wait3A_205, %dma_wait3A_206] : memref<10000x128xf32, #tpu.memory_space<hbm>> -> memref<64x128xf32, #tpu.memory_space<hbm>>
          %dma_wait3A_208 = arith.constant 0 : i32
          %dma_wait3A_209 = arith.constant 0 : i32
          %dma_wait3A_210 = tpu.memref_slice %arg2[%dma_wait3A_208, %dma_wait3A_209] : memref<10000x128xf32, #tpu.memory_space<hbm>> -> memref<64x128xf32, #tpu.memory_space<hbm>>
          tpu.wait_dma2 semaphore(%arg19 : memref<!tpu.dma_semaphore, #tpu.memory_space<semaphore_mem>>) src(%dma_wait3A_210 : memref<64x128xf32, #tpu.memory_space<hbm>>) dst(%arg14 : memref<64x128xf32, #tpu.memory_space<vmem>>)
          %mul3A_211 = arith.constant 4 : i32
          %mul3A_212 = arith.muli %scan3A_95, %mul3A_211 : i32
          %add3A_213 = arith.constant 3 : i32
          %add3A_214 = arith.addi %mul3A_212, %add3A_213 : i32
          %dma_start3A_215 = arith.constant 0 : i32
          %dma_start3A_216 = tpu.memref_slice %arg8[%add3A_214, %dma_start3A_215] : memref<32x64xi32, #tpu.memory_space<vmem>> -> memref<1x64xi32, #tpu.memory_space<vmem>>
          %dma_start3A_217 = tpu.memref_squeeze %dma_start3A_216 : memref<1x64xi32, #tpu.memory_space<vmem>> -> memref<64xi32, #tpu.memory_space<vmem>>
          %dma_start3A_218 = arith.constant 0 : i32
          %dma_start3A_219 = arith.constant 0 : i32
          %dma_start3A_220 = tpu.memref_slice %arg15[%dma_start3A_218, %dma_start3A_219] : memref<10112x128xf32, #tpu.memory_space<vmem_shared>> -> memref<10112x128xf32, #tpu.memory_space<vmem_shared>>
          tpu.enqueue_indirect_dma source(%arg14 : memref<64x128xf32, #tpu.memory_space<vmem>>) target(%dma_start3A_220 : memref<10112x128xf32, #tpu.memory_space<vmem_shared>>) offsets(%dma_start3A_217 : memref<64xi32, #tpu.memory_space<vmem>>) semaphore(%arg23 : memref<!tpu.dma_semaphore, #tpu.memory_space<semaphore_mem>>) {add = true}
        }
        %scan3A_79 = arith.constant 8 : i32
        %mul3A_80 = arith.constant 2 : i32
        %mul3A_81 = arith.muli %mul3A_80, %scan3A_64 : i32
        %add3A_82 = arith.constant 1 : i32
        %add3A_83 = arith.addi %mul3A_81, %add3A_82 : i32
        %mul3A_84 = arith.constant 32 : i32
        %mul3A_85 = arith.muli %add3A_83, %mul3A_84 : i32
        %add3A_86 = arith.addi %mul3A_34, %mul3A_85 : i32
        "tpu.region"() ({
          %run_scoped3A = tpu.sem_alloc : memref<!tpu.dma_semaphore, #tpu.memory_space<semaphore_mem>>
          %dma_start3A = arith.constant 0 : i32
          %dma_start3A_95 = tpu.memref_slice %arg4[%add3A_86, %dma_start3A] : memref<5120x64xi32, #tpu.memory_space<hbm>> -> memref<32x64xi32, #tpu.memory_space<hbm>>
          %dma_start3A_96 = arith.constant 0 : i32
          %dma_start3A_97 = tpu.memref_slice %arg4[%add3A_86, %dma_start3A_96] : memref<5120x64xi32, #tpu.memory_space<hbm>> -> memref<32x64xi32, #tpu.memory_space<hbm>>
          tpu.enqueue_dma source(%dma_start3A_97 : memref<32x64xi32, #tpu.memory_space<hbm>>) target(%arg9 : memref<32x64xi32, #tpu.memory_space<vmem>>) target_semaphore(%run_scoped3A : memref<!tpu.dma_semaphore, #tpu.memory_space<semaphore_mem>>)
          %dma_wait3A_98 = arith.constant 0 : i32
          %dma_wait3A_99 = tpu.memref_slice %arg4[%add3A_86, %dma_wait3A_98] : memref<5120x64xi32, #tpu.memory_space<hbm>> -> memref<32x64xi32, #tpu.memory_space<hbm>>
          %dma_wait3A_100 = arith.constant 0 : i32
          %dma_wait3A_101 = tpu.memref_slice %arg4[%add3A_86, %dma_wait3A_100] : memref<5120x64xi32, #tpu.memory_space<hbm>> -> memref<32x64xi32, #tpu.memory_space<hbm>>
          tpu.wait_dma2 semaphore(%run_scoped3A : memref<!tpu.dma_semaphore, #tpu.memory_space<semaphore_mem>>) src(%dma_wait3A_101 : memref<32x64xi32, #tpu.memory_space<hbm>>) dst(%arg9 : memref<32x64xi32, #tpu.memory_space<vmem>>)
          tpu.yield
        }) : () -> ()
        %mul3A_87 = arith.constant 32 : i32
        %mul3A_88 = arith.muli %add3A_83, %mul3A_87 : i32
        %add3A_89 = arith.addi %mul3A_34, %mul3A_88 : i32
        "tpu.region"() ({
          %run_scoped3A = tpu.sem_alloc : memref<!tpu.dma_semaphore, #tpu.memory_space<semaphore_mem>>
          %dma_start3A = arith.constant 0 : i32
          %dma_start3A_95 = tpu.memref_slice %arg5[%add3A_89, %dma_start3A] : memref<5120x64xi32, #tpu.memory_space<hbm>> -> memref<32x64xi32, #tpu.memory_space<hbm>>
          %dma_start3A_96 = arith.constant 0 : i32
          %dma_start3A_97 = tpu.memref_slice %arg5[%add3A_89, %dma_start3A_96] : memref<5120x64xi32, #tpu.memory_space<hbm>> -> memref<32x64xi32, #tpu.memory_space<hbm>>
          tpu.enqueue_dma source(%dma_start3A_97 : memref<32x64xi32, #tpu.memory_space<hbm>>) target(%arg10 : memref<32x64xi32, #tpu.memory_space<vmem>>) target_semaphore(%run_scoped3A : memref<!tpu.dma_semaphore, #tpu.memory_space<semaphore_mem>>)
          %dma_wait3A_98 = arith.constant 0 : i32
          %dma_wait3A_99 = tpu.memref_slice %arg5[%add3A_89, %dma_wait3A_98] : memref<5120x64xi32, #tpu.memory_space<hbm>> -> memref<32x64xi32, #tpu.memory_space<hbm>>
          %dma_wait3A_100 = arith.constant 0 : i32
          %dma_wait3A_101 = tpu.memref_slice %arg5[%add3A_89, %dma_wait3A_100] : memref<5120x64xi32, #tpu.memory_space<hbm>> -> memref<32x64xi32, #tpu.memory_space<hbm>>
          tpu.wait_dma2 semaphore(%run_scoped3A : memref<!tpu.dma_semaphore, #tpu.memory_space<semaphore_mem>>) src(%dma_wait3A_101 : memref<32x64xi32, #tpu.memory_space<hbm>>) dst(%arg10 : memref<32x64xi32, #tpu.memory_space<vmem>>)
          tpu.yield
        }) : () -> ()
        %scan3A_90 = arith.constant 0 : i32
        %scan3A_91 = arith.constant 8 : i32
        %scan3A_92 = arith.addi %scan3A_90, %scan3A_91 : i32
        %scan3A_93 = arith.constant 1 : i32
        scf.for %scan3A_95 = %scan3A_90 to %scan3A_92 step %scan3A_93  : i32 {
          %mul3A_96 = arith.constant 8 : i32
          %mul3A_97 = arith.muli %add3A_83, %mul3A_96 : i32
          %add3A_98 = arith.addi %mul3A_97, %scan3A_95 : i32
          %gt3A = arith.constant 0 : i32
          %gt3A_99 = arith.cmpi sgt, %add3A_98, %gt3A : i32
          %convert_element_type3A_100 = arith.extui %gt3A_99 : i1 to i32
          %cond3A_101 = arith.constant 0 : i32
          %cond3A_102 = arith.cmpi ne, %convert_element_type3A_100, %cond3A_101 : i32
          scf.if %cond3A_102 {
            %dma_wait3A_221 = arith.constant 0 : i32
            %dma_wait3A_222 = arith.constant 0 : i32
            %dma_wait3A_223 = tpu.memref_slice %arg2[%dma_wait3A_221, %dma_wait3A_222] : memref<10000x128xf32, #tpu.memory_space<hbm>> -> memref<64x128xf32, #tpu.memory_space<hbm>>
            %dma_wait3A_224 = arith.constant 0 : i32
            %dma_wait3A_225 = arith.constant 0 : i32
            %dma_wait3A_226 = tpu.memref_slice %arg2[%dma_wait3A_224, %dma_wait3A_225] : memref<10000x128xf32, #tpu.memory_space<hbm>> -> memref<64x128xf32, #tpu.memory_space<hbm>>
            tpu.wait_dma2 semaphore(%arg20 : memref<!tpu.dma_semaphore, #tpu.memory_space<semaphore_mem>>) src(%dma_wait3A_226 : memref<64x128xf32, #tpu.memory_space<hbm>>) dst(%arg11 : memref<64x128xf32, #tpu.memory_space<vmem>>)
          } else {
          }
          %mul3A_103 = arith.constant 4 : i32
          %mul3A_104 = arith.muli %scan3A_95, %mul3A_103 : i32
          %add3A_105 = arith.constant 0 : i32
          %add3A_106 = arith.addi %mul3A_104, %add3A_105 : i32
          %dma_start3A = arith.constant 0 : i32
          %dma_start3A_107 = tpu.memref_slice %arg9[%add3A_106, %dma_start3A] : memref<32x64xi32, #tpu.memory_space<vmem>> -> memref<1x64xi32, #tpu.memory_space<vmem>>
          %dma_start3A_108 = tpu.memref_squeeze %dma_start3A_107 : memref<1x64xi32, #tpu.memory_space<vmem>> -> memref<64xi32, #tpu.memory_space<vmem>>
          %dma_start3A_109 = arith.constant 0 : i32
          %dma_start3A_110 = arith.constant 0 : i32
          %dma_start3A_111 = tpu.memref_slice %arg2[%dma_start3A_109, %dma_start3A_110] : memref<10000x128xf32, #tpu.memory_space<hbm>> -> memref<10000x128xf32, #tpu.memory_space<hbm>>
          tpu.enqueue_indirect_dma source(%dma_start3A_111 : memref<10000x128xf32, #tpu.memory_space<hbm>>) target(%arg11 : memref<64x128xf32, #tpu.memory_space<vmem>>) offsets(%dma_start3A_108 : memref<64xi32, #tpu.memory_space<vmem>>) semaphore(%arg16 : memref<!tpu.dma_semaphore, #tpu.memory_space<semaphore_mem>>)
          %gt3A_112 = arith.constant 0 : i32
          %gt3A_113 = arith.cmpi sgt, %add3A_98, %gt3A_112 : i32
          %convert_element_type3A_114 = arith.extui %gt3A_113 : i1 to i32
          %cond3A_115 = arith.constant 0 : i32
          %cond3A_116 = arith.cmpi ne, %convert_element_type3A_114, %cond3A_115 : i32
          scf.if %cond3A_116 {
            %dma_wait3A_221 = arith.constant 0 : i32
            %dma_wait3A_222 = arith.constant 0 : i32
            %dma_wait3A_223 = tpu.memref_slice %arg2[%dma_wait3A_221, %dma_wait3A_222] : memref<10000x128xf32, #tpu.memory_space<hbm>> -> memref<64x128xf32, #tpu.memory_space<hbm>>
            %dma_wait3A_224 = arith.constant 0 : i32
            %dma_wait3A_225 = arith.constant 0 : i32
            %dma_wait3A_226 = tpu.memref_slice %arg2[%dma_wait3A_224, %dma_wait3A_225] : memref<10000x128xf32, #tpu.memory_space<hbm>> -> memref<64x128xf32, #tpu.memory_space<hbm>>
            tpu.wait_dma2 semaphore(%arg21 : memref<!tpu.dma_semaphore, #tpu.memory_space<semaphore_mem>>) src(%dma_wait3A_226 : memref<64x128xf32, #tpu.memory_space<hbm>>) dst(%arg12 : memref<64x128xf32, #tpu.memory_space<vmem>>)
          } else {
          }
          %mul3A_117 = arith.constant 4 : i32
          %mul3A_118 = arith.muli %scan3A_95, %mul3A_117 : i32
          %add3A_119 = arith.constant 1 : i32
          %add3A_120 = arith.addi %mul3A_118, %add3A_119 : i32
          %dma_start3A_121 = arith.constant 0 : i32
          %dma_start3A_122 = tpu.memref_slice %arg9[%add3A_120, %dma_start3A_121] : memref<32x64xi32, #tpu.memory_space<vmem>> -> memref<1x64xi32, #tpu.memory_space<vmem>>
          %dma_start3A_123 = tpu.memref_squeeze %dma_start3A_122 : memref<1x64xi32, #tpu.memory_space<vmem>> -> memref<64xi32, #tpu.memory_space<vmem>>
          %dma_start3A_124 = arith.constant 0 : i32
          %dma_start3A_125 = arith.constant 0 : i32
          %dma_start3A_126 = tpu.memref_slice %arg2[%dma_start3A_124, %dma_start3A_125] : memref<10000x128xf32, #tpu.memory_space<hbm>> -> memref<10000x128xf32, #tpu.memory_space<hbm>>
          tpu.enqueue_indirect_dma source(%dma_start3A_126 : memref<10000x128xf32, #tpu.memory_space<hbm>>) target(%arg12 : memref<64x128xf32, #tpu.memory_space<vmem>>) offsets(%dma_start3A_123 : memref<64xi32, #tpu.memory_space<vmem>>) semaphore(%arg17 : memref<!tpu.dma_semaphore, #tpu.memory_space<semaphore_mem>>)
          %gt3A_127 = arith.constant 0 : i32
          %gt3A_128 = arith.cmpi sgt, %add3A_98, %gt3A_127 : i32
          %convert_element_type3A_129 = arith.extui %gt3A_128 : i1 to i32
          %cond3A_130 = arith.constant 0 : i32
          %cond3A_131 = arith.cmpi ne, %convert_element_type3A_129, %cond3A_130 : i32
          scf.if %cond3A_131 {
            %dma_wait3A_221 = arith.constant 0 : i32
            %dma_wait3A_222 = arith.constant 0 : i32
            %dma_wait3A_223 = tpu.memref_slice %arg2[%dma_wait3A_221, %dma_wait3A_222] : memref<10000x128xf32, #tpu.memory_space<hbm>> -> memref<64x128xf32, #tpu.memory_space<hbm>>
            %dma_wait3A_224 = arith.constant 0 : i32
            %dma_wait3A_225 = arith.constant 0 : i32
            %dma_wait3A_226 = tpu.memref_slice %arg2[%dma_wait3A_224, %dma_wait3A_225] : memref<10000x128xf32, #tpu.memory_space<hbm>> -> memref<64x128xf32, #tpu.memory_space<hbm>>
            tpu.wait_dma2 semaphore(%arg22 : memref<!tpu.dma_semaphore, #tpu.memory_space<semaphore_mem>>) src(%dma_wait3A_226 : memref<64x128xf32, #tpu.memory_space<hbm>>) dst(%arg13 : memref<64x128xf32, #tpu.memory_space<vmem>>)
          } else {
          }
          %mul3A_132 = arith.constant 4 : i32
          %mul3A_133 = arith.muli %scan3A_95, %mul3A_132 : i32
          %add3A_134 = arith.constant 2 : i32
          %add3A_135 = arith.addi %mul3A_133, %add3A_134 : i32
          %dma_start3A_136 = arith.constant 0 : i32
          %dma_start3A_137 = tpu.memref_slice %arg9[%add3A_135, %dma_start3A_136] : memref<32x64xi32, #tpu.memory_space<vmem>> -> memref<1x64xi32, #tpu.memory_space<vmem>>
          %dma_start3A_138 = tpu.memref_squeeze %dma_start3A_137 : memref<1x64xi32, #tpu.memory_space<vmem>> -> memref<64xi32, #tpu.memory_space<vmem>>
          %dma_start3A_139 = arith.constant 0 : i32
          %dma_start3A_140 = arith.constant 0 : i32
          %dma_start3A_141 = tpu.memref_slice %arg2[%dma_start3A_139, %dma_start3A_140] : memref<10000x128xf32, #tpu.memory_space<hbm>> -> memref<10000x128xf32, #tpu.memory_space<hbm>>
          tpu.enqueue_indirect_dma source(%dma_start3A_141 : memref<10000x128xf32, #tpu.memory_space<hbm>>) target(%arg13 : memref<64x128xf32, #tpu.memory_space<vmem>>) offsets(%dma_start3A_138 : memref<64xi32, #tpu.memory_space<vmem>>) semaphore(%arg18 : memref<!tpu.dma_semaphore, #tpu.memory_space<semaphore_mem>>)
          %gt3A_142 = arith.constant 0 : i32
          %gt3A_143 = arith.cmpi sgt, %add3A_98, %gt3A_142 : i32
          %convert_element_type3A_144 = arith.extui %gt3A_143 : i1 to i32
          %cond3A_145 = arith.constant 0 : i32
          %cond3A_146 = arith.cmpi ne, %convert_element_type3A_144, %cond3A_145 : i32
          scf.if %cond3A_146 {
            %dma_wait3A_221 = arith.constant 0 : i32
            %dma_wait3A_222 = arith.constant 0 : i32
            %dma_wait3A_223 = tpu.memref_slice %arg2[%dma_wait3A_221, %dma_wait3A_222] : memref<10000x128xf32, #tpu.memory_space<hbm>> -> memref<64x128xf32, #tpu.memory_space<hbm>>
            %dma_wait3A_224 = arith.constant 0 : i32
            %dma_wait3A_225 = arith.constant 0 : i32
            %dma_wait3A_226 = tpu.memref_slice %arg2[%dma_wait3A_224, %dma_wait3A_225] : memref<10000x128xf32, #tpu.memory_space<hbm>> -> memref<64x128xf32, #tpu.memory_space<hbm>>
            tpu.wait_dma2 semaphore(%arg23 : memref<!tpu.dma_semaphore, #tpu.memory_space<semaphore_mem>>) src(%dma_wait3A_226 : memref<64x128xf32, #tpu.memory_space<hbm>>) dst(%arg14 : memref<64x128xf32, #tpu.memory_space<vmem>>)
          } else {
          }
          %mul3A_147 = arith.constant 4 : i32
          %mul3A_148 = arith.muli %scan3A_95, %mul3A_147 : i32
          %add3A_149 = arith.constant 3 : i32
          %add3A_150 = arith.addi %mul3A_148, %add3A_149 : i32
          %dma_start3A_151 = arith.constant 0 : i32
          %dma_start3A_152 = tpu.memref_slice %arg9[%add3A_150, %dma_start3A_151] : memref<32x64xi32, #tpu.memory_space<vmem>> -> memref<1x64xi32, #tpu.memory_space<vmem>>
          %dma_start3A_153 = tpu.memref_squeeze %dma_start3A_152 : memref<1x64xi32, #tpu.memory_space<vmem>> -> memref<64xi32, #tpu.memory_space<vmem>>
          %dma_start3A_154 = arith.constant 0 : i32
          %dma_start3A_155 = arith.constant 0 : i32
          %dma_start3A_156 = tpu.memref_slice %arg2[%dma_start3A_154, %dma_start3A_155] : memref<10000x128xf32, #tpu.memory_space<hbm>> -> memref<10000x128xf32, #tpu.memory_space<hbm>>
          tpu.enqueue_indirect_dma source(%dma_start3A_156 : memref<10000x128xf32, #tpu.memory_space<hbm>>) target(%arg14 : memref<64x128xf32, #tpu.memory_space<vmem>>) offsets(%dma_start3A_153 : memref<64xi32, #tpu.memory_space<vmem>>) semaphore(%arg19 : memref<!tpu.dma_semaphore, #tpu.memory_space<semaphore_mem>>)
          %dma_wait3A_157 = arith.constant 0 : i32
          %dma_wait3A_158 = arith.constant 0 : i32
          %dma_wait3A_159 = tpu.memref_slice %arg2[%dma_wait3A_157, %dma_wait3A_158] : memref<10000x128xf32, #tpu.memory_space<hbm>> -> memref<64x128xf32, #tpu.memory_space<hbm>>
          %dma_wait3A_160 = arith.constant 0 : i32
          %dma_wait3A_161 = arith.constant 0 : i32
          %dma_wait3A_162 = tpu.memref_slice %arg2[%dma_wait3A_160, %dma_wait3A_161] : memref<10000x128xf32, #tpu.memory_space<hbm>> -> memref<64x128xf32, #tpu.memory_space<hbm>>
          tpu.wait_dma2 semaphore(%arg16 : memref<!tpu.dma_semaphore, #tpu.memory_space<semaphore_mem>>) src(%dma_wait3A_162 : memref<64x128xf32, #tpu.memory_space<hbm>>) dst(%arg11 : memref<64x128xf32, #tpu.memory_space<vmem>>)
          %mul3A_163 = arith.constant 4 : i32
          %mul3A_164 = arith.muli %scan3A_95, %mul3A_163 : i32
          %add3A_165 = arith.constant 0 : i32
          %add3A_166 = arith.addi %mul3A_164, %add3A_165 : i32
          %dma_start3A_167 = arith.constant 0 : i32
          %dma_start3A_168 = tpu.memref_slice %arg10[%add3A_166, %dma_start3A_167] : memref<32x64xi32, #tpu.memory_space<vmem>> -> memref<1x64xi32, #tpu.memory_space<vmem>>
          %dma_start3A_169 = tpu.memref_squeeze %dma_start3A_168 : memref<1x64xi32, #tpu.memory_space<vmem>> -> memref<64xi32, #tpu.memory_space<vmem>>
          %dma_start3A_170 = arith.constant 0 : i32
          %dma_start3A_171 = arith.constant 0 : i32
          %dma_start3A_172 = tpu.memref_slice %arg15[%dma_start3A_170, %dma_start3A_171] : memref<10112x128xf32, #tpu.memory_space<vmem_shared>> -> memref<10112x128xf32, #tpu.memory_space<vmem_shared>>
          tpu.enqueue_indirect_dma source(%arg11 : memref<64x128xf32, #tpu.memory_space<vmem>>) target(%dma_start3A_172 : memref<10112x128xf32, #tpu.memory_space<vmem_shared>>) offsets(%dma_start3A_169 : memref<64xi32, #tpu.memory_space<vmem>>) semaphore(%arg20 : memref<!tpu.dma_semaphore, #tpu.memory_space<semaphore_mem>>) {add = true}
          %dma_wait3A_173 = arith.constant 0 : i32
          %dma_wait3A_174 = arith.constant 0 : i32
          %dma_wait3A_175 = tpu.memref_slice %arg2[%dma_wait3A_173, %dma_wait3A_174] : memref<10000x128xf32, #tpu.memory_space<hbm>> -> memref<64x128xf32, #tpu.memory_space<hbm>>
          %dma_wait3A_176 = arith.constant 0 : i32
          %dma_wait3A_177 = arith.constant 0 : i32
          %dma_wait3A_178 = tpu.memref_slice %arg2[%dma_wait3A_176, %dma_wait3A_177] : memref<10000x128xf32, #tpu.memory_space<hbm>> -> memref<64x128xf32, #tpu.memory_space<hbm>>
          tpu.wait_dma2 semaphore(%arg17 : memref<!tpu.dma_semaphore, #tpu.memory_space<semaphore_mem>>) src(%dma_wait3A_178 : memref<64x128xf32, #tpu.memory_space<hbm>>) dst(%arg12 : memref<64x128xf32, #tpu.memory_space<vmem>>)
          %mul3A_179 = arith.constant 4 : i32
          %mul3A_180 = arith.muli %scan3A_95, %mul3A_179 : i32
          %add3A_181 = arith.constant 1 : i32
          %add3A_182 = arith.addi %mul3A_180, %add3A_181 : i32
          %dma_start3A_183 = arith.constant 0 : i32
          %dma_start3A_184 = tpu.memref_slice %arg10[%add3A_182, %dma_start3A_183] : memref<32x64xi32, #tpu.memory_space<vmem>> -> memref<1x64xi32, #tpu.memory_space<vmem>>
          %dma_start3A_185 = tpu.memref_squeeze %dma_start3A_184 : memref<1x64xi32, #tpu.memory_space<vmem>> -> memref<64xi32, #tpu.memory_space<vmem>>
          %dma_start3A_186 = arith.constant 0 : i32
          %dma_start3A_187 = arith.constant 0 : i32
          %dma_start3A_188 = tpu.memref_slice %arg15[%dma_start3A_186, %dma_start3A_187] : memref<10112x128xf32, #tpu.memory_space<vmem_shared>> -> memref<10112x128xf32, #tpu.memory_space<vmem_shared>>
          tpu.enqueue_indirect_dma source(%arg12 : memref<64x128xf32, #tpu.memory_space<vmem>>) target(%dma_start3A_188 : memref<10112x128xf32, #tpu.memory_space<vmem_shared>>) offsets(%dma_start3A_185 : memref<64xi32, #tpu.memory_space<vmem>>) semaphore(%arg21 : memref<!tpu.dma_semaphore, #tpu.memory_space<semaphore_mem>>) {add = true}
          %dma_wait3A_189 = arith.constant 0 : i32
          %dma_wait3A_190 = arith.constant 0 : i32
          %dma_wait3A_191 = tpu.memref_slice %arg2[%dma_wait3A_189, %dma_wait3A_190] : memref<10000x128xf32, #tpu.memory_space<hbm>> -> memref<64x128xf32, #tpu.memory_space<hbm>>
          %dma_wait3A_192 = arith.constant 0 : i32
          %dma_wait3A_193 = arith.constant 0 : i32
          %dma_wait3A_194 = tpu.memref_slice %arg2[%dma_wait3A_192, %dma_wait3A_193] : memref<10000x128xf32, #tpu.memory_space<hbm>> -> memref<64x128xf32, #tpu.memory_space<hbm>>
          tpu.wait_dma2 semaphore(%arg18 : memref<!tpu.dma_semaphore, #tpu.memory_space<semaphore_mem>>) src(%dma_wait3A_194 : memref<64x128xf32, #tpu.memory_space<hbm>>) dst(%arg13 : memref<64x128xf32, #tpu.memory_space<vmem>>)
          %mul3A_195 = arith.constant 4 : i32
          %mul3A_196 = arith.muli %scan3A_95, %mul3A_195 : i32
          %add3A_197 = arith.constant 2 : i32
          %add3A_198 = arith.addi %mul3A_196, %add3A_197 : i32
          %dma_start3A_199 = arith.constant 0 : i32
          %dma_start3A_200 = tpu.memref_slice %arg10[%add3A_198, %dma_start3A_199] : memref<32x64xi32, #tpu.memory_space<vmem>> -> memref<1x64xi32, #tpu.memory_space<vmem>>
          %dma_start3A_201 = tpu.memref_squeeze %dma_start3A_200 : memref<1x64xi32, #tpu.memory_space<vmem>> -> memref<64xi32, #tpu.memory_space<vmem>>
          %dma_start3A_202 = arith.constant 0 : i32
          %dma_start3A_203 = arith.constant 0 : i32
          %dma_start3A_204 = tpu.memref_slice %arg15[%dma_start3A_202, %dma_start3A_203] : memref<10112x128xf32, #tpu.memory_space<vmem_shared>> -> memref<10112x128xf32, #tpu.memory_space<vmem_shared>>
          tpu.enqueue_indirect_dma source(%arg13 : memref<64x128xf32, #tpu.memory_space<vmem>>) target(%dma_start3A_204 : memref<10112x128xf32, #tpu.memory_space<vmem_shared>>) offsets(%dma_start3A_201 : memref<64xi32, #tpu.memory_space<vmem>>) semaphore(%arg22 : memref<!tpu.dma_semaphore, #tpu.memory_space<semaphore_mem>>) {add = true}
          %dma_wait3A_205 = arith.constant 0 : i32
          %dma_wait3A_206 = arith.constant 0 : i32
          %dma_wait3A_207 = tpu.memref_slice %arg2[%dma_wait3A_205, %dma_wait3A_206] : memref<10000x128xf32, #tpu.memory_space<hbm>> -> memref<64x128xf32, #tpu.memory_space<hbm>>
          %dma_wait3A_208 = arith.constant 0 : i32
          %dma_wait3A_209 = arith.constant 0 : i32
          %dma_wait3A_210 = tpu.memref_slice %arg2[%dma_wait3A_208, %dma_wait3A_209] : memref<10000x128xf32, #tpu.memory_space<hbm>> -> memref<64x128xf32, #tpu.memory_space<hbm>>
          tpu.wait_dma2 semaphore(%arg19 : memref<!tpu.dma_semaphore, #tpu.memory_space<semaphore_mem>>) src(%dma_wait3A_210 : memref<64x128xf32, #tpu.memory_space<hbm>>) dst(%arg14 : memref<64x128xf32, #tpu.memory_space<vmem>>)
          %mul3A_211 = arith.constant 4 : i32
          %mul3A_212 = arith.muli %scan3A_95, %mul3A_211 : i32
          %add3A_213 = arith.constant 3 : i32
          %add3A_214 = arith.addi %mul3A_212, %add3A_213 : i32
          %dma_start3A_215 = arith.constant 0 : i32
          %dma_start3A_216 = tpu.memref_slice %arg10[%add3A_214, %dma_start3A_215] : memref<32x64xi32, #tpu.memory_space<vmem>> -> memref<1x64xi32, #tpu.memory_space<vmem>>
          %dma_start3A_217 = tpu.memref_squeeze %dma_start3A_216 : memref<1x64xi32, #tpu.memory_space<vmem>> -> memref<64xi32, #tpu.memory_space<vmem>>
          %dma_start3A_218 = arith.constant 0 : i32
          %dma_start3A_219 = arith.constant 0 : i32
          %dma_start3A_220 = tpu.memref_slice %arg15[%dma_start3A_218, %dma_start3A_219] : memref<10112x128xf32, #tpu.memory_space<vmem_shared>> -> memref<10112x128xf32, #tpu.memory_space<vmem_shared>>
          tpu.enqueue_indirect_dma source(%arg14 : memref<64x128xf32, #tpu.memory_space<vmem>>) target(%dma_start3A_220 : memref<10112x128xf32, #tpu.memory_space<vmem_shared>>) offsets(%dma_start3A_217 : memref<64xi32, #tpu.memory_space<vmem>>) semaphore(%arg23 : memref<!tpu.dma_semaphore, #tpu.memory_space<semaphore_mem>>) {add = true}
        }
        %scan3A_94 = arith.constant 8 : i32
      }
      %scan3A_40 = arith.constant 5 : i32
      %dma_wait3A = arith.constant 0 : i32
      %dma_wait3A_41 = arith.constant 0 : i32
      %dma_wait3A_42 = tpu.memref_slice %arg2[%dma_wait3A, %dma_wait3A_41] : memref<10000x128xf32, #tpu.memory_space<hbm>> -> memref<64x128xf32, #tpu.memory_space<hbm>>
      %dma_wait3A_43 = arith.constant 0 : i32
      %dma_wait3A_44 = arith.constant 0 : i32
      %dma_wait3A_45 = tpu.memref_slice %arg2[%dma_wait3A_43, %dma_wait3A_44] : memref<10000x128xf32, #tpu.memory_space<hbm>> -> memref<64x128xf32, #tpu.memory_space<hbm>>
      tpu.wait_dma2 semaphore(%arg20 : memref<!tpu.dma_semaphore, #tpu.memory_space<semaphore_mem>>) src(%dma_wait3A_45 : memref<64x128xf32, #tpu.memory_space<hbm>>) dst(%arg11 : memref<64x128xf32, #tpu.memory_space<vmem>>)
      %dma_wait3A_46 = arith.constant 0 : i32
      %dma_wait3A_47 = arith.constant 0 : i32
      %dma_wait3A_48 = tpu.memref_slice %arg2[%dma_wait3A_46, %dma_wait3A_47] : memref<10000x128xf32, #tpu.memory_space<hbm>> -> memref<64x128xf32, #tpu.memory_space<hbm>>
      %dma_wait3A_49 = arith.constant 0 : i32
      %dma_wait3A_50 = arith.constant 0 : i32
      %dma_wait3A_51 = tpu.memref_slice %arg2[%dma_wait3A_49, %dma_wait3A_50] : memref<10000x128xf32, #tpu.memory_space<hbm>> -> memref<64x128xf32, #tpu.memory_space<hbm>>
      tpu.wait_dma2 semaphore(%arg21 : memref<!tpu.dma_semaphore, #tpu.memory_space<semaphore_mem>>) src(%dma_wait3A_51 : memref<64x128xf32, #tpu.memory_space<hbm>>) dst(%arg12 : memref<64x128xf32, #tpu.memory_space<vmem>>)
      %dma_wait3A_52 = arith.constant 0 : i32
      %dma_wait3A_53 = arith.constant 0 : i32
      %dma_wait3A_54 = tpu.memref_slice %arg2[%dma_wait3A_52, %dma_wait3A_53] : memref<10000x128xf32, #tpu.memory_space<hbm>> -> memref<64x128xf32, #tpu.memory_space<hbm>>
      %dma_wait3A_55 = arith.constant 0 : i32
      %dma_wait3A_56 = arith.constant 0 : i32
      %dma_wait3A_57 = tpu.memref_slice %arg2[%dma_wait3A_55, %dma_wait3A_56] : memref<10000x128xf32, #tpu.memory_space<hbm>> -> memref<64x128xf32, #tpu.memory_space<hbm>>
      tpu.wait_dma2 semaphore(%arg22 : memref<!tpu.dma_semaphore, #tpu.memory_space<semaphore_mem>>) src(%dma_wait3A_57 : memref<64x128xf32, #tpu.memory_space<hbm>>) dst(%arg13 : memref<64x128xf32, #tpu.memory_space<vmem>>)
      %dma_wait3A_58 = arith.constant 0 : i32
      %dma_wait3A_59 = arith.constant 0 : i32
      %dma_wait3A_60 = tpu.memref_slice %arg2[%dma_wait3A_58, %dma_wait3A_59] : memref<10000x128xf32, #tpu.memory_space<hbm>> -> memref<64x128xf32, #tpu.memory_space<hbm>>
      %dma_wait3A_61 = arith.constant 0 : i32
      %dma_wait3A_62 = arith.constant 0 : i32
      %dma_wait3A_63 = tpu.memref_slice %arg2[%dma_wait3A_61, %dma_wait3A_62] : memref<10000x128xf32, #tpu.memory_space<hbm>> -> memref<64x128xf32, #tpu.memory_space<hbm>>
      tpu.wait_dma2 semaphore(%arg23 : memref<!tpu.dma_semaphore, #tpu.memory_space<semaphore_mem>>) src(%dma_wait3A_63 : memref<64x128xf32, #tpu.memory_space<hbm>>) dst(%arg14 : memref<64x128xf32, #tpu.memory_space<vmem>>)
    } else {
    }
    %eq3A_27 = arith.constant 1 : i32
    %eq3A_28 = arith.cmpi eq, %arg0, %eq3A_27 : i32
    %convert_element_type3A_29 = arith.extui %eq3A_28 : i1 to i32
    %cond3A_30 = arith.constant 0 : i32
    %cond3A_31 = arith.cmpi ne, %convert_element_type3A_29, %cond3A_30 : i32
    scf.if %cond3A_31 {
      %mul3A_33 = arith.constant 320 : i32
      %mul3A_34 = arith.muli %arg1, %mul3A_33 : i32
      %scan3A_35 = arith.constant 0 : i32
      %scan3A_36 = arith.constant 0 : i32
      %scan3A_37 = arith.constant 5 : i32
      %scan3A_38 = arith.addi %scan3A_36, %scan3A_37 : i32
      %scan3A_39 = arith.constant 1 : i32
      scf.for %scan3A_64 = %scan3A_36 to %scan3A_38 step %scan3A_39  : i32 {
        %mul3A_65 = arith.constant 2 : i32
        %mul3A_66 = arith.muli %mul3A_65, %scan3A_64 : i32
        %add3A_67 = arith.constant 0 : i32
        %add3A_68 = arith.addi %mul3A_66, %add3A_67 : i32
        %mul3A_69 = arith.constant 32 : i32
        %mul3A_70 = arith.muli %add3A_68, %mul3A_69 : i32
        %add3A_71 = arith.addi %mul3A_34, %mul3A_70 : i32
        "tpu.region"() ({
          %run_scoped3A = tpu.sem_alloc : memref<!tpu.dma_semaphore, #tpu.memory_space<semaphore_mem>>
          %dma_start3A = arith.constant 0 : i32
          %dma_start3A_95 = tpu.memref_slice %arg4[%add3A_71, %dma_start3A] : memref<5120x64xi32, #tpu.memory_space<hbm>> -> memref<32x64xi32, #tpu.memory_space<hbm>>
          %dma_start3A_96 = arith.constant 0 : i32
          %dma_start3A_97 = tpu.memref_slice %arg4[%add3A_71, %dma_start3A_96] : memref<5120x64xi32, #tpu.memory_space<hbm>> -> memref<32x64xi32, #tpu.memory_space<hbm>>
          tpu.enqueue_dma source(%dma_start3A_97 : memref<32x64xi32, #tpu.memory_space<hbm>>) target(%arg7 : memref<32x64xi32, #tpu.memory_space<vmem>>) target_semaphore(%run_scoped3A : memref<!tpu.dma_semaphore, #tpu.memory_space<semaphore_mem>>)
          %dma_wait3A_98 = arith.constant 0 : i32
          %dma_wait3A_99 = tpu.memref_slice %arg4[%add3A_71, %dma_wait3A_98] : memref<5120x64xi32, #tpu.memory_space<hbm>> -> memref<32x64xi32, #tpu.memory_space<hbm>>
          %dma_wait3A_100 = arith.constant 0 : i32
          %dma_wait3A_101 = tpu.memref_slice %arg4[%add3A_71, %dma_wait3A_100] : memref<5120x64xi32, #tpu.memory_space<hbm>> -> memref<32x64xi32, #tpu.memory_space<hbm>>
          tpu.wait_dma2 semaphore(%run_scoped3A : memref<!tpu.dma_semaphore, #tpu.memory_space<semaphore_mem>>) src(%dma_wait3A_101 : memref<32x64xi32, #tpu.memory_space<hbm>>) dst(%arg7 : memref<32x64xi32, #tpu.memory_space<vmem>>)
          tpu.yield
        }) : () -> ()
        %mul3A_72 = arith.constant 32 : i32
        %mul3A_73 = arith.muli %add3A_68, %mul3A_72 : i32
        %add3A_74 = arith.addi %mul3A_34, %mul3A_73 : i32
        "tpu.region"() ({
          %run_scoped3A = tpu.sem_alloc : memref<!tpu.dma_semaphore, #tpu.memory_space<semaphore_mem>>
          %dma_start3A = arith.constant 0 : i32
          %dma_start3A_95 = tpu.memref_slice %arg5[%add3A_74, %dma_start3A] : memref<5120x64xi32, #tpu.memory_space<hbm>> -> memref<32x64xi32, #tpu.memory_space<hbm>>
          %dma_start3A_96 = arith.constant 0 : i32
          %dma_start3A_97 = tpu.memref_slice %arg5[%add3A_74, %dma_start3A_96] : memref<5120x64xi32, #tpu.memory_space<hbm>> -> memref<32x64xi32, #tpu.memory_space<hbm>>
          tpu.enqueue_dma source(%dma_start3A_97 : memref<32x64xi32, #tpu.memory_space<hbm>>) target(%arg8 : memref<32x64xi32, #tpu.memory_space<vmem>>) target_semaphore(%run_scoped3A : memref<!tpu.dma_semaphore, #tpu.memory_space<semaphore_mem>>)
          %dma_wait3A_98 = arith.constant 0 : i32
          %dma_wait3A_99 = tpu.memref_slice %arg5[%add3A_74, %dma_wait3A_98] : memref<5120x64xi32, #tpu.memory_space<hbm>> -> memref<32x64xi32, #tpu.memory_space<hbm>>
          %dma_wait3A_100 = arith.constant 0 : i32
          %dma_wait3A_101 = tpu.memref_slice %arg5[%add3A_74, %dma_wait3A_100] : memref<5120x64xi32, #tpu.memory_space<hbm>> -> memref<32x64xi32, #tpu.memory_space<hbm>>
          tpu.wait_dma2 semaphore(%run_scoped3A : memref<!tpu.dma_semaphore, #tpu.memory_space<semaphore_mem>>) src(%dma_wait3A_101 : memref<32x64xi32, #tpu.memory_space<hbm>>) dst(%arg8 : memref<32x64xi32, #tpu.memory_space<vmem>>)
          tpu.yield
        }) : () -> ()
        %scan3A_75 = arith.constant 0 : i32
        %scan3A_76 = arith.constant 8 : i32
        %scan3A_77 = arith.addi %scan3A_75, %scan3A_76 : i32
        %scan3A_78 = arith.constant 1 : i32
        scf.for %scan3A_95 = %scan3A_75 to %scan3A_77 step %scan3A_78  : i32 {
          %mul3A_96 = arith.constant 8 : i32
          %mul3A_97 = arith.muli %add3A_68, %mul3A_96 : i32
          %add3A_98 = arith.addi %mul3A_97, %scan3A_95 : i32
          %gt3A = arith.constant 0 : i32
          %gt3A_99 = arith.cmpi sgt, %add3A_98, %gt3A : i32
          %convert_element_type3A_100 = arith.extui %gt3A_99 : i1 to i32
          %cond3A_101 = arith.constant 0 : i32
          %cond3A_102 = arith.cmpi ne, %convert_element_type3A_100, %cond3A_101 : i32
          scf.if %cond3A_102 {
            %dma_wait3A_221 = arith.constant 0 : i32
            %dma_wait3A_222 = arith.constant 0 : i32
            %dma_wait3A_223 = tpu.memref_slice %arg3[%dma_wait3A_221, %dma_wait3A_222] : memref<10000x128xf32, #tpu.memory_space<hbm>> -> memref<64x128xf32, #tpu.memory_space<hbm>>
            %dma_wait3A_224 = arith.constant 0 : i32
            %dma_wait3A_225 = arith.constant 0 : i32
            %dma_wait3A_226 = tpu.memref_slice %arg3[%dma_wait3A_224, %dma_wait3A_225] : memref<10000x128xf32, #tpu.memory_space<hbm>> -> memref<64x128xf32, #tpu.memory_space<hbm>>
            tpu.wait_dma2 semaphore(%arg20 : memref<!tpu.dma_semaphore, #tpu.memory_space<semaphore_mem>>) src(%dma_wait3A_226 : memref<64x128xf32, #tpu.memory_space<hbm>>) dst(%arg11 : memref<64x128xf32, #tpu.memory_space<vmem>>)
          } else {
          }
          %mul3A_103 = arith.constant 4 : i32
          %mul3A_104 = arith.muli %scan3A_95, %mul3A_103 : i32
          %add3A_105 = arith.constant 0 : i32
          %add3A_106 = arith.addi %mul3A_104, %add3A_105 : i32
          %dma_start3A = arith.constant 0 : i32
          %dma_start3A_107 = tpu.memref_slice %arg7[%add3A_106, %dma_start3A] : memref<32x64xi32, #tpu.memory_space<vmem>> -> memref<1x64xi32, #tpu.memory_space<vmem>>
          %dma_start3A_108 = tpu.memref_squeeze %dma_start3A_107 : memref<1x64xi32, #tpu.memory_space<vmem>> -> memref<64xi32, #tpu.memory_space<vmem>>
          %dma_start3A_109 = arith.constant 0 : i32
          %dma_start3A_110 = arith.constant 0 : i32
          %dma_start3A_111 = tpu.memref_slice %arg3[%dma_start3A_109, %dma_start3A_110] : memref<10000x128xf32, #tpu.memory_space<hbm>> -> memref<10000x128xf32, #tpu.memory_space<hbm>>
          tpu.enqueue_indirect_dma source(%dma_start3A_111 : memref<10000x128xf32, #tpu.memory_space<hbm>>) target(%arg11 : memref<64x128xf32, #tpu.memory_space<vmem>>) offsets(%dma_start3A_108 : memref<64xi32, #tpu.memory_space<vmem>>) semaphore(%arg16 : memref<!tpu.dma_semaphore, #tpu.memory_space<semaphore_mem>>)
          %gt3A_112 = arith.constant 0 : i32
          %gt3A_113 = arith.cmpi sgt, %add3A_98, %gt3A_112 : i32
          %convert_element_type3A_114 = arith.extui %gt3A_113 : i1 to i32
          %cond3A_115 = arith.constant 0 : i32
          %cond3A_116 = arith.cmpi ne, %convert_element_type3A_114, %cond3A_115 : i32
          scf.if %cond3A_116 {
            %dma_wait3A_221 = arith.constant 0 : i32
            %dma_wait3A_222 = arith.constant 0 : i32
            %dma_wait3A_223 = tpu.memref_slice %arg3[%dma_wait3A_221, %dma_wait3A_222] : memref<10000x128xf32, #tpu.memory_space<hbm>> -> memref<64x128xf32, #tpu.memory_space<hbm>>
            %dma_wait3A_224 = arith.constant 0 : i32
            %dma_wait3A_225 = arith.constant 0 : i32
            %dma_wait3A_226 = tpu.memref_slice %arg3[%dma_wait3A_224, %dma_wait3A_225] : memref<10000x128xf32, #tpu.memory_space<hbm>> -> memref<64x128xf32, #tpu.memory_space<hbm>>
            tpu.wait_dma2 semaphore(%arg21 : memref<!tpu.dma_semaphore, #tpu.memory_space<semaphore_mem>>) src(%dma_wait3A_226 : memref<64x128xf32, #tpu.memory_space<hbm>>) dst(%arg12 : memref<64x128xf32, #tpu.memory_space<vmem>>)
          } else {
          }
          %mul3A_117 = arith.constant 4 : i32
          %mul3A_118 = arith.muli %scan3A_95, %mul3A_117 : i32
          %add3A_119 = arith.constant 1 : i32
          %add3A_120 = arith.addi %mul3A_118, %add3A_119 : i32
          %dma_start3A_121 = arith.constant 0 : i32
          %dma_start3A_122 = tpu.memref_slice %arg7[%add3A_120, %dma_start3A_121] : memref<32x64xi32, #tpu.memory_space<vmem>> -> memref<1x64xi32, #tpu.memory_space<vmem>>
          %dma_start3A_123 = tpu.memref_squeeze %dma_start3A_122 : memref<1x64xi32, #tpu.memory_space<vmem>> -> memref<64xi32, #tpu.memory_space<vmem>>
          %dma_start3A_124 = arith.constant 0 : i32
          %dma_start3A_125 = arith.constant 0 : i32
          %dma_start3A_126 = tpu.memref_slice %arg3[%dma_start3A_124, %dma_start3A_125] : memref<10000x128xf32, #tpu.memory_space<hbm>> -> memref<10000x128xf32, #tpu.memory_space<hbm>>
          tpu.enqueue_indirect_dma source(%dma_start3A_126 : memref<10000x128xf32, #tpu.memory_space<hbm>>) target(%arg12 : memref<64x128xf32, #tpu.memory_space<vmem>>) offsets(%dma_start3A_123 : memref<64xi32, #tpu.memory_space<vmem>>) semaphore(%arg17 : memref<!tpu.dma_semaphore, #tpu.memory_space<semaphore_mem>>)
          %gt3A_127 = arith.constant 0 : i32
          %gt3A_128 = arith.cmpi sgt, %add3A_98, %gt3A_127 : i32
          %convert_element_type3A_129 = arith.extui %gt3A_128 : i1 to i32
          %cond3A_130 = arith.constant 0 : i32
          %cond3A_131 = arith.cmpi ne, %convert_element_type3A_129, %cond3A_130 : i32
          scf.if %cond3A_131 {
            %dma_wait3A_221 = arith.constant 0 : i32
            %dma_wait3A_222 = arith.constant 0 : i32
            %dma_wait3A_223 = tpu.memref_slice %arg3[%dma_wait3A_221, %dma_wait3A_222] : memref<10000x128xf32, #tpu.memory_space<hbm>> -> memref<64x128xf32, #tpu.memory_space<hbm>>
            %dma_wait3A_224 = arith.constant 0 : i32
            %dma_wait3A_225 = arith.constant 0 : i32
            %dma_wait3A_226 = tpu.memref_slice %arg3[%dma_wait3A_224, %dma_wait3A_225] : memref<10000x128xf32, #tpu.memory_space<hbm>> -> memref<64x128xf32, #tpu.memory_space<hbm>>
            tpu.wait_dma2 semaphore(%arg22 : memref<!tpu.dma_semaphore, #tpu.memory_space<semaphore_mem>>) src(%dma_wait3A_226 : memref<64x128xf32, #tpu.memory_space<hbm>>) dst(%arg13 : memref<64x128xf32, #tpu.memory_space<vmem>>)
          } else {
          }
          %mul3A_132 = arith.constant 4 : i32
          %mul3A_133 = arith.muli %scan3A_95, %mul3A_132 : i32
          %add3A_134 = arith.constant 2 : i32
          %add3A_135 = arith.addi %mul3A_133, %add3A_134 : i32
          %dma_start3A_136 = arith.constant 0 : i32
          %dma_start3A_137 = tpu.memref_slice %arg7[%add3A_135, %dma_start3A_136] : memref<32x64xi32, #tpu.memory_space<vmem>> -> memref<1x64xi32, #tpu.memory_space<vmem>>
          %dma_start3A_138 = tpu.memref_squeeze %dma_start3A_137 : memref<1x64xi32, #tpu.memory_space<vmem>> -> memref<64xi32, #tpu.memory_space<vmem>>
          %dma_start3A_139 = arith.constant 0 : i32
          %dma_start3A_140 = arith.constant 0 : i32
          %dma_start3A_141 = tpu.memref_slice %arg3[%dma_start3A_139, %dma_start3A_140] : memref<10000x128xf32, #tpu.memory_space<hbm>> -> memref<10000x128xf32, #tpu.memory_space<hbm>>
          tpu.enqueue_indirect_dma source(%dma_start3A_141 : memref<10000x128xf32, #tpu.memory_space<hbm>>) target(%arg13 : memref<64x128xf32, #tpu.memory_space<vmem>>) offsets(%dma_start3A_138 : memref<64xi32, #tpu.memory_space<vmem>>) semaphore(%arg18 : memref<!tpu.dma_semaphore, #tpu.memory_space<semaphore_mem>>)
          %gt3A_142 = arith.constant 0 : i32
          %gt3A_143 = arith.cmpi sgt, %add3A_98, %gt3A_142 : i32
          %convert_element_type3A_144 = arith.extui %gt3A_143 : i1 to i32
          %cond3A_145 = arith.constant 0 : i32
          %cond3A_146 = arith.cmpi ne, %convert_element_type3A_144, %cond3A_145 : i32
          scf.if %cond3A_146 {
            %dma_wait3A_221 = arith.constant 0 : i32
            %dma_wait3A_222 = arith.constant 0 : i32
            %dma_wait3A_223 = tpu.memref_slice %arg3[%dma_wait3A_221, %dma_wait3A_222] : memref<10000x128xf32, #tpu.memory_space<hbm>> -> memref<64x128xf32, #tpu.memory_space<hbm>>
            %dma_wait3A_224 = arith.constant 0 : i32
            %dma_wait3A_225 = arith.constant 0 : i32
            %dma_wait3A_226 = tpu.memref_slice %arg3[%dma_wait3A_224, %dma_wait3A_225] : memref<10000x128xf32, #tpu.memory_space<hbm>> -> memref<64x128xf32, #tpu.memory_space<hbm>>
            tpu.wait_dma2 semaphore(%arg23 : memref<!tpu.dma_semaphore, #tpu.memory_space<semaphore_mem>>) src(%dma_wait3A_226 : memref<64x128xf32, #tpu.memory_space<hbm>>) dst(%arg14 : memref<64x128xf32, #tpu.memory_space<vmem>>)
          } else {
          }
          %mul3A_147 = arith.constant 4 : i32
          %mul3A_148 = arith.muli %scan3A_95, %mul3A_147 : i32
          %add3A_149 = arith.constant 3 : i32
          %add3A_150 = arith.addi %mul3A_148, %add3A_149 : i32
          %dma_start3A_151 = arith.constant 0 : i32
          %dma_start3A_152 = tpu.memref_slice %arg7[%add3A_150, %dma_start3A_151] : memref<32x64xi32, #tpu.memory_space<vmem>> -> memref<1x64xi32, #tpu.memory_space<vmem>>
          %dma_start3A_153 = tpu.memref_squeeze %dma_start3A_152 : memref<1x64xi32, #tpu.memory_space<vmem>> -> memref<64xi32, #tpu.memory_space<vmem>>
          %dma_start3A_154 = arith.constant 0 : i32
          %dma_start3A_155 = arith.constant 0 : i32
          %dma_start3A_156 = tpu.memref_slice %arg3[%dma_start3A_154, %dma_start3A_155] : memref<10000x128xf32, #tpu.memory_space<hbm>> -> memref<10000x128xf32, #tpu.memory_space<hbm>>
          tpu.enqueue_indirect_dma source(%dma_start3A_156 : memref<10000x128xf32, #tpu.memory_space<hbm>>) target(%arg14 : memref<64x128xf32, #tpu.memory_space<vmem>>) offsets(%dma_start3A_153 : memref<64xi32, #tpu.memory_space<vmem>>) semaphore(%arg19 : memref<!tpu.dma_semaphore, #tpu.memory_space<semaphore_mem>>)
          %dma_wait3A_157 = arith.constant 0 : i32
          %dma_wait3A_158 = arith.constant 0 : i32
          %dma_wait3A_159 = tpu.memref_slice %arg3[%dma_wait3A_157, %dma_wait3A_158] : memref<10000x128xf32, #tpu.memory_space<hbm>> -> memref<64x128xf32, #tpu.memory_space<hbm>>
          %dma_wait3A_160 = arith.constant 0 : i32
          %dma_wait3A_161 = arith.constant 0 : i32
          %dma_wait3A_162 = tpu.memref_slice %arg3[%dma_wait3A_160, %dma_wait3A_161] : memref<10000x128xf32, #tpu.memory_space<hbm>> -> memref<64x128xf32, #tpu.memory_space<hbm>>
          tpu.wait_dma2 semaphore(%arg16 : memref<!tpu.dma_semaphore, #tpu.memory_space<semaphore_mem>>) src(%dma_wait3A_162 : memref<64x128xf32, #tpu.memory_space<hbm>>) dst(%arg11 : memref<64x128xf32, #tpu.memory_space<vmem>>)
          %mul3A_163 = arith.constant 4 : i32
          %mul3A_164 = arith.muli %scan3A_95, %mul3A_163 : i32
          %add3A_165 = arith.constant 0 : i32
          %add3A_166 = arith.addi %mul3A_164, %add3A_165 : i32
          %dma_start3A_167 = arith.constant 0 : i32
          %dma_start3A_168 = tpu.memref_slice %arg8[%add3A_166, %dma_start3A_167] : memref<32x64xi32, #tpu.memory_space<vmem>> -> memref<1x64xi32, #tpu.memory_space<vmem>>
          %dma_start3A_169 = tpu.memref_squeeze %dma_start3A_168 : memref<1x64xi32, #tpu.memory_space<vmem>> -> memref<64xi32, #tpu.memory_space<vmem>>
          %dma_start3A_170 = arith.constant 0 : i32
          %dma_start3A_171 = arith.constant 0 : i32
          %dma_start3A_172 = tpu.memref_slice %arg15[%dma_start3A_170, %dma_start3A_171] : memref<10112x128xf32, #tpu.memory_space<vmem_shared>> -> memref<10112x128xf32, #tpu.memory_space<vmem_shared>>
          tpu.enqueue_indirect_dma source(%arg11 : memref<64x128xf32, #tpu.memory_space<vmem>>) target(%dma_start3A_172 : memref<10112x128xf32, #tpu.memory_space<vmem_shared>>) offsets(%dma_start3A_169 : memref<64xi32, #tpu.memory_space<vmem>>) semaphore(%arg20 : memref<!tpu.dma_semaphore, #tpu.memory_space<semaphore_mem>>) {add = true}
          %dma_wait3A_173 = arith.constant 0 : i32
          %dma_wait3A_174 = arith.constant 0 : i32
          %dma_wait3A_175 = tpu.memref_slice %arg3[%dma_wait3A_173, %dma_wait3A_174] : memref<10000x128xf32, #tpu.memory_space<hbm>> -> memref<64x128xf32, #tpu.memory_space<hbm>>
          %dma_wait3A_176 = arith.constant 0 : i32
          %dma_wait3A_177 = arith.constant 0 : i32
          %dma_wait3A_178 = tpu.memref_slice %arg3[%dma_wait3A_176, %dma_wait3A_177] : memref<10000x128xf32, #tpu.memory_space<hbm>> -> memref<64x128xf32, #tpu.memory_space<hbm>>
          tpu.wait_dma2 semaphore(%arg17 : memref<!tpu.dma_semaphore, #tpu.memory_space<semaphore_mem>>) src(%dma_wait3A_178 : memref<64x128xf32, #tpu.memory_space<hbm>>) dst(%arg12 : memref<64x128xf32, #tpu.memory_space<vmem>>)
          %mul3A_179 = arith.constant 4 : i32
          %mul3A_180 = arith.muli %scan3A_95, %mul3A_179 : i32
          %add3A_181 = arith.constant 1 : i32
          %add3A_182 = arith.addi %mul3A_180, %add3A_181 : i32
          %dma_start3A_183 = arith.constant 0 : i32
          %dma_start3A_184 = tpu.memref_slice %arg8[%add3A_182, %dma_start3A_183] : memref<32x64xi32, #tpu.memory_space<vmem>> -> memref<1x64xi32, #tpu.memory_space<vmem>>
          %dma_start3A_185 = tpu.memref_squeeze %dma_start3A_184 : memref<1x64xi32, #tpu.memory_space<vmem>> -> memref<64xi32, #tpu.memory_space<vmem>>
          %dma_start3A_186 = arith.constant 0 : i32
          %dma_start3A_187 = arith.constant 0 : i32
          %dma_start3A_188 = tpu.memref_slice %arg15[%dma_start3A_186, %dma_start3A_187] : memref<10112x128xf32, #tpu.memory_space<vmem_shared>> -> memref<10112x128xf32, #tpu.memory_space<vmem_shared>>
          tpu.enqueue_indirect_dma source(%arg12 : memref<64x128xf32, #tpu.memory_space<vmem>>) target(%dma_start3A_188 : memref<10112x128xf32, #tpu.memory_space<vmem_shared>>) offsets(%dma_start3A_185 : memref<64xi32, #tpu.memory_space<vmem>>) semaphore(%arg21 : memref<!tpu.dma_semaphore, #tpu.memory_space<semaphore_mem>>) {add = true}
          %dma_wait3A_189 = arith.constant 0 : i32
          %dma_wait3A_190 = arith.constant 0 : i32
          %dma_wait3A_191 = tpu.memref_slice %arg3[%dma_wait3A_189, %dma_wait3A_190] : memref<10000x128xf32, #tpu.memory_space<hbm>> -> memref<64x128xf32, #tpu.memory_space<hbm>>
          %dma_wait3A_192 = arith.constant 0 : i32
          %dma_wait3A_193 = arith.constant 0 : i32
          %dma_wait3A_194 = tpu.memref_slice %arg3[%dma_wait3A_192, %dma_wait3A_193] : memref<10000x128xf32, #tpu.memory_space<hbm>> -> memref<64x128xf32, #tpu.memory_space<hbm>>
          tpu.wait_dma2 semaphore(%arg18 : memref<!tpu.dma_semaphore, #tpu.memory_space<semaphore_mem>>) src(%dma_wait3A_194 : memref<64x128xf32, #tpu.memory_space<hbm>>) dst(%arg13 : memref<64x128xf32, #tpu.memory_space<vmem>>)
          %mul3A_195 = arith.constant 4 : i32
          %mul3A_196 = arith.muli %scan3A_95, %mul3A_195 : i32
          %add3A_197 = arith.constant 2 : i32
          %add3A_198 = arith.addi %mul3A_196, %add3A_197 : i32
          %dma_start3A_199 = arith.constant 0 : i32
          %dma_start3A_200 = tpu.memref_slice %arg8[%add3A_198, %dma_start3A_199] : memref<32x64xi32, #tpu.memory_space<vmem>> -> memref<1x64xi32, #tpu.memory_space<vmem>>
          %dma_start3A_201 = tpu.memref_squeeze %dma_start3A_200 : memref<1x64xi32, #tpu.memory_space<vmem>> -> memref<64xi32, #tpu.memory_space<vmem>>
          %dma_start3A_202 = arith.constant 0 : i32
          %dma_start3A_203 = arith.constant 0 : i32
          %dma_start3A_204 = tpu.memref_slice %arg15[%dma_start3A_202, %dma_start3A_203] : memref<10112x128xf32, #tpu.memory_space<vmem_shared>> -> memref<10112x128xf32, #tpu.memory_space<vmem_shared>>
          tpu.enqueue_indirect_dma source(%arg13 : memref<64x128xf32, #tpu.memory_space<vmem>>) target(%dma_start3A_204 : memref<10112x128xf32, #tpu.memory_space<vmem_shared>>) offsets(%dma_start3A_201 : memref<64xi32, #tpu.memory_space<vmem>>) semaphore(%arg22 : memref<!tpu.dma_semaphore, #tpu.memory_space<semaphore_mem>>) {add = true}
          %dma_wait3A_205 = arith.constant 0 : i32
          %dma_wait3A_206 = arith.constant 0 : i32
          %dma_wait3A_207 = tpu.memref_slice %arg3[%dma_wait3A_205, %dma_wait3A_206] : memref<10000x128xf32, #tpu.memory_space<hbm>> -> memref<64x128xf32, #tpu.memory_space<hbm>>
          %dma_wait3A_208 = arith.constant 0 : i32
          %dma_wait3A_209 = arith.constant 0 : i32
          %dma_wait3A_210 = tpu.memref_slice %arg3[%dma_wait3A_208, %dma_wait3A_209] : memref<10000x128xf32, #tpu.memory_space<hbm>> -> memref<64x128xf32, #tpu.memory_space<hbm>>
          tpu.wait_dma2 semaphore(%arg19 : memref<!tpu.dma_semaphore, #tpu.memory_space<semaphore_mem>>) src(%dma_wait3A_210 : memref<64x128xf32, #tpu.memory_space<hbm>>) dst(%arg14 : memref<64x128xf32, #tpu.memory_space<vmem>>)
          %mul3A_211 = arith.constant 4 : i32
          %mul3A_212 = arith.muli %scan3A_95, %mul3A_211 : i32
          %add3A_213 = arith.constant 3 : i32
          %add3A_214 = arith.addi %mul3A_212, %add3A_213 : i32
          %dma_start3A_215 = arith.constant 0 : i32
          %dma_start3A_216 = tpu.memref_slice %arg8[%add3A_214, %dma_start3A_215] : memref<32x64xi32, #tpu.memory_space<vmem>> -> memref<1x64xi32, #tpu.memory_space<vmem>>
          %dma_start3A_217 = tpu.memref_squeeze %dma_start3A_216 : memref<1x64xi32, #tpu.memory_space<vmem>> -> memref<64xi32, #tpu.memory_space<vmem>>
          %dma_start3A_218 = arith.constant 0 : i32
          %dma_start3A_219 = arith.constant 0 : i32
          %dma_start3A_220 = tpu.memref_slice %arg15[%dma_start3A_218, %dma_start3A_219] : memref<10112x128xf32, #tpu.memory_space<vmem_shared>> -> memref<10112x128xf32, #tpu.memory_space<vmem_shared>>
          tpu.enqueue_indirect_dma source(%arg14 : memref<64x128xf32, #tpu.memory_space<vmem>>) target(%dma_start3A_220 : memref<10112x128xf32, #tpu.memory_space<vmem_shared>>) offsets(%dma_start3A_217 : memref<64xi32, #tpu.memory_space<vmem>>) semaphore(%arg23 : memref<!tpu.dma_semaphore, #tpu.memory_space<semaphore_mem>>) {add = true}
        }
        %scan3A_79 = arith.constant 8 : i32
        %mul3A_80 = arith.constant 2 : i32
        %mul3A_81 = arith.muli %mul3A_80, %scan3A_64 : i32
        %add3A_82 = arith.constant 1 : i32
        %add3A_83 = arith.addi %mul3A_81, %add3A_82 : i32
        %mul3A_84 = arith.constant 32 : i32
        %mul3A_85 = arith.muli %add3A_83, %mul3A_84 : i32
        %add3A_86 = arith.addi %mul3A_34, %mul3A_85 : i32
        "tpu.region"() ({
          %run_scoped3A = tpu.sem_alloc : memref<!tpu.dma_semaphore, #tpu.memory_space<semaphore_mem>>
          %dma_start3A = arith.constant 0 : i32
          %dma_start3A_95 = tpu.memref_slice %arg4[%add3A_86, %dma_start3A] : memref<5120x64xi32, #tpu.memory_space<hbm>> -> memref<32x64xi32, #tpu.memory_space<hbm>>
          %dma_start3A_96 = arith.constant 0 : i32
          %dma_start3A_97 = tpu.memref_slice %arg4[%add3A_86, %dma_start3A_96] : memref<5120x64xi32, #tpu.memory_space<hbm>> -> memref<32x64xi32, #tpu.memory_space<hbm>>
          tpu.enqueue_dma source(%dma_start3A_97 : memref<32x64xi32, #tpu.memory_space<hbm>>) target(%arg9 : memref<32x64xi32, #tpu.memory_space<vmem>>) target_semaphore(%run_scoped3A : memref<!tpu.dma_semaphore, #tpu.memory_space<semaphore_mem>>)
          %dma_wait3A_98 = arith.constant 0 : i32
          %dma_wait3A_99 = tpu.memref_slice %arg4[%add3A_86, %dma_wait3A_98] : memref<5120x64xi32, #tpu.memory_space<hbm>> -> memref<32x64xi32, #tpu.memory_space<hbm>>
          %dma_wait3A_100 = arith.constant 0 : i32
          %dma_wait3A_101 = tpu.memref_slice %arg4[%add3A_86, %dma_wait3A_100] : memref<5120x64xi32, #tpu.memory_space<hbm>> -> memref<32x64xi32, #tpu.memory_space<hbm>>
          tpu.wait_dma2 semaphore(%run_scoped3A : memref<!tpu.dma_semaphore, #tpu.memory_space<semaphore_mem>>) src(%dma_wait3A_101 : memref<32x64xi32, #tpu.memory_space<hbm>>) dst(%arg9 : memref<32x64xi32, #tpu.memory_space<vmem>>)
          tpu.yield
        }) : () -> ()
        %mul3A_87 = arith.constant 32 : i32
        %mul3A_88 = arith.muli %add3A_83, %mul3A_87 : i32
        %add3A_89 = arith.addi %mul3A_34, %mul3A_88 : i32
        "tpu.region"() ({
          %run_scoped3A = tpu.sem_alloc : memref<!tpu.dma_semaphore, #tpu.memory_space<semaphore_mem>>
          %dma_start3A = arith.constant 0 : i32
          %dma_start3A_95 = tpu.memref_slice %arg5[%add3A_89, %dma_start3A] : memref<5120x64xi32, #tpu.memory_space<hbm>> -> memref<32x64xi32, #tpu.memory_space<hbm>>
          %dma_start3A_96 = arith.constant 0 : i32
          %dma_start3A_97 = tpu.memref_slice %arg5[%add3A_89, %dma_start3A_96] : memref<5120x64xi32, #tpu.memory_space<hbm>> -> memref<32x64xi32, #tpu.memory_space<hbm>>
          tpu.enqueue_dma source(%dma_start3A_97 : memref<32x64xi32, #tpu.memory_space<hbm>>) target(%arg10 : memref<32x64xi32, #tpu.memory_space<vmem>>) target_semaphore(%run_scoped3A : memref<!tpu.dma_semaphore, #tpu.memory_space<semaphore_mem>>)
          %dma_wait3A_98 = arith.constant 0 : i32
          %dma_wait3A_99 = tpu.memref_slice %arg5[%add3A_89, %dma_wait3A_98] : memref<5120x64xi32, #tpu.memory_space<hbm>> -> memref<32x64xi32, #tpu.memory_space<hbm>>
          %dma_wait3A_100 = arith.constant 0 : i32
          %dma_wait3A_101 = tpu.memref_slice %arg5[%add3A_89, %dma_wait3A_100] : memref<5120x64xi32, #tpu.memory_space<hbm>> -> memref<32x64xi32, #tpu.memory_space<hbm>>
          tpu.wait_dma2 semaphore(%run_scoped3A : memref<!tpu.dma_semaphore, #tpu.memory_space<semaphore_mem>>) src(%dma_wait3A_101 : memref<32x64xi32, #tpu.memory_space<hbm>>) dst(%arg10 : memref<32x64xi32, #tpu.memory_space<vmem>>)
          tpu.yield
        }) : () -> ()
        %scan3A_90 = arith.constant 0 : i32
        %scan3A_91 = arith.constant 8 : i32
        %scan3A_92 = arith.addi %scan3A_90, %scan3A_91 : i32
        %scan3A_93 = arith.constant 1 : i32
        scf.for %scan3A_95 = %scan3A_90 to %scan3A_92 step %scan3A_93  : i32 {
          %mul3A_96 = arith.constant 8 : i32
          %mul3A_97 = arith.muli %add3A_83, %mul3A_96 : i32
          %add3A_98 = arith.addi %mul3A_97, %scan3A_95 : i32
          %gt3A = arith.constant 0 : i32
          %gt3A_99 = arith.cmpi sgt, %add3A_98, %gt3A : i32
          %convert_element_type3A_100 = arith.extui %gt3A_99 : i1 to i32
          %cond3A_101 = arith.constant 0 : i32
          %cond3A_102 = arith.cmpi ne, %convert_element_type3A_100, %cond3A_101 : i32
          scf.if %cond3A_102 {
            %dma_wait3A_221 = arith.constant 0 : i32
            %dma_wait3A_222 = arith.constant 0 : i32
            %dma_wait3A_223 = tpu.memref_slice %arg3[%dma_wait3A_221, %dma_wait3A_222] : memref<10000x128xf32, #tpu.memory_space<hbm>> -> memref<64x128xf32, #tpu.memory_space<hbm>>
            %dma_wait3A_224 = arith.constant 0 : i32
            %dma_wait3A_225 = arith.constant 0 : i32
            %dma_wait3A_226 = tpu.memref_slice %arg3[%dma_wait3A_224, %dma_wait3A_225] : memref<10000x128xf32, #tpu.memory_space<hbm>> -> memref<64x128xf32, #tpu.memory_space<hbm>>
            tpu.wait_dma2 semaphore(%arg20 : memref<!tpu.dma_semaphore, #tpu.memory_space<semaphore_mem>>) src(%dma_wait3A_226 : memref<64x128xf32, #tpu.memory_space<hbm>>) dst(%arg11 : memref<64x128xf32, #tpu.memory_space<vmem>>)
          } else {
          }
          %mul3A_103 = arith.constant 4 : i32
          %mul3A_104 = arith.muli %scan3A_95, %mul3A_103 : i32
          %add3A_105 = arith.constant 0 : i32
          %add3A_106 = arith.addi %mul3A_104, %add3A_105 : i32
          %dma_start3A = arith.constant 0 : i32
          %dma_start3A_107 = tpu.memref_slice %arg9[%add3A_106, %dma_start3A] : memref<32x64xi32, #tpu.memory_space<vmem>> -> memref<1x64xi32, #tpu.memory_space<vmem>>
          %dma_start3A_108 = tpu.memref_squeeze %dma_start3A_107 : memref<1x64xi32, #tpu.memory_space<vmem>> -> memref<64xi32, #tpu.memory_space<vmem>>
          %dma_start3A_109 = arith.constant 0 : i32
          %dma_start3A_110 = arith.constant 0 : i32
          %dma_start3A_111 = tpu.memref_slice %arg3[%dma_start3A_109, %dma_start3A_110] : memref<10000x128xf32, #tpu.memory_space<hbm>> -> memref<10000x128xf32, #tpu.memory_space<hbm>>
          tpu.enqueue_indirect_dma source(%dma_start3A_111 : memref<10000x128xf32, #tpu.memory_space<hbm>>) target(%arg11 : memref<64x128xf32, #tpu.memory_space<vmem>>) offsets(%dma_start3A_108 : memref<64xi32, #tpu.memory_space<vmem>>) semaphore(%arg16 : memref<!tpu.dma_semaphore, #tpu.memory_space<semaphore_mem>>)
          %gt3A_112 = arith.constant 0 : i32
          %gt3A_113 = arith.cmpi sgt, %add3A_98, %gt3A_112 : i32
          %convert_element_type3A_114 = arith.extui %gt3A_113 : i1 to i32
          %cond3A_115 = arith.constant 0 : i32
          %cond3A_116 = arith.cmpi ne, %convert_element_type3A_114, %cond3A_115 : i32
          scf.if %cond3A_116 {
            %dma_wait3A_221 = arith.constant 0 : i32
            %dma_wait3A_222 = arith.constant 0 : i32
            %dma_wait3A_223 = tpu.memref_slice %arg3[%dma_wait3A_221, %dma_wait3A_222] : memref<10000x128xf32, #tpu.memory_space<hbm>> -> memref<64x128xf32, #tpu.memory_space<hbm>>
            %dma_wait3A_224 = arith.constant 0 : i32
            %dma_wait3A_225 = arith.constant 0 : i32
            %dma_wait3A_226 = tpu.memref_slice %arg3[%dma_wait3A_224, %dma_wait3A_225] : memref<10000x128xf32, #tpu.memory_space<hbm>> -> memref<64x128xf32, #tpu.memory_space<hbm>>
            tpu.wait_dma2 semaphore(%arg21 : memref<!tpu.dma_semaphore, #tpu.memory_space<semaphore_mem>>) src(%dma_wait3A_226 : memref<64x128xf32, #tpu.memory_space<hbm>>) dst(%arg12 : memref<64x128xf32, #tpu.memory_space<vmem>>)
          } else {
          }
          %mul3A_117 = arith.constant 4 : i32
          %mul3A_118 = arith.muli %scan3A_95, %mul3A_117 : i32
          %add3A_119 = arith.constant 1 : i32
          %add3A_120 = arith.addi %mul3A_118, %add3A_119 : i32
          %dma_start3A_121 = arith.constant 0 : i32
          %dma_start3A_122 = tpu.memref_slice %arg9[%add3A_120, %dma_start3A_121] : memref<32x64xi32, #tpu.memory_space<vmem>> -> memref<1x64xi32, #tpu.memory_space<vmem>>
          %dma_start3A_123 = tpu.memref_squeeze %dma_start3A_122 : memref<1x64xi32, #tpu.memory_space<vmem>> -> memref<64xi32, #tpu.memory_space<vmem>>
          %dma_start3A_124 = arith.constant 0 : i32
          %dma_start3A_125 = arith.constant 0 : i32
          %dma_start3A_126 = tpu.memref_slice %arg3[%dma_start3A_124, %dma_start3A_125] : memref<10000x128xf32, #tpu.memory_space<hbm>> -> memref<10000x128xf32, #tpu.memory_space<hbm>>
          tpu.enqueue_indirect_dma source(%dma_start3A_126 : memref<10000x128xf32, #tpu.memory_space<hbm>>) target(%arg12 : memref<64x128xf32, #tpu.memory_space<vmem>>) offsets(%dma_start3A_123 : memref<64xi32, #tpu.memory_space<vmem>>) semaphore(%arg17 : memref<!tpu.dma_semaphore, #tpu.memory_space<semaphore_mem>>)
          %gt3A_127 = arith.constant 0 : i32
          %gt3A_128 = arith.cmpi sgt, %add3A_98, %gt3A_127 : i32
          %convert_element_type3A_129 = arith.extui %gt3A_128 : i1 to i32
          %cond3A_130 = arith.constant 0 : i32
          %cond3A_131 = arith.cmpi ne, %convert_element_type3A_129, %cond3A_130 : i32
          scf.if %cond3A_131 {
            %dma_wait3A_221 = arith.constant 0 : i32
            %dma_wait3A_222 = arith.constant 0 : i32
            %dma_wait3A_223 = tpu.memref_slice %arg3[%dma_wait3A_221, %dma_wait3A_222] : memref<10000x128xf32, #tpu.memory_space<hbm>> -> memref<64x128xf32, #tpu.memory_space<hbm>>
            %dma_wait3A_224 = arith.constant 0 : i32
            %dma_wait3A_225 = arith.constant 0 : i32
            %dma_wait3A_226 = tpu.memref_slice %arg3[%dma_wait3A_224, %dma_wait3A_225] : memref<10000x128xf32, #tpu.memory_space<hbm>> -> memref<64x128xf32, #tpu.memory_space<hbm>>
            tpu.wait_dma2 semaphore(%arg22 : memref<!tpu.dma_semaphore, #tpu.memory_space<semaphore_mem>>) src(%dma_wait3A_226 : memref<64x128xf32, #tpu.memory_space<hbm>>) dst(%arg13 : memref<64x128xf32, #tpu.memory_space<vmem>>)
          } else {
          }
          %mul3A_132 = arith.constant 4 : i32
          %mul3A_133 = arith.muli %scan3A_95, %mul3A_132 : i32
          %add3A_134 = arith.constant 2 : i32
          %add3A_135 = arith.addi %mul3A_133, %add3A_134 : i32
          %dma_start3A_136 = arith.constant 0 : i32
          %dma_start3A_137 = tpu.memref_slice %arg9[%add3A_135, %dma_start3A_136] : memref<32x64xi32, #tpu.memory_space<vmem>> -> memref<1x64xi32, #tpu.memory_space<vmem>>
          %dma_start3A_138 = tpu.memref_squeeze %dma_start3A_137 : memref<1x64xi32, #tpu.memory_space<vmem>> -> memref<64xi32, #tpu.memory_space<vmem>>
          %dma_start3A_139 = arith.constant 0 : i32
          %dma_start3A_140 = arith.constant 0 : i32
          %dma_start3A_141 = tpu.memref_slice %arg3[%dma_start3A_139, %dma_start3A_140] : memref<10000x128xf32, #tpu.memory_space<hbm>> -> memref<10000x128xf32, #tpu.memory_space<hbm>>
          tpu.enqueue_indirect_dma source(%dma_start3A_141 : memref<10000x128xf32, #tpu.memory_space<hbm>>) target(%arg13 : memref<64x128xf32, #tpu.memory_space<vmem>>) offsets(%dma_start3A_138 : memref<64xi32, #tpu.memory_space<vmem>>) semaphore(%arg18 : memref<!tpu.dma_semaphore, #tpu.memory_space<semaphore_mem>>)
          %gt3A_142 = arith.constant 0 : i32
          %gt3A_143 = arith.cmpi sgt, %add3A_98, %gt3A_142 : i32
          %convert_element_type3A_144 = arith.extui %gt3A_143 : i1 to i32
          %cond3A_145 = arith.constant 0 : i32
          %cond3A_146 = arith.cmpi ne, %convert_element_type3A_144, %cond3A_145 : i32
          scf.if %cond3A_146 {
            %dma_wait3A_221 = arith.constant 0 : i32
            %dma_wait3A_222 = arith.constant 0 : i32
            %dma_wait3A_223 = tpu.memref_slice %arg3[%dma_wait3A_221, %dma_wait3A_222] : memref<10000x128xf32, #tpu.memory_space<hbm>> -> memref<64x128xf32, #tpu.memory_space<hbm>>
            %dma_wait3A_224 = arith.constant 0 : i32
            %dma_wait3A_225 = arith.constant 0 : i32
            %dma_wait3A_226 = tpu.memref_slice %arg3[%dma_wait3A_224, %dma_wait3A_225] : memref<10000x128xf32, #tpu.memory_space<hbm>> -> memref<64x128xf32, #tpu.memory_space<hbm>>
            tpu.wait_dma2 semaphore(%arg23 : memref<!tpu.dma_semaphore, #tpu.memory_space<semaphore_mem>>) src(%dma_wait3A_226 : memref<64x128xf32, #tpu.memory_space<hbm>>) dst(%arg14 : memref<64x128xf32, #tpu.memory_space<vmem>>)
          } else {
          }
          %mul3A_147 = arith.constant 4 : i32
          %mul3A_148 = arith.muli %scan3A_95, %mul3A_147 : i32
          %add3A_149 = arith.constant 3 : i32
          %add3A_150 = arith.addi %mul3A_148, %add3A_149 : i32
          %dma_start3A_151 = arith.constant 0 : i32
          %dma_start3A_152 = tpu.memref_slice %arg9[%add3A_150, %dma_start3A_151] : memref<32x64xi32, #tpu.memory_space<vmem>> -> memref<1x64xi32, #tpu.memory_space<vmem>>
          %dma_start3A_153 = tpu.memref_squeeze %dma_start3A_152 : memref<1x64xi32, #tpu.memory_space<vmem>> -> memref<64xi32, #tpu.memory_space<vmem>>
          %dma_start3A_154 = arith.constant 0 : i32
          %dma_start3A_155 = arith.constant 0 : i32
          %dma_start3A_156 = tpu.memref_slice %arg3[%dma_start3A_154, %dma_start3A_155] : memref<10000x128xf32, #tpu.memory_space<hbm>> -> memref<10000x128xf32, #tpu.memory_space<hbm>>
          tpu.enqueue_indirect_dma source(%dma_start3A_156 : memref<10000x128xf32, #tpu.memory_space<hbm>>) target(%arg14 : memref<64x128xf32, #tpu.memory_space<vmem>>) offsets(%dma_start3A_153 : memref<64xi32, #tpu.memory_space<vmem>>) semaphore(%arg19 : memref<!tpu.dma_semaphore, #tpu.memory_space<semaphore_mem>>)
          %dma_wait3A_157 = arith.constant 0 : i32
          %dma_wait3A_158 = arith.constant 0 : i32
          %dma_wait3A_159 = tpu.memref_slice %arg3[%dma_wait3A_157, %dma_wait3A_158] : memref<10000x128xf32, #tpu.memory_space<hbm>> -> memref<64x128xf32, #tpu.memory_space<hbm>>
          %dma_wait3A_160 = arith.constant 0 : i32
          %dma_wait3A_161 = arith.constant 0 : i32
          %dma_wait3A_162 = tpu.memref_slice %arg3[%dma_wait3A_160, %dma_wait3A_161] : memref<10000x128xf32, #tpu.memory_space<hbm>> -> memref<64x128xf32, #tpu.memory_space<hbm>>
          tpu.wait_dma2 semaphore(%arg16 : memref<!tpu.dma_semaphore, #tpu.memory_space<semaphore_mem>>) src(%dma_wait3A_162 : memref<64x128xf32, #tpu.memory_space<hbm>>) dst(%arg11 : memref<64x128xf32, #tpu.memory_space<vmem>>)
          %mul3A_163 = arith.constant 4 : i32
          %mul3A_164 = arith.muli %scan3A_95, %mul3A_163 : i32
          %add3A_165 = arith.constant 0 : i32
          %add3A_166 = arith.addi %mul3A_164, %add3A_165 : i32
          %dma_start3A_167 = arith.constant 0 : i32
          %dma_start3A_168 = tpu.memref_slice %arg10[%add3A_166, %dma_start3A_167] : memref<32x64xi32, #tpu.memory_space<vmem>> -> memref<1x64xi32, #tpu.memory_space<vmem>>
          %dma_start3A_169 = tpu.memref_squeeze %dma_start3A_168 : memref<1x64xi32, #tpu.memory_space<vmem>> -> memref<64xi32, #tpu.memory_space<vmem>>
          %dma_start3A_170 = arith.constant 0 : i32
          %dma_start3A_171 = arith.constant 0 : i32
          %dma_start3A_172 = tpu.memref_slice %arg15[%dma_start3A_170, %dma_start3A_171] : memref<10112x128xf32, #tpu.memory_space<vmem_shared>> -> memref<10112x128xf32, #tpu.memory_space<vmem_shared>>
          tpu.enqueue_indirect_dma source(%arg11 : memref<64x128xf32, #tpu.memory_space<vmem>>) target(%dma_start3A_172 : memref<10112x128xf32, #tpu.memory_space<vmem_shared>>) offsets(%dma_start3A_169 : memref<64xi32, #tpu.memory_space<vmem>>) semaphore(%arg20 : memref<!tpu.dma_semaphore, #tpu.memory_space<semaphore_mem>>) {add = true}
          %dma_wait3A_173 = arith.constant 0 : i32
          %dma_wait3A_174 = arith.constant 0 : i32
          %dma_wait3A_175 = tpu.memref_slice %arg3[%dma_wait3A_173, %dma_wait3A_174] : memref<10000x128xf32, #tpu.memory_space<hbm>> -> memref<64x128xf32, #tpu.memory_space<hbm>>
          %dma_wait3A_176 = arith.constant 0 : i32
          %dma_wait3A_177 = arith.constant 0 : i32
          %dma_wait3A_178 = tpu.memref_slice %arg3[%dma_wait3A_176, %dma_wait3A_177] : memref<10000x128xf32, #tpu.memory_space<hbm>> -> memref<64x128xf32, #tpu.memory_space<hbm>>
          tpu.wait_dma2 semaphore(%arg17 : memref<!tpu.dma_semaphore, #tpu.memory_space<semaphore_mem>>) src(%dma_wait3A_178 : memref<64x128xf32, #tpu.memory_space<hbm>>) dst(%arg12 : memref<64x128xf32, #tpu.memory_space<vmem>>)
          %mul3A_179 = arith.constant 4 : i32
          %mul3A_180 = arith.muli %scan3A_95, %mul3A_179 : i32
          %add3A_181 = arith.constant 1 : i32
          %add3A_182 = arith.addi %mul3A_180, %add3A_181 : i32
          %dma_start3A_183 = arith.constant 0 : i32
          %dma_start3A_184 = tpu.memref_slice %arg10[%add3A_182, %dma_start3A_183] : memref<32x64xi32, #tpu.memory_space<vmem>> -> memref<1x64xi32, #tpu.memory_space<vmem>>
          %dma_start3A_185 = tpu.memref_squeeze %dma_start3A_184 : memref<1x64xi32, #tpu.memory_space<vmem>> -> memref<64xi32, #tpu.memory_space<vmem>>
          %dma_start3A_186 = arith.constant 0 : i32
          %dma_start3A_187 = arith.constant 0 : i32
          %dma_start3A_188 = tpu.memref_slice %arg15[%dma_start3A_186, %dma_start3A_187] : memref<10112x128xf32, #tpu.memory_space<vmem_shared>> -> memref<10112x128xf32, #tpu.memory_space<vmem_shared>>
          tpu.enqueue_indirect_dma source(%arg12 : memref<64x128xf32, #tpu.memory_space<vmem>>) target(%dma_start3A_188 : memref<10112x128xf32, #tpu.memory_space<vmem_shared>>) offsets(%dma_start3A_185 : memref<64xi32, #tpu.memory_space<vmem>>) semaphore(%arg21 : memref<!tpu.dma_semaphore, #tpu.memory_space<semaphore_mem>>) {add = true}
          %dma_wait3A_189 = arith.constant 0 : i32
          %dma_wait3A_190 = arith.constant 0 : i32
          %dma_wait3A_191 = tpu.memref_slice %arg3[%dma_wait3A_189, %dma_wait3A_190] : memref<10000x128xf32, #tpu.memory_space<hbm>> -> memref<64x128xf32, #tpu.memory_space<hbm>>
          %dma_wait3A_192 = arith.constant 0 : i32
          %dma_wait3A_193 = arith.constant 0 : i32
          %dma_wait3A_194 = tpu.memref_slice %arg3[%dma_wait3A_192, %dma_wait3A_193] : memref<10000x128xf32, #tpu.memory_space<hbm>> -> memref<64x128xf32, #tpu.memory_space<hbm>>
          tpu.wait_dma2 semaphore(%arg18 : memref<!tpu.dma_semaphore, #tpu.memory_space<semaphore_mem>>) src(%dma_wait3A_194 : memref<64x128xf32, #tpu.memory_space<hbm>>) dst(%arg13 : memref<64x128xf32, #tpu.memory_space<vmem>>)
          %mul3A_195 = arith.constant 4 : i32
          %mul3A_196 = arith.muli %scan3A_95, %mul3A_195 : i32
          %add3A_197 = arith.constant 2 : i32
          %add3A_198 = arith.addi %mul3A_196, %add3A_197 : i32
          %dma_start3A_199 = arith.constant 0 : i32
          %dma_start3A_200 = tpu.memref_slice %arg10[%add3A_198, %dma_start3A_199] : memref<32x64xi32, #tpu.memory_space<vmem>> -> memref<1x64xi32, #tpu.memory_space<vmem>>
          %dma_start3A_201 = tpu.memref_squeeze %dma_start3A_200 : memref<1x64xi32, #tpu.memory_space<vmem>> -> memref<64xi32, #tpu.memory_space<vmem>>
          %dma_start3A_202 = arith.constant 0 : i32
          %dma_start3A_203 = arith.constant 0 : i32
          %dma_start3A_204 = tpu.memref_slice %arg15[%dma_start3A_202, %dma_start3A_203] : memref<10112x128xf32, #tpu.memory_space<vmem_shared>> -> memref<10112x128xf32, #tpu.memory_space<vmem_shared>>
          tpu.enqueue_indirect_dma source(%arg13 : memref<64x128xf32, #tpu.memory_space<vmem>>) target(%dma_start3A_204 : memref<10112x128xf32, #tpu.memory_space<vmem_shared>>) offsets(%dma_start3A_201 : memref<64xi32, #tpu.memory_space<vmem>>) semaphore(%arg22 : memref<!tpu.dma_semaphore, #tpu.memory_space<semaphore_mem>>) {add = true}
          %dma_wait3A_205 = arith.constant 0 : i32
          %dma_wait3A_206 = arith.constant 0 : i32
          %dma_wait3A_207 = tpu.memref_slice %arg3[%dma_wait3A_205, %dma_wait3A_206] : memref<10000x128xf32, #tpu.memory_space<hbm>> -> memref<64x128xf32, #tpu.memory_space<hbm>>
          %dma_wait3A_208 = arith.constant 0 : i32
          %dma_wait3A_209 = arith.constant 0 : i32
          %dma_wait3A_210 = tpu.memref_slice %arg3[%dma_wait3A_208, %dma_wait3A_209] : memref<10000x128xf32, #tpu.memory_space<hbm>> -> memref<64x128xf32, #tpu.memory_space<hbm>>
          tpu.wait_dma2 semaphore(%arg19 : memref<!tpu.dma_semaphore, #tpu.memory_space<semaphore_mem>>) src(%dma_wait3A_210 : memref<64x128xf32, #tpu.memory_space<hbm>>) dst(%arg14 : memref<64x128xf32, #tpu.memory_space<vmem>>)
          %mul3A_211 = arith.constant 4 : i32
          %mul3A_212 = arith.muli %scan3A_95, %mul3A_211 : i32
          %add3A_213 = arith.constant 3 : i32
          %add3A_214 = arith.addi %mul3A_212, %add3A_213 : i32
          %dma_start3A_215 = arith.constant 0 : i32
          %dma_start3A_216 = tpu.memref_slice %arg10[%add3A_214, %dma_start3A_215] : memref<32x64xi32, #tpu.memory_space<vmem>> -> memref<1x64xi32, #tpu.memory_space<vmem>>
          %dma_start3A_217 = tpu.memref_squeeze %dma_start3A_216 : memref<1x64xi32, #tpu.memory_space<vmem>> -> memref<64xi32, #tpu.memory_space<vmem>>
          %dma_start3A_218 = arith.constant 0 : i32
          %dma_start3A_219 = arith.constant 0 : i32
          %dma_start3A_220 = tpu.memref_slice %arg15[%dma_start3A_218, %dma_start3A_219] : memref<10112x128xf32, #tpu.memory_space<vmem_shared>> -> memref<10112x128xf32, #tpu.memory_space<vmem_shared>>
          tpu.enqueue_indirect_dma source(%arg14 : memref<64x128xf32, #tpu.memory_space<vmem>>) target(%dma_start3A_220 : memref<10112x128xf32, #tpu.memory_space<vmem_shared>>) offsets(%dma_start3A_217 : memref<64xi32, #tpu.memory_space<vmem>>) semaphore(%arg23 : memref<!tpu.dma_semaphore, #tpu.memory_space<semaphore_mem>>) {add = true}
        }
        %scan3A_94 = arith.constant 8 : i32
      }
      %scan3A_40 = arith.constant 5 : i32
      %dma_wait3A = arith.constant 0 : i32
      %dma_wait3A_41 = arith.constant 0 : i32
      %dma_wait3A_42 = tpu.memref_slice %arg3[%dma_wait3A, %dma_wait3A_41] : memref<10000x128xf32, #tpu.memory_space<hbm>> -> memref<64x128xf32, #tpu.memory_space<hbm>>
      %dma_wait3A_43 = arith.constant 0 : i32
      %dma_wait3A_44 = arith.constant 0 : i32
      %dma_wait3A_45 = tpu.memref_slice %arg3[%dma_wait3A_43, %dma_wait3A_44] : memref<10000x128xf32, #tpu.memory_space<hbm>> -> memref<64x128xf32, #tpu.memory_space<hbm>>
      tpu.wait_dma2 semaphore(%arg20 : memref<!tpu.dma_semaphore, #tpu.memory_space<semaphore_mem>>) src(%dma_wait3A_45 : memref<64x128xf32, #tpu.memory_space<hbm>>) dst(%arg11 : memref<64x128xf32, #tpu.memory_space<vmem>>)
      %dma_wait3A_46 = arith.constant 0 : i32
      %dma_wait3A_47 = arith.constant 0 : i32
      %dma_wait3A_48 = tpu.memref_slice %arg3[%dma_wait3A_46, %dma_wait3A_47] : memref<10000x128xf32, #tpu.memory_space<hbm>> -> memref<64x128xf32, #tpu.memory_space<hbm>>
      %dma_wait3A_49 = arith.constant 0 : i32
      %dma_wait3A_50 = arith.constant 0 : i32
      %dma_wait3A_51 = tpu.memref_slice %arg3[%dma_wait3A_49, %dma_wait3A_50] : memref<10000x128xf32, #tpu.memory_space<hbm>> -> memref<64x128xf32, #tpu.memory_space<hbm>>
      tpu.wait_dma2 semaphore(%arg21 : memref<!tpu.dma_semaphore, #tpu.memory_space<semaphore_mem>>) src(%dma_wait3A_51 : memref<64x128xf32, #tpu.memory_space<hbm>>) dst(%arg12 : memref<64x128xf32, #tpu.memory_space<vmem>>)
      %dma_wait3A_52 = arith.constant 0 : i32
      %dma_wait3A_53 = arith.constant 0 : i32
      %dma_wait3A_54 = tpu.memref_slice %arg3[%dma_wait3A_52, %dma_wait3A_53] : memref<10000x128xf32, #tpu.memory_space<hbm>> -> memref<64x128xf32, #tpu.memory_space<hbm>>
      %dma_wait3A_55 = arith.constant 0 : i32
      %dma_wait3A_56 = arith.constant 0 : i32
      %dma_wait3A_57 = tpu.memref_slice %arg3[%dma_wait3A_55, %dma_wait3A_56] : memref<10000x128xf32, #tpu.memory_space<hbm>> -> memref<64x128xf32, #tpu.memory_space<hbm>>
      tpu.wait_dma2 semaphore(%arg22 : memref<!tpu.dma_semaphore, #tpu.memory_space<semaphore_mem>>) src(%dma_wait3A_57 : memref<64x128xf32, #tpu.memory_space<hbm>>) dst(%arg13 : memref<64x128xf32, #tpu.memory_space<vmem>>)
      %dma_wait3A_58 = arith.constant 0 : i32
      %dma_wait3A_59 = arith.constant 0 : i32
      %dma_wait3A_60 = tpu.memref_slice %arg3[%dma_wait3A_58, %dma_wait3A_59] : memref<10000x128xf32, #tpu.memory_space<hbm>> -> memref<64x128xf32, #tpu.memory_space<hbm>>
      %dma_wait3A_61 = arith.constant 0 : i32
      %dma_wait3A_62 = arith.constant 0 : i32
      %dma_wait3A_63 = tpu.memref_slice %arg3[%dma_wait3A_61, %dma_wait3A_62] : memref<10000x128xf32, #tpu.memory_space<hbm>> -> memref<64x128xf32, #tpu.memory_space<hbm>>
      tpu.wait_dma2 semaphore(%arg23 : memref<!tpu.dma_semaphore, #tpu.memory_space<semaphore_mem>>) src(%dma_wait3A_63 : memref<64x128xf32, #tpu.memory_space<hbm>>) dst(%arg14 : memref<64x128xf32, #tpu.memory_space<vmem>>)
    } else {
    }
    %barrier3A_32 = arith.constant 0 : index
    tpu.barrier barrier_id(%barrier3A_32)
    "tpu.region"() ({
      %run_scoped3A = tpu.sem_alloc : memref<!tpu.dma_semaphore, #tpu.memory_space<semaphore_mem>>
      %dma_start3A = arith.constant 0 : i32
      %dma_start3A_33 = tpu.memref_slice %arg6[%arg0, %mul3A_5, %dma_start3A] : memref<2x10112x128xf32, #tpu.memory_space<hbm>> -> memref<1x632x128xf32, #tpu.memory_space<hbm>>
      %dma_start3A_34 = tpu.memref_squeeze %dma_start3A_33 : memref<1x632x128xf32, #tpu.memory_space<hbm>> -> memref<632x128xf32, #tpu.memory_space<hbm>>
      %dma_start3A_35 = arith.constant 0 : i32
      %dma_start3A_36 = tpu.memref_slice %arg15[%mul3A_5, %dma_start3A_35] : memref<10112x128xf32, #tpu.memory_space<vmem_shared>> -> memref<632x128xf32, #tpu.memory_space<vmem_shared>>
      tpu.enqueue_dma source(%dma_start3A_36 : memref<632x128xf32, #tpu.memory_space<vmem_shared>>) target(%dma_start3A_34 : memref<632x128xf32, #tpu.memory_space<hbm>>) target_semaphore(%run_scoped3A : memref<!tpu.dma_semaphore, #tpu.memory_space<semaphore_mem>>)
      %dma_wait3A = arith.constant 0 : i32
      %dma_wait3A_37 = tpu.memref_slice %arg6[%arg0, %mul3A_5, %dma_wait3A] : memref<2x10112x128xf32, #tpu.memory_space<hbm>> -> memref<1x632x128xf32, #tpu.memory_space<hbm>>
      %dma_wait3A_38 = tpu.memref_squeeze %dma_wait3A_37 : memref<1x632x128xf32, #tpu.memory_space<hbm>> -> memref<632x128xf32, #tpu.memory_space<hbm>>
      %dma_wait3A_39 = arith.constant 0 : i32
      %dma_wait3A_40 = tpu.memref_slice %arg15[%mul3A_5, %dma_wait3A_39] : memref<10112x128xf32, #tpu.memory_space<vmem_shared>> -> memref<632x128xf32, #tpu.memory_space<vmem_shared>>
      tpu.wait_dma2 semaphore(%run_scoped3A : memref<!tpu.dma_semaphore, #tpu.memory_space<semaphore_mem>>) src(%dma_wait3A_40 : memref<632x128xf32, #tpu.memory_space<vmem_shared>>) dst(%dma_wait3A_38 : memref<632x128xf32, #tpu.memory_space<hbm>>)
      tpu.yield
    }) : () -> ()
    return
  }
}

#map = affine_map<(d0, d1) -> (0)>
#map1 = affine_map<(d0, d1) -> (0, 0)>
module attributes {stable_mosaic.version = 14 : i64} {
  func.func @_deg_call(%arg0: i32, %arg1: i32, %arg2: memref<327680xi32, #tpu.memory_space<hbm>>, %arg3: memref<2x10240xf32, #tpu.memory_space<hbm>>, %arg4: memref<10240xi32, #tpu.memory_space<vmem>>, %arg5: memref<10240xf32, #tpu.memory_space<vmem>>, %arg6: memref<16x640xf32, #tpu.memory_space<vmem>>, %arg7: memref<640xf32, #tpu.memory_space<vmem>>, %arg8: memref<16x10240xf32, #tpu.memory_space<vmem_shared>>) attributes {dimension_semantics = [#tpu.dimension_semantics<core_parallel>, #tpu.dimension_semantics<subcore_parallel>], iteration_bounds = array<i64: 2, 16>, scalar_prefetch = 0 : i64, scratch_operands = 5 : i64, tpu.core_type = #tpu.core_type<sc_vector_subcore>, window_params = [{transform_indices = #map}, {transform_indices = #map1}]} {
    %mul3A = arith.constant 16 : i32
    %mul3A_0 = arith.muli %arg0, %mul3A : i32
    %add3A = arith.addi %mul3A_0, %arg1 : i32
    %mul3A_1 = arith.constant 10240 : i32
    %mul3A_2 = arith.muli %add3A, %mul3A_1 : i32
    "tpu.region"() ({
      %run_scoped3A = tpu.sem_alloc : memref<!tpu.dma_semaphore, #tpu.memory_space<semaphore_mem>>
      %dma_start3A = tpu.memref_slice %arg2[%mul3A_2] : memref<327680xi32, #tpu.memory_space<hbm>> -> memref<10240xi32, #tpu.memory_space<hbm>>
      %dma_start3A_25 = tpu.memref_slice %arg2[%mul3A_2] : memref<327680xi32, #tpu.memory_space<hbm>> -> memref<10240xi32, #tpu.memory_space<hbm>>
      tpu.enqueue_dma source(%dma_start3A_25 : memref<10240xi32, #tpu.memory_space<hbm>>) target(%arg4 : memref<10240xi32, #tpu.memory_space<vmem>>) target_semaphore(%run_scoped3A : memref<!tpu.dma_semaphore, #tpu.memory_space<semaphore_mem>>)
      %dma_wait3A = tpu.memref_slice %arg2[%mul3A_2] : memref<327680xi32, #tpu.memory_space<hbm>> -> memref<10240xi32, #tpu.memory_space<hbm>>
      %dma_wait3A_26 = tpu.memref_slice %arg2[%mul3A_2] : memref<327680xi32, #tpu.memory_space<hbm>> -> memref<10240xi32, #tpu.memory_space<hbm>>
      tpu.wait_dma2 semaphore(%run_scoped3A : memref<!tpu.dma_semaphore, #tpu.memory_space<semaphore_mem>>) src(%dma_wait3A_26 : memref<10240xi32, #tpu.memory_space<hbm>>) dst(%arg4 : memref<10240xi32, #tpu.memory_space<vmem>>)
      tpu.yield
    }) : () -> ()
    %scan3A = arith.constant 0 : i32
    %scan3A_3 = arith.constant 0 : i32
    %scan3A_4 = arith.constant 640 : i32
    %scan3A_5 = arith.addi %scan3A_3, %scan3A_4 : i32
    %scan3A_6 = arith.constant 1 : i32
    scf.for %scan3A_25 = %scan3A_3 to %scan3A_5 step %scan3A_6  : i32 {
      %broadcast_in_dim3A_26 = arith.constant 0.000000e+00 : f32
      %broadcast_in_dim3A_27 = vector.broadcast %broadcast_in_dim3A_26 : f32 to vector<16xf32>
      %mul3A_28 = arith.constant 16 : i32
      %mul3A_29 = arith.muli %scan3A_25, %mul3A_28 : i32
      %swap3A = arith.index_cast %mul3A_29 : i32 to index
      %swap3A_30 = tpu.vector_load %arg5[%swap3A] {strides = array<i32>} : memref<10240xf32, #tpu.memory_space<vmem>>, vector<16xf32>,
      tpu.vector_store %arg5[%swap3A], %broadcast_in_dim3A_27 {strides = array<i32>} : memref<10240xf32, #tpu.memory_space<vmem>>, vector<16xf32>,
    }
    %scan3A_7 = arith.constant 640 : i32
    %broadcast_in_dim3A = arith.constant 1.000000e+00 : f32
    %broadcast_in_dim3A_8 = vector.broadcast %broadcast_in_dim3A : f32 to vector<16xf32>
    %scan3A_9 = arith.constant 0 : i32
    %scan3A_10 = arith.constant 0 : i32
    %scan3A_11 = arith.constant 640 : i32
    %scan3A_12 = arith.addi %scan3A_10, %scan3A_11 : i32
    %scan3A_13 = arith.constant 1 : i32
    scf.for %scan3A_25 = %scan3A_10 to %scan3A_12 step %scan3A_13  : i32 {
      %mul3A_26 = arith.constant 16 : i32
      %mul3A_27 = arith.muli %scan3A_25, %mul3A_26 : i32
      %get3A = arith.index_cast %mul3A_27 : i32 to index
      %get3A_28 = tpu.vector_load %arg4[%get3A] {strides = array<i32>} : memref<10240xi32, #tpu.memory_space<vmem>>, vector<16xi32>,
      tpu.vector_store_idx %arg5[%get3A_28], %broadcast_in_dim3A_8 {add = true} : memref<10240xf32, #tpu.memory_space<vmem>>[vector<16xi32>], vector<16xf32>,
    }
    %scan3A_14 = arith.constant 640 : i32
    "tpu.region"() ({
      %run_scoped3A = tpu.sem_alloc : memref<!tpu.dma_semaphore, #tpu.memory_space<semaphore_mem>>
      %dma_start3A = arith.constant 0 : i32
      %dma_start3A_25 = tpu.memref_slice %arg8[%arg1, %dma_start3A] : memref<16x10240xf32, #tpu.memory_space<vmem_shared>> -> memref<1x10240xf32, #tpu.memory_space<vmem_shared>>
      %dma_start3A_26 = tpu.memref_squeeze %dma_start3A_25 : memref<1x10240xf32, #tpu.memory_space<vmem_shared>> -> memref<10240xf32, #tpu.memory_space<vmem_shared>>
      %dma_start3A_27 = arith.constant 0 : i32
      %dma_start3A_28 = tpu.memref_slice %arg8[%arg1, %dma_start3A_27] : memref<16x10240xf32, #tpu.memory_space<vmem_shared>> -> memref<1x10240xf32, #tpu.memory_space<vmem_shared>>
      %dma_start3A_29 = tpu.memref_squeeze %dma_start3A_28 : memref<1x10240xf32, #tpu.memory_space<vmem_shared>> -> memref<10240xf32, #tpu.memory_space<vmem_shared>>
      tpu.enqueue_dma source(%arg5 : memref<10240xf32, #tpu.memory_space<vmem>>) target(%dma_start3A_29 : memref<10240xf32, #tpu.memory_space<vmem_shared>>) target_semaphore(%run_scoped3A : memref<!tpu.dma_semaphore, #tpu.memory_space<semaphore_mem>>)
      %dma_wait3A = arith.constant 0 : i32
      %dma_wait3A_30 = tpu.memref_slice %arg8[%arg1, %dma_wait3A] : memref<16x10240xf32, #tpu.memory_space<vmem_shared>> -> memref<1x10240xf32, #tpu.memory_space<vmem_shared>>
      %dma_wait3A_31 = tpu.memref_squeeze %dma_wait3A_30 : memref<1x10240xf32, #tpu.memory_space<vmem_shared>> -> memref<10240xf32, #tpu.memory_space<vmem_shared>>
      %dma_wait3A_32 = arith.constant 0 : i32
      %dma_wait3A_33 = tpu.memref_slice %arg8[%arg1, %dma_wait3A_32] : memref<16x10240xf32, #tpu.memory_space<vmem_shared>> -> memref<1x10240xf32, #tpu.memory_space<vmem_shared>>
      %dma_wait3A_34 = tpu.memref_squeeze %dma_wait3A_33 : memref<1x10240xf32, #tpu.memory_space<vmem_shared>> -> memref<10240xf32, #tpu.memory_space<vmem_shared>>
      tpu.wait_dma2 semaphore(%run_scoped3A : memref<!tpu.dma_semaphore, #tpu.memory_space<semaphore_mem>>) src(%arg5 : memref<10240xf32, #tpu.memory_space<vmem>>) dst(%dma_wait3A_34 : memref<10240xf32, #tpu.memory_space<vmem_shared>>)
      tpu.yield
    }) : () -> ()
    %barrier3A = arith.constant 0 : index
    tpu.barrier barrier_id(%barrier3A)
    %mul3A_15 = arith.constant 640 : i32
    %mul3A_16 = arith.muli %arg1, %mul3A_15 : i32
    "tpu.region"() ({
      %run_scoped3A = tpu.sem_alloc : memref<!tpu.dma_semaphore, #tpu.memory_space<semaphore_mem>>
      %dma_start3A = arith.constant 0 : i32
      %dma_start3A_25 = tpu.memref_slice %arg8[%dma_start3A, %mul3A_16] : memref<16x10240xf32, #tpu.memory_space<vmem_shared>> -> memref<16x640xf32, #tpu.memory_space<vmem_shared>>
      %dma_start3A_26 = arith.constant 0 : i32
      %dma_start3A_27 = tpu.memref_slice %arg8[%dma_start3A_26, %mul3A_16] : memref<16x10240xf32, #tpu.memory_space<vmem_shared>> -> memref<16x640xf32, #tpu.memory_space<vmem_shared>>
      tpu.enqueue_dma source(%dma_start3A_27 : memref<16x640xf32, #tpu.memory_space<vmem_shared>>) target(%arg6 : memref<16x640xf32, #tpu.memory_space<vmem>>) target_semaphore(%run_scoped3A : memref<!tpu.dma_semaphore, #tpu.memory_space<semaphore_mem>>)
      %dma_wait3A = arith.constant 0 : i32
      %dma_wait3A_28 = tpu.memref_slice %arg8[%dma_wait3A, %mul3A_16] : memref<16x10240xf32, #tpu.memory_space<vmem_shared>> -> memref<16x640xf32, #tpu.memory_space<vmem_shared>>
      %dma_wait3A_29 = arith.constant 0 : i32
      %dma_wait3A_30 = tpu.memref_slice %arg8[%dma_wait3A_29, %mul3A_16] : memref<16x10240xf32, #tpu.memory_space<vmem_shared>> -> memref<16x640xf32, #tpu.memory_space<vmem_shared>>
      tpu.wait_dma2 semaphore(%run_scoped3A : memref<!tpu.dma_semaphore, #tpu.memory_space<semaphore_mem>>) src(%dma_wait3A_30 : memref<16x640xf32, #tpu.memory_space<vmem_shared>>) dst(%arg6 : memref<16x640xf32, #tpu.memory_space<vmem>>)
      tpu.yield
    }) : () -> ()
    %scan3A_17 = arith.constant 0 : i32
    %scan3A_18 = arith.constant 0 : i32
    %scan3A_19 = arith.constant 40 : i32
    %scan3A_20 = arith.addi %scan3A_18, %scan3A_19 : i32
    %scan3A_21 = arith.constant 1 : i32
    scf.for %scan3A_25 = %scan3A_18 to %scan3A_20 step %scan3A_21  : i32 {
      %mul3A_26 = arith.constant 16 : i32
      %mul3A_27 = arith.muli %scan3A_25, %mul3A_26 : i32
      %get3A = arith.constant 0 : i32
      %get3A_28 = arith.index_cast %get3A : i32 to index
      %get3A_29 = arith.index_cast %mul3A_27 : i32 to index
      %get3A_30 = tpu.vector_load %arg6[%get3A_28, %get3A_29] {strides = array<i32>} : memref<16x640xf32, #tpu.memory_space<vmem>>, vector<16xf32>,
      %mul3A_31 = arith.constant 16 : i32
      %mul3A_32 = arith.muli %scan3A_25, %mul3A_31 : i32
      %get3A_33 = arith.constant 1 : i32
      %get3A_34 = arith.index_cast %get3A_33 : i32 to index
      %get3A_35 = arith.index_cast %mul3A_32 : i32 to index
      %get3A_36 = tpu.vector_load %arg6[%get3A_34, %get3A_35] {strides = array<i32>} : memref<16x640xf32, #tpu.memory_space<vmem>>, vector<16xf32>,
      %add3A_37 = arith.addf %get3A_30, %get3A_36 : vector<16xf32>
      %mul3A_38 = arith.constant 16 : i32
      %mul3A_39 = arith.muli %scan3A_25, %mul3A_38 : i32
      %get3A_40 = arith.constant 2 : i32
      %get3A_41 = arith.index_cast %get3A_40 : i32 to index
      %get3A_42 = arith.index_cast %mul3A_39 : i32 to index
      %get3A_43 = tpu.vector_load %arg6[%get3A_41, %get3A_42] {strides = array<i32>} : memref<16x640xf32, #tpu.memory_space<vmem>>, vector<16xf32>,
      %add3A_44 = arith.addf %add3A_37, %get3A_43 : vector<16xf32>
      %mul3A_45 = arith.constant 16 : i32
      %mul3A_46 = arith.muli %scan3A_25, %mul3A_45 : i32
      %get3A_47 = arith.constant 3 : i32
      %get3A_48 = arith.index_cast %get3A_47 : i32 to index
      %get3A_49 = arith.index_cast %mul3A_46 : i32 to index
      %get3A_50 = tpu.vector_load %arg6[%get3A_48, %get3A_49] {strides = array<i32>} : memref<16x640xf32, #tpu.memory_space<vmem>>, vector<16xf32>,
      %add3A_51 = arith.addf %add3A_44, %get3A_50 : vector<16xf32>
      %mul3A_52 = arith.constant 16 : i32
      %mul3A_53 = arith.muli %scan3A_25, %mul3A_52 : i32
      %get3A_54 = arith.constant 4 : i32
      %get3A_55 = arith.index_cast %get3A_54 : i32 to index
      %get3A_56 = arith.index_cast %mul3A_53 : i32 to index
      %get3A_57 = tpu.vector_load %arg6[%get3A_55, %get3A_56] {strides = array<i32>} : memref<16x640xf32, #tpu.memory_space<vmem>>, vector<16xf32>,
      %add3A_58 = arith.addf %add3A_51, %get3A_57 : vector<16xf32>
      %mul3A_59 = arith.constant 16 : i32
      %mul3A_60 = arith.muli %scan3A_25, %mul3A_59 : i32
      %get3A_61 = arith.constant 5 : i32
      %get3A_62 = arith.index_cast %get3A_61 : i32 to index
      %get3A_63 = arith.index_cast %mul3A_60 : i32 to index
      %get3A_64 = tpu.vector_load %arg6[%get3A_62, %get3A_63] {strides = array<i32>} : memref<16x640xf32, #tpu.memory_space<vmem>>, vector<16xf32>,
      %add3A_65 = arith.addf %add3A_58, %get3A_64 : vector<16xf32>
      %mul3A_66 = arith.constant 16 : i32
      %mul3A_67 = arith.muli %scan3A_25, %mul3A_66 : i32
      %get3A_68 = arith.constant 6 : i32
      %get3A_69 = arith.index_cast %get3A_68 : i32 to index
      %get3A_70 = arith.index_cast %mul3A_67 : i32 to index
      %get3A_71 = tpu.vector_load %arg6[%get3A_69, %get3A_70] {strides = array<i32>} : memref<16x640xf32, #tpu.memory_space<vmem>>, vector<16xf32>,
      %add3A_72 = arith.addf %add3A_65, %get3A_71 : vector<16xf32>
      %mul3A_73 = arith.constant 16 : i32
      %mul3A_74 = arith.muli %scan3A_25, %mul3A_73 : i32
      %get3A_75 = arith.constant 7 : i32
      %get3A_76 = arith.index_cast %get3A_75 : i32 to index
      %get3A_77 = arith.index_cast %mul3A_74 : i32 to index
      %get3A_78 = tpu.vector_load %arg6[%get3A_76, %get3A_77] {strides = array<i32>} : memref<16x640xf32, #tpu.memory_space<vmem>>, vector<16xf32>,
      %add3A_79 = arith.addf %add3A_72, %get3A_78 : vector<16xf32>
      %mul3A_80 = arith.constant 16 : i32
      %mul3A_81 = arith.muli %scan3A_25, %mul3A_80 : i32
      %get3A_82 = arith.constant 8 : i32
      %get3A_83 = arith.index_cast %get3A_82 : i32 to index
      %get3A_84 = arith.index_cast %mul3A_81 : i32 to index
      %get3A_85 = tpu.vector_load %arg6[%get3A_83, %get3A_84] {strides = array<i32>} : memref<16x640xf32, #tpu.memory_space<vmem>>, vector<16xf32>,
      %add3A_86 = arith.addf %add3A_79, %get3A_85 : vector<16xf32>
      %mul3A_87 = arith.constant 16 : i32
      %mul3A_88 = arith.muli %scan3A_25, %mul3A_87 : i32
      %get3A_89 = arith.constant 9 : i32
      %get3A_90 = arith.index_cast %get3A_89 : i32 to index
      %get3A_91 = arith.index_cast %mul3A_88 : i32 to index
      %get3A_92 = tpu.vector_load %arg6[%get3A_90, %get3A_91] {strides = array<i32>} : memref<16x640xf32, #tpu.memory_space<vmem>>, vector<16xf32>,
      %add3A_93 = arith.addf %add3A_86, %get3A_92 : vector<16xf32>
      %mul3A_94 = arith.constant 16 : i32
      %mul3A_95 = arith.muli %scan3A_25, %mul3A_94 : i32
      %get3A_96 = arith.constant 10 : i32
      %get3A_97 = arith.index_cast %get3A_96 : i32 to index
      %get3A_98 = arith.index_cast %mul3A_95 : i32 to index
      %get3A_99 = tpu.vector_load %arg6[%get3A_97, %get3A_98] {strides = array<i32>} : memref<16x640xf32, #tpu.memory_space<vmem>>, vector<16xf32>,
      %add3A_100 = arith.addf %add3A_93, %get3A_99 : vector<16xf32>
      %mul3A_101 = arith.constant 16 : i32
      %mul3A_102 = arith.muli %scan3A_25, %mul3A_101 : i32
      %get3A_103 = arith.constant 11 : i32
      %get3A_104 = arith.index_cast %get3A_103 : i32 to index
      %get3A_105 = arith.index_cast %mul3A_102 : i32 to index
      %get3A_106 = tpu.vector_load %arg6[%get3A_104, %get3A_105] {strides = array<i32>} : memref<16x640xf32, #tpu.memory_space<vmem>>, vector<16xf32>,
      %add3A_107 = arith.addf %add3A_100, %get3A_106 : vector<16xf32>
      %mul3A_108 = arith.constant 16 : i32
      %mul3A_109 = arith.muli %scan3A_25, %mul3A_108 : i32
      %get3A_110 = arith.constant 12 : i32
      %get3A_111 = arith.index_cast %get3A_110 : i32 to index
      %get3A_112 = arith.index_cast %mul3A_109 : i32 to index
      %get3A_113 = tpu.vector_load %arg6[%get3A_111, %get3A_112] {strides = array<i32>} : memref<16x640xf32, #tpu.memory_space<vmem>>, vector<16xf32>,
      %add3A_114 = arith.addf %add3A_107, %get3A_113 : vector<16xf32>
      %mul3A_115 = arith.constant 16 : i32
      %mul3A_116 = arith.muli %scan3A_25, %mul3A_115 : i32
      %get3A_117 = arith.constant 13 : i32
      %get3A_118 = arith.index_cast %get3A_117 : i32 to index
      %get3A_119 = arith.index_cast %mul3A_116 : i32 to index
      %get3A_120 = tpu.vector_load %arg6[%get3A_118, %get3A_119] {strides = array<i32>} : memref<16x640xf32, #tpu.memory_space<vmem>>, vector<16xf32>,
      %add3A_121 = arith.addf %add3A_114, %get3A_120 : vector<16xf32>
      %mul3A_122 = arith.constant 16 : i32
      %mul3A_123 = arith.muli %scan3A_25, %mul3A_122 : i32
      %get3A_124 = arith.constant 14 : i32
      %get3A_125 = arith.index_cast %get3A_124 : i32 to index
      %get3A_126 = arith.index_cast %mul3A_123 : i32 to index
      %get3A_127 = tpu.vector_load %arg6[%get3A_125, %get3A_126] {strides = array<i32>} : memref<16x640xf32, #tpu.memory_space<vmem>>, vector<16xf32>,
      %add3A_128 = arith.addf %add3A_121, %get3A_127 : vector<16xf32>
      %mul3A_129 = arith.constant 16 : i32
      %mul3A_130 = arith.muli %scan3A_25, %mul3A_129 : i32
      %get3A_131 = arith.constant 15 : i32
      %get3A_132 = arith.index_cast %get3A_131 : i32 to index
      %get3A_133 = arith.index_cast %mul3A_130 : i32 to index
      %get3A_134 = tpu.vector_load %arg6[%get3A_132, %get3A_133] {strides = array<i32>} : memref<16x640xf32, #tpu.memory_space<vmem>>, vector<16xf32>,
      %add3A_135 = arith.addf %add3A_128, %get3A_134 : vector<16xf32>
      %mul3A_136 = arith.constant 16 : i32
      %mul3A_137 = arith.muli %scan3A_25, %mul3A_136 : i32
      %swap3A = arith.index_cast %mul3A_137 : i32 to index
      %swap3A_138 = tpu.vector_load %arg7[%swap3A] {strides = array<i32>} : memref<640xf32, #tpu.memory_space<vmem>>, vector<16xf32>,
      tpu.vector_store %arg7[%swap3A], %add3A_135 {strides = array<i32>} : memref<640xf32, #tpu.memory_space<vmem>>, vector<16xf32>,
    }
    %scan3A_22 = arith.constant 40 : i32
    %mul3A_23 = arith.constant 640 : i32
    %mul3A_24 = arith.muli %arg1, %mul3A_23 : i32
    "tpu.region"() ({
      %run_scoped3A = tpu.sem_alloc : memref<!tpu.dma_semaphore, #tpu.memory_space<semaphore_mem>>
      %dma_start3A = tpu.memref_slice %arg3[%arg0, %mul3A_24] : memref<2x10240xf32, #tpu.memory_space<hbm>> -> memref<1x640xf32, #tpu.memory_space<hbm>>
      %dma_start3A_25 = tpu.memref_squeeze %dma_start3A : memref<1x640xf32, #tpu.memory_space<hbm>> -> memref<640xf32, #tpu.memory_space<hbm>>
      %dma_start3A_26 = tpu.memref_slice %arg3[%arg0, %mul3A_24] : memref<2x10240xf32, #tpu.memory_space<hbm>> -> memref<1x640xf32, #tpu.memory_space<hbm>>
      %dma_start3A_27 = tpu.memref_squeeze %dma_start3A_26 : memref<1x640xf32, #tpu.memory_space<hbm>> -> memref<640xf32, #tpu.memory_space<hbm>>
      tpu.enqueue_dma source(%arg7 : memref<640xf32, #tpu.memory_space<vmem>>) target(%dma_start3A_27 : memref<640xf32, #tpu.memory_space<hbm>>) target_semaphore(%run_scoped3A : memref<!tpu.dma_semaphore, #tpu.memory_space<semaphore_mem>>)
      %dma_wait3A = tpu.memref_slice %arg3[%arg0, %mul3A_24] : memref<2x10240xf32, #tpu.memory_space<hbm>> -> memref<1x640xf32, #tpu.memory_space<hbm>>
      %dma_wait3A_28 = tpu.memref_squeeze %dma_wait3A : memref<1x640xf32, #tpu.memory_space<hbm>> -> memref<640xf32, #tpu.memory_space<hbm>>
      %dma_wait3A_29 = tpu.memref_slice %arg3[%arg0, %mul3A_24] : memref<2x10240xf32, #tpu.memory_space<hbm>> -> memref<1x640xf32, #tpu.memory_space<hbm>>
      %dma_wait3A_30 = tpu.memref_squeeze %dma_wait3A_29 : memref<1x640xf32, #tpu.memory_space<hbm>> -> memref<640xf32, #tpu.memory_space<hbm>>
      tpu.wait_dma2 semaphore(%run_scoped3A : memref<!tpu.dma_semaphore, #tpu.memory_space<semaphore_mem>>) src(%arg7 : memref<640xf32, #tpu.memory_space<vmem>>) dst(%dma_wait3A_30 : memref<640xf32, #tpu.memory_space<hbm>>)
      tpu.yield
    }) : () -> ()
    return
  }
}

#map = affine_map<(d0, d1) -> (0, 0)>
#map1 = affine_map<(d0, d1) -> (0, 0, 0)>
module attributes {stable_mosaic.version = 14 : i64} {
  func.func @_agg_call(%arg0: i32, %arg1: i32, %arg2: memref<10000x128xf32, #tpu.memory_space<hbm>>, %arg3: memref<10000x128xf32, #tpu.memory_space<hbm>>, %arg4: memref<5120x64xi32, #tpu.memory_space<hbm>>, %arg5: memref<5120x64xi32, #tpu.memory_space<hbm>>, %arg6: memref<2x10112x128xf32, #tpu.memory_space<hbm>>, %arg7: memref<32x64xi32, #tpu.memory_space<vmem>>, %arg8: memref<32x64xi32, #tpu.memory_space<vmem>>, %arg9: memref<32x64xi32, #tpu.memory_space<vmem>>, %arg10: memref<32x64xi32, #tpu.memory_space<vmem>>, %arg11: memref<64x128xf32, #tpu.memory_space<vmem>>, %arg12: memref<64x128xf32, #tpu.memory_space<vmem>>, %arg13: memref<64x128xf32, #tpu.memory_space<vmem>>, %arg14: memref<64x128xf32, #tpu.memory_space<vmem>>, %arg15: memref<10112x128xf32, #tpu.memory_space<vmem_shared>>, %arg16: memref<!tpu.dma_semaphore, #tpu.memory_space<semaphore_mem>>, %arg17: memref<!tpu.dma_semaphore, #tpu.memory_space<semaphore_mem>>, %arg18: memref<!tpu.dma_semaphore, #tpu.memory_space<semaphore_mem>>, %arg19: memref<!tpu.dma_semaphore, #tpu.memory_space<semaphore_mem>>, %arg20: memref<!tpu.dma_semaphore, #tpu.memory_space<semaphore_mem>>, %arg21: memref<!tpu.dma_semaphore, #tpu.memory_space<semaphore_mem>>, %arg22: memref<!tpu.dma_semaphore, #tpu.memory_space<semaphore_mem>>, %arg23: memref<!tpu.dma_semaphore, #tpu.memory_space<semaphore_mem>>) attributes {dimension_semantics = [#tpu.dimension_semantics<core_parallel>, #tpu.dimension_semantics<subcore_parallel>], iteration_bounds = array<i64: 2, 16>, scalar_prefetch = 0 : i64, scratch_operands = 17 : i64, tpu.core_type = #tpu.core_type<sc_vector_subcore>, window_params = [{transform_indices = #map}, {transform_indices = #map}, {transform_indices = #map}, {transform_indices = #map}, {transform_indices = #map1}]} {
    %scan3A = arith.constant 0 : i32
    %scan3A_0 = arith.constant 0 : i32
    %scan3A_1 = arith.constant 512 : i32
    %scan3A_2 = arith.addi %scan3A_0, %scan3A_1 : i32
    %scan3A_3 = arith.constant 1 : i32
    scf.for %scan3A_33 = %scan3A_0 to %scan3A_2 step %scan3A_3  : i32 {
      %broadcast_in_dim3A = arith.constant 0.000000e+00 : f32
      %broadcast_in_dim3A_34 = vector.broadcast %broadcast_in_dim3A : f32 to vector<16xf32>
      %jit3A = arith.constant 8 : i32
      %div3A = arith.divsi %scan3A_33, %jit3A : i32
      %sign3A = arith.constant 0 : i32
      %sign3A_35 = arith.cmpi sgt, %scan3A_33, %sign3A : i32
      %sign3A_36 = arith.extui %sign3A_35 : i1 to i32
      %sign3A_37 = arith.constant 0 : i32
      %sign3A_38 = arith.cmpi slt, %scan3A_33, %sign3A_37 : i32
      %sign3A_39 = arith.extui %sign3A_38 : i1 to i32
      %sign3A_40 = arith.subi %sign3A_36, %sign3A_39 : i32
      %sign3A_41 = arith.constant 0 : i32
      %sign3A_42 = arith.cmpi sgt, %jit3A, %sign3A_41 : i32
      %sign3A_43 = arith.extui %sign3A_42 : i1 to i32
      %sign3A_44 = arith.constant 0 : i32
      %sign3A_45 = arith.cmpi slt, %jit3A, %sign3A_44 : i32
      %sign3A_46 = arith.extui %sign3A_45 : i1 to i32
      %sign3A_47 = arith.subi %sign3A_43, %sign3A_46 : i32
      %ne3A = arith.cmpi ne, %sign3A_40, %sign3A_47 : i32
      %rem3A = arith.remsi %scan3A_33, %jit3A : i32
      %ne3A_48 = arith.constant 0 : i32
      %ne3A_49 = arith.cmpi ne, %rem3A, %ne3A_48 : i32
      %and3A = arith.andi %ne3A, %ne3A_49 : i1
      %sub3A = arith.constant 1 : i32
      %sub3A_50 = arith.subi %div3A, %sub3A : i32
      %select_n3A = arith.select %and3A, %sub3A_50, %div3A : i32
      %jit3A_51 = arith.constant 8 : i32
      %eq3A_52 = arith.constant 0 : i32
      %eq3A_53 = arith.cmpi eq, %jit3A_51, %eq3A_52 : i32
      %jit3A_54 = arith.constant 1 : i32
      %select_n3A_55 = arith.select %eq3A_53, %jit3A_54, %jit3A_51 : i32
      %rem3A_56 = arith.remsi %scan3A_33, %select_n3A_55 : i32
      %ne3A_57 = arith.constant 0 : i32
      %ne3A_58 = arith.cmpi ne, %rem3A_56, %ne3A_57 : i32
      %lt3A = arith.constant 0 : i32
      %lt3A_59 = arith.cmpi slt, %rem3A_56, %lt3A : i32
      %lt3A_60 = arith.constant 0 : i32
      %lt3A_61 = arith.cmpi slt, %select_n3A_55, %lt3A_60 : i32
      %ne3A_62 = arith.xori %lt3A_59, %lt3A_61 : i1
      %and3A_63 = arith.andi %ne3A_62, %ne3A_58 : i1
      %add3A_64 = arith.addi %rem3A_56, %select_n3A_55 : i32
      %select_n3A_65 = arith.select %and3A_63, %add3A_64, %rem3A_56 : i32
      %mul3A_66 = arith.constant 16 : i32
      %mul3A_67 = arith.muli %select_n3A_65, %mul3A_66 : i32
      %swap3A = arith.index_cast %select_n3A : i32 to index
      %swap3A_68 = arith.index_cast %mul3A_67 : i32 to index
      %swap3A_69 = tpu.vector_load %arg11[%swap3A, %swap3A_68] {strides = array<i32>} : memref<64x128xf32, #tpu.memory_space<vmem>>, vector<1x16xf32>,
      %swap3A_70 = vector.shape_cast %swap3A_69 : vector<1x16xf32> to vector<16xf32>
      %swap3A_71 = vector.shape_cast %broadcast_in_dim3A_34 : vector<16xf32> to vector<1x16xf32>
      tpu.vector_store %arg11[%swap3A, %swap3A_68], %swap3A_71 {strides = array<i32>} : memref<64x128xf32, #tpu.memory_space<vmem>>, vector<1x16xf32>,
    }
    %scan3A_4 = arith.constant 512 : i32
    %mul3A = arith.constant 632 : i32
    %mul3A_5 = arith.muli %arg1, %mul3A : i32
    %add3A = arith.constant 0 : i32
    %add3A_6 = arith.addi %mul3A_5, %add3A : i32
    "tpu.region"() ({
      %run_scoped3A = tpu.sem_alloc : memref<!tpu.dma_semaphore, #tpu.memory_space<semaphore_mem>>
      %dma_start3A = arith.constant 0 : i32
      %dma_start3A_33 = arith.constant 0 : i32
      %dma_start3A_34 = tpu.memref_slice %arg11[%dma_start3A, %dma_start3A_33] : memref<64x128xf32, #tpu.memory_space<vmem>> -> memref<64x128xf32, #tpu.memory_space<vmem>>
      %dma_start3A_35 = arith.constant 0 : i32
      %dma_start3A_36 = tpu.memref_slice %arg15[%add3A_6, %dma_start3A_35] : memref<10112x128xf32, #tpu.memory_space<vmem_shared>> -> memref<64x128xf32, #tpu.memory_space<vmem_shared>>
      %dma_start3A_37 = arith.constant 0 : i32
      %dma_start3A_38 = tpu.memref_slice %arg15[%add3A_6, %dma_start3A_37] : memref<10112x128xf32, #tpu.memory_space<vmem_shared>> -> memref<64x128xf32, #tpu.memory_space<vmem_shared>>
      %dma_start3A_39 = arith.constant 0 : i32
      %dma_start3A_40 = arith.constant 0 : i32
      %dma_start3A_41 = tpu.memref_slice %arg11[%dma_start3A_39, %dma_start3A_40] : memref<64x128xf32, #tpu.memory_space<vmem>> -> memref<64x128xf32, #tpu.memory_space<vmem>>
      tpu.enqueue_dma source(%dma_start3A_41 : memref<64x128xf32, #tpu.memory_space<vmem>>) target(%dma_start3A_38 : memref<64x128xf32, #tpu.memory_space<vmem_shared>>) target_semaphore(%run_scoped3A : memref<!tpu.dma_semaphore, #tpu.memory_space<semaphore_mem>>)
      %dma_wait3A = arith.constant 0 : i32
      %dma_wait3A_42 = arith.constant 0 : i32
      %dma_wait3A_43 = tpu.memref_slice %arg11[%dma_wait3A, %dma_wait3A_42] : memref<64x128xf32, #tpu.memory_space<vmem>> -> memref<64x128xf32, #tpu.memory_space<vmem>>
      %dma_wait3A_44 = arith.constant 0 : i32
      %dma_wait3A_45 = tpu.memref_slice %arg15[%add3A_6, %dma_wait3A_44] : memref<10112x128xf32, #tpu.memory_space<vmem_shared>> -> memref<64x128xf32, #tpu.memory_space<vmem_shared>>
      %dma_wait3A_46 = arith.constant 0 : i32
      %dma_wait3A_47 = tpu.memref_slice %arg15[%add3A_6, %dma_wait3A_46] : memref<10112x128xf32, #tpu.memory_space<vmem_shared>> -> memref<64x128xf32, #tpu.memory_space<vmem_shared>>
      %dma_wait3A_48 = arith.constant 0 : i32
      %dma_wait3A_49 = arith.constant 0 : i32
      %dma_wait3A_50 = tpu.memref_slice %arg11[%dma_wait3A_48, %dma_wait3A_49] : memref<64x128xf32, #tpu.memory_space<vmem>> -> memref<64x128xf32, #tpu.memory_space<vmem>>
      tpu.wait_dma2 semaphore(%run_scoped3A : memref<!tpu.dma_semaphore, #tpu.memory_space<semaphore_mem>>) src(%dma_wait3A_50 : memref<64x128xf32, #tpu.memory_space<vmem>>) dst(%dma_wait3A_47 : memref<64x128xf32, #tpu.memory_space<vmem_shared>>)
      tpu.yield
    }) : () -> ()
    %add3A_7 = arith.constant 64 : i32
    %add3A_8 = arith.addi %mul3A_5, %add3A_7 : i32
    "tpu.region"() ({
      %run_scoped3A = tpu.sem_alloc : memref<!tpu.dma_semaphore, #tpu.memory_space<semaphore_mem>>
      %dma_start3A = arith.constant 0 : i32
      %dma_start3A_33 = arith.constant 0 : i32
      %dma_start3A_34 = tpu.memref_slice %arg11[%dma_start3A, %dma_start3A_33] : memref<64x128xf32, #tpu.memory_space<vmem>> -> memref<64x128xf32, #tpu.memory_space<vmem>>
      %dma_start3A_35 = arith.constant 0 : i32
      %dma_start3A_36 = tpu.memref_slice %arg15[%add3A_8, %dma_start3A_35] : memref<10112x128xf32, #tpu.memory_space<vmem_shared>> -> memref<64x128xf32, #tpu.memory_space<vmem_shared>>
      %dma_start3A_37 = arith.constant 0 : i32
      %dma_start3A_38 = tpu.memref_slice %arg15[%add3A_8, %dma_start3A_37] : memref<10112x128xf32, #tpu.memory_space<vmem_shared>> -> memref<64x128xf32, #tpu.memory_space<vmem_shared>>
      %dma_start3A_39 = arith.constant 0 : i32
      %dma_start3A_40 = arith.constant 0 : i32
      %dma_start3A_41 = tpu.memref_slice %arg11[%dma_start3A_39, %dma_start3A_40] : memref<64x128xf32, #tpu.memory_space<vmem>> -> memref<64x128xf32, #tpu.memory_space<vmem>>
      tpu.enqueue_dma source(%dma_start3A_41 : memref<64x128xf32, #tpu.memory_space<vmem>>) target(%dma_start3A_38 : memref<64x128xf32, #tpu.memory_space<vmem_shared>>) target_semaphore(%run_scoped3A : memref<!tpu.dma_semaphore, #tpu.memory_space<semaphore_mem>>)
      %dma_wait3A = arith.constant 0 : i32
      %dma_wait3A_42 = arith.constant 0 : i32
      %dma_wait3A_43 = tpu.memref_slice %arg11[%dma_wait3A, %dma_wait3A_42] : memref<64x128xf32, #tpu.memory_space<vmem>> -> memref<64x128xf32, #tpu.memory_space<vmem>>
      %dma_wait3A_44 = arith.constant 0 : i32
      %dma_wait3A_45 = tpu.memref_slice %arg15[%add3A_8, %dma_wait3A_44] : memref<10112x128xf32, #tpu.memory_space<vmem_shared>> -> memref<64x128xf32, #tpu.memory_space<vmem_shared>>
      %dma_wait3A_46 = arith.constant 0 : i32
      %dma_wait3A_47 = tpu.memref_slice %arg15[%add3A_8, %dma_wait3A_46] : memref<10112x128xf32, #tpu.memory_space<vmem_shared>> -> memref<64x128xf32, #tpu.memory_space<vmem_shared>>
      %dma_wait3A_48 = arith.constant 0 : i32
      %dma_wait3A_49 = arith.constant 0 : i32
      %dma_wait3A_50 = tpu.memref_slice %arg11[%dma_wait3A_48, %dma_wait3A_49] : memref<64x128xf32, #tpu.memory_space<vmem>> -> memref<64x128xf32, #tpu.memory_space<vmem>>
      tpu.wait_dma2 semaphore(%run_scoped3A : memref<!tpu.dma_semaphore, #tpu.memory_space<semaphore_mem>>) src(%dma_wait3A_50 : memref<64x128xf32, #tpu.memory_space<vmem>>) dst(%dma_wait3A_47 : memref<64x128xf32, #tpu.memory_space<vmem_shared>>)
      tpu.yield
    }) : () -> ()
    %add3A_9 = arith.constant 128 : i32
    %add3A_10 = arith.addi %mul3A_5, %add3A_9 : i32
    "tpu.region"() ({
      %run_scoped3A = tpu.sem_alloc : memref<!tpu.dma_semaphore, #tpu.memory_space<semaphore_mem>>
      %dma_start3A = arith.constant 0 : i32
      %dma_start3A_33 = arith.constant 0 : i32
      %dma_start3A_34 = tpu.memref_slice %arg11[%dma_start3A, %dma_start3A_33] : memref<64x128xf32, #tpu.memory_space<vmem>> -> memref<64x128xf32, #tpu.memory_space<vmem>>
      %dma_start3A_35 = arith.constant 0 : i32
      %dma_start3A_36 = tpu.memref_slice %arg15[%add3A_10, %dma_start3A_35] : memref<10112x128xf32, #tpu.memory_space<vmem_shared>> -> memref<64x128xf32, #tpu.memory_space<vmem_shared>>
      %dma_start3A_37 = arith.constant 0 : i32
      %dma_start3A_38 = tpu.memref_slice %arg15[%add3A_10, %dma_start3A_37] : memref<10112x128xf32, #tpu.memory_space<vmem_shared>> -> memref<64x128xf32, #tpu.memory_space<vmem_shared>>
      %dma_start3A_39 = arith.constant 0 : i32
      %dma_start3A_40 = arith.constant 0 : i32
      %dma_start3A_41 = tpu.memref_slice %arg11[%dma_start3A_39, %dma_start3A_40] : memref<64x128xf32, #tpu.memory_space<vmem>> -> memref<64x128xf32, #tpu.memory_space<vmem>>
      tpu.enqueue_dma source(%dma_start3A_41 : memref<64x128xf32, #tpu.memory_space<vmem>>) target(%dma_start3A_38 : memref<64x128xf32, #tpu.memory_space<vmem_shared>>) target_semaphore(%run_scoped3A : memref<!tpu.dma_semaphore, #tpu.memory_space<semaphore_mem>>)
      %dma_wait3A = arith.constant 0 : i32
      %dma_wait3A_42 = arith.constant 0 : i32
      %dma_wait3A_43 = tpu.memref_slice %arg11[%dma_wait3A, %dma_wait3A_42] : memref<64x128xf32, #tpu.memory_space<vmem>> -> memref<64x128xf32, #tpu.memory_space<vmem>>
      %dma_wait3A_44 = arith.constant 0 : i32
      %dma_wait3A_45 = tpu.memref_slice %arg15[%add3A_10, %dma_wait3A_44] : memref<10112x128xf32, #tpu.memory_space<vmem_shared>> -> memref<64x128xf32, #tpu.memory_space<vmem_shared>>
      %dma_wait3A_46 = arith.constant 0 : i32
      %dma_wait3A_47 = tpu.memref_slice %arg15[%add3A_10, %dma_wait3A_46] : memref<10112x128xf32, #tpu.memory_space<vmem_shared>> -> memref<64x128xf32, #tpu.memory_space<vmem_shared>>
      %dma_wait3A_48 = arith.constant 0 : i32
      %dma_wait3A_49 = arith.constant 0 : i32
      %dma_wait3A_50 = tpu.memref_slice %arg11[%dma_wait3A_48, %dma_wait3A_49] : memref<64x128xf32, #tpu.memory_space<vmem>> -> memref<64x128xf32, #tpu.memory_space<vmem>>
      tpu.wait_dma2 semaphore(%run_scoped3A : memref<!tpu.dma_semaphore, #tpu.memory_space<semaphore_mem>>) src(%dma_wait3A_50 : memref<64x128xf32, #tpu.memory_space<vmem>>) dst(%dma_wait3A_47 : memref<64x128xf32, #tpu.memory_space<vmem_shared>>)
      tpu.yield
    }) : () -> ()
    %add3A_11 = arith.constant 192 : i32
    %add3A_12 = arith.addi %mul3A_5, %add3A_11 : i32
    "tpu.region"() ({
      %run_scoped3A = tpu.sem_alloc : memref<!tpu.dma_semaphore, #tpu.memory_space<semaphore_mem>>
      %dma_start3A = arith.constant 0 : i32
      %dma_start3A_33 = arith.constant 0 : i32
      %dma_start3A_34 = tpu.memref_slice %arg11[%dma_start3A, %dma_start3A_33] : memref<64x128xf32, #tpu.memory_space<vmem>> -> memref<64x128xf32, #tpu.memory_space<vmem>>
      %dma_start3A_35 = arith.constant 0 : i32
      %dma_start3A_36 = tpu.memref_slice %arg15[%add3A_12, %dma_start3A_35] : memref<10112x128xf32, #tpu.memory_space<vmem_shared>> -> memref<64x128xf32, #tpu.memory_space<vmem_shared>>
      %dma_start3A_37 = arith.constant 0 : i32
      %dma_start3A_38 = tpu.memref_slice %arg15[%add3A_12, %dma_start3A_37] : memref<10112x128xf32, #tpu.memory_space<vmem_shared>> -> memref<64x128xf32, #tpu.memory_space<vmem_shared>>
      %dma_start3A_39 = arith.constant 0 : i32
      %dma_start3A_40 = arith.constant 0 : i32
      %dma_start3A_41 = tpu.memref_slice %arg11[%dma_start3A_39, %dma_start3A_40] : memref<64x128xf32, #tpu.memory_space<vmem>> -> memref<64x128xf32, #tpu.memory_space<vmem>>
      tpu.enqueue_dma source(%dma_start3A_41 : memref<64x128xf32, #tpu.memory_space<vmem>>) target(%dma_start3A_38 : memref<64x128xf32, #tpu.memory_space<vmem_shared>>) target_semaphore(%run_scoped3A : memref<!tpu.dma_semaphore, #tpu.memory_space<semaphore_mem>>)
      %dma_wait3A = arith.constant 0 : i32
      %dma_wait3A_42 = arith.constant 0 : i32
      %dma_wait3A_43 = tpu.memref_slice %arg11[%dma_wait3A, %dma_wait3A_42] : memref<64x128xf32, #tpu.memory_space<vmem>> -> memref<64x128xf32, #tpu.memory_space<vmem>>
      %dma_wait3A_44 = arith.constant 0 : i32
      %dma_wait3A_45 = tpu.memref_slice %arg15[%add3A_12, %dma_wait3A_44] : memref<10112x128xf32, #tpu.memory_space<vmem_shared>> -> memref<64x128xf32, #tpu.memory_space<vmem_shared>>
      %dma_wait3A_46 = arith.constant 0 : i32
      %dma_wait3A_47 = tpu.memref_slice %arg15[%add3A_12, %dma_wait3A_46] : memref<10112x128xf32, #tpu.memory_space<vmem_shared>> -> memref<64x128xf32, #tpu.memory_space<vmem_shared>>
      %dma_wait3A_48 = arith.constant 0 : i32
      %dma_wait3A_49 = arith.constant 0 : i32
      %dma_wait3A_50 = tpu.memref_slice %arg11[%dma_wait3A_48, %dma_wait3A_49] : memref<64x128xf32, #tpu.memory_space<vmem>> -> memref<64x128xf32, #tpu.memory_space<vmem>>
      tpu.wait_dma2 semaphore(%run_scoped3A : memref<!tpu.dma_semaphore, #tpu.memory_space<semaphore_mem>>) src(%dma_wait3A_50 : memref<64x128xf32, #tpu.memory_space<vmem>>) dst(%dma_wait3A_47 : memref<64x128xf32, #tpu.memory_space<vmem_shared>>)
      tpu.yield
    }) : () -> ()
    %add3A_13 = arith.constant 256 : i32
    %add3A_14 = arith.addi %mul3A_5, %add3A_13 : i32
    "tpu.region"() ({
      %run_scoped3A = tpu.sem_alloc : memref<!tpu.dma_semaphore, #tpu.memory_space<semaphore_mem>>
      %dma_start3A = arith.constant 0 : i32
      %dma_start3A_33 = arith.constant 0 : i32
      %dma_start3A_34 = tpu.memref_slice %arg11[%dma_start3A, %dma_start3A_33] : memref<64x128xf32, #tpu.memory_space<vmem>> -> memref<64x128xf32, #tpu.memory_space<vmem>>
      %dma_start3A_35 = arith.constant 0 : i32
      %dma_start3A_36 = tpu.memref_slice %arg15[%add3A_14, %dma_start3A_35] : memref<10112x128xf32, #tpu.memory_space<vmem_shared>> -> memref<64x128xf32, #tpu.memory_space<vmem_shared>>
      %dma_start3A_37 = arith.constant 0 : i32
      %dma_start3A_38 = tpu.memref_slice %arg15[%add3A_14, %dma_start3A_37] : memref<10112x128xf32, #tpu.memory_space<vmem_shared>> -> memref<64x128xf32, #tpu.memory_space<vmem_shared>>
      %dma_start3A_39 = arith.constant 0 : i32
      %dma_start3A_40 = arith.constant 0 : i32
      %dma_start3A_41 = tpu.memref_slice %arg11[%dma_start3A_39, %dma_start3A_40] : memref<64x128xf32, #tpu.memory_space<vmem>> -> memref<64x128xf32, #tpu.memory_space<vmem>>
      tpu.enqueue_dma source(%dma_start3A_41 : memref<64x128xf32, #tpu.memory_space<vmem>>) target(%dma_start3A_38 : memref<64x128xf32, #tpu.memory_space<vmem_shared>>) target_semaphore(%run_scoped3A : memref<!tpu.dma_semaphore, #tpu.memory_space<semaphore_mem>>)
      %dma_wait3A = arith.constant 0 : i32
      %dma_wait3A_42 = arith.constant 0 : i32
      %dma_wait3A_43 = tpu.memref_slice %arg11[%dma_wait3A, %dma_wait3A_42] : memref<64x128xf32, #tpu.memory_space<vmem>> -> memref<64x128xf32, #tpu.memory_space<vmem>>
      %dma_wait3A_44 = arith.constant 0 : i32
      %dma_wait3A_45 = tpu.memref_slice %arg15[%add3A_14, %dma_wait3A_44] : memref<10112x128xf32, #tpu.memory_space<vmem_shared>> -> memref<64x128xf32, #tpu.memory_space<vmem_shared>>
      %dma_wait3A_46 = arith.constant 0 : i32
      %dma_wait3A_47 = tpu.memref_slice %arg15[%add3A_14, %dma_wait3A_46] : memref<10112x128xf32, #tpu.memory_space<vmem_shared>> -> memref<64x128xf32, #tpu.memory_space<vmem_shared>>
      %dma_wait3A_48 = arith.constant 0 : i32
      %dma_wait3A_49 = arith.constant 0 : i32
      %dma_wait3A_50 = tpu.memref_slice %arg11[%dma_wait3A_48, %dma_wait3A_49] : memref<64x128xf32, #tpu.memory_space<vmem>> -> memref<64x128xf32, #tpu.memory_space<vmem>>
      tpu.wait_dma2 semaphore(%run_scoped3A : memref<!tpu.dma_semaphore, #tpu.memory_space<semaphore_mem>>) src(%dma_wait3A_50 : memref<64x128xf32, #tpu.memory_space<vmem>>) dst(%dma_wait3A_47 : memref<64x128xf32, #tpu.memory_space<vmem_shared>>)
      tpu.yield
    }) : () -> ()
    %add3A_15 = arith.constant 320 : i32
    %add3A_16 = arith.addi %mul3A_5, %add3A_15 : i32
    "tpu.region"() ({
      %run_scoped3A = tpu.sem_alloc : memref<!tpu.dma_semaphore, #tpu.memory_space<semaphore_mem>>
      %dma_start3A = arith.constant 0 : i32
      %dma_start3A_33 = arith.constant 0 : i32
      %dma_start3A_34 = tpu.memref_slice %arg11[%dma_start3A, %dma_start3A_33] : memref<64x128xf32, #tpu.memory_space<vmem>> -> memref<64x128xf32, #tpu.memory_space<vmem>>
      %dma_start3A_35 = arith.constant 0 : i32
      %dma_start3A_36 = tpu.memref_slice %arg15[%add3A_16, %dma_start3A_35] : memref<10112x128xf32, #tpu.memory_space<vmem_shared>> -> memref<64x128xf32, #tpu.memory_space<vmem_shared>>
      %dma_start3A_37 = arith.constant 0 : i32
      %dma_start3A_38 = tpu.memref_slice %arg15[%add3A_16, %dma_start3A_37] : memref<10112x128xf32, #tpu.memory_space<vmem_shared>> -> memref<64x128xf32, #tpu.memory_space<vmem_shared>>
      %dma_start3A_39 = arith.constant 0 : i32
      %dma_start3A_40 = arith.constant 0 : i32
      %dma_start3A_41 = tpu.memref_slice %arg11[%dma_start3A_39, %dma_start3A_40] : memref<64x128xf32, #tpu.memory_space<vmem>> -> memref<64x128xf32, #tpu.memory_space<vmem>>
      tpu.enqueue_dma source(%dma_start3A_41 : memref<64x128xf32, #tpu.memory_space<vmem>>) target(%dma_start3A_38 : memref<64x128xf32, #tpu.memory_space<vmem_shared>>) target_semaphore(%run_scoped3A : memref<!tpu.dma_semaphore, #tpu.memory_space<semaphore_mem>>)
      %dma_wait3A = arith.constant 0 : i32
      %dma_wait3A_42 = arith.constant 0 : i32
      %dma_wait3A_43 = tpu.memref_slice %arg11[%dma_wait3A, %dma_wait3A_42] : memref<64x128xf32, #tpu.memory_space<vmem>> -> memref<64x128xf32, #tpu.memory_space<vmem>>
      %dma_wait3A_44 = arith.constant 0 : i32
      %dma_wait3A_45 = tpu.memref_slice %arg15[%add3A_16, %dma_wait3A_44] : memref<10112x128xf32, #tpu.memory_space<vmem_shared>> -> memref<64x128xf32, #tpu.memory_space<vmem_shared>>
      %dma_wait3A_46 = arith.constant 0 : i32
      %dma_wait3A_47 = tpu.memref_slice %arg15[%add3A_16, %dma_wait3A_46] : memref<10112x128xf32, #tpu.memory_space<vmem_shared>> -> memref<64x128xf32, #tpu.memory_space<vmem_shared>>
      %dma_wait3A_48 = arith.constant 0 : i32
      %dma_wait3A_49 = arith.constant 0 : i32
      %dma_wait3A_50 = tpu.memref_slice %arg11[%dma_wait3A_48, %dma_wait3A_49] : memref<64x128xf32, #tpu.memory_space<vmem>> -> memref<64x128xf32, #tpu.memory_space<vmem>>
      tpu.wait_dma2 semaphore(%run_scoped3A : memref<!tpu.dma_semaphore, #tpu.memory_space<semaphore_mem>>) src(%dma_wait3A_50 : memref<64x128xf32, #tpu.memory_space<vmem>>) dst(%dma_wait3A_47 : memref<64x128xf32, #tpu.memory_space<vmem_shared>>)
      tpu.yield
    }) : () -> ()
    %add3A_17 = arith.constant 384 : i32
    %add3A_18 = arith.addi %mul3A_5, %add3A_17 : i32
    "tpu.region"() ({
      %run_scoped3A = tpu.sem_alloc : memref<!tpu.dma_semaphore, #tpu.memory_space<semaphore_mem>>
      %dma_start3A = arith.constant 0 : i32
      %dma_start3A_33 = arith.constant 0 : i32
      %dma_start3A_34 = tpu.memref_slice %arg11[%dma_start3A, %dma_start3A_33] : memref<64x128xf32, #tpu.memory_space<vmem>> -> memref<64x128xf32, #tpu.memory_space<vmem>>
      %dma_start3A_35 = arith.constant 0 : i32
      %dma_start3A_36 = tpu.memref_slice %arg15[%add3A_18, %dma_start3A_35] : memref<10112x128xf32, #tpu.memory_space<vmem_shared>> -> memref<64x128xf32, #tpu.memory_space<vmem_shared>>
      %dma_start3A_37 = arith.constant 0 : i32
      %dma_start3A_38 = tpu.memref_slice %arg15[%add3A_18, %dma_start3A_37] : memref<10112x128xf32, #tpu.memory_space<vmem_shared>> -> memref<64x128xf32, #tpu.memory_space<vmem_shared>>
      %dma_start3A_39 = arith.constant 0 : i32
      %dma_start3A_40 = arith.constant 0 : i32
      %dma_start3A_41 = tpu.memref_slice %arg11[%dma_start3A_39, %dma_start3A_40] : memref<64x128xf32, #tpu.memory_space<vmem>> -> memref<64x128xf32, #tpu.memory_space<vmem>>
      tpu.enqueue_dma source(%dma_start3A_41 : memref<64x128xf32, #tpu.memory_space<vmem>>) target(%dma_start3A_38 : memref<64x128xf32, #tpu.memory_space<vmem_shared>>) target_semaphore(%run_scoped3A : memref<!tpu.dma_semaphore, #tpu.memory_space<semaphore_mem>>)
      %dma_wait3A = arith.constant 0 : i32
      %dma_wait3A_42 = arith.constant 0 : i32
      %dma_wait3A_43 = tpu.memref_slice %arg11[%dma_wait3A, %dma_wait3A_42] : memref<64x128xf32, #tpu.memory_space<vmem>> -> memref<64x128xf32, #tpu.memory_space<vmem>>
      %dma_wait3A_44 = arith.constant 0 : i32
      %dma_wait3A_45 = tpu.memref_slice %arg15[%add3A_18, %dma_wait3A_44] : memref<10112x128xf32, #tpu.memory_space<vmem_shared>> -> memref<64x128xf32, #tpu.memory_space<vmem_shared>>
      %dma_wait3A_46 = arith.constant 0 : i32
      %dma_wait3A_47 = tpu.memref_slice %arg15[%add3A_18, %dma_wait3A_46] : memref<10112x128xf32, #tpu.memory_space<vmem_shared>> -> memref<64x128xf32, #tpu.memory_space<vmem_shared>>
      %dma_wait3A_48 = arith.constant 0 : i32
      %dma_wait3A_49 = arith.constant 0 : i32
      %dma_wait3A_50 = tpu.memref_slice %arg11[%dma_wait3A_48, %dma_wait3A_49] : memref<64x128xf32, #tpu.memory_space<vmem>> -> memref<64x128xf32, #tpu.memory_space<vmem>>
      tpu.wait_dma2 semaphore(%run_scoped3A : memref<!tpu.dma_semaphore, #tpu.memory_space<semaphore_mem>>) src(%dma_wait3A_50 : memref<64x128xf32, #tpu.memory_space<vmem>>) dst(%dma_wait3A_47 : memref<64x128xf32, #tpu.memory_space<vmem_shared>>)
      tpu.yield
    }) : () -> ()
    %add3A_19 = arith.constant 448 : i32
    %add3A_20 = arith.addi %mul3A_5, %add3A_19 : i32
    "tpu.region"() ({
      %run_scoped3A = tpu.sem_alloc : memref<!tpu.dma_semaphore, #tpu.memory_space<semaphore_mem>>
      %dma_start3A = arith.constant 0 : i32
      %dma_start3A_33 = arith.constant 0 : i32
      %dma_start3A_34 = tpu.memref_slice %arg11[%dma_start3A, %dma_start3A_33] : memref<64x128xf32, #tpu.memory_space<vmem>> -> memref<64x128xf32, #tpu.memory_space<vmem>>
      %dma_start3A_35 = arith.constant 0 : i32
      %dma_start3A_36 = tpu.memref_slice %arg15[%add3A_20, %dma_start3A_35] : memref<10112x128xf32, #tpu.memory_space<vmem_shared>> -> memref<64x128xf32, #tpu.memory_space<vmem_shared>>
      %dma_start3A_37 = arith.constant 0 : i32
      %dma_start3A_38 = tpu.memref_slice %arg15[%add3A_20, %dma_start3A_37] : memref<10112x128xf32, #tpu.memory_space<vmem_shared>> -> memref<64x128xf32, #tpu.memory_space<vmem_shared>>
      %dma_start3A_39 = arith.constant 0 : i32
      %dma_start3A_40 = arith.constant 0 : i32
      %dma_start3A_41 = tpu.memref_slice %arg11[%dma_start3A_39, %dma_start3A_40] : memref<64x128xf32, #tpu.memory_space<vmem>> -> memref<64x128xf32, #tpu.memory_space<vmem>>
      tpu.enqueue_dma source(%dma_start3A_41 : memref<64x128xf32, #tpu.memory_space<vmem>>) target(%dma_start3A_38 : memref<64x128xf32, #tpu.memory_space<vmem_shared>>) target_semaphore(%run_scoped3A : memref<!tpu.dma_semaphore, #tpu.memory_space<semaphore_mem>>)
      %dma_wait3A = arith.constant 0 : i32
      %dma_wait3A_42 = arith.constant 0 : i32
      %dma_wait3A_43 = tpu.memref_slice %arg11[%dma_wait3A, %dma_wait3A_42] : memref<64x128xf32, #tpu.memory_space<vmem>> -> memref<64x128xf32, #tpu.memory_space<vmem>>
      %dma_wait3A_44 = arith.constant 0 : i32
      %dma_wait3A_45 = tpu.memref_slice %arg15[%add3A_20, %dma_wait3A_44] : memref<10112x128xf32, #tpu.memory_space<vmem_shared>> -> memref<64x128xf32, #tpu.memory_space<vmem_shared>>
      %dma_wait3A_46 = arith.constant 0 : i32
      %dma_wait3A_47 = tpu.memref_slice %arg15[%add3A_20, %dma_wait3A_46] : memref<10112x128xf32, #tpu.memory_space<vmem_shared>> -> memref<64x128xf32, #tpu.memory_space<vmem_shared>>
      %dma_wait3A_48 = arith.constant 0 : i32
      %dma_wait3A_49 = arith.constant 0 : i32
      %dma_wait3A_50 = tpu.memref_slice %arg11[%dma_wait3A_48, %dma_wait3A_49] : memref<64x128xf32, #tpu.memory_space<vmem>> -> memref<64x128xf32, #tpu.memory_space<vmem>>
      tpu.wait_dma2 semaphore(%run_scoped3A : memref<!tpu.dma_semaphore, #tpu.memory_space<semaphore_mem>>) src(%dma_wait3A_50 : memref<64x128xf32, #tpu.memory_space<vmem>>) dst(%dma_wait3A_47 : memref<64x128xf32, #tpu.memory_space<vmem_shared>>)
      tpu.yield
    }) : () -> ()
    %add3A_21 = arith.constant 512 : i32
    %add3A_22 = arith.addi %mul3A_5, %add3A_21 : i32
    "tpu.region"() ({
      %run_scoped3A = tpu.sem_alloc : memref<!tpu.dma_semaphore, #tpu.memory_space<semaphore_mem>>
      %dma_start3A = arith.constant 0 : i32
      %dma_start3A_33 = arith.constant 0 : i32
      %dma_start3A_34 = tpu.memref_slice %arg11[%dma_start3A, %dma_start3A_33] : memref<64x128xf32, #tpu.memory_space<vmem>> -> memref<64x128xf32, #tpu.memory_space<vmem>>
      %dma_start3A_35 = arith.constant 0 : i32
      %dma_start3A_36 = tpu.memref_slice %arg15[%add3A_22, %dma_start3A_35] : memref<10112x128xf32, #tpu.memory_space<vmem_shared>> -> memref<64x128xf32, #tpu.memory_space<vmem_shared>>
      %dma_start3A_37 = arith.constant 0 : i32
      %dma_start3A_38 = tpu.memref_slice %arg15[%add3A_22, %dma_start3A_37] : memref<10112x128xf32, #tpu.memory_space<vmem_shared>> -> memref<64x128xf32, #tpu.memory_space<vmem_shared>>
      %dma_start3A_39 = arith.constant 0 : i32
      %dma_start3A_40 = arith.constant 0 : i32
      %dma_start3A_41 = tpu.memref_slice %arg11[%dma_start3A_39, %dma_start3A_40] : memref<64x128xf32, #tpu.memory_space<vmem>> -> memref<64x128xf32, #tpu.memory_space<vmem>>
      tpu.enqueue_dma source(%dma_start3A_41 : memref<64x128xf32, #tpu.memory_space<vmem>>) target(%dma_start3A_38 : memref<64x128xf32, #tpu.memory_space<vmem_shared>>) target_semaphore(%run_scoped3A : memref<!tpu.dma_semaphore, #tpu.memory_space<semaphore_mem>>)
      %dma_wait3A = arith.constant 0 : i32
      %dma_wait3A_42 = arith.constant 0 : i32
      %dma_wait3A_43 = tpu.memref_slice %arg11[%dma_wait3A, %dma_wait3A_42] : memref<64x128xf32, #tpu.memory_space<vmem>> -> memref<64x128xf32, #tpu.memory_space<vmem>>
      %dma_wait3A_44 = arith.constant 0 : i32
      %dma_wait3A_45 = tpu.memref_slice %arg15[%add3A_22, %dma_wait3A_44] : memref<10112x128xf32, #tpu.memory_space<vmem_shared>> -> memref<64x128xf32, #tpu.memory_space<vmem_shared>>
      %dma_wait3A_46 = arith.constant 0 : i32
      %dma_wait3A_47 = tpu.memref_slice %arg15[%add3A_22, %dma_wait3A_46] : memref<10112x128xf32, #tpu.memory_space<vmem_shared>> -> memref<64x128xf32, #tpu.memory_space<vmem_shared>>
      %dma_wait3A_48 = arith.constant 0 : i32
      %dma_wait3A_49 = arith.constant 0 : i32
      %dma_wait3A_50 = tpu.memref_slice %arg11[%dma_wait3A_48, %dma_wait3A_49] : memref<64x128xf32, #tpu.memory_space<vmem>> -> memref<64x128xf32, #tpu.memory_space<vmem>>
      tpu.wait_dma2 semaphore(%run_scoped3A : memref<!tpu.dma_semaphore, #tpu.memory_space<semaphore_mem>>) src(%dma_wait3A_50 : memref<64x128xf32, #tpu.memory_space<vmem>>) dst(%dma_wait3A_47 : memref<64x128xf32, #tpu.memory_space<vmem_shared>>)
      tpu.yield
    }) : () -> ()
    %add3A_23 = arith.constant 576 : i32
    %add3A_24 = arith.addi %mul3A_5, %add3A_23 : i32
    "tpu.region"() ({
      %run_scoped3A = tpu.sem_alloc : memref<!tpu.dma_semaphore, #tpu.memory_space<semaphore_mem>>
      %dma_start3A = arith.constant 0 : i32
      %dma_start3A_33 = arith.constant 0 : i32
      %dma_start3A_34 = tpu.memref_slice %arg11[%dma_start3A, %dma_start3A_33] : memref<64x128xf32, #tpu.memory_space<vmem>> -> memref<56x128xf32, #tpu.memory_space<vmem>>
      %dma_start3A_35 = arith.constant 0 : i32
      %dma_start3A_36 = tpu.memref_slice %arg15[%add3A_24, %dma_start3A_35] : memref<10112x128xf32, #tpu.memory_space<vmem_shared>> -> memref<56x128xf32, #tpu.memory_space<vmem_shared>>
      %dma_start3A_37 = arith.constant 0 : i32
      %dma_start3A_38 = tpu.memref_slice %arg15[%add3A_24, %dma_start3A_37] : memref<10112x128xf32, #tpu.memory_space<vmem_shared>> -> memref<56x128xf32, #tpu.memory_space<vmem_shared>>
      %dma_start3A_39 = arith.constant 0 : i32
      %dma_start3A_40 = arith.constant 0 : i32
      %dma_start3A_41 = tpu.memref_slice %arg11[%dma_start3A_39, %dma_start3A_40] : memref<64x128xf32, #tpu.memory_space<vmem>> -> memref<56x128xf32, #tpu.memory_space<vmem>>
      tpu.enqueue_dma source(%dma_start3A_41 : memref<56x128xf32, #tpu.memory_space<vmem>>) target(%dma_start3A_38 : memref<56x128xf32, #tpu.memory_space<vmem_shared>>) target_semaphore(%run_scoped3A : memref<!tpu.dma_semaphore, #tpu.memory_space<semaphore_mem>>)
      %dma_wait3A = arith.constant 0 : i32
      %dma_wait3A_42 = arith.constant 0 : i32
      %dma_wait3A_43 = tpu.memref_slice %arg11[%dma_wait3A, %dma_wait3A_42] : memref<64x128xf32, #tpu.memory_space<vmem>> -> memref<56x128xf32, #tpu.memory_space<vmem>>
      %dma_wait3A_44 = arith.constant 0 : i32
      %dma_wait3A_45 = tpu.memref_slice %arg15[%add3A_24, %dma_wait3A_44] : memref<10112x128xf32, #tpu.memory_space<vmem_shared>> -> memref<56x128xf32, #tpu.memory_space<vmem_shared>>
      %dma_wait3A_46 = arith.constant 0 : i32
      %dma_wait3A_47 = tpu.memref_slice %arg15[%add3A_24, %dma_wait3A_46] : memref<10112x128xf32, #tpu.memory_space<vmem_shared>> -> memref<56x128xf32, #tpu.memory_space<vmem_shared>>
      %dma_wait3A_48 = arith.constant 0 : i32
      %dma_wait3A_49 = arith.constant 0 : i32
      %dma_wait3A_50 = tpu.memref_slice %arg11[%dma_wait3A_48, %dma_wait3A_49] : memref<64x128xf32, #tpu.memory_space<vmem>> -> memref<56x128xf32, #tpu.memory_space<vmem>>
      tpu.wait_dma2 semaphore(%run_scoped3A : memref<!tpu.dma_semaphore, #tpu.memory_space<semaphore_mem>>) src(%dma_wait3A_50 : memref<56x128xf32, #tpu.memory_space<vmem>>) dst(%dma_wait3A_47 : memref<56x128xf32, #tpu.memory_space<vmem_shared>>)
      tpu.yield
    }) : () -> ()
    %barrier3A = arith.constant 0 : index
    tpu.barrier barrier_id(%barrier3A)
    %eq3A = arith.constant 0 : i32
    %eq3A_25 = arith.cmpi eq, %arg0, %eq3A : i32
    %convert_element_type3A = arith.extui %eq3A_25 : i1 to i32
    %cond3A = arith.constant 0 : i32
    %cond3A_26 = arith.cmpi ne, %convert_element_type3A, %cond3A : i32
    scf.if %cond3A_26 {
      %mul3A_33 = arith.constant 320 : i32
      %mul3A_34 = arith.muli %arg1, %mul3A_33 : i32
      %scan3A_35 = arith.constant 0 : i32
      %scan3A_36 = arith.constant 0 : i32
      %scan3A_37 = arith.constant 5 : i32
      %scan3A_38 = arith.addi %scan3A_36, %scan3A_37 : i32
      %scan3A_39 = arith.constant 1 : i32
      scf.for %scan3A_64 = %scan3A_36 to %scan3A_38 step %scan3A_39  : i32 {
        %mul3A_65 = arith.constant 2 : i32
        %mul3A_66 = arith.muli %mul3A_65, %scan3A_64 : i32
        %add3A_67 = arith.constant 0 : i32
        %add3A_68 = arith.addi %mul3A_66, %add3A_67 : i32
        %mul3A_69 = arith.constant 32 : i32
        %mul3A_70 = arith.muli %add3A_68, %mul3A_69 : i32
        %add3A_71 = arith.addi %mul3A_34, %mul3A_70 : i32
        "tpu.region"() ({
          %run_scoped3A = tpu.sem_alloc : memref<!tpu.dma_semaphore, #tpu.memory_space<semaphore_mem>>
          %dma_start3A = arith.constant 0 : i32
          %dma_start3A_95 = tpu.memref_slice %arg4[%add3A_71, %dma_start3A] : memref<5120x64xi32, #tpu.memory_space<hbm>> -> memref<32x64xi32, #tpu.memory_space<hbm>>
          %dma_start3A_96 = arith.constant 0 : i32
          %dma_start3A_97 = tpu.memref_slice %arg4[%add3A_71, %dma_start3A_96] : memref<5120x64xi32, #tpu.memory_space<hbm>> -> memref<32x64xi32, #tpu.memory_space<hbm>>
          tpu.enqueue_dma source(%dma_start3A_97 : memref<32x64xi32, #tpu.memory_space<hbm>>) target(%arg7 : memref<32x64xi32, #tpu.memory_space<vmem>>) target_semaphore(%run_scoped3A : memref<!tpu.dma_semaphore, #tpu.memory_space<semaphore_mem>>)
          %dma_wait3A_98 = arith.constant 0 : i32
          %dma_wait3A_99 = tpu.memref_slice %arg4[%add3A_71, %dma_wait3A_98] : memref<5120x64xi32, #tpu.memory_space<hbm>> -> memref<32x64xi32, #tpu.memory_space<hbm>>
          %dma_wait3A_100 = arith.constant 0 : i32
          %dma_wait3A_101 = tpu.memref_slice %arg4[%add3A_71, %dma_wait3A_100] : memref<5120x64xi32, #tpu.memory_space<hbm>> -> memref<32x64xi32, #tpu.memory_space<hbm>>
          tpu.wait_dma2 semaphore(%run_scoped3A : memref<!tpu.dma_semaphore, #tpu.memory_space<semaphore_mem>>) src(%dma_wait3A_101 : memref<32x64xi32, #tpu.memory_space<hbm>>) dst(%arg7 : memref<32x64xi32, #tpu.memory_space<vmem>>)
          tpu.yield
        }) : () -> ()
        %mul3A_72 = arith.constant 32 : i32
        %mul3A_73 = arith.muli %add3A_68, %mul3A_72 : i32
        %add3A_74 = arith.addi %mul3A_34, %mul3A_73 : i32
        "tpu.region"() ({
          %run_scoped3A = tpu.sem_alloc : memref<!tpu.dma_semaphore, #tpu.memory_space<semaphore_mem>>
          %dma_start3A = arith.constant 0 : i32
          %dma_start3A_95 = tpu.memref_slice %arg5[%add3A_74, %dma_start3A] : memref<5120x64xi32, #tpu.memory_space<hbm>> -> memref<32x64xi32, #tpu.memory_space<hbm>>
          %dma_start3A_96 = arith.constant 0 : i32
          %dma_start3A_97 = tpu.memref_slice %arg5[%add3A_74, %dma_start3A_96] : memref<5120x64xi32, #tpu.memory_space<hbm>> -> memref<32x64xi32, #tpu.memory_space<hbm>>
          tpu.enqueue_dma source(%dma_start3A_97 : memref<32x64xi32, #tpu.memory_space<hbm>>) target(%arg8 : memref<32x64xi32, #tpu.memory_space<vmem>>) target_semaphore(%run_scoped3A : memref<!tpu.dma_semaphore, #tpu.memory_space<semaphore_mem>>)
          %dma_wait3A_98 = arith.constant 0 : i32
          %dma_wait3A_99 = tpu.memref_slice %arg5[%add3A_74, %dma_wait3A_98] : memref<5120x64xi32, #tpu.memory_space<hbm>> -> memref<32x64xi32, #tpu.memory_space<hbm>>
          %dma_wait3A_100 = arith.constant 0 : i32
          %dma_wait3A_101 = tpu.memref_slice %arg5[%add3A_74, %dma_wait3A_100] : memref<5120x64xi32, #tpu.memory_space<hbm>> -> memref<32x64xi32, #tpu.memory_space<hbm>>
          tpu.wait_dma2 semaphore(%run_scoped3A : memref<!tpu.dma_semaphore, #tpu.memory_space<semaphore_mem>>) src(%dma_wait3A_101 : memref<32x64xi32, #tpu.memory_space<hbm>>) dst(%arg8 : memref<32x64xi32, #tpu.memory_space<vmem>>)
          tpu.yield
        }) : () -> ()
        %scan3A_75 = arith.constant 0 : i32
        %scan3A_76 = arith.constant 8 : i32
        %scan3A_77 = arith.addi %scan3A_75, %scan3A_76 : i32
        %scan3A_78 = arith.constant 1 : i32
        scf.for %scan3A_95 = %scan3A_75 to %scan3A_77 step %scan3A_78  : i32 {
          %mul3A_96 = arith.constant 8 : i32
          %mul3A_97 = arith.muli %add3A_68, %mul3A_96 : i32
          %add3A_98 = arith.addi %mul3A_97, %scan3A_95 : i32
          %gt3A = arith.constant 0 : i32
          %gt3A_99 = arith.cmpi sgt, %add3A_98, %gt3A : i32
          %convert_element_type3A_100 = arith.extui %gt3A_99 : i1 to i32
          %cond3A_101 = arith.constant 0 : i32
          %cond3A_102 = arith.cmpi ne, %convert_element_type3A_100, %cond3A_101 : i32
          scf.if %cond3A_102 {
            %dma_wait3A_221 = arith.constant 0 : i32
            %dma_wait3A_222 = arith.constant 0 : i32
            %dma_wait3A_223 = tpu.memref_slice %arg2[%dma_wait3A_221, %dma_wait3A_222] : memref<10000x128xf32, #tpu.memory_space<hbm>> -> memref<64x128xf32, #tpu.memory_space<hbm>>
            %dma_wait3A_224 = arith.constant 0 : i32
            %dma_wait3A_225 = arith.constant 0 : i32
            %dma_wait3A_226 = tpu.memref_slice %arg2[%dma_wait3A_224, %dma_wait3A_225] : memref<10000x128xf32, #tpu.memory_space<hbm>> -> memref<64x128xf32, #tpu.memory_space<hbm>>
            tpu.wait_dma2 semaphore(%arg20 : memref<!tpu.dma_semaphore, #tpu.memory_space<semaphore_mem>>) src(%dma_wait3A_226 : memref<64x128xf32, #tpu.memory_space<hbm>>) dst(%arg11 : memref<64x128xf32, #tpu.memory_space<vmem>>)
          } else {
          }
          %mul3A_103 = arith.constant 4 : i32
          %mul3A_104 = arith.muli %scan3A_95, %mul3A_103 : i32
          %add3A_105 = arith.constant 0 : i32
          %add3A_106 = arith.addi %mul3A_104, %add3A_105 : i32
          %dma_start3A = arith.constant 0 : i32
          %dma_start3A_107 = tpu.memref_slice %arg7[%add3A_106, %dma_start3A] : memref<32x64xi32, #tpu.memory_space<vmem>> -> memref<1x64xi32, #tpu.memory_space<vmem>>
          %dma_start3A_108 = tpu.memref_squeeze %dma_start3A_107 : memref<1x64xi32, #tpu.memory_space<vmem>> -> memref<64xi32, #tpu.memory_space<vmem>>
          %dma_start3A_109 = arith.constant 0 : i32
          %dma_start3A_110 = arith.constant 0 : i32
          %dma_start3A_111 = tpu.memref_slice %arg2[%dma_start3A_109, %dma_start3A_110] : memref<10000x128xf32, #tpu.memory_space<hbm>> -> memref<10000x128xf32, #tpu.memory_space<hbm>>
          tpu.enqueue_indirect_dma source(%dma_start3A_111 : memref<10000x128xf32, #tpu.memory_space<hbm>>) target(%arg11 : memref<64x128xf32, #tpu.memory_space<vmem>>) offsets(%dma_start3A_108 : memref<64xi32, #tpu.memory_space<vmem>>) semaphore(%arg16 : memref<!tpu.dma_semaphore, #tpu.memory_space<semaphore_mem>>)
          %gt3A_112 = arith.constant 0 : i32
          %gt3A_113 = arith.cmpi sgt, %add3A_98, %gt3A_112 : i32
          %convert_element_type3A_114 = arith.extui %gt3A_113 : i1 to i32
          %cond3A_115 = arith.constant 0 : i32
          %cond3A_116 = arith.cmpi ne, %convert_element_type3A_114, %cond3A_115 : i32
          scf.if %cond3A_116 {
            %dma_wait3A_221 = arith.constant 0 : i32
            %dma_wait3A_222 = arith.constant 0 : i32
            %dma_wait3A_223 = tpu.memref_slice %arg2[%dma_wait3A_221, %dma_wait3A_222] : memref<10000x128xf32, #tpu.memory_space<hbm>> -> memref<64x128xf32, #tpu.memory_space<hbm>>
            %dma_wait3A_224 = arith.constant 0 : i32
            %dma_wait3A_225 = arith.constant 0 : i32
            %dma_wait3A_226 = tpu.memref_slice %arg2[%dma_wait3A_224, %dma_wait3A_225] : memref<10000x128xf32, #tpu.memory_space<hbm>> -> memref<64x128xf32, #tpu.memory_space<hbm>>
            tpu.wait_dma2 semaphore(%arg21 : memref<!tpu.dma_semaphore, #tpu.memory_space<semaphore_mem>>) src(%dma_wait3A_226 : memref<64x128xf32, #tpu.memory_space<hbm>>) dst(%arg12 : memref<64x128xf32, #tpu.memory_space<vmem>>)
          } else {
          }
          %mul3A_117 = arith.constant 4 : i32
          %mul3A_118 = arith.muli %scan3A_95, %mul3A_117 : i32
          %add3A_119 = arith.constant 1 : i32
          %add3A_120 = arith.addi %mul3A_118, %add3A_119 : i32
          %dma_start3A_121 = arith.constant 0 : i32
          %dma_start3A_122 = tpu.memref_slice %arg7[%add3A_120, %dma_start3A_121] : memref<32x64xi32, #tpu.memory_space<vmem>> -> memref<1x64xi32, #tpu.memory_space<vmem>>
          %dma_start3A_123 = tpu.memref_squeeze %dma_start3A_122 : memref<1x64xi32, #tpu.memory_space<vmem>> -> memref<64xi32, #tpu.memory_space<vmem>>
          %dma_start3A_124 = arith.constant 0 : i32
          %dma_start3A_125 = arith.constant 0 : i32
          %dma_start3A_126 = tpu.memref_slice %arg2[%dma_start3A_124, %dma_start3A_125] : memref<10000x128xf32, #tpu.memory_space<hbm>> -> memref<10000x128xf32, #tpu.memory_space<hbm>>
          tpu.enqueue_indirect_dma source(%dma_start3A_126 : memref<10000x128xf32, #tpu.memory_space<hbm>>) target(%arg12 : memref<64x128xf32, #tpu.memory_space<vmem>>) offsets(%dma_start3A_123 : memref<64xi32, #tpu.memory_space<vmem>>) semaphore(%arg17 : memref<!tpu.dma_semaphore, #tpu.memory_space<semaphore_mem>>)
          %gt3A_127 = arith.constant 0 : i32
          %gt3A_128 = arith.cmpi sgt, %add3A_98, %gt3A_127 : i32
          %convert_element_type3A_129 = arith.extui %gt3A_128 : i1 to i32
          %cond3A_130 = arith.constant 0 : i32
          %cond3A_131 = arith.cmpi ne, %convert_element_type3A_129, %cond3A_130 : i32
          scf.if %cond3A_131 {
            %dma_wait3A_221 = arith.constant 0 : i32
            %dma_wait3A_222 = arith.constant 0 : i32
            %dma_wait3A_223 = tpu.memref_slice %arg2[%dma_wait3A_221, %dma_wait3A_222] : memref<10000x128xf32, #tpu.memory_space<hbm>> -> memref<64x128xf32, #tpu.memory_space<hbm>>
            %dma_wait3A_224 = arith.constant 0 : i32
            %dma_wait3A_225 = arith.constant 0 : i32
            %dma_wait3A_226 = tpu.memref_slice %arg2[%dma_wait3A_224, %dma_wait3A_225] : memref<10000x128xf32, #tpu.memory_space<hbm>> -> memref<64x128xf32, #tpu.memory_space<hbm>>
            tpu.wait_dma2 semaphore(%arg22 : memref<!tpu.dma_semaphore, #tpu.memory_space<semaphore_mem>>) src(%dma_wait3A_226 : memref<64x128xf32, #tpu.memory_space<hbm>>) dst(%arg13 : memref<64x128xf32, #tpu.memory_space<vmem>>)
          } else {
          }
          %mul3A_132 = arith.constant 4 : i32
          %mul3A_133 = arith.muli %scan3A_95, %mul3A_132 : i32
          %add3A_134 = arith.constant 2 : i32
          %add3A_135 = arith.addi %mul3A_133, %add3A_134 : i32
          %dma_start3A_136 = arith.constant 0 : i32
          %dma_start3A_137 = tpu.memref_slice %arg7[%add3A_135, %dma_start3A_136] : memref<32x64xi32, #tpu.memory_space<vmem>> -> memref<1x64xi32, #tpu.memory_space<vmem>>
          %dma_start3A_138 = tpu.memref_squeeze %dma_start3A_137 : memref<1x64xi32, #tpu.memory_space<vmem>> -> memref<64xi32, #tpu.memory_space<vmem>>
          %dma_start3A_139 = arith.constant 0 : i32
          %dma_start3A_140 = arith.constant 0 : i32
          %dma_start3A_141 = tpu.memref_slice %arg2[%dma_start3A_139, %dma_start3A_140] : memref<10000x128xf32, #tpu.memory_space<hbm>> -> memref<10000x128xf32, #tpu.memory_space<hbm>>
          tpu.enqueue_indirect_dma source(%dma_start3A_141 : memref<10000x128xf32, #tpu.memory_space<hbm>>) target(%arg13 : memref<64x128xf32, #tpu.memory_space<vmem>>) offsets(%dma_start3A_138 : memref<64xi32, #tpu.memory_space<vmem>>) semaphore(%arg18 : memref<!tpu.dma_semaphore, #tpu.memory_space<semaphore_mem>>)
          %gt3A_142 = arith.constant 0 : i32
          %gt3A_143 = arith.cmpi sgt, %add3A_98, %gt3A_142 : i32
          %convert_element_type3A_144 = arith.extui %gt3A_143 : i1 to i32
          %cond3A_145 = arith.constant 0 : i32
          %cond3A_146 = arith.cmpi ne, %convert_element_type3A_144, %cond3A_145 : i32
          scf.if %cond3A_146 {
            %dma_wait3A_221 = arith.constant 0 : i32
            %dma_wait3A_222 = arith.constant 0 : i32
            %dma_wait3A_223 = tpu.memref_slice %arg2[%dma_wait3A_221, %dma_wait3A_222] : memref<10000x128xf32, #tpu.memory_space<hbm>> -> memref<64x128xf32, #tpu.memory_space<hbm>>
            %dma_wait3A_224 = arith.constant 0 : i32
            %dma_wait3A_225 = arith.constant 0 : i32
            %dma_wait3A_226 = tpu.memref_slice %arg2[%dma_wait3A_224, %dma_wait3A_225] : memref<10000x128xf32, #tpu.memory_space<hbm>> -> memref<64x128xf32, #tpu.memory_space<hbm>>
            tpu.wait_dma2 semaphore(%arg23 : memref<!tpu.dma_semaphore, #tpu.memory_space<semaphore_mem>>) src(%dma_wait3A_226 : memref<64x128xf32, #tpu.memory_space<hbm>>) dst(%arg14 : memref<64x128xf32, #tpu.memory_space<vmem>>)
          } else {
          }
          %mul3A_147 = arith.constant 4 : i32
          %mul3A_148 = arith.muli %scan3A_95, %mul3A_147 : i32
          %add3A_149 = arith.constant 3 : i32
          %add3A_150 = arith.addi %mul3A_148, %add3A_149 : i32
          %dma_start3A_151 = arith.constant 0 : i32
          %dma_start3A_152 = tpu.memref_slice %arg7[%add3A_150, %dma_start3A_151] : memref<32x64xi32, #tpu.memory_space<vmem>> -> memref<1x64xi32, #tpu.memory_space<vmem>>
          %dma_start3A_153 = tpu.memref_squeeze %dma_start3A_152 : memref<1x64xi32, #tpu.memory_space<vmem>> -> memref<64xi32, #tpu.memory_space<vmem>>
          %dma_start3A_154 = arith.constant 0 : i32
          %dma_start3A_155 = arith.constant 0 : i32
          %dma_start3A_156 = tpu.memref_slice %arg2[%dma_start3A_154, %dma_start3A_155] : memref<10000x128xf32, #tpu.memory_space<hbm>> -> memref<10000x128xf32, #tpu.memory_space<hbm>>
          tpu.enqueue_indirect_dma source(%dma_start3A_156 : memref<10000x128xf32, #tpu.memory_space<hbm>>) target(%arg14 : memref<64x128xf32, #tpu.memory_space<vmem>>) offsets(%dma_start3A_153 : memref<64xi32, #tpu.memory_space<vmem>>) semaphore(%arg19 : memref<!tpu.dma_semaphore, #tpu.memory_space<semaphore_mem>>)
          %dma_wait3A_157 = arith.constant 0 : i32
          %dma_wait3A_158 = arith.constant 0 : i32
          %dma_wait3A_159 = tpu.memref_slice %arg2[%dma_wait3A_157, %dma_wait3A_158] : memref<10000x128xf32, #tpu.memory_space<hbm>> -> memref<64x128xf32, #tpu.memory_space<hbm>>
          %dma_wait3A_160 = arith.constant 0 : i32
          %dma_wait3A_161 = arith.constant 0 : i32
          %dma_wait3A_162 = tpu.memref_slice %arg2[%dma_wait3A_160, %dma_wait3A_161] : memref<10000x128xf32, #tpu.memory_space<hbm>> -> memref<64x128xf32, #tpu.memory_space<hbm>>
          tpu.wait_dma2 semaphore(%arg16 : memref<!tpu.dma_semaphore, #tpu.memory_space<semaphore_mem>>) src(%dma_wait3A_162 : memref<64x128xf32, #tpu.memory_space<hbm>>) dst(%arg11 : memref<64x128xf32, #tpu.memory_space<vmem>>)
          %mul3A_163 = arith.constant 4 : i32
          %mul3A_164 = arith.muli %scan3A_95, %mul3A_163 : i32
          %add3A_165 = arith.constant 0 : i32
          %add3A_166 = arith.addi %mul3A_164, %add3A_165 : i32
          %dma_start3A_167 = arith.constant 0 : i32
          %dma_start3A_168 = tpu.memref_slice %arg8[%add3A_166, %dma_start3A_167] : memref<32x64xi32, #tpu.memory_space<vmem>> -> memref<1x64xi32, #tpu.memory_space<vmem>>
          %dma_start3A_169 = tpu.memref_squeeze %dma_start3A_168 : memref<1x64xi32, #tpu.memory_space<vmem>> -> memref<64xi32, #tpu.memory_space<vmem>>
          %dma_start3A_170 = arith.constant 0 : i32
          %dma_start3A_171 = arith.constant 0 : i32
          %dma_start3A_172 = tpu.memref_slice %arg15[%dma_start3A_170, %dma_start3A_171] : memref<10112x128xf32, #tpu.memory_space<vmem_shared>> -> memref<10112x128xf32, #tpu.memory_space<vmem_shared>>
          tpu.enqueue_indirect_dma source(%arg11 : memref<64x128xf32, #tpu.memory_space<vmem>>) target(%dma_start3A_172 : memref<10112x128xf32, #tpu.memory_space<vmem_shared>>) offsets(%dma_start3A_169 : memref<64xi32, #tpu.memory_space<vmem>>) semaphore(%arg20 : memref<!tpu.dma_semaphore, #tpu.memory_space<semaphore_mem>>) {add = true}
          %dma_wait3A_173 = arith.constant 0 : i32
          %dma_wait3A_174 = arith.constant 0 : i32
          %dma_wait3A_175 = tpu.memref_slice %arg2[%dma_wait3A_173, %dma_wait3A_174] : memref<10000x128xf32, #tpu.memory_space<hbm>> -> memref<64x128xf32, #tpu.memory_space<hbm>>
          %dma_wait3A_176 = arith.constant 0 : i32
          %dma_wait3A_177 = arith.constant 0 : i32
          %dma_wait3A_178 = tpu.memref_slice %arg2[%dma_wait3A_176, %dma_wait3A_177] : memref<10000x128xf32, #tpu.memory_space<hbm>> -> memref<64x128xf32, #tpu.memory_space<hbm>>
          tpu.wait_dma2 semaphore(%arg17 : memref<!tpu.dma_semaphore, #tpu.memory_space<semaphore_mem>>) src(%dma_wait3A_178 : memref<64x128xf32, #tpu.memory_space<hbm>>) dst(%arg12 : memref<64x128xf32, #tpu.memory_space<vmem>>)
          %mul3A_179 = arith.constant 4 : i32
          %mul3A_180 = arith.muli %scan3A_95, %mul3A_179 : i32
          %add3A_181 = arith.constant 1 : i32
          %add3A_182 = arith.addi %mul3A_180, %add3A_181 : i32
          %dma_start3A_183 = arith.constant 0 : i32
          %dma_start3A_184 = tpu.memref_slice %arg8[%add3A_182, %dma_start3A_183] : memref<32x64xi32, #tpu.memory_space<vmem>> -> memref<1x64xi32, #tpu.memory_space<vmem>>
          %dma_start3A_185 = tpu.memref_squeeze %dma_start3A_184 : memref<1x64xi32, #tpu.memory_space<vmem>> -> memref<64xi32, #tpu.memory_space<vmem>>
          %dma_start3A_186 = arith.constant 0 : i32
          %dma_start3A_187 = arith.constant 0 : i32
          %dma_start3A_188 = tpu.memref_slice %arg15[%dma_start3A_186, %dma_start3A_187] : memref<10112x128xf32, #tpu.memory_space<vmem_shared>> -> memref<10112x128xf32, #tpu.memory_space<vmem_shared>>
          tpu.enqueue_indirect_dma source(%arg12 : memref<64x128xf32, #tpu.memory_space<vmem>>) target(%dma_start3A_188 : memref<10112x128xf32, #tpu.memory_space<vmem_shared>>) offsets(%dma_start3A_185 : memref<64xi32, #tpu.memory_space<vmem>>) semaphore(%arg21 : memref<!tpu.dma_semaphore, #tpu.memory_space<semaphore_mem>>) {add = true}
          %dma_wait3A_189 = arith.constant 0 : i32
          %dma_wait3A_190 = arith.constant 0 : i32
          %dma_wait3A_191 = tpu.memref_slice %arg2[%dma_wait3A_189, %dma_wait3A_190] : memref<10000x128xf32, #tpu.memory_space<hbm>> -> memref<64x128xf32, #tpu.memory_space<hbm>>
          %dma_wait3A_192 = arith.constant 0 : i32
          %dma_wait3A_193 = arith.constant 0 : i32
          %dma_wait3A_194 = tpu.memref_slice %arg2[%dma_wait3A_192, %dma_wait3A_193] : memref<10000x128xf32, #tpu.memory_space<hbm>> -> memref<64x128xf32, #tpu.memory_space<hbm>>
          tpu.wait_dma2 semaphore(%arg18 : memref<!tpu.dma_semaphore, #tpu.memory_space<semaphore_mem>>) src(%dma_wait3A_194 : memref<64x128xf32, #tpu.memory_space<hbm>>) dst(%arg13 : memref<64x128xf32, #tpu.memory_space<vmem>>)
          %mul3A_195 = arith.constant 4 : i32
          %mul3A_196 = arith.muli %scan3A_95, %mul3A_195 : i32
          %add3A_197 = arith.constant 2 : i32
          %add3A_198 = arith.addi %mul3A_196, %add3A_197 : i32
          %dma_start3A_199 = arith.constant 0 : i32
          %dma_start3A_200 = tpu.memref_slice %arg8[%add3A_198, %dma_start3A_199] : memref<32x64xi32, #tpu.memory_space<vmem>> -> memref<1x64xi32, #tpu.memory_space<vmem>>
          %dma_start3A_201 = tpu.memref_squeeze %dma_start3A_200 : memref<1x64xi32, #tpu.memory_space<vmem>> -> memref<64xi32, #tpu.memory_space<vmem>>
          %dma_start3A_202 = arith.constant 0 : i32
          %dma_start3A_203 = arith.constant 0 : i32
          %dma_start3A_204 = tpu.memref_slice %arg15[%dma_start3A_202, %dma_start3A_203] : memref<10112x128xf32, #tpu.memory_space<vmem_shared>> -> memref<10112x128xf32, #tpu.memory_space<vmem_shared>>
          tpu.enqueue_indirect_dma source(%arg13 : memref<64x128xf32, #tpu.memory_space<vmem>>) target(%dma_start3A_204 : memref<10112x128xf32, #tpu.memory_space<vmem_shared>>) offsets(%dma_start3A_201 : memref<64xi32, #tpu.memory_space<vmem>>) semaphore(%arg22 : memref<!tpu.dma_semaphore, #tpu.memory_space<semaphore_mem>>) {add = true}
          %dma_wait3A_205 = arith.constant 0 : i32
          %dma_wait3A_206 = arith.constant 0 : i32
          %dma_wait3A_207 = tpu.memref_slice %arg2[%dma_wait3A_205, %dma_wait3A_206] : memref<10000x128xf32, #tpu.memory_space<hbm>> -> memref<64x128xf32, #tpu.memory_space<hbm>>
          %dma_wait3A_208 = arith.constant 0 : i32
          %dma_wait3A_209 = arith.constant 0 : i32
          %dma_wait3A_210 = tpu.memref_slice %arg2[%dma_wait3A_208, %dma_wait3A_209] : memref<10000x128xf32, #tpu.memory_space<hbm>> -> memref<64x128xf32, #tpu.memory_space<hbm>>
          tpu.wait_dma2 semaphore(%arg19 : memref<!tpu.dma_semaphore, #tpu.memory_space<semaphore_mem>>) src(%dma_wait3A_210 : memref<64x128xf32, #tpu.memory_space<hbm>>) dst(%arg14 : memref<64x128xf32, #tpu.memory_space<vmem>>)
          %mul3A_211 = arith.constant 4 : i32
          %mul3A_212 = arith.muli %scan3A_95, %mul3A_211 : i32
          %add3A_213 = arith.constant 3 : i32
          %add3A_214 = arith.addi %mul3A_212, %add3A_213 : i32
          %dma_start3A_215 = arith.constant 0 : i32
          %dma_start3A_216 = tpu.memref_slice %arg8[%add3A_214, %dma_start3A_215] : memref<32x64xi32, #tpu.memory_space<vmem>> -> memref<1x64xi32, #tpu.memory_space<vmem>>
          %dma_start3A_217 = tpu.memref_squeeze %dma_start3A_216 : memref<1x64xi32, #tpu.memory_space<vmem>> -> memref<64xi32, #tpu.memory_space<vmem>>
          %dma_start3A_218 = arith.constant 0 : i32
          %dma_start3A_219 = arith.constant 0 : i32
          %dma_start3A_220 = tpu.memref_slice %arg15[%dma_start3A_218, %dma_start3A_219] : memref<10112x128xf32, #tpu.memory_space<vmem_shared>> -> memref<10112x128xf32, #tpu.memory_space<vmem_shared>>
          tpu.enqueue_indirect_dma source(%arg14 : memref<64x128xf32, #tpu.memory_space<vmem>>) target(%dma_start3A_220 : memref<10112x128xf32, #tpu.memory_space<vmem_shared>>) offsets(%dma_start3A_217 : memref<64xi32, #tpu.memory_space<vmem>>) semaphore(%arg23 : memref<!tpu.dma_semaphore, #tpu.memory_space<semaphore_mem>>) {add = true}
        }
        %scan3A_79 = arith.constant 8 : i32
        %mul3A_80 = arith.constant 2 : i32
        %mul3A_81 = arith.muli %mul3A_80, %scan3A_64 : i32
        %add3A_82 = arith.constant 1 : i32
        %add3A_83 = arith.addi %mul3A_81, %add3A_82 : i32
        %mul3A_84 = arith.constant 32 : i32
        %mul3A_85 = arith.muli %add3A_83, %mul3A_84 : i32
        %add3A_86 = arith.addi %mul3A_34, %mul3A_85 : i32
        "tpu.region"() ({
          %run_scoped3A = tpu.sem_alloc : memref<!tpu.dma_semaphore, #tpu.memory_space<semaphore_mem>>
          %dma_start3A = arith.constant 0 : i32
          %dma_start3A_95 = tpu.memref_slice %arg4[%add3A_86, %dma_start3A] : memref<5120x64xi32, #tpu.memory_space<hbm>> -> memref<32x64xi32, #tpu.memory_space<hbm>>
          %dma_start3A_96 = arith.constant 0 : i32
          %dma_start3A_97 = tpu.memref_slice %arg4[%add3A_86, %dma_start3A_96] : memref<5120x64xi32, #tpu.memory_space<hbm>> -> memref<32x64xi32, #tpu.memory_space<hbm>>
          tpu.enqueue_dma source(%dma_start3A_97 : memref<32x64xi32, #tpu.memory_space<hbm>>) target(%arg9 : memref<32x64xi32, #tpu.memory_space<vmem>>) target_semaphore(%run_scoped3A : memref<!tpu.dma_semaphore, #tpu.memory_space<semaphore_mem>>)
          %dma_wait3A_98 = arith.constant 0 : i32
          %dma_wait3A_99 = tpu.memref_slice %arg4[%add3A_86, %dma_wait3A_98] : memref<5120x64xi32, #tpu.memory_space<hbm>> -> memref<32x64xi32, #tpu.memory_space<hbm>>
          %dma_wait3A_100 = arith.constant 0 : i32
          %dma_wait3A_101 = tpu.memref_slice %arg4[%add3A_86, %dma_wait3A_100] : memref<5120x64xi32, #tpu.memory_space<hbm>> -> memref<32x64xi32, #tpu.memory_space<hbm>>
          tpu.wait_dma2 semaphore(%run_scoped3A : memref<!tpu.dma_semaphore, #tpu.memory_space<semaphore_mem>>) src(%dma_wait3A_101 : memref<32x64xi32, #tpu.memory_space<hbm>>) dst(%arg9 : memref<32x64xi32, #tpu.memory_space<vmem>>)
          tpu.yield
        }) : () -> ()
        %mul3A_87 = arith.constant 32 : i32
        %mul3A_88 = arith.muli %add3A_83, %mul3A_87 : i32
        %add3A_89 = arith.addi %mul3A_34, %mul3A_88 : i32
        "tpu.region"() ({
          %run_scoped3A = tpu.sem_alloc : memref<!tpu.dma_semaphore, #tpu.memory_space<semaphore_mem>>
          %dma_start3A = arith.constant 0 : i32
          %dma_start3A_95 = tpu.memref_slice %arg5[%add3A_89, %dma_start3A] : memref<5120x64xi32, #tpu.memory_space<hbm>> -> memref<32x64xi32, #tpu.memory_space<hbm>>
          %dma_start3A_96 = arith.constant 0 : i32
          %dma_start3A_97 = tpu.memref_slice %arg5[%add3A_89, %dma_start3A_96] : memref<5120x64xi32, #tpu.memory_space<hbm>> -> memref<32x64xi32, #tpu.memory_space<hbm>>
          tpu.enqueue_dma source(%dma_start3A_97 : memref<32x64xi32, #tpu.memory_space<hbm>>) target(%arg10 : memref<32x64xi32, #tpu.memory_space<vmem>>) target_semaphore(%run_scoped3A : memref<!tpu.dma_semaphore, #tpu.memory_space<semaphore_mem>>)
          %dma_wait3A_98 = arith.constant 0 : i32
          %dma_wait3A_99 = tpu.memref_slice %arg5[%add3A_89, %dma_wait3A_98] : memref<5120x64xi32, #tpu.memory_space<hbm>> -> memref<32x64xi32, #tpu.memory_space<hbm>>
          %dma_wait3A_100 = arith.constant 0 : i32
          %dma_wait3A_101 = tpu.memref_slice %arg5[%add3A_89, %dma_wait3A_100] : memref<5120x64xi32, #tpu.memory_space<hbm>> -> memref<32x64xi32, #tpu.memory_space<hbm>>
          tpu.wait_dma2 semaphore(%run_scoped3A : memref<!tpu.dma_semaphore, #tpu.memory_space<semaphore_mem>>) src(%dma_wait3A_101 : memref<32x64xi32, #tpu.memory_space<hbm>>) dst(%arg10 : memref<32x64xi32, #tpu.memory_space<vmem>>)
          tpu.yield
        }) : () -> ()
        %scan3A_90 = arith.constant 0 : i32
        %scan3A_91 = arith.constant 8 : i32
        %scan3A_92 = arith.addi %scan3A_90, %scan3A_91 : i32
        %scan3A_93 = arith.constant 1 : i32
        scf.for %scan3A_95 = %scan3A_90 to %scan3A_92 step %scan3A_93  : i32 {
          %mul3A_96 = arith.constant 8 : i32
          %mul3A_97 = arith.muli %add3A_83, %mul3A_96 : i32
          %add3A_98 = arith.addi %mul3A_97, %scan3A_95 : i32
          %gt3A = arith.constant 0 : i32
          %gt3A_99 = arith.cmpi sgt, %add3A_98, %gt3A : i32
          %convert_element_type3A_100 = arith.extui %gt3A_99 : i1 to i32
          %cond3A_101 = arith.constant 0 : i32
          %cond3A_102 = arith.cmpi ne, %convert_element_type3A_100, %cond3A_101 : i32
          scf.if %cond3A_102 {
            %dma_wait3A_221 = arith.constant 0 : i32
            %dma_wait3A_222 = arith.constant 0 : i32
            %dma_wait3A_223 = tpu.memref_slice %arg2[%dma_wait3A_221, %dma_wait3A_222] : memref<10000x128xf32, #tpu.memory_space<hbm>> -> memref<64x128xf32, #tpu.memory_space<hbm>>
            %dma_wait3A_224 = arith.constant 0 : i32
            %dma_wait3A_225 = arith.constant 0 : i32
            %dma_wait3A_226 = tpu.memref_slice %arg2[%dma_wait3A_224, %dma_wait3A_225] : memref<10000x128xf32, #tpu.memory_space<hbm>> -> memref<64x128xf32, #tpu.memory_space<hbm>>
            tpu.wait_dma2 semaphore(%arg20 : memref<!tpu.dma_semaphore, #tpu.memory_space<semaphore_mem>>) src(%dma_wait3A_226 : memref<64x128xf32, #tpu.memory_space<hbm>>) dst(%arg11 : memref<64x128xf32, #tpu.memory_space<vmem>>)
          } else {
          }
          %mul3A_103 = arith.constant 4 : i32
          %mul3A_104 = arith.muli %scan3A_95, %mul3A_103 : i32
          %add3A_105 = arith.constant 0 : i32
          %add3A_106 = arith.addi %mul3A_104, %add3A_105 : i32
          %dma_start3A = arith.constant 0 : i32
          %dma_start3A_107 = tpu.memref_slice %arg9[%add3A_106, %dma_start3A] : memref<32x64xi32, #tpu.memory_space<vmem>> -> memref<1x64xi32, #tpu.memory_space<vmem>>
          %dma_start3A_108 = tpu.memref_squeeze %dma_start3A_107 : memref<1x64xi32, #tpu.memory_space<vmem>> -> memref<64xi32, #tpu.memory_space<vmem>>
          %dma_start3A_109 = arith.constant 0 : i32
          %dma_start3A_110 = arith.constant 0 : i32
          %dma_start3A_111 = tpu.memref_slice %arg2[%dma_start3A_109, %dma_start3A_110] : memref<10000x128xf32, #tpu.memory_space<hbm>> -> memref<10000x128xf32, #tpu.memory_space<hbm>>
          tpu.enqueue_indirect_dma source(%dma_start3A_111 : memref<10000x128xf32, #tpu.memory_space<hbm>>) target(%arg11 : memref<64x128xf32, #tpu.memory_space<vmem>>) offsets(%dma_start3A_108 : memref<64xi32, #tpu.memory_space<vmem>>) semaphore(%arg16 : memref<!tpu.dma_semaphore, #tpu.memory_space<semaphore_mem>>)
          %gt3A_112 = arith.constant 0 : i32
          %gt3A_113 = arith.cmpi sgt, %add3A_98, %gt3A_112 : i32
          %convert_element_type3A_114 = arith.extui %gt3A_113 : i1 to i32
          %cond3A_115 = arith.constant 0 : i32
          %cond3A_116 = arith.cmpi ne, %convert_element_type3A_114, %cond3A_115 : i32
          scf.if %cond3A_116 {
            %dma_wait3A_221 = arith.constant 0 : i32
            %dma_wait3A_222 = arith.constant 0 : i32
            %dma_wait3A_223 = tpu.memref_slice %arg2[%dma_wait3A_221, %dma_wait3A_222] : memref<10000x128xf32, #tpu.memory_space<hbm>> -> memref<64x128xf32, #tpu.memory_space<hbm>>
            %dma_wait3A_224 = arith.constant 0 : i32
            %dma_wait3A_225 = arith.constant 0 : i32
            %dma_wait3A_226 = tpu.memref_slice %arg2[%dma_wait3A_224, %dma_wait3A_225] : memref<10000x128xf32, #tpu.memory_space<hbm>> -> memref<64x128xf32, #tpu.memory_space<hbm>>
            tpu.wait_dma2 semaphore(%arg21 : memref<!tpu.dma_semaphore, #tpu.memory_space<semaphore_mem>>) src(%dma_wait3A_226 : memref<64x128xf32, #tpu.memory_space<hbm>>) dst(%arg12 : memref<64x128xf32, #tpu.memory_space<vmem>>)
          } else {
          }
          %mul3A_117 = arith.constant 4 : i32
          %mul3A_118 = arith.muli %scan3A_95, %mul3A_117 : i32
          %add3A_119 = arith.constant 1 : i32
          %add3A_120 = arith.addi %mul3A_118, %add3A_119 : i32
          %dma_start3A_121 = arith.constant 0 : i32
          %dma_start3A_122 = tpu.memref_slice %arg9[%add3A_120, %dma_start3A_121] : memref<32x64xi32, #tpu.memory_space<vmem>> -> memref<1x64xi32, #tpu.memory_space<vmem>>
          %dma_start3A_123 = tpu.memref_squeeze %dma_start3A_122 : memref<1x64xi32, #tpu.memory_space<vmem>> -> memref<64xi32, #tpu.memory_space<vmem>>
          %dma_start3A_124 = arith.constant 0 : i32
          %dma_start3A_125 = arith.constant 0 : i32
          %dma_start3A_126 = tpu.memref_slice %arg2[%dma_start3A_124, %dma_start3A_125] : memref<10000x128xf32, #tpu.memory_space<hbm>> -> memref<10000x128xf32, #tpu.memory_space<hbm>>
          tpu.enqueue_indirect_dma source(%dma_start3A_126 : memref<10000x128xf32, #tpu.memory_space<hbm>>) target(%arg12 : memref<64x128xf32, #tpu.memory_space<vmem>>) offsets(%dma_start3A_123 : memref<64xi32, #tpu.memory_space<vmem>>) semaphore(%arg17 : memref<!tpu.dma_semaphore, #tpu.memory_space<semaphore_mem>>)
          %gt3A_127 = arith.constant 0 : i32
          %gt3A_128 = arith.cmpi sgt, %add3A_98, %gt3A_127 : i32
          %convert_element_type3A_129 = arith.extui %gt3A_128 : i1 to i32
          %cond3A_130 = arith.constant 0 : i32
          %cond3A_131 = arith.cmpi ne, %convert_element_type3A_129, %cond3A_130 : i32
          scf.if %cond3A_131 {
            %dma_wait3A_221 = arith.constant 0 : i32
            %dma_wait3A_222 = arith.constant 0 : i32
            %dma_wait3A_223 = tpu.memref_slice %arg2[%dma_wait3A_221, %dma_wait3A_222] : memref<10000x128xf32, #tpu.memory_space<hbm>> -> memref<64x128xf32, #tpu.memory_space<hbm>>
            %dma_wait3A_224 = arith.constant 0 : i32
            %dma_wait3A_225 = arith.constant 0 : i32
            %dma_wait3A_226 = tpu.memref_slice %arg2[%dma_wait3A_224, %dma_wait3A_225] : memref<10000x128xf32, #tpu.memory_space<hbm>> -> memref<64x128xf32, #tpu.memory_space<hbm>>
            tpu.wait_dma2 semaphore(%arg22 : memref<!tpu.dma_semaphore, #tpu.memory_space<semaphore_mem>>) src(%dma_wait3A_226 : memref<64x128xf32, #tpu.memory_space<hbm>>) dst(%arg13 : memref<64x128xf32, #tpu.memory_space<vmem>>)
          } else {
          }
          %mul3A_132 = arith.constant 4 : i32
          %mul3A_133 = arith.muli %scan3A_95, %mul3A_132 : i32
          %add3A_134 = arith.constant 2 : i32
          %add3A_135 = arith.addi %mul3A_133, %add3A_134 : i32
          %dma_start3A_136 = arith.constant 0 : i32
          %dma_start3A_137 = tpu.memref_slice %arg9[%add3A_135, %dma_start3A_136] : memref<32x64xi32, #tpu.memory_space<vmem>> -> memref<1x64xi32, #tpu.memory_space<vmem>>
          %dma_start3A_138 = tpu.memref_squeeze %dma_start3A_137 : memref<1x64xi32, #tpu.memory_space<vmem>> -> memref<64xi32, #tpu.memory_space<vmem>>
          %dma_start3A_139 = arith.constant 0 : i32
          %dma_start3A_140 = arith.constant 0 : i32
          %dma_start3A_141 = tpu.memref_slice %arg2[%dma_start3A_139, %dma_start3A_140] : memref<10000x128xf32, #tpu.memory_space<hbm>> -> memref<10000x128xf32, #tpu.memory_space<hbm>>
          tpu.enqueue_indirect_dma source(%dma_start3A_141 : memref<10000x128xf32, #tpu.memory_space<hbm>>) target(%arg13 : memref<64x128xf32, #tpu.memory_space<vmem>>) offsets(%dma_start3A_138 : memref<64xi32, #tpu.memory_space<vmem>>) semaphore(%arg18 : memref<!tpu.dma_semaphore, #tpu.memory_space<semaphore_mem>>)
          %gt3A_142 = arith.constant 0 : i32
          %gt3A_143 = arith.cmpi sgt, %add3A_98, %gt3A_142 : i32
          %convert_element_type3A_144 = arith.extui %gt3A_143 : i1 to i32
          %cond3A_145 = arith.constant 0 : i32
          %cond3A_146 = arith.cmpi ne, %convert_element_type3A_144, %cond3A_145 : i32
          scf.if %cond3A_146 {
            %dma_wait3A_221 = arith.constant 0 : i32
            %dma_wait3A_222 = arith.constant 0 : i32
            %dma_wait3A_223 = tpu.memref_slice %arg2[%dma_wait3A_221, %dma_wait3A_222] : memref<10000x128xf32, #tpu.memory_space<hbm>> -> memref<64x128xf32, #tpu.memory_space<hbm>>
            %dma_wait3A_224 = arith.constant 0 : i32
            %dma_wait3A_225 = arith.constant 0 : i32
            %dma_wait3A_226 = tpu.memref_slice %arg2[%dma_wait3A_224, %dma_wait3A_225] : memref<10000x128xf32, #tpu.memory_space<hbm>> -> memref<64x128xf32, #tpu.memory_space<hbm>>
            tpu.wait_dma2 semaphore(%arg23 : memref<!tpu.dma_semaphore, #tpu.memory_space<semaphore_mem>>) src(%dma_wait3A_226 : memref<64x128xf32, #tpu.memory_space<hbm>>) dst(%arg14 : memref<64x128xf32, #tpu.memory_space<vmem>>)
          } else {
          }
          %mul3A_147 = arith.constant 4 : i32
          %mul3A_148 = arith.muli %scan3A_95, %mul3A_147 : i32
          %add3A_149 = arith.constant 3 : i32
          %add3A_150 = arith.addi %mul3A_148, %add3A_149 : i32
          %dma_start3A_151 = arith.constant 0 : i32
          %dma_start3A_152 = tpu.memref_slice %arg9[%add3A_150, %dma_start3A_151] : memref<32x64xi32, #tpu.memory_space<vmem>> -> memref<1x64xi32, #tpu.memory_space<vmem>>
          %dma_start3A_153 = tpu.memref_squeeze %dma_start3A_152 : memref<1x64xi32, #tpu.memory_space<vmem>> -> memref<64xi32, #tpu.memory_space<vmem>>
          %dma_start3A_154 = arith.constant 0 : i32
          %dma_start3A_155 = arith.constant 0 : i32
          %dma_start3A_156 = tpu.memref_slice %arg2[%dma_start3A_154, %dma_start3A_155] : memref<10000x128xf32, #tpu.memory_space<hbm>> -> memref<10000x128xf32, #tpu.memory_space<hbm>>
          tpu.enqueue_indirect_dma source(%dma_start3A_156 : memref<10000x128xf32, #tpu.memory_space<hbm>>) target(%arg14 : memref<64x128xf32, #tpu.memory_space<vmem>>) offsets(%dma_start3A_153 : memref<64xi32, #tpu.memory_space<vmem>>) semaphore(%arg19 : memref<!tpu.dma_semaphore, #tpu.memory_space<semaphore_mem>>)
          %dma_wait3A_157 = arith.constant 0 : i32
          %dma_wait3A_158 = arith.constant 0 : i32
          %dma_wait3A_159 = tpu.memref_slice %arg2[%dma_wait3A_157, %dma_wait3A_158] : memref<10000x128xf32, #tpu.memory_space<hbm>> -> memref<64x128xf32, #tpu.memory_space<hbm>>
          %dma_wait3A_160 = arith.constant 0 : i32
          %dma_wait3A_161 = arith.constant 0 : i32
          %dma_wait3A_162 = tpu.memref_slice %arg2[%dma_wait3A_160, %dma_wait3A_161] : memref<10000x128xf32, #tpu.memory_space<hbm>> -> memref<64x128xf32, #tpu.memory_space<hbm>>
          tpu.wait_dma2 semaphore(%arg16 : memref<!tpu.dma_semaphore, #tpu.memory_space<semaphore_mem>>) src(%dma_wait3A_162 : memref<64x128xf32, #tpu.memory_space<hbm>>) dst(%arg11 : memref<64x128xf32, #tpu.memory_space<vmem>>)
          %mul3A_163 = arith.constant 4 : i32
          %mul3A_164 = arith.muli %scan3A_95, %mul3A_163 : i32
          %add3A_165 = arith.constant 0 : i32
          %add3A_166 = arith.addi %mul3A_164, %add3A_165 : i32
          %dma_start3A_167 = arith.constant 0 : i32
          %dma_start3A_168 = tpu.memref_slice %arg10[%add3A_166, %dma_start3A_167] : memref<32x64xi32, #tpu.memory_space<vmem>> -> memref<1x64xi32, #tpu.memory_space<vmem>>
          %dma_start3A_169 = tpu.memref_squeeze %dma_start3A_168 : memref<1x64xi32, #tpu.memory_space<vmem>> -> memref<64xi32, #tpu.memory_space<vmem>>
          %dma_start3A_170 = arith.constant 0 : i32
          %dma_start3A_171 = arith.constant 0 : i32
          %dma_start3A_172 = tpu.memref_slice %arg15[%dma_start3A_170, %dma_start3A_171] : memref<10112x128xf32, #tpu.memory_space<vmem_shared>> -> memref<10112x128xf32, #tpu.memory_space<vmem_shared>>
          tpu.enqueue_indirect_dma source(%arg11 : memref<64x128xf32, #tpu.memory_space<vmem>>) target(%dma_start3A_172 : memref<10112x128xf32, #tpu.memory_space<vmem_shared>>) offsets(%dma_start3A_169 : memref<64xi32, #tpu.memory_space<vmem>>) semaphore(%arg20 : memref<!tpu.dma_semaphore, #tpu.memory_space<semaphore_mem>>) {add = true}
          %dma_wait3A_173 = arith.constant 0 : i32
          %dma_wait3A_174 = arith.constant 0 : i32
          %dma_wait3A_175 = tpu.memref_slice %arg2[%dma_wait3A_173, %dma_wait3A_174] : memref<10000x128xf32, #tpu.memory_space<hbm>> -> memref<64x128xf32, #tpu.memory_space<hbm>>
          %dma_wait3A_176 = arith.constant 0 : i32
          %dma_wait3A_177 = arith.constant 0 : i32
          %dma_wait3A_178 = tpu.memref_slice %arg2[%dma_wait3A_176, %dma_wait3A_177] : memref<10000x128xf32, #tpu.memory_space<hbm>> -> memref<64x128xf32, #tpu.memory_space<hbm>>
          tpu.wait_dma2 semaphore(%arg17 : memref<!tpu.dma_semaphore, #tpu.memory_space<semaphore_mem>>) src(%dma_wait3A_178 : memref<64x128xf32, #tpu.memory_space<hbm>>) dst(%arg12 : memref<64x128xf32, #tpu.memory_space<vmem>>)
          %mul3A_179 = arith.constant 4 : i32
          %mul3A_180 = arith.muli %scan3A_95, %mul3A_179 : i32
          %add3A_181 = arith.constant 1 : i32
          %add3A_182 = arith.addi %mul3A_180, %add3A_181 : i32
          %dma_start3A_183 = arith.constant 0 : i32
          %dma_start3A_184 = tpu.memref_slice %arg10[%add3A_182, %dma_start3A_183] : memref<32x64xi32, #tpu.memory_space<vmem>> -> memref<1x64xi32, #tpu.memory_space<vmem>>
          %dma_start3A_185 = tpu.memref_squeeze %dma_start3A_184 : memref<1x64xi32, #tpu.memory_space<vmem>> -> memref<64xi32, #tpu.memory_space<vmem>>
          %dma_start3A_186 = arith.constant 0 : i32
          %dma_start3A_187 = arith.constant 0 : i32
          %dma_start3A_188 = tpu.memref_slice %arg15[%dma_start3A_186, %dma_start3A_187] : memref<10112x128xf32, #tpu.memory_space<vmem_shared>> -> memref<10112x128xf32, #tpu.memory_space<vmem_shared>>
          tpu.enqueue_indirect_dma source(%arg12 : memref<64x128xf32, #tpu.memory_space<vmem>>) target(%dma_start3A_188 : memref<10112x128xf32, #tpu.memory_space<vmem_shared>>) offsets(%dma_start3A_185 : memref<64xi32, #tpu.memory_space<vmem>>) semaphore(%arg21 : memref<!tpu.dma_semaphore, #tpu.memory_space<semaphore_mem>>) {add = true}
          %dma_wait3A_189 = arith.constant 0 : i32
          %dma_wait3A_190 = arith.constant 0 : i32
          %dma_wait3A_191 = tpu.memref_slice %arg2[%dma_wait3A_189, %dma_wait3A_190] : memref<10000x128xf32, #tpu.memory_space<hbm>> -> memref<64x128xf32, #tpu.memory_space<hbm>>
          %dma_wait3A_192 = arith.constant 0 : i32
          %dma_wait3A_193 = arith.constant 0 : i32
          %dma_wait3A_194 = tpu.memref_slice %arg2[%dma_wait3A_192, %dma_wait3A_193] : memref<10000x128xf32, #tpu.memory_space<hbm>> -> memref<64x128xf32, #tpu.memory_space<hbm>>
          tpu.wait_dma2 semaphore(%arg18 : memref<!tpu.dma_semaphore, #tpu.memory_space<semaphore_mem>>) src(%dma_wait3A_194 : memref<64x128xf32, #tpu.memory_space<hbm>>) dst(%arg13 : memref<64x128xf32, #tpu.memory_space<vmem>>)
          %mul3A_195 = arith.constant 4 : i32
          %mul3A_196 = arith.muli %scan3A_95, %mul3A_195 : i32
          %add3A_197 = arith.constant 2 : i32
          %add3A_198 = arith.addi %mul3A_196, %add3A_197 : i32
          %dma_start3A_199 = arith.constant 0 : i32
          %dma_start3A_200 = tpu.memref_slice %arg10[%add3A_198, %dma_start3A_199] : memref<32x64xi32, #tpu.memory_space<vmem>> -> memref<1x64xi32, #tpu.memory_space<vmem>>
          %dma_start3A_201 = tpu.memref_squeeze %dma_start3A_200 : memref<1x64xi32, #tpu.memory_space<vmem>> -> memref<64xi32, #tpu.memory_space<vmem>>
          %dma_start3A_202 = arith.constant 0 : i32
          %dma_start3A_203 = arith.constant 0 : i32
          %dma_start3A_204 = tpu.memref_slice %arg15[%dma_start3A_202, %dma_start3A_203] : memref<10112x128xf32, #tpu.memory_space<vmem_shared>> -> memref<10112x128xf32, #tpu.memory_space<vmem_shared>>
          tpu.enqueue_indirect_dma source(%arg13 : memref<64x128xf32, #tpu.memory_space<vmem>>) target(%dma_start3A_204 : memref<10112x128xf32, #tpu.memory_space<vmem_shared>>) offsets(%dma_start3A_201 : memref<64xi32, #tpu.memory_space<vmem>>) semaphore(%arg22 : memref<!tpu.dma_semaphore, #tpu.memory_space<semaphore_mem>>) {add = true}
          %dma_wait3A_205 = arith.constant 0 : i32
          %dma_wait3A_206 = arith.constant 0 : i32
          %dma_wait3A_207 = tpu.memref_slice %arg2[%dma_wait3A_205, %dma_wait3A_206] : memref<10000x128xf32, #tpu.memory_space<hbm>> -> memref<64x128xf32, #tpu.memory_space<hbm>>
          %dma_wait3A_208 = arith.constant 0 : i32
          %dma_wait3A_209 = arith.constant 0 : i32
          %dma_wait3A_210 = tpu.memref_slice %arg2[%dma_wait3A_208, %dma_wait3A_209] : memref<10000x128xf32, #tpu.memory_space<hbm>> -> memref<64x128xf32, #tpu.memory_space<hbm>>
          tpu.wait_dma2 semaphore(%arg19 : memref<!tpu.dma_semaphore, #tpu.memory_space<semaphore_mem>>) src(%dma_wait3A_210 : memref<64x128xf32, #tpu.memory_space<hbm>>) dst(%arg14 : memref<64x128xf32, #tpu.memory_space<vmem>>)
          %mul3A_211 = arith.constant 4 : i32
          %mul3A_212 = arith.muli %scan3A_95, %mul3A_211 : i32
          %add3A_213 = arith.constant 3 : i32
          %add3A_214 = arith.addi %mul3A_212, %add3A_213 : i32
          %dma_start3A_215 = arith.constant 0 : i32
          %dma_start3A_216 = tpu.memref_slice %arg10[%add3A_214, %dma_start3A_215] : memref<32x64xi32, #tpu.memory_space<vmem>> -> memref<1x64xi32, #tpu.memory_space<vmem>>
          %dma_start3A_217 = tpu.memref_squeeze %dma_start3A_216 : memref<1x64xi32, #tpu.memory_space<vmem>> -> memref<64xi32, #tpu.memory_space<vmem>>
          %dma_start3A_218 = arith.constant 0 : i32
          %dma_start3A_219 = arith.constant 0 : i32
          %dma_start3A_220 = tpu.memref_slice %arg15[%dma_start3A_218, %dma_start3A_219] : memref<10112x128xf32, #tpu.memory_space<vmem_shared>> -> memref<10112x128xf32, #tpu.memory_space<vmem_shared>>
          tpu.enqueue_indirect_dma source(%arg14 : memref<64x128xf32, #tpu.memory_space<vmem>>) target(%dma_start3A_220 : memref<10112x128xf32, #tpu.memory_space<vmem_shared>>) offsets(%dma_start3A_217 : memref<64xi32, #tpu.memory_space<vmem>>) semaphore(%arg23 : memref<!tpu.dma_semaphore, #tpu.memory_space<semaphore_mem>>) {add = true}
        }
        %scan3A_94 = arith.constant 8 : i32
      }
      %scan3A_40 = arith.constant 5 : i32
      %dma_wait3A = arith.constant 0 : i32
      %dma_wait3A_41 = arith.constant 0 : i32
      %dma_wait3A_42 = tpu.memref_slice %arg2[%dma_wait3A, %dma_wait3A_41] : memref<10000x128xf32, #tpu.memory_space<hbm>> -> memref<64x128xf32, #tpu.memory_space<hbm>>
      %dma_wait3A_43 = arith.constant 0 : i32
      %dma_wait3A_44 = arith.constant 0 : i32
      %dma_wait3A_45 = tpu.memref_slice %arg2[%dma_wait3A_43, %dma_wait3A_44] : memref<10000x128xf32, #tpu.memory_space<hbm>> -> memref<64x128xf32, #tpu.memory_space<hbm>>
      tpu.wait_dma2 semaphore(%arg20 : memref<!tpu.dma_semaphore, #tpu.memory_space<semaphore_mem>>) src(%dma_wait3A_45 : memref<64x128xf32, #tpu.memory_space<hbm>>) dst(%arg11 : memref<64x128xf32, #tpu.memory_space<vmem>>)
      %dma_wait3A_46 = arith.constant 0 : i32
      %dma_wait3A_47 = arith.constant 0 : i32
      %dma_wait3A_48 = tpu.memref_slice %arg2[%dma_wait3A_46, %dma_wait3A_47] : memref<10000x128xf32, #tpu.memory_space<hbm>> -> memref<64x128xf32, #tpu.memory_space<hbm>>
      %dma_wait3A_49 = arith.constant 0 : i32
      %dma_wait3A_50 = arith.constant 0 : i32
      %dma_wait3A_51 = tpu.memref_slice %arg2[%dma_wait3A_49, %dma_wait3A_50] : memref<10000x128xf32, #tpu.memory_space<hbm>> -> memref<64x128xf32, #tpu.memory_space<hbm>>
      tpu.wait_dma2 semaphore(%arg21 : memref<!tpu.dma_semaphore, #tpu.memory_space<semaphore_mem>>) src(%dma_wait3A_51 : memref<64x128xf32, #tpu.memory_space<hbm>>) dst(%arg12 : memref<64x128xf32, #tpu.memory_space<vmem>>)
      %dma_wait3A_52 = arith.constant 0 : i32
      %dma_wait3A_53 = arith.constant 0 : i32
      %dma_wait3A_54 = tpu.memref_slice %arg2[%dma_wait3A_52, %dma_wait3A_53] : memref<10000x128xf32, #tpu.memory_space<hbm>> -> memref<64x128xf32, #tpu.memory_space<hbm>>
      %dma_wait3A_55 = arith.constant 0 : i32
      %dma_wait3A_56 = arith.constant 0 : i32
      %dma_wait3A_57 = tpu.memref_slice %arg2[%dma_wait3A_55, %dma_wait3A_56] : memref<10000x128xf32, #tpu.memory_space<hbm>> -> memref<64x128xf32, #tpu.memory_space<hbm>>
      tpu.wait_dma2 semaphore(%arg22 : memref<!tpu.dma_semaphore, #tpu.memory_space<semaphore_mem>>) src(%dma_wait3A_57 : memref<64x128xf32, #tpu.memory_space<hbm>>) dst(%arg13 : memref<64x128xf32, #tpu.memory_space<vmem>>)
      %dma_wait3A_58 = arith.constant 0 : i32
      %dma_wait3A_59 = arith.constant 0 : i32
      %dma_wait3A_60 = tpu.memref_slice %arg2[%dma_wait3A_58, %dma_wait3A_59] : memref<10000x128xf32, #tpu.memory_space<hbm>> -> memref<64x128xf32, #tpu.memory_space<hbm>>
      %dma_wait3A_61 = arith.constant 0 : i32
      %dma_wait3A_62 = arith.constant 0 : i32
      %dma_wait3A_63 = tpu.memref_slice %arg2[%dma_wait3A_61, %dma_wait3A_62] : memref<10000x128xf32, #tpu.memory_space<hbm>> -> memref<64x128xf32, #tpu.memory_space<hbm>>
      tpu.wait_dma2 semaphore(%arg23 : memref<!tpu.dma_semaphore, #tpu.memory_space<semaphore_mem>>) src(%dma_wait3A_63 : memref<64x128xf32, #tpu.memory_space<hbm>>) dst(%arg14 : memref<64x128xf32, #tpu.memory_space<vmem>>)
    } else {
    }
    %eq3A_27 = arith.constant 1 : i32
    %eq3A_28 = arith.cmpi eq, %arg0, %eq3A_27 : i32
    %convert_element_type3A_29 = arith.extui %eq3A_28 : i1 to i32
    %cond3A_30 = arith.constant 0 : i32
    %cond3A_31 = arith.cmpi ne, %convert_element_type3A_29, %cond3A_30 : i32
    scf.if %cond3A_31 {
      %mul3A_33 = arith.constant 320 : i32
      %mul3A_34 = arith.muli %arg1, %mul3A_33 : i32
      %scan3A_35 = arith.constant 0 : i32
      %scan3A_36 = arith.constant 0 : i32
      %scan3A_37 = arith.constant 5 : i32
      %scan3A_38 = arith.addi %scan3A_36, %scan3A_37 : i32
      %scan3A_39 = arith.constant 1 : i32
      scf.for %scan3A_64 = %scan3A_36 to %scan3A_38 step %scan3A_39  : i32 {
        %mul3A_65 = arith.constant 2 : i32
        %mul3A_66 = arith.muli %mul3A_65, %scan3A_64 : i32
        %add3A_67 = arith.constant 0 : i32
        %add3A_68 = arith.addi %mul3A_66, %add3A_67 : i32
        %mul3A_69 = arith.constant 32 : i32
        %mul3A_70 = arith.muli %add3A_68, %mul3A_69 : i32
        %add3A_71 = arith.addi %mul3A_34, %mul3A_70 : i32
        "tpu.region"() ({
          %run_scoped3A = tpu.sem_alloc : memref<!tpu.dma_semaphore, #tpu.memory_space<semaphore_mem>>
          %dma_start3A = arith.constant 0 : i32
          %dma_start3A_95 = tpu.memref_slice %arg4[%add3A_71, %dma_start3A] : memref<5120x64xi32, #tpu.memory_space<hbm>> -> memref<32x64xi32, #tpu.memory_space<hbm>>
          %dma_start3A_96 = arith.constant 0 : i32
          %dma_start3A_97 = tpu.memref_slice %arg4[%add3A_71, %dma_start3A_96] : memref<5120x64xi32, #tpu.memory_space<hbm>> -> memref<32x64xi32, #tpu.memory_space<hbm>>
          tpu.enqueue_dma source(%dma_start3A_97 : memref<32x64xi32, #tpu.memory_space<hbm>>) target(%arg7 : memref<32x64xi32, #tpu.memory_space<vmem>>) target_semaphore(%run_scoped3A : memref<!tpu.dma_semaphore, #tpu.memory_space<semaphore_mem>>)
          %dma_wait3A_98 = arith.constant 0 : i32
          %dma_wait3A_99 = tpu.memref_slice %arg4[%add3A_71, %dma_wait3A_98] : memref<5120x64xi32, #tpu.memory_space<hbm>> -> memref<32x64xi32, #tpu.memory_space<hbm>>
          %dma_wait3A_100 = arith.constant 0 : i32
          %dma_wait3A_101 = tpu.memref_slice %arg4[%add3A_71, %dma_wait3A_100] : memref<5120x64xi32, #tpu.memory_space<hbm>> -> memref<32x64xi32, #tpu.memory_space<hbm>>
          tpu.wait_dma2 semaphore(%run_scoped3A : memref<!tpu.dma_semaphore, #tpu.memory_space<semaphore_mem>>) src(%dma_wait3A_101 : memref<32x64xi32, #tpu.memory_space<hbm>>) dst(%arg7 : memref<32x64xi32, #tpu.memory_space<vmem>>)
          tpu.yield
        }) : () -> ()
        %mul3A_72 = arith.constant 32 : i32
        %mul3A_73 = arith.muli %add3A_68, %mul3A_72 : i32
        %add3A_74 = arith.addi %mul3A_34, %mul3A_73 : i32
        "tpu.region"() ({
          %run_scoped3A = tpu.sem_alloc : memref<!tpu.dma_semaphore, #tpu.memory_space<semaphore_mem>>
          %dma_start3A = arith.constant 0 : i32
          %dma_start3A_95 = tpu.memref_slice %arg5[%add3A_74, %dma_start3A] : memref<5120x64xi32, #tpu.memory_space<hbm>> -> memref<32x64xi32, #tpu.memory_space<hbm>>
          %dma_start3A_96 = arith.constant 0 : i32
          %dma_start3A_97 = tpu.memref_slice %arg5[%add3A_74, %dma_start3A_96] : memref<5120x64xi32, #tpu.memory_space<hbm>> -> memref<32x64xi32, #tpu.memory_space<hbm>>
          tpu.enqueue_dma source(%dma_start3A_97 : memref<32x64xi32, #tpu.memory_space<hbm>>) target(%arg8 : memref<32x64xi32, #tpu.memory_space<vmem>>) target_semaphore(%run_scoped3A : memref<!tpu.dma_semaphore, #tpu.memory_space<semaphore_mem>>)
          %dma_wait3A_98 = arith.constant 0 : i32
          %dma_wait3A_99 = tpu.memref_slice %arg5[%add3A_74, %dma_wait3A_98] : memref<5120x64xi32, #tpu.memory_space<hbm>> -> memref<32x64xi32, #tpu.memory_space<hbm>>
          %dma_wait3A_100 = arith.constant 0 : i32
          %dma_wait3A_101 = tpu.memref_slice %arg5[%add3A_74, %dma_wait3A_100] : memref<5120x64xi32, #tpu.memory_space<hbm>> -> memref<32x64xi32, #tpu.memory_space<hbm>>
          tpu.wait_dma2 semaphore(%run_scoped3A : memref<!tpu.dma_semaphore, #tpu.memory_space<semaphore_mem>>) src(%dma_wait3A_101 : memref<32x64xi32, #tpu.memory_space<hbm>>) dst(%arg8 : memref<32x64xi32, #tpu.memory_space<vmem>>)
          tpu.yield
        }) : () -> ()
        %scan3A_75 = arith.constant 0 : i32
        %scan3A_76 = arith.constant 8 : i32
        %scan3A_77 = arith.addi %scan3A_75, %scan3A_76 : i32
        %scan3A_78 = arith.constant 1 : i32
        scf.for %scan3A_95 = %scan3A_75 to %scan3A_77 step %scan3A_78  : i32 {
          %mul3A_96 = arith.constant 8 : i32
          %mul3A_97 = arith.muli %add3A_68, %mul3A_96 : i32
          %add3A_98 = arith.addi %mul3A_97, %scan3A_95 : i32
          %gt3A = arith.constant 0 : i32
          %gt3A_99 = arith.cmpi sgt, %add3A_98, %gt3A : i32
          %convert_element_type3A_100 = arith.extui %gt3A_99 : i1 to i32
          %cond3A_101 = arith.constant 0 : i32
          %cond3A_102 = arith.cmpi ne, %convert_element_type3A_100, %cond3A_101 : i32
          scf.if %cond3A_102 {
            %dma_wait3A_221 = arith.constant 0 : i32
            %dma_wait3A_222 = arith.constant 0 : i32
            %dma_wait3A_223 = tpu.memref_slice %arg3[%dma_wait3A_221, %dma_wait3A_222] : memref<10000x128xf32, #tpu.memory_space<hbm>> -> memref<64x128xf32, #tpu.memory_space<hbm>>
            %dma_wait3A_224 = arith.constant 0 : i32
            %dma_wait3A_225 = arith.constant 0 : i32
            %dma_wait3A_226 = tpu.memref_slice %arg3[%dma_wait3A_224, %dma_wait3A_225] : memref<10000x128xf32, #tpu.memory_space<hbm>> -> memref<64x128xf32, #tpu.memory_space<hbm>>
            tpu.wait_dma2 semaphore(%arg20 : memref<!tpu.dma_semaphore, #tpu.memory_space<semaphore_mem>>) src(%dma_wait3A_226 : memref<64x128xf32, #tpu.memory_space<hbm>>) dst(%arg11 : memref<64x128xf32, #tpu.memory_space<vmem>>)
          } else {
          }
          %mul3A_103 = arith.constant 4 : i32
          %mul3A_104 = arith.muli %scan3A_95, %mul3A_103 : i32
          %add3A_105 = arith.constant 0 : i32
          %add3A_106 = arith.addi %mul3A_104, %add3A_105 : i32
          %dma_start3A = arith.constant 0 : i32
          %dma_start3A_107 = tpu.memref_slice %arg7[%add3A_106, %dma_start3A] : memref<32x64xi32, #tpu.memory_space<vmem>> -> memref<1x64xi32, #tpu.memory_space<vmem>>
          %dma_start3A_108 = tpu.memref_squeeze %dma_start3A_107 : memref<1x64xi32, #tpu.memory_space<vmem>> -> memref<64xi32, #tpu.memory_space<vmem>>
          %dma_start3A_109 = arith.constant 0 : i32
          %dma_start3A_110 = arith.constant 0 : i32
          %dma_start3A_111 = tpu.memref_slice %arg3[%dma_start3A_109, %dma_start3A_110] : memref<10000x128xf32, #tpu.memory_space<hbm>> -> memref<10000x128xf32, #tpu.memory_space<hbm>>
          tpu.enqueue_indirect_dma source(%dma_start3A_111 : memref<10000x128xf32, #tpu.memory_space<hbm>>) target(%arg11 : memref<64x128xf32, #tpu.memory_space<vmem>>) offsets(%dma_start3A_108 : memref<64xi32, #tpu.memory_space<vmem>>) semaphore(%arg16 : memref<!tpu.dma_semaphore, #tpu.memory_space<semaphore_mem>>)
          %gt3A_112 = arith.constant 0 : i32
          %gt3A_113 = arith.cmpi sgt, %add3A_98, %gt3A_112 : i32
          %convert_element_type3A_114 = arith.extui %gt3A_113 : i1 to i32
          %cond3A_115 = arith.constant 0 : i32
          %cond3A_116 = arith.cmpi ne, %convert_element_type3A_114, %cond3A_115 : i32
          scf.if %cond3A_116 {
            %dma_wait3A_221 = arith.constant 0 : i32
            %dma_wait3A_222 = arith.constant 0 : i32
            %dma_wait3A_223 = tpu.memref_slice %arg3[%dma_wait3A_221, %dma_wait3A_222] : memref<10000x128xf32, #tpu.memory_space<hbm>> -> memref<64x128xf32, #tpu.memory_space<hbm>>
            %dma_wait3A_224 = arith.constant 0 : i32
            %dma_wait3A_225 = arith.constant 0 : i32
            %dma_wait3A_226 = tpu.memref_slice %arg3[%dma_wait3A_224, %dma_wait3A_225] : memref<10000x128xf32, #tpu.memory_space<hbm>> -> memref<64x128xf32, #tpu.memory_space<hbm>>
            tpu.wait_dma2 semaphore(%arg21 : memref<!tpu.dma_semaphore, #tpu.memory_space<semaphore_mem>>) src(%dma_wait3A_226 : memref<64x128xf32, #tpu.memory_space<hbm>>) dst(%arg12 : memref<64x128xf32, #tpu.memory_space<vmem>>)
          } else {
          }
          %mul3A_117 = arith.constant 4 : i32
          %mul3A_118 = arith.muli %scan3A_95, %mul3A_117 : i32
          %add3A_119 = arith.constant 1 : i32
          %add3A_120 = arith.addi %mul3A_118, %add3A_119 : i32
          %dma_start3A_121 = arith.constant 0 : i32
          %dma_start3A_122 = tpu.memref_slice %arg7[%add3A_120, %dma_start3A_121] : memref<32x64xi32, #tpu.memory_space<vmem>> -> memref<1x64xi32, #tpu.memory_space<vmem>>
          %dma_start3A_123 = tpu.memref_squeeze %dma_start3A_122 : memref<1x64xi32, #tpu.memory_space<vmem>> -> memref<64xi32, #tpu.memory_space<vmem>>
          %dma_start3A_124 = arith.constant 0 : i32
          %dma_start3A_125 = arith.constant 0 : i32
          %dma_start3A_126 = tpu.memref_slice %arg3[%dma_start3A_124, %dma_start3A_125] : memref<10000x128xf32, #tpu.memory_space<hbm>> -> memref<10000x128xf32, #tpu.memory_space<hbm>>
          tpu.enqueue_indirect_dma source(%dma_start3A_126 : memref<10000x128xf32, #tpu.memory_space<hbm>>) target(%arg12 : memref<64x128xf32, #tpu.memory_space<vmem>>) offsets(%dma_start3A_123 : memref<64xi32, #tpu.memory_space<vmem>>) semaphore(%arg17 : memref<!tpu.dma_semaphore, #tpu.memory_space<semaphore_mem>>)
          %gt3A_127 = arith.constant 0 : i32
          %gt3A_128 = arith.cmpi sgt, %add3A_98, %gt3A_127 : i32
          %convert_element_type3A_129 = arith.extui %gt3A_128 : i1 to i32
          %cond3A_130 = arith.constant 0 : i32
          %cond3A_131 = arith.cmpi ne, %convert_element_type3A_129, %cond3A_130 : i32
          scf.if %cond3A_131 {
            %dma_wait3A_221 = arith.constant 0 : i32
            %dma_wait3A_222 = arith.constant 0 : i32
            %dma_wait3A_223 = tpu.memref_slice %arg3[%dma_wait3A_221, %dma_wait3A_222] : memref<10000x128xf32, #tpu.memory_space<hbm>> -> memref<64x128xf32, #tpu.memory_space<hbm>>
            %dma_wait3A_224 = arith.constant 0 : i32
            %dma_wait3A_225 = arith.constant 0 : i32
            %dma_wait3A_226 = tpu.memref_slice %arg3[%dma_wait3A_224, %dma_wait3A_225] : memref<10000x128xf32, #tpu.memory_space<hbm>> -> memref<64x128xf32, #tpu.memory_space<hbm>>
            tpu.wait_dma2 semaphore(%arg22 : memref<!tpu.dma_semaphore, #tpu.memory_space<semaphore_mem>>) src(%dma_wait3A_226 : memref<64x128xf32, #tpu.memory_space<hbm>>) dst(%arg13 : memref<64x128xf32, #tpu.memory_space<vmem>>)
          } else {
          }
          %mul3A_132 = arith.constant 4 : i32
          %mul3A_133 = arith.muli %scan3A_95, %mul3A_132 : i32
          %add3A_134 = arith.constant 2 : i32
          %add3A_135 = arith.addi %mul3A_133, %add3A_134 : i32
          %dma_start3A_136 = arith.constant 0 : i32
          %dma_start3A_137 = tpu.memref_slice %arg7[%add3A_135, %dma_start3A_136] : memref<32x64xi32, #tpu.memory_space<vmem>> -> memref<1x64xi32, #tpu.memory_space<vmem>>
          %dma_start3A_138 = tpu.memref_squeeze %dma_start3A_137 : memref<1x64xi32, #tpu.memory_space<vmem>> -> memref<64xi32, #tpu.memory_space<vmem>>
          %dma_start3A_139 = arith.constant 0 : i32
          %dma_start3A_140 = arith.constant 0 : i32
          %dma_start3A_141 = tpu.memref_slice %arg3[%dma_start3A_139, %dma_start3A_140] : memref<10000x128xf32, #tpu.memory_space<hbm>> -> memref<10000x128xf32, #tpu.memory_space<hbm>>
          tpu.enqueue_indirect_dma source(%dma_start3A_141 : memref<10000x128xf32, #tpu.memory_space<hbm>>) target(%arg13 : memref<64x128xf32, #tpu.memory_space<vmem>>) offsets(%dma_start3A_138 : memref<64xi32, #tpu.memory_space<vmem>>) semaphore(%arg18 : memref<!tpu.dma_semaphore, #tpu.memory_space<semaphore_mem>>)
          %gt3A_142 = arith.constant 0 : i32
          %gt3A_143 = arith.cmpi sgt, %add3A_98, %gt3A_142 : i32
          %convert_element_type3A_144 = arith.extui %gt3A_143 : i1 to i32
          %cond3A_145 = arith.constant 0 : i32
          %cond3A_146 = arith.cmpi ne, %convert_element_type3A_144, %cond3A_145 : i32
          scf.if %cond3A_146 {
            %dma_wait3A_221 = arith.constant 0 : i32
            %dma_wait3A_222 = arith.constant 0 : i32
            %dma_wait3A_223 = tpu.memref_slice %arg3[%dma_wait3A_221, %dma_wait3A_222] : memref<10000x128xf32, #tpu.memory_space<hbm>> -> memref<64x128xf32, #tpu.memory_space<hbm>>
            %dma_wait3A_224 = arith.constant 0 : i32
            %dma_wait3A_225 = arith.constant 0 : i32
            %dma_wait3A_226 = tpu.memref_slice %arg3[%dma_wait3A_224, %dma_wait3A_225] : memref<10000x128xf32, #tpu.memory_space<hbm>> -> memref<64x128xf32, #tpu.memory_space<hbm>>
            tpu.wait_dma2 semaphore(%arg23 : memref<!tpu.dma_semaphore, #tpu.memory_space<semaphore_mem>>) src(%dma_wait3A_226 : memref<64x128xf32, #tpu.memory_space<hbm>>) dst(%arg14 : memref<64x128xf32, #tpu.memory_space<vmem>>)
          } else {
          }
          %mul3A_147 = arith.constant 4 : i32
          %mul3A_148 = arith.muli %scan3A_95, %mul3A_147 : i32
          %add3A_149 = arith.constant 3 : i32
          %add3A_150 = arith.addi %mul3A_148, %add3A_149 : i32
          %dma_start3A_151 = arith.constant 0 : i32
          %dma_start3A_152 = tpu.memref_slice %arg7[%add3A_150, %dma_start3A_151] : memref<32x64xi32, #tpu.memory_space<vmem>> -> memref<1x64xi32, #tpu.memory_space<vmem>>
          %dma_start3A_153 = tpu.memref_squeeze %dma_start3A_152 : memref<1x64xi32, #tpu.memory_space<vmem>> -> memref<64xi32, #tpu.memory_space<vmem>>
          %dma_start3A_154 = arith.constant 0 : i32
          %dma_start3A_155 = arith.constant 0 : i32
          %dma_start3A_156 = tpu.memref_slice %arg3[%dma_start3A_154, %dma_start3A_155] : memref<10000x128xf32, #tpu.memory_space<hbm>> -> memref<10000x128xf32, #tpu.memory_space<hbm>>
          tpu.enqueue_indirect_dma source(%dma_start3A_156 : memref<10000x128xf32, #tpu.memory_space<hbm>>) target(%arg14 : memref<64x128xf32, #tpu.memory_space<vmem>>) offsets(%dma_start3A_153 : memref<64xi32, #tpu.memory_space<vmem>>) semaphore(%arg19 : memref<!tpu.dma_semaphore, #tpu.memory_space<semaphore_mem>>)
          %dma_wait3A_157 = arith.constant 0 : i32
          %dma_wait3A_158 = arith.constant 0 : i32
          %dma_wait3A_159 = tpu.memref_slice %arg3[%dma_wait3A_157, %dma_wait3A_158] : memref<10000x128xf32, #tpu.memory_space<hbm>> -> memref<64x128xf32, #tpu.memory_space<hbm>>
          %dma_wait3A_160 = arith.constant 0 : i32
          %dma_wait3A_161 = arith.constant 0 : i32
          %dma_wait3A_162 = tpu.memref_slice %arg3[%dma_wait3A_160, %dma_wait3A_161] : memref<10000x128xf32, #tpu.memory_space<hbm>> -> memref<64x128xf32, #tpu.memory_space<hbm>>
          tpu.wait_dma2 semaphore(%arg16 : memref<!tpu.dma_semaphore, #tpu.memory_space<semaphore_mem>>) src(%dma_wait3A_162 : memref<64x128xf32, #tpu.memory_space<hbm>>) dst(%arg11 : memref<64x128xf32, #tpu.memory_space<vmem>>)
          %mul3A_163 = arith.constant 4 : i32
          %mul3A_164 = arith.muli %scan3A_95, %mul3A_163 : i32
          %add3A_165 = arith.constant 0 : i32
          %add3A_166 = arith.addi %mul3A_164, %add3A_165 : i32
          %dma_start3A_167 = arith.constant 0 : i32
          %dma_start3A_168 = tpu.memref_slice %arg8[%add3A_166, %dma_start3A_167] : memref<32x64xi32, #tpu.memory_space<vmem>> -> memref<1x64xi32, #tpu.memory_space<vmem>>
          %dma_start3A_169 = tpu.memref_squeeze %dma_start3A_168 : memref<1x64xi32, #tpu.memory_space<vmem>> -> memref<64xi32, #tpu.memory_space<vmem>>
          %dma_start3A_170 = arith.constant 0 : i32
          %dma_start3A_171 = arith.constant 0 : i32
          %dma_start3A_172 = tpu.memref_slice %arg15[%dma_start3A_170, %dma_start3A_171] : memref<10112x128xf32, #tpu.memory_space<vmem_shared>> -> memref<10112x128xf32, #tpu.memory_space<vmem_shared>>
          tpu.enqueue_indirect_dma source(%arg11 : memref<64x128xf32, #tpu.memory_space<vmem>>) target(%dma_start3A_172 : memref<10112x128xf32, #tpu.memory_space<vmem_shared>>) offsets(%dma_start3A_169 : memref<64xi32, #tpu.memory_space<vmem>>) semaphore(%arg20 : memref<!tpu.dma_semaphore, #tpu.memory_space<semaphore_mem>>) {add = true}
          %dma_wait3A_173 = arith.constant 0 : i32
          %dma_wait3A_174 = arith.constant 0 : i32
          %dma_wait3A_175 = tpu.memref_slice %arg3[%dma_wait3A_173, %dma_wait3A_174] : memref<10000x128xf32, #tpu.memory_space<hbm>> -> memref<64x128xf32, #tpu.memory_space<hbm>>
          %dma_wait3A_176 = arith.constant 0 : i32
          %dma_wait3A_177 = arith.constant 0 : i32
          %dma_wait3A_178 = tpu.memref_slice %arg3[%dma_wait3A_176, %dma_wait3A_177] : memref<10000x128xf32, #tpu.memory_space<hbm>> -> memref<64x128xf32, #tpu.memory_space<hbm>>
          tpu.wait_dma2 semaphore(%arg17 : memref<!tpu.dma_semaphore, #tpu.memory_space<semaphore_mem>>) src(%dma_wait3A_178 : memref<64x128xf32, #tpu.memory_space<hbm>>) dst(%arg12 : memref<64x128xf32, #tpu.memory_space<vmem>>)
          %mul3A_179 = arith.constant 4 : i32
          %mul3A_180 = arith.muli %scan3A_95, %mul3A_179 : i32
          %add3A_181 = arith.constant 1 : i32
          %add3A_182 = arith.addi %mul3A_180, %add3A_181 : i32
          %dma_start3A_183 = arith.constant 0 : i32
          %dma_start3A_184 = tpu.memref_slice %arg8[%add3A_182, %dma_start3A_183] : memref<32x64xi32, #tpu.memory_space<vmem>> -> memref<1x64xi32, #tpu.memory_space<vmem>>
          %dma_start3A_185 = tpu.memref_squeeze %dma_start3A_184 : memref<1x64xi32, #tpu.memory_space<vmem>> -> memref<64xi32, #tpu.memory_space<vmem>>
          %dma_start3A_186 = arith.constant 0 : i32
          %dma_start3A_187 = arith.constant 0 : i32
          %dma_start3A_188 = tpu.memref_slice %arg15[%dma_start3A_186, %dma_start3A_187] : memref<10112x128xf32, #tpu.memory_space<vmem_shared>> -> memref<10112x128xf32, #tpu.memory_space<vmem_shared>>
          tpu.enqueue_indirect_dma source(%arg12 : memref<64x128xf32, #tpu.memory_space<vmem>>) target(%dma_start3A_188 : memref<10112x128xf32, #tpu.memory_space<vmem_shared>>) offsets(%dma_start3A_185 : memref<64xi32, #tpu.memory_space<vmem>>) semaphore(%arg21 : memref<!tpu.dma_semaphore, #tpu.memory_space<semaphore_mem>>) {add = true}
          %dma_wait3A_189 = arith.constant 0 : i32
          %dma_wait3A_190 = arith.constant 0 : i32
          %dma_wait3A_191 = tpu.memref_slice %arg3[%dma_wait3A_189, %dma_wait3A_190] : memref<10000x128xf32, #tpu.memory_space<hbm>> -> memref<64x128xf32, #tpu.memory_space<hbm>>
          %dma_wait3A_192 = arith.constant 0 : i32
          %dma_wait3A_193 = arith.constant 0 : i32
          %dma_wait3A_194 = tpu.memref_slice %arg3[%dma_wait3A_192, %dma_wait3A_193] : memref<10000x128xf32, #tpu.memory_space<hbm>> -> memref<64x128xf32, #tpu.memory_space<hbm>>
          tpu.wait_dma2 semaphore(%arg18 : memref<!tpu.dma_semaphore, #tpu.memory_space<semaphore_mem>>) src(%dma_wait3A_194 : memref<64x128xf32, #tpu.memory_space<hbm>>) dst(%arg13 : memref<64x128xf32, #tpu.memory_space<vmem>>)
          %mul3A_195 = arith.constant 4 : i32
          %mul3A_196 = arith.muli %scan3A_95, %mul3A_195 : i32
          %add3A_197 = arith.constant 2 : i32
          %add3A_198 = arith.addi %mul3A_196, %add3A_197 : i32
          %dma_start3A_199 = arith.constant 0 : i32
          %dma_start3A_200 = tpu.memref_slice %arg8[%add3A_198, %dma_start3A_199] : memref<32x64xi32, #tpu.memory_space<vmem>> -> memref<1x64xi32, #tpu.memory_space<vmem>>
          %dma_start3A_201 = tpu.memref_squeeze %dma_start3A_200 : memref<1x64xi32, #tpu.memory_space<vmem>> -> memref<64xi32, #tpu.memory_space<vmem>>
          %dma_start3A_202 = arith.constant 0 : i32
          %dma_start3A_203 = arith.constant 0 : i32
          %dma_start3A_204 = tpu.memref_slice %arg15[%dma_start3A_202, %dma_start3A_203] : memref<10112x128xf32, #tpu.memory_space<vmem_shared>> -> memref<10112x128xf32, #tpu.memory_space<vmem_shared>>
          tpu.enqueue_indirect_dma source(%arg13 : memref<64x128xf32, #tpu.memory_space<vmem>>) target(%dma_start3A_204 : memref<10112x128xf32, #tpu.memory_space<vmem_shared>>) offsets(%dma_start3A_201 : memref<64xi32, #tpu.memory_space<vmem>>) semaphore(%arg22 : memref<!tpu.dma_semaphore, #tpu.memory_space<semaphore_mem>>) {add = true}
          %dma_wait3A_205 = arith.constant 0 : i32
          %dma_wait3A_206 = arith.constant 0 : i32
          %dma_wait3A_207 = tpu.memref_slice %arg3[%dma_wait3A_205, %dma_wait3A_206] : memref<10000x128xf32, #tpu.memory_space<hbm>> -> memref<64x128xf32, #tpu.memory_space<hbm>>
          %dma_wait3A_208 = arith.constant 0 : i32
          %dma_wait3A_209 = arith.constant 0 : i32
          %dma_wait3A_210 = tpu.memref_slice %arg3[%dma_wait3A_208, %dma_wait3A_209] : memref<10000x128xf32, #tpu.memory_space<hbm>> -> memref<64x128xf32, #tpu.memory_space<hbm>>
          tpu.wait_dma2 semaphore(%arg19 : memref<!tpu.dma_semaphore, #tpu.memory_space<semaphore_mem>>) src(%dma_wait3A_210 : memref<64x128xf32, #tpu.memory_space<hbm>>) dst(%arg14 : memref<64x128xf32, #tpu.memory_space<vmem>>)
          %mul3A_211 = arith.constant 4 : i32
          %mul3A_212 = arith.muli %scan3A_95, %mul3A_211 : i32
          %add3A_213 = arith.constant 3 : i32
          %add3A_214 = arith.addi %mul3A_212, %add3A_213 : i32
          %dma_start3A_215 = arith.constant 0 : i32
          %dma_start3A_216 = tpu.memref_slice %arg8[%add3A_214, %dma_start3A_215] : memref<32x64xi32, #tpu.memory_space<vmem>> -> memref<1x64xi32, #tpu.memory_space<vmem>>
          %dma_start3A_217 = tpu.memref_squeeze %dma_start3A_216 : memref<1x64xi32, #tpu.memory_space<vmem>> -> memref<64xi32, #tpu.memory_space<vmem>>
          %dma_start3A_218 = arith.constant 0 : i32
          %dma_start3A_219 = arith.constant 0 : i32
          %dma_start3A_220 = tpu.memref_slice %arg15[%dma_start3A_218, %dma_start3A_219] : memref<10112x128xf32, #tpu.memory_space<vmem_shared>> -> memref<10112x128xf32, #tpu.memory_space<vmem_shared>>
          tpu.enqueue_indirect_dma source(%arg14 : memref<64x128xf32, #tpu.memory_space<vmem>>) target(%dma_start3A_220 : memref<10112x128xf32, #tpu.memory_space<vmem_shared>>) offsets(%dma_start3A_217 : memref<64xi32, #tpu.memory_space<vmem>>) semaphore(%arg23 : memref<!tpu.dma_semaphore, #tpu.memory_space<semaphore_mem>>) {add = true}
        }
        %scan3A_79 = arith.constant 8 : i32
        %mul3A_80 = arith.constant 2 : i32
        %mul3A_81 = arith.muli %mul3A_80, %scan3A_64 : i32
        %add3A_82 = arith.constant 1 : i32
        %add3A_83 = arith.addi %mul3A_81, %add3A_82 : i32
        %mul3A_84 = arith.constant 32 : i32
        %mul3A_85 = arith.muli %add3A_83, %mul3A_84 : i32
        %add3A_86 = arith.addi %mul3A_34, %mul3A_85 : i32
        "tpu.region"() ({
          %run_scoped3A = tpu.sem_alloc : memref<!tpu.dma_semaphore, #tpu.memory_space<semaphore_mem>>
          %dma_start3A = arith.constant 0 : i32
          %dma_start3A_95 = tpu.memref_slice %arg4[%add3A_86, %dma_start3A] : memref<5120x64xi32, #tpu.memory_space<hbm>> -> memref<32x64xi32, #tpu.memory_space<hbm>>
          %dma_start3A_96 = arith.constant 0 : i32
          %dma_start3A_97 = tpu.memref_slice %arg4[%add3A_86, %dma_start3A_96] : memref<5120x64xi32, #tpu.memory_space<hbm>> -> memref<32x64xi32, #tpu.memory_space<hbm>>
          tpu.enqueue_dma source(%dma_start3A_97 : memref<32x64xi32, #tpu.memory_space<hbm>>) target(%arg9 : memref<32x64xi32, #tpu.memory_space<vmem>>) target_semaphore(%run_scoped3A : memref<!tpu.dma_semaphore, #tpu.memory_space<semaphore_mem>>)
          %dma_wait3A_98 = arith.constant 0 : i32
          %dma_wait3A_99 = tpu.memref_slice %arg4[%add3A_86, %dma_wait3A_98] : memref<5120x64xi32, #tpu.memory_space<hbm>> -> memref<32x64xi32, #tpu.memory_space<hbm>>
          %dma_wait3A_100 = arith.constant 0 : i32
          %dma_wait3A_101 = tpu.memref_slice %arg4[%add3A_86, %dma_wait3A_100] : memref<5120x64xi32, #tpu.memory_space<hbm>> -> memref<32x64xi32, #tpu.memory_space<hbm>>
          tpu.wait_dma2 semaphore(%run_scoped3A : memref<!tpu.dma_semaphore, #tpu.memory_space<semaphore_mem>>) src(%dma_wait3A_101 : memref<32x64xi32, #tpu.memory_space<hbm>>) dst(%arg9 : memref<32x64xi32, #tpu.memory_space<vmem>>)
          tpu.yield
        }) : () -> ()
        %mul3A_87 = arith.constant 32 : i32
        %mul3A_88 = arith.muli %add3A_83, %mul3A_87 : i32
        %add3A_89 = arith.addi %mul3A_34, %mul3A_88 : i32
        "tpu.region"() ({
          %run_scoped3A = tpu.sem_alloc : memref<!tpu.dma_semaphore, #tpu.memory_space<semaphore_mem>>
          %dma_start3A = arith.constant 0 : i32
          %dma_start3A_95 = tpu.memref_slice %arg5[%add3A_89, %dma_start3A] : memref<5120x64xi32, #tpu.memory_space<hbm>> -> memref<32x64xi32, #tpu.memory_space<hbm>>
          %dma_start3A_96 = arith.constant 0 : i32
          %dma_start3A_97 = tpu.memref_slice %arg5[%add3A_89, %dma_start3A_96] : memref<5120x64xi32, #tpu.memory_space<hbm>> -> memref<32x64xi32, #tpu.memory_space<hbm>>
          tpu.enqueue_dma source(%dma_start3A_97 : memref<32x64xi32, #tpu.memory_space<hbm>>) target(%arg10 : memref<32x64xi32, #tpu.memory_space<vmem>>) target_semaphore(%run_scoped3A : memref<!tpu.dma_semaphore, #tpu.memory_space<semaphore_mem>>)
          %dma_wait3A_98 = arith.constant 0 : i32
          %dma_wait3A_99 = tpu.memref_slice %arg5[%add3A_89, %dma_wait3A_98] : memref<5120x64xi32, #tpu.memory_space<hbm>> -> memref<32x64xi32, #tpu.memory_space<hbm>>
          %dma_wait3A_100 = arith.constant 0 : i32
          %dma_wait3A_101 = tpu.memref_slice %arg5[%add3A_89, %dma_wait3A_100] : memref<5120x64xi32, #tpu.memory_space<hbm>> -> memref<32x64xi32, #tpu.memory_space<hbm>>
          tpu.wait_dma2 semaphore(%run_scoped3A : memref<!tpu.dma_semaphore, #tpu.memory_space<semaphore_mem>>) src(%dma_wait3A_101 : memref<32x64xi32, #tpu.memory_space<hbm>>) dst(%arg10 : memref<32x64xi32, #tpu.memory_space<vmem>>)
          tpu.yield
        }) : () -> ()
        %scan3A_90 = arith.constant 0 : i32
        %scan3A_91 = arith.constant 8 : i32
        %scan3A_92 = arith.addi %scan3A_90, %scan3A_91 : i32
        %scan3A_93 = arith.constant 1 : i32
        scf.for %scan3A_95 = %scan3A_90 to %scan3A_92 step %scan3A_93  : i32 {
          %mul3A_96 = arith.constant 8 : i32
          %mul3A_97 = arith.muli %add3A_83, %mul3A_96 : i32
          %add3A_98 = arith.addi %mul3A_97, %scan3A_95 : i32
          %gt3A = arith.constant 0 : i32
          %gt3A_99 = arith.cmpi sgt, %add3A_98, %gt3A : i32
          %convert_element_type3A_100 = arith.extui %gt3A_99 : i1 to i32
          %cond3A_101 = arith.constant 0 : i32
          %cond3A_102 = arith.cmpi ne, %convert_element_type3A_100, %cond3A_101 : i32
          scf.if %cond3A_102 {
            %dma_wait3A_221 = arith.constant 0 : i32
            %dma_wait3A_222 = arith.constant 0 : i32
            %dma_wait3A_223 = tpu.memref_slice %arg3[%dma_wait3A_221, %dma_wait3A_222] : memref<10000x128xf32, #tpu.memory_space<hbm>> -> memref<64x128xf32, #tpu.memory_space<hbm>>
            %dma_wait3A_224 = arith.constant 0 : i32
            %dma_wait3A_225 = arith.constant 0 : i32
            %dma_wait3A_226 = tpu.memref_slice %arg3[%dma_wait3A_224, %dma_wait3A_225] : memref<10000x128xf32, #tpu.memory_space<hbm>> -> memref<64x128xf32, #tpu.memory_space<hbm>>
            tpu.wait_dma2 semaphore(%arg20 : memref<!tpu.dma_semaphore, #tpu.memory_space<semaphore_mem>>) src(%dma_wait3A_226 : memref<64x128xf32, #tpu.memory_space<hbm>>) dst(%arg11 : memref<64x128xf32, #tpu.memory_space<vmem>>)
          } else {
          }
          %mul3A_103 = arith.constant 4 : i32
          %mul3A_104 = arith.muli %scan3A_95, %mul3A_103 : i32
          %add3A_105 = arith.constant 0 : i32
          %add3A_106 = arith.addi %mul3A_104, %add3A_105 : i32
          %dma_start3A = arith.constant 0 : i32
          %dma_start3A_107 = tpu.memref_slice %arg9[%add3A_106, %dma_start3A] : memref<32x64xi32, #tpu.memory_space<vmem>> -> memref<1x64xi32, #tpu.memory_space<vmem>>
          %dma_start3A_108 = tpu.memref_squeeze %dma_start3A_107 : memref<1x64xi32, #tpu.memory_space<vmem>> -> memref<64xi32, #tpu.memory_space<vmem>>
          %dma_start3A_109 = arith.constant 0 : i32
          %dma_start3A_110 = arith.constant 0 : i32
          %dma_start3A_111 = tpu.memref_slice %arg3[%dma_start3A_109, %dma_start3A_110] : memref<10000x128xf32, #tpu.memory_space<hbm>> -> memref<10000x128xf32, #tpu.memory_space<hbm>>
          tpu.enqueue_indirect_dma source(%dma_start3A_111 : memref<10000x128xf32, #tpu.memory_space<hbm>>) target(%arg11 : memref<64x128xf32, #tpu.memory_space<vmem>>) offsets(%dma_start3A_108 : memref<64xi32, #tpu.memory_space<vmem>>) semaphore(%arg16 : memref<!tpu.dma_semaphore, #tpu.memory_space<semaphore_mem>>)
          %gt3A_112 = arith.constant 0 : i32
          %gt3A_113 = arith.cmpi sgt, %add3A_98, %gt3A_112 : i32
          %convert_element_type3A_114 = arith.extui %gt3A_113 : i1 to i32
          %cond3A_115 = arith.constant 0 : i32
          %cond3A_116 = arith.cmpi ne, %convert_element_type3A_114, %cond3A_115 : i32
          scf.if %cond3A_116 {
            %dma_wait3A_221 = arith.constant 0 : i32
            %dma_wait3A_222 = arith.constant 0 : i32
            %dma_wait3A_223 = tpu.memref_slice %arg3[%dma_wait3A_221, %dma_wait3A_222] : memref<10000x128xf32, #tpu.memory_space<hbm>> -> memref<64x128xf32, #tpu.memory_space<hbm>>
            %dma_wait3A_224 = arith.constant 0 : i32
            %dma_wait3A_225 = arith.constant 0 : i32
            %dma_wait3A_226 = tpu.memref_slice %arg3[%dma_wait3A_224, %dma_wait3A_225] : memref<10000x128xf32, #tpu.memory_space<hbm>> -> memref<64x128xf32, #tpu.memory_space<hbm>>
            tpu.wait_dma2 semaphore(%arg21 : memref<!tpu.dma_semaphore, #tpu.memory_space<semaphore_mem>>) src(%dma_wait3A_226 : memref<64x128xf32, #tpu.memory_space<hbm>>) dst(%arg12 : memref<64x128xf32, #tpu.memory_space<vmem>>)
          } else {
          }
          %mul3A_117 = arith.constant 4 : i32
          %mul3A_118 = arith.muli %scan3A_95, %mul3A_117 : i32
          %add3A_119 = arith.constant 1 : i32
          %add3A_120 = arith.addi %mul3A_118, %add3A_119 : i32
          %dma_start3A_121 = arith.constant 0 : i32
          %dma_start3A_122 = tpu.memref_slice %arg9[%add3A_120, %dma_start3A_121] : memref<32x64xi32, #tpu.memory_space<vmem>> -> memref<1x64xi32, #tpu.memory_space<vmem>>
          %dma_start3A_123 = tpu.memref_squeeze %dma_start3A_122 : memref<1x64xi32, #tpu.memory_space<vmem>> -> memref<64xi32, #tpu.memory_space<vmem>>
          %dma_start3A_124 = arith.constant 0 : i32
          %dma_start3A_125 = arith.constant 0 : i32
          %dma_start3A_126 = tpu.memref_slice %arg3[%dma_start3A_124, %dma_start3A_125] : memref<10000x128xf32, #tpu.memory_space<hbm>> -> memref<10000x128xf32, #tpu.memory_space<hbm>>
          tpu.enqueue_indirect_dma source(%dma_start3A_126 : memref<10000x128xf32, #tpu.memory_space<hbm>>) target(%arg12 : memref<64x128xf32, #tpu.memory_space<vmem>>) offsets(%dma_start3A_123 : memref<64xi32, #tpu.memory_space<vmem>>) semaphore(%arg17 : memref<!tpu.dma_semaphore, #tpu.memory_space<semaphore_mem>>)
          %gt3A_127 = arith.constant 0 : i32
          %gt3A_128 = arith.cmpi sgt, %add3A_98, %gt3A_127 : i32
          %convert_element_type3A_129 = arith.extui %gt3A_128 : i1 to i32
          %cond3A_130 = arith.constant 0 : i32
          %cond3A_131 = arith.cmpi ne, %convert_element_type3A_129, %cond3A_130 : i32
          scf.if %cond3A_131 {
            %dma_wait3A_221 = arith.constant 0 : i32
            %dma_wait3A_222 = arith.constant 0 : i32
            %dma_wait3A_223 = tpu.memref_slice %arg3[%dma_wait3A_221, %dma_wait3A_222] : memref<10000x128xf32, #tpu.memory_space<hbm>> -> memref<64x128xf32, #tpu.memory_space<hbm>>
            %dma_wait3A_224 = arith.constant 0 : i32
            %dma_wait3A_225 = arith.constant 0 : i32
            %dma_wait3A_226 = tpu.memref_slice %arg3[%dma_wait3A_224, %dma_wait3A_225] : memref<10000x128xf32, #tpu.memory_space<hbm>> -> memref<64x128xf32, #tpu.memory_space<hbm>>
            tpu.wait_dma2 semaphore(%arg22 : memref<!tpu.dma_semaphore, #tpu.memory_space<semaphore_mem>>) src(%dma_wait3A_226 : memref<64x128xf32, #tpu.memory_space<hbm>>) dst(%arg13 : memref<64x128xf32, #tpu.memory_space<vmem>>)
          } else {
          }
          %mul3A_132 = arith.constant 4 : i32
          %mul3A_133 = arith.muli %scan3A_95, %mul3A_132 : i32
          %add3A_134 = arith.constant 2 : i32
          %add3A_135 = arith.addi %mul3A_133, %add3A_134 : i32
          %dma_start3A_136 = arith.constant 0 : i32
          %dma_start3A_137 = tpu.memref_slice %arg9[%add3A_135, %dma_start3A_136] : memref<32x64xi32, #tpu.memory_space<vmem>> -> memref<1x64xi32, #tpu.memory_space<vmem>>
          %dma_start3A_138 = tpu.memref_squeeze %dma_start3A_137 : memref<1x64xi32, #tpu.memory_space<vmem>> -> memref<64xi32, #tpu.memory_space<vmem>>
          %dma_start3A_139 = arith.constant 0 : i32
          %dma_start3A_140 = arith.constant 0 : i32
          %dma_start3A_141 = tpu.memref_slice %arg3[%dma_start3A_139, %dma_start3A_140] : memref<10000x128xf32, #tpu.memory_space<hbm>> -> memref<10000x128xf32, #tpu.memory_space<hbm>>
          tpu.enqueue_indirect_dma source(%dma_start3A_141 : memref<10000x128xf32, #tpu.memory_space<hbm>>) target(%arg13 : memref<64x128xf32, #tpu.memory_space<vmem>>) offsets(%dma_start3A_138 : memref<64xi32, #tpu.memory_space<vmem>>) semaphore(%arg18 : memref<!tpu.dma_semaphore, #tpu.memory_space<semaphore_mem>>)
          %gt3A_142 = arith.constant 0 : i32
          %gt3A_143 = arith.cmpi sgt, %add3A_98, %gt3A_142 : i32
          %convert_element_type3A_144 = arith.extui %gt3A_143 : i1 to i32
          %cond3A_145 = arith.constant 0 : i32
          %cond3A_146 = arith.cmpi ne, %convert_element_type3A_144, %cond3A_145 : i32
          scf.if %cond3A_146 {
            %dma_wait3A_221 = arith.constant 0 : i32
            %dma_wait3A_222 = arith.constant 0 : i32
            %dma_wait3A_223 = tpu.memref_slice %arg3[%dma_wait3A_221, %dma_wait3A_222] : memref<10000x128xf32, #tpu.memory_space<hbm>> -> memref<64x128xf32, #tpu.memory_space<hbm>>
            %dma_wait3A_224 = arith.constant 0 : i32
            %dma_wait3A_225 = arith.constant 0 : i32
            %dma_wait3A_226 = tpu.memref_slice %arg3[%dma_wait3A_224, %dma_wait3A_225] : memref<10000x128xf32, #tpu.memory_space<hbm>> -> memref<64x128xf32, #tpu.memory_space<hbm>>
            tpu.wait_dma2 semaphore(%arg23 : memref<!tpu.dma_semaphore, #tpu.memory_space<semaphore_mem>>) src(%dma_wait3A_226 : memref<64x128xf32, #tpu.memory_space<hbm>>) dst(%arg14 : memref<64x128xf32, #tpu.memory_space<vmem>>)
          } else {
          }
          %mul3A_147 = arith.constant 4 : i32
          %mul3A_148 = arith.muli %scan3A_95, %mul3A_147 : i32
          %add3A_149 = arith.constant 3 : i32
          %add3A_150 = arith.addi %mul3A_148, %add3A_149 : i32
          %dma_start3A_151 = arith.constant 0 : i32
          %dma_start3A_152 = tpu.memref_slice %arg9[%add3A_150, %dma_start3A_151] : memref<32x64xi32, #tpu.memory_space<vmem>> -> memref<1x64xi32, #tpu.memory_space<vmem>>
          %dma_start3A_153 = tpu.memref_squeeze %dma_start3A_152 : memref<1x64xi32, #tpu.memory_space<vmem>> -> memref<64xi32, #tpu.memory_space<vmem>>
          %dma_start3A_154 = arith.constant 0 : i32
          %dma_start3A_155 = arith.constant 0 : i32
          %dma_start3A_156 = tpu.memref_slice %arg3[%dma_start3A_154, %dma_start3A_155] : memref<10000x128xf32, #tpu.memory_space<hbm>> -> memref<10000x128xf32, #tpu.memory_space<hbm>>
          tpu.enqueue_indirect_dma source(%dma_start3A_156 : memref<10000x128xf32, #tpu.memory_space<hbm>>) target(%arg14 : memref<64x128xf32, #tpu.memory_space<vmem>>) offsets(%dma_start3A_153 : memref<64xi32, #tpu.memory_space<vmem>>) semaphore(%arg19 : memref<!tpu.dma_semaphore, #tpu.memory_space<semaphore_mem>>)
          %dma_wait3A_157 = arith.constant 0 : i32
          %dma_wait3A_158 = arith.constant 0 : i32
          %dma_wait3A_159 = tpu.memref_slice %arg3[%dma_wait3A_157, %dma_wait3A_158] : memref<10000x128xf32, #tpu.memory_space<hbm>> -> memref<64x128xf32, #tpu.memory_space<hbm>>
          %dma_wait3A_160 = arith.constant 0 : i32
          %dma_wait3A_161 = arith.constant 0 : i32
          %dma_wait3A_162 = tpu.memref_slice %arg3[%dma_wait3A_160, %dma_wait3A_161] : memref<10000x128xf32, #tpu.memory_space<hbm>> -> memref<64x128xf32, #tpu.memory_space<hbm>>
          tpu.wait_dma2 semaphore(%arg16 : memref<!tpu.dma_semaphore, #tpu.memory_space<semaphore_mem>>) src(%dma_wait3A_162 : memref<64x128xf32, #tpu.memory_space<hbm>>) dst(%arg11 : memref<64x128xf32, #tpu.memory_space<vmem>>)
          %mul3A_163 = arith.constant 4 : i32
          %mul3A_164 = arith.muli %scan3A_95, %mul3A_163 : i32
          %add3A_165 = arith.constant 0 : i32
          %add3A_166 = arith.addi %mul3A_164, %add3A_165 : i32
          %dma_start3A_167 = arith.constant 0 : i32
          %dma_start3A_168 = tpu.memref_slice %arg10[%add3A_166, %dma_start3A_167] : memref<32x64xi32, #tpu.memory_space<vmem>> -> memref<1x64xi32, #tpu.memory_space<vmem>>
          %dma_start3A_169 = tpu.memref_squeeze %dma_start3A_168 : memref<1x64xi32, #tpu.memory_space<vmem>> -> memref<64xi32, #tpu.memory_space<vmem>>
          %dma_start3A_170 = arith.constant 0 : i32
          %dma_start3A_171 = arith.constant 0 : i32
          %dma_start3A_172 = tpu.memref_slice %arg15[%dma_start3A_170, %dma_start3A_171] : memref<10112x128xf32, #tpu.memory_space<vmem_shared>> -> memref<10112x128xf32, #tpu.memory_space<vmem_shared>>
          tpu.enqueue_indirect_dma source(%arg11 : memref<64x128xf32, #tpu.memory_space<vmem>>) target(%dma_start3A_172 : memref<10112x128xf32, #tpu.memory_space<vmem_shared>>) offsets(%dma_start3A_169 : memref<64xi32, #tpu.memory_space<vmem>>) semaphore(%arg20 : memref<!tpu.dma_semaphore, #tpu.memory_space<semaphore_mem>>) {add = true}
          %dma_wait3A_173 = arith.constant 0 : i32
          %dma_wait3A_174 = arith.constant 0 : i32
          %dma_wait3A_175 = tpu.memref_slice %arg3[%dma_wait3A_173, %dma_wait3A_174] : memref<10000x128xf32, #tpu.memory_space<hbm>> -> memref<64x128xf32, #tpu.memory_space<hbm>>
          %dma_wait3A_176 = arith.constant 0 : i32
          %dma_wait3A_177 = arith.constant 0 : i32
          %dma_wait3A_178 = tpu.memref_slice %arg3[%dma_wait3A_176, %dma_wait3A_177] : memref<10000x128xf32, #tpu.memory_space<hbm>> -> memref<64x128xf32, #tpu.memory_space<hbm>>
          tpu.wait_dma2 semaphore(%arg17 : memref<!tpu.dma_semaphore, #tpu.memory_space<semaphore_mem>>) src(%dma_wait3A_178 : memref<64x128xf32, #tpu.memory_space<hbm>>) dst(%arg12 : memref<64x128xf32, #tpu.memory_space<vmem>>)
          %mul3A_179 = arith.constant 4 : i32
          %mul3A_180 = arith.muli %scan3A_95, %mul3A_179 : i32
          %add3A_181 = arith.constant 1 : i32
          %add3A_182 = arith.addi %mul3A_180, %add3A_181 : i32
          %dma_start3A_183 = arith.constant 0 : i32
          %dma_start3A_184 = tpu.memref_slice %arg10[%add3A_182, %dma_start3A_183] : memref<32x64xi32, #tpu.memory_space<vmem>> -> memref<1x64xi32, #tpu.memory_space<vmem>>
          %dma_start3A_185 = tpu.memref_squeeze %dma_start3A_184 : memref<1x64xi32, #tpu.memory_space<vmem>> -> memref<64xi32, #tpu.memory_space<vmem>>
          %dma_start3A_186 = arith.constant 0 : i32
          %dma_start3A_187 = arith.constant 0 : i32
          %dma_start3A_188 = tpu.memref_slice %arg15[%dma_start3A_186, %dma_start3A_187] : memref<10112x128xf32, #tpu.memory_space<vmem_shared>> -> memref<10112x128xf32, #tpu.memory_space<vmem_shared>>
          tpu.enqueue_indirect_dma source(%arg12 : memref<64x128xf32, #tpu.memory_space<vmem>>) target(%dma_start3A_188 : memref<10112x128xf32, #tpu.memory_space<vmem_shared>>) offsets(%dma_start3A_185 : memref<64xi32, #tpu.memory_space<vmem>>) semaphore(%arg21 : memref<!tpu.dma_semaphore, #tpu.memory_space<semaphore_mem>>) {add = true}
          %dma_wait3A_189 = arith.constant 0 : i32
          %dma_wait3A_190 = arith.constant 0 : i32
          %dma_wait3A_191 = tpu.memref_slice %arg3[%dma_wait3A_189, %dma_wait3A_190] : memref<10000x128xf32, #tpu.memory_space<hbm>> -> memref<64x128xf32, #tpu.memory_space<hbm>>
          %dma_wait3A_192 = arith.constant 0 : i32
          %dma_wait3A_193 = arith.constant 0 : i32
          %dma_wait3A_194 = tpu.memref_slice %arg3[%dma_wait3A_192, %dma_wait3A_193] : memref<10000x128xf32, #tpu.memory_space<hbm>> -> memref<64x128xf32, #tpu.memory_space<hbm>>
          tpu.wait_dma2 semaphore(%arg18 : memref<!tpu.dma_semaphore, #tpu.memory_space<semaphore_mem>>) src(%dma_wait3A_194 : memref<64x128xf32, #tpu.memory_space<hbm>>) dst(%arg13 : memref<64x128xf32, #tpu.memory_space<vmem>>)
          %mul3A_195 = arith.constant 4 : i32
          %mul3A_196 = arith.muli %scan3A_95, %mul3A_195 : i32
          %add3A_197 = arith.constant 2 : i32
          %add3A_198 = arith.addi %mul3A_196, %add3A_197 : i32
          %dma_start3A_199 = arith.constant 0 : i32
          %dma_start3A_200 = tpu.memref_slice %arg10[%add3A_198, %dma_start3A_199] : memref<32x64xi32, #tpu.memory_space<vmem>> -> memref<1x64xi32, #tpu.memory_space<vmem>>
          %dma_start3A_201 = tpu.memref_squeeze %dma_start3A_200 : memref<1x64xi32, #tpu.memory_space<vmem>> -> memref<64xi32, #tpu.memory_space<vmem>>
          %dma_start3A_202 = arith.constant 0 : i32
          %dma_start3A_203 = arith.constant 0 : i32
          %dma_start3A_204 = tpu.memref_slice %arg15[%dma_start3A_202, %dma_start3A_203] : memref<10112x128xf32, #tpu.memory_space<vmem_shared>> -> memref<10112x128xf32, #tpu.memory_space<vmem_shared>>
          tpu.enqueue_indirect_dma source(%arg13 : memref<64x128xf32, #tpu.memory_space<vmem>>) target(%dma_start3A_204 : memref<10112x128xf32, #tpu.memory_space<vmem_shared>>) offsets(%dma_start3A_201 : memref<64xi32, #tpu.memory_space<vmem>>) semaphore(%arg22 : memref<!tpu.dma_semaphore, #tpu.memory_space<semaphore_mem>>) {add = true}
          %dma_wait3A_205 = arith.constant 0 : i32
          %dma_wait3A_206 = arith.constant 0 : i32
          %dma_wait3A_207 = tpu.memref_slice %arg3[%dma_wait3A_205, %dma_wait3A_206] : memref<10000x128xf32, #tpu.memory_space<hbm>> -> memref<64x128xf32, #tpu.memory_space<hbm>>
          %dma_wait3A_208 = arith.constant 0 : i32
          %dma_wait3A_209 = arith.constant 0 : i32
          %dma_wait3A_210 = tpu.memref_slice %arg3[%dma_wait3A_208, %dma_wait3A_209] : memref<10000x128xf32, #tpu.memory_space<hbm>> -> memref<64x128xf32, #tpu.memory_space<hbm>>
          tpu.wait_dma2 semaphore(%arg19 : memref<!tpu.dma_semaphore, #tpu.memory_space<semaphore_mem>>) src(%dma_wait3A_210 : memref<64x128xf32, #tpu.memory_space<hbm>>) dst(%arg14 : memref<64x128xf32, #tpu.memory_space<vmem>>)
          %mul3A_211 = arith.constant 4 : i32
          %mul3A_212 = arith.muli %scan3A_95, %mul3A_211 : i32
          %add3A_213 = arith.constant 3 : i32
          %add3A_214 = arith.addi %mul3A_212, %add3A_213 : i32
          %dma_start3A_215 = arith.constant 0 : i32
          %dma_start3A_216 = tpu.memref_slice %arg10[%add3A_214, %dma_start3A_215] : memref<32x64xi32, #tpu.memory_space<vmem>> -> memref<1x64xi32, #tpu.memory_space<vmem>>
          %dma_start3A_217 = tpu.memref_squeeze %dma_start3A_216 : memref<1x64xi32, #tpu.memory_space<vmem>> -> memref<64xi32, #tpu.memory_space<vmem>>
          %dma_start3A_218 = arith.constant 0 : i32
          %dma_start3A_219 = arith.constant 0 : i32
          %dma_start3A_220 = tpu.memref_slice %arg15[%dma_start3A_218, %dma_start3A_219] : memref<10112x128xf32, #tpu.memory_space<vmem_shared>> -> memref<10112x128xf32, #tpu.memory_space<vmem_shared>>
          tpu.enqueue_indirect_dma source(%arg14 : memref<64x128xf32, #tpu.memory_space<vmem>>) target(%dma_start3A_220 : memref<10112x128xf32, #tpu.memory_space<vmem_shared>>) offsets(%dma_start3A_217 : memref<64xi32, #tpu.memory_space<vmem>>) semaphore(%arg23 : memref<!tpu.dma_semaphore, #tpu.memory_space<semaphore_mem>>) {add = true}
        }
        %scan3A_94 = arith.constant 8 : i32
      }
      %scan3A_40 = arith.constant 5 : i32
      %dma_wait3A = arith.constant 0 : i32
      %dma_wait3A_41 = arith.constant 0 : i32
      %dma_wait3A_42 = tpu.memref_slice %arg3[%dma_wait3A, %dma_wait3A_41] : memref<10000x128xf32, #tpu.memory_space<hbm>> -> memref<64x128xf32, #tpu.memory_space<hbm>>
      %dma_wait3A_43 = arith.constant 0 : i32
      %dma_wait3A_44 = arith.constant 0 : i32
      %dma_wait3A_45 = tpu.memref_slice %arg3[%dma_wait3A_43, %dma_wait3A_44] : memref<10000x128xf32, #tpu.memory_space<hbm>> -> memref<64x128xf32, #tpu.memory_space<hbm>>
      tpu.wait_dma2 semaphore(%arg20 : memref<!tpu.dma_semaphore, #tpu.memory_space<semaphore_mem>>) src(%dma_wait3A_45 : memref<64x128xf32, #tpu.memory_space<hbm>>) dst(%arg11 : memref<64x128xf32, #tpu.memory_space<vmem>>)
      %dma_wait3A_46 = arith.constant 0 : i32
      %dma_wait3A_47 = arith.constant 0 : i32
      %dma_wait3A_48 = tpu.memref_slice %arg3[%dma_wait3A_46, %dma_wait3A_47] : memref<10000x128xf32, #tpu.memory_space<hbm>> -> memref<64x128xf32, #tpu.memory_space<hbm>>
      %dma_wait3A_49 = arith.constant 0 : i32
      %dma_wait3A_50 = arith.constant 0 : i32
      %dma_wait3A_51 = tpu.memref_slice %arg3[%dma_wait3A_49, %dma_wait3A_50] : memref<10000x128xf32, #tpu.memory_space<hbm>> -> memref<64x128xf32, #tpu.memory_space<hbm>>
      tpu.wait_dma2 semaphore(%arg21 : memref<!tpu.dma_semaphore, #tpu.memory_space<semaphore_mem>>) src(%dma_wait3A_51 : memref<64x128xf32, #tpu.memory_space<hbm>>) dst(%arg12 : memref<64x128xf32, #tpu.memory_space<vmem>>)
      %dma_wait3A_52 = arith.constant 0 : i32
      %dma_wait3A_53 = arith.constant 0 : i32
      %dma_wait3A_54 = tpu.memref_slice %arg3[%dma_wait3A_52, %dma_wait3A_53] : memref<10000x128xf32, #tpu.memory_space<hbm>> -> memref<64x128xf32, #tpu.memory_space<hbm>>
      %dma_wait3A_55 = arith.constant 0 : i32
      %dma_wait3A_56 = arith.constant 0 : i32
      %dma_wait3A_57 = tpu.memref_slice %arg3[%dma_wait3A_55, %dma_wait3A_56] : memref<10000x128xf32, #tpu.memory_space<hbm>> -> memref<64x128xf32, #tpu.memory_space<hbm>>
      tpu.wait_dma2 semaphore(%arg22 : memref<!tpu.dma_semaphore, #tpu.memory_space<semaphore_mem>>) src(%dma_wait3A_57 : memref<64x128xf32, #tpu.memory_space<hbm>>) dst(%arg13 : memref<64x128xf32, #tpu.memory_space<vmem>>)
      %dma_wait3A_58 = arith.constant 0 : i32
      %dma_wait3A_59 = arith.constant 0 : i32
      %dma_wait3A_60 = tpu.memref_slice %arg3[%dma_wait3A_58, %dma_wait3A_59] : memref<10000x128xf32, #tpu.memory_space<hbm>> -> memref<64x128xf32, #tpu.memory_space<hbm>>
      %dma_wait3A_61 = arith.constant 0 : i32
      %dma_wait3A_62 = arith.constant 0 : i32
      %dma_wait3A_63 = tpu.memref_slice %arg3[%dma_wait3A_61, %dma_wait3A_62] : memref<10000x128xf32, #tpu.memory_space<hbm>> -> memref<64x128xf32, #tpu.memory_space<hbm>>
      tpu.wait_dma2 semaphore(%arg23 : memref<!tpu.dma_semaphore, #tpu.memory_space<semaphore_mem>>) src(%dma_wait3A_63 : memref<64x128xf32, #tpu.memory_space<hbm>>) dst(%arg14 : memref<64x128xf32, #tpu.memory_space<vmem>>)
    } else {
    }
    %barrier3A_32 = arith.constant 0 : index
    tpu.barrier barrier_id(%barrier3A_32)
    "tpu.region"() ({
      %run_scoped3A = tpu.sem_alloc : memref<!tpu.dma_semaphore, #tpu.memory_space<semaphore_mem>>
      %dma_start3A = arith.constant 0 : i32
      %dma_start3A_33 = tpu.memref_slice %arg6[%arg0, %mul3A_5, %dma_start3A] : memref<2x10112x128xf32, #tpu.memory_space<hbm>> -> memref<1x632x128xf32, #tpu.memory_space<hbm>>
      %dma_start3A_34 = tpu.memref_squeeze %dma_start3A_33 : memref<1x632x128xf32, #tpu.memory_space<hbm>> -> memref<632x128xf32, #tpu.memory_space<hbm>>
      %dma_start3A_35 = arith.constant 0 : i32
      %dma_start3A_36 = tpu.memref_slice %arg15[%mul3A_5, %dma_start3A_35] : memref<10112x128xf32, #tpu.memory_space<vmem_shared>> -> memref<632x128xf32, #tpu.memory_space<vmem_shared>>
      tpu.enqueue_dma source(%dma_start3A_36 : memref<632x128xf32, #tpu.memory_space<vmem_shared>>) target(%dma_start3A_34 : memref<632x128xf32, #tpu.memory_space<hbm>>) target_semaphore(%run_scoped3A : memref<!tpu.dma_semaphore, #tpu.memory_space<semaphore_mem>>)
      %dma_wait3A = arith.constant 0 : i32
      %dma_wait3A_37 = tpu.memref_slice %arg6[%arg0, %mul3A_5, %dma_wait3A] : memref<2x10112x128xf32, #tpu.memory_space<hbm>> -> memref<1x632x128xf32, #tpu.memory_space<hbm>>
      %dma_wait3A_38 = tpu.memref_squeeze %dma_wait3A_37 : memref<1x632x128xf32, #tpu.memory_space<hbm>> -> memref<632x128xf32, #tpu.memory_space<hbm>>
      %dma_wait3A_39 = arith.constant 0 : i32
      %dma_wait3A_40 = tpu.memref_slice %arg15[%mul3A_5, %dma_wait3A_39] : memref<10112x128xf32, #tpu.memory_space<vmem_shared>> -> memref<632x128xf32, #tpu.memory_space<vmem_shared>>
      tpu.wait_dma2 semaphore(%run_scoped3A : memref<!tpu.dma_semaphore, #tpu.memory_space<semaphore_mem>>) src(%dma_wait3A_40 : memref<632x128xf32, #tpu.memory_space<vmem_shared>>) dst(%dma_wait3A_38 : memref<632x128xf32, #tpu.memory_space<hbm>>)
      tpu.yield
    }) : () -> ()
    return
  }
}

module attributes {stable_mosaic.version = 14 : i64} {
  func.func @_mm1_body(%arg0: i32, %arg1: memref<1000x128xf32, #tpu.memory_space<vmem>>, %arg2: memref<128x256xf32, #tpu.memory_space<vmem>>, %arg3: memref<1000x1xf32, #tpu.memory_space<vmem>>, %arg4: memref<1000x1xf32, #tpu.memory_space<vmem>>, %arg5: memref<1000x128xf32, #tpu.memory_space<vmem>>, %arg6: memref<1000x128xf32, #tpu.memory_space<vmem>>, %arg7: memref<1000x1xf32, #tpu.memory_space<vmem>>) attributes {dimension_semantics = [#tpu.dimension_semantics<arbitrary>], iteration_bounds = array<i64: 10>, scalar_prefetch = 0 : i64, scratch_operands = 0 : i64, tpu.core_type = #tpu.core_type<tc>, window_params = [{transform_indices = @transform_0, window_bounds = array<i64: 1000, 128>}, {pipeline_mode = #tpu.pipeline_mode<synchronous>, transform_indices = @transform_1, window_bounds = array<i64: 128, 256>}, {transform_indices = @transform_2, window_bounds = array<i64: 1000, 1>}, {transform_indices = @transform_3, window_bounds = array<i64: 1000, 1>}, {transform_indices = @transform_4, window_bounds = array<i64: 1000, 128>}, {transform_indices = @transform_5, window_bounds = array<i64: 1000, 128>}, {transform_indices = @transform_6, window_bounds = array<i64: 1000, 1>}]} {
    %get3A = arith.constant 0 : index
    %get3A_0 = arith.constant 0 : index
    %get3A_1 = vector.load %arg3[%get3A, %get3A_0] : memref<1000x1xf32, #tpu.memory_space<vmem>>, vector<1000x1xf32>
    %get3A_2 = arith.constant 0 : index
    %get3A_3 = arith.constant 0 : index
    %get3A_4 = vector.load %arg4[%get3A_2, %get3A_3] : memref<1000x1xf32, #tpu.memory_space<vmem>>, vector<1000x1xf32>
    %add3A = arith.addf %get3A_1, %get3A_4 : vector<1000x1xf32>
    %add3A_5 = arith.constant 1.000000e+00 : f32
    %add3A_6 = vector.broadcast %add3A_5 : f32 to vector<1000x1xf32>
    %add3A_7 = arith.addf %add3A, %add3A_6 : vector<1000x1xf32>
    %rsqrt3A = math.rsqrt %add3A_7 : vector<1000x1xf32>
    %get3A_8 = arith.constant 0 : index
    %get3A_9 = arith.constant 0 : index
    %get3A_10 = vector.load %arg1[%get3A_8, %get3A_9] : memref<1000x128xf32, #tpu.memory_space<vmem>>, vector<1000x128xf32>
    %get3A_11 = arith.constant 0 : index
    %get3A_12 = arith.constant 0 : index
    %get3A_13 = vector.load %arg2[%get3A_11, %get3A_12] : memref<128x256xf32, #tpu.memory_space<vmem>>, vector<128x256xf32>
    %dot_general3A = arith.constant dense<0.000000e+00> : vector<1000x256xf32>
    %dot_general3A_14 = tpu.matmul %get3A_10, %get3A_13, %dot_general3A {dimension_numbers = #tpu.dot_dimension_numbers<[1], [0], [0], [1], [0, 0, 1, 1], [], []>, transpose_lhs_hint = false} : vector<1000x128xf32>, vector<128x256xf32>, vector<1000x256xf32> -> vector<1000x256xf32>
    %mul3A = vector.broadcast %rsqrt3A : vector<1000x1xf32> to vector<1000x256xf32>
    %mul3A_15 = arith.mulf %dot_general3A_14, %mul3A : vector<1000x256xf32>
    %slice3A = vector.extract_strided_slice %mul3A_15 {offsets = [0, 0], sizes = [1000, 128], strides = [1, 1]} : vector<1000x256xf32> to vector<1000x128xf32>
    %swap3A = arith.constant 0 : index
    %swap3A_16 = arith.constant 0 : index
    %swap3A_17 = vector.load %arg5[%swap3A, %swap3A_16] : memref<1000x128xf32, #tpu.memory_space<vmem>>, vector<1000x128xf32>
    tpu.vector_store %arg5[%swap3A, %swap3A_16], %slice3A {strides = array<i32>} : memref<1000x128xf32, #tpu.memory_space<vmem>>, vector<1000x128xf32>,
    %slice3A_18 = vector.extract_strided_slice %mul3A_15 {offsets = [0, 128], sizes = [1000, 128], strides = [1, 1]} : vector<1000x256xf32> to vector<1000x128xf32>
    %swap3A_19 = arith.constant 0 : index
    %swap3A_20 = arith.constant 0 : index
    %swap3A_21 = vector.load %arg6[%swap3A_19, %swap3A_20] : memref<1000x128xf32, #tpu.memory_space<vmem>>, vector<1000x128xf32>
    tpu.vector_store %arg6[%swap3A_19, %swap3A_20], %slice3A_18 {strides = array<i32>} : memref<1000x128xf32, #tpu.memory_space<vmem>>, vector<1000x128xf32>,
    %swap3A_22 = arith.constant 0 : index
    %swap3A_23 = arith.constant 0 : index
    %swap3A_24 = vector.load %arg7[%swap3A_22, %swap3A_23] : memref<1000x1xf32, #tpu.memory_space<vmem>>, vector<1000x1xf32>
    tpu.vector_store %arg7[%swap3A_22, %swap3A_23], %rsqrt3A {strides = array<i32>} : memref<1000x1xf32, #tpu.memory_space<vmem>>, vector<1000x1xf32>,
    return
  }
  func.func @transform_0(%arg0: i32) -> (i32, i32) {
    %c0_i32 = arith.constant 0 : i32
    %c0_i32_0 = arith.constant 0 : i32
    return %arg0, %c0_i32 : i32, i32
  }
  func.func @transform_1(%arg0: i32) -> (i32, i32) {
    %c0_i32 = arith.constant 0 : i32
    %c0_i32_0 = arith.constant 0 : i32
    %c0_i32_1 = arith.constant 0 : i32
    return %c0_i32, %c0_i32_0 : i32, i32
  }
  func.func @transform_2(%arg0: i32) -> (i32, i32) {
    %c0_i32 = arith.constant 0 : i32
    %c0_i32_0 = arith.constant 0 : i32
    return %arg0, %c0_i32 : i32, i32
  }
  func.func @transform_3(%arg0: i32) -> (i32, i32) {
    %c0_i32 = arith.constant 0 : i32
    %c0_i32_0 = arith.constant 0 : i32
    return %arg0, %c0_i32 : i32, i32
  }
  func.func @transform_4(%arg0: i32) -> (i32, i32) {
    %c0_i32 = arith.constant 0 : i32
    %c0_i32_0 = arith.constant 0 : i32
    return %arg0, %c0_i32 : i32, i32
  }
  func.func @transform_5(%arg0: i32) -> (i32, i32) {
    %c0_i32 = arith.constant 0 : i32
    %c0_i32_0 = arith.constant 0 : i32
    return %arg0, %c0_i32 : i32, i32
  }
  func.func @transform_6(%arg0: i32) -> (i32, i32) {
    %c0_i32 = arith.constant 0 : i32
    %c0_i32_0 = arith.constant 0 : i32
    return %arg0, %c0_i32 : i32, i32
  }
}

module attributes {stable_mosaic.version = 14 : i64} {
  func.func @_mm2_body(%arg0: i32, %arg1: memref<1000x128xf32, #tpu.memory_space<vmem>>, %arg2: memref<1000x128xf32, #tpu.memory_space<vmem>>, %arg3: memref<1000x128xf32, #tpu.memory_space<vmem>>, %arg4: memref<1000x128xf32, #tpu.memory_space<vmem>>, %arg5: memref<1000x1xf32, #tpu.memory_space<vmem>>, %arg6: memref<1x128xf32, #tpu.memory_space<vmem>>, %arg7: memref<1x128xf32, #tpu.memory_space<vmem>>, %arg8: memref<128x256xf32, #tpu.memory_space<vmem>>, %arg9: memref<128x256xf32, #tpu.memory_space<vmem>>, %arg10: memref<1000x128xf32, #tpu.memory_space<vmem>>, %arg11: memref<1000x128xf32, #tpu.memory_space<vmem>>) attributes {dimension_semantics = [#tpu.dimension_semantics<arbitrary>], iteration_bounds = array<i64: 10>, scalar_prefetch = 0 : i64, scratch_operands = 0 : i64, tpu.core_type = #tpu.core_type<tc>, window_params = [{transform_indices = @transform_0, window_bounds = array<i64: 1000, 128>}, {transform_indices = @transform_1, window_bounds = array<i64: 1000, 128>}, {transform_indices = @transform_2, window_bounds = array<i64: 1000, 128>}, {transform_indices = @transform_3, window_bounds = array<i64: 1000, 128>}, {transform_indices = @transform_4, window_bounds = array<i64: 1000, 1>}, {pipeline_mode = #tpu.pipeline_mode<synchronous>, transform_indices = @transform_5, window_bounds = array<i64: 1, 128>}, {pipeline_mode = #tpu.pipeline_mode<synchronous>, transform_indices = @transform_6, window_bounds = array<i64: 1, 128>}, {pipeline_mode = #tpu.pipeline_mode<synchronous>, transform_indices = @transform_7, window_bounds = array<i64: 128, 256>}, {pipeline_mode = #tpu.pipeline_mode<synchronous>, transform_indices = @transform_8, window_bounds = array<i64: 128, 256>}, {transform_indices = @transform_9, window_bounds = array<i64: 1000, 128>}, {transform_indices = @transform_10, window_bounds = array<i64: 1000, 128>}]} {
    %get3A = arith.constant 0 : index
    %get3A_0 = arith.constant 0 : index
    %get3A_1 = vector.load %arg5[%get3A, %get3A_0] : memref<1000x1xf32, #tpu.memory_space<vmem>>, vector<1000x1xf32>
    %get3A_2 = arith.constant 0 : index
    %get3A_3 = arith.constant 0 : index
    %get3A_4 = vector.load %arg1[%get3A_2, %get3A_3] : memref<1000x128xf32, #tpu.memory_space<vmem>>, vector<1000x128xf32>
    %get3A_5 = arith.constant 0 : index
    %get3A_6 = arith.constant 0 : index
    %get3A_7 = vector.load %arg3[%get3A_5, %get3A_6] : memref<1000x128xf32, #tpu.memory_space<vmem>>, vector<1000x128xf32>
    %add3A = arith.addf %get3A_4, %get3A_7 : vector<1000x128xf32>
    %mul3A = vector.broadcast %get3A_1 : vector<1000x1xf32> to vector<1000x128xf32>
    %mul3A_8 = arith.mulf %mul3A, %add3A : vector<1000x128xf32>
    %get3A_9 = arith.constant 0 : index
    %get3A_10 = arith.constant 0 : index
    %get3A_11 = vector.load %arg6[%get3A_9, %get3A_10] : memref<1x128xf32, #tpu.memory_space<vmem>>, vector<1x128xf32>
    %add3A_12 = vector.broadcast %get3A_11 : vector<1x128xf32> to vector<1000x128xf32>
    %add3A_13 = arith.addf %mul3A_8, %add3A_12 : vector<1000x128xf32>
    %max3A = arith.constant 0.000000e+00 : f32
    %max3A_14 = vector.broadcast %max3A : f32 to vector<1000x128xf32>
    %max3A_15 = arith.maximumf %add3A_13, %max3A_14 : vector<1000x128xf32>
    %get3A_16 = arith.constant 0 : index
    %get3A_17 = arith.constant 0 : index
    %get3A_18 = vector.load %arg2[%get3A_16, %get3A_17] : memref<1000x128xf32, #tpu.memory_space<vmem>>, vector<1000x128xf32>
    %get3A_19 = arith.constant 0 : index
    %get3A_20 = arith.constant 0 : index
    %get3A_21 = vector.load %arg4[%get3A_19, %get3A_20] : memref<1000x128xf32, #tpu.memory_space<vmem>>, vector<1000x128xf32>
    %add3A_22 = arith.addf %get3A_18, %get3A_21 : vector<1000x128xf32>
    %mul3A_23 = vector.broadcast %get3A_1 : vector<1000x1xf32> to vector<1000x128xf32>
    %mul3A_24 = arith.mulf %mul3A_23, %add3A_22 : vector<1000x128xf32>
    %get3A_25 = arith.constant 0 : index
    %get3A_26 = arith.constant 0 : index
    %get3A_27 = vector.load %arg7[%get3A_25, %get3A_26] : memref<1x128xf32, #tpu.memory_space<vmem>>, vector<1x128xf32>
    %add3A_28 = vector.broadcast %get3A_27 : vector<1x128xf32> to vector<1000x128xf32>
    %add3A_29 = arith.addf %mul3A_24, %add3A_28 : vector<1000x128xf32>
    %max3A_30 = arith.constant 0.000000e+00 : f32
    %max3A_31 = vector.broadcast %max3A_30 : f32 to vector<1000x128xf32>
    %max3A_32 = arith.maximumf %add3A_29, %max3A_31 : vector<1000x128xf32>
    %get3A_33 = arith.constant 0 : index
    %get3A_34 = arith.constant 0 : index
    %get3A_35 = vector.load %arg8[%get3A_33, %get3A_34] : memref<128x256xf32, #tpu.memory_space<vmem>>, vector<128x256xf32>
    %dot_general3A = arith.constant dense<0.000000e+00> : vector<1000x256xf32>
    %dot_general3A_36 = tpu.matmul %max3A_15, %get3A_35, %dot_general3A {dimension_numbers = #tpu.dot_dimension_numbers<[1], [0], [0], [1], [0, 0, 1, 1], [], []>, transpose_lhs_hint = false} : vector<1000x128xf32>, vector<128x256xf32>, vector<1000x256xf32> -> vector<1000x256xf32>
    %get3A_37 = arith.constant 0 : index
    %get3A_38 = arith.constant 0 : index
    %get3A_39 = vector.load %arg9[%get3A_37, %get3A_38] : memref<128x256xf32, #tpu.memory_space<vmem>>, vector<128x256xf32>
    %dot_general3A_40 = arith.constant dense<0.000000e+00> : vector<1000x256xf32>
    %dot_general3A_41 = tpu.matmul %max3A_32, %get3A_39, %dot_general3A_40 {dimension_numbers = #tpu.dot_dimension_numbers<[1], [0], [0], [1], [0, 0, 1, 1], [], []>, transpose_lhs_hint = false} : vector<1000x128xf32>, vector<128x256xf32>, vector<1000x256xf32> -> vector<1000x256xf32>
    %add3A_42 = arith.addf %dot_general3A_36, %dot_general3A_41 : vector<1000x256xf32>
    %mul3A_43 = vector.broadcast %get3A_1 : vector<1000x1xf32> to vector<1000x256xf32>
    %mul3A_44 = arith.mulf %add3A_42, %mul3A_43 : vector<1000x256xf32>
    %slice3A = vector.extract_strided_slice %mul3A_44 {offsets = [0, 0], sizes = [1000, 128], strides = [1, 1]} : vector<1000x256xf32> to vector<1000x128xf32>
    %swap3A = arith.constant 0 : index
    %swap3A_45 = arith.constant 0 : index
    %swap3A_46 = vector.load %arg10[%swap3A, %swap3A_45] : memref<1000x128xf32, #tpu.memory_space<vmem>>, vector<1000x128xf32>
    tpu.vector_store %arg10[%swap3A, %swap3A_45], %slice3A {strides = array<i32>} : memref<1000x128xf32, #tpu.memory_space<vmem>>, vector<1000x128xf32>,
    %slice3A_47 = vector.extract_strided_slice %mul3A_44 {offsets = [0, 128], sizes = [1000, 128], strides = [1, 1]} : vector<1000x256xf32> to vector<1000x128xf32>
    %swap3A_48 = arith.constant 0 : index
    %swap3A_49 = arith.constant 0 : index
    %swap3A_50 = vector.load %arg11[%swap3A_48, %swap3A_49] : memref<1000x128xf32, #tpu.memory_space<vmem>>, vector<1000x128xf32>
    tpu.vector_store %arg11[%swap3A_48, %swap3A_49], %slice3A_47 {strides = array<i32>} : memref<1000x128xf32, #tpu.memory_space<vmem>>, vector<1000x128xf32>,
    return
  }
  func.func @transform_0(%arg0: i32) -> (i32, i32) {
    %c0_i32 = arith.constant 0 : i32
    %c0_i32_0 = arith.constant 0 : i32
    return %arg0, %c0_i32 : i32, i32
  }
  func.func @transform_1(%arg0: i32) -> (i32, i32) {
    %c0_i32 = arith.constant 0 : i32
    %c0_i32_0 = arith.constant 0 : i32
    return %arg0, %c0_i32 : i32, i32
  }
  func.func @transform_2(%arg0: i32) -> (i32, i32) {
    %c0_i32 = arith.constant 0 : i32
    %c0_i32_0 = arith.constant 0 : i32
    return %arg0, %c0_i32 : i32, i32
  }
  func.func @transform_3(%arg0: i32) -> (i32, i32) {
    %c0_i32 = arith.constant 0 : i32
    %c0_i32_0 = arith.constant 0 : i32
    return %arg0, %c0_i32 : i32, i32
  }
  func.func @transform_4(%arg0: i32) -> (i32, i32) {
    %c0_i32 = arith.constant 0 : i32
    %c0_i32_0 = arith.constant 0 : i32
    return %arg0, %c0_i32 : i32, i32
  }
  func.func @transform_5(%arg0: i32) -> (i32, i32) {
    %c0_i32 = arith.constant 0 : i32
    %c0_i32_0 = arith.constant 0 : i32
    %c0_i32_1 = arith.constant 0 : i32
    return %c0_i32, %c0_i32_0 : i32, i32
  }
  func.func @transform_6(%arg0: i32) -> (i32, i32) {
    %c0_i32 = arith.constant 0 : i32
    %c0_i32_0 = arith.constant 0 : i32
    %c0_i32_1 = arith.constant 0 : i32
    return %c0_i32, %c0_i32_0 : i32, i32
  }
  func.func @transform_7(%arg0: i32) -> (i32, i32) {
    %c0_i32 = arith.constant 0 : i32
    %c0_i32_0 = arith.constant 0 : i32
    %c0_i32_1 = arith.constant 0 : i32
    return %c0_i32, %c0_i32_0 : i32, i32
  }
  func.func @transform_8(%arg0: i32) -> (i32, i32) {
    %c0_i32 = arith.constant 0 : i32
    %c0_i32_0 = arith.constant 0 : i32
    %c0_i32_1 = arith.constant 0 : i32
    return %c0_i32, %c0_i32_0 : i32, i32
  }
  func.func @transform_9(%arg0: i32) -> (i32, i32) {
    %c0_i32 = arith.constant 0 : i32
    %c0_i32_0 = arith.constant 0 : i32
    return %arg0, %c0_i32 : i32, i32
  }
  func.func @transform_10(%arg0: i32) -> (i32, i32) {
    %c0_i32 = arith.constant 0 : i32
    %c0_i32_0 = arith.constant 0 : i32
    return %arg0, %c0_i32 : i32, i32
  }
}

module attributes {stable_mosaic.version = 14 : i64} {
  func.func @_pool_body(%arg0: i32, %arg1: memref<1000x128xf32, #tpu.memory_space<vmem>>, %arg2: memref<1000x128xf32, #tpu.memory_space<vmem>>, %arg3: memref<1000x128xf32, #tpu.memory_space<vmem>>, %arg4: memref<1000x128xf32, #tpu.memory_space<vmem>>, %arg5: memref<1000x1xf32, #tpu.memory_space<vmem>>, %arg6: memref<1x128xf32, #tpu.memory_space<vmem>>, %arg7: memref<1x128xf32, #tpu.memory_space<vmem>>, %arg8: memref<1000x1xi32, #tpu.memory_space<vmem>>, %arg9: memref<256x32xf32, #tpu.memory_space<vmem>>, %arg10: memref<1x32xf32, #tpu.memory_space<vmem>>, %arg11: memref<64x32xf32, #tpu.memory_space<vmem>>, %arg12: memref<64x256xf32, #tpu.memory_space<vmem>>, %arg13: memref<64x128xf32, #tpu.memory_space<vmem>>) attributes {dimension_semantics = [#tpu.dimension_semantics<arbitrary>], iteration_bounds = array<i64: 10>, scalar_prefetch = 0 : i64, scratch_operands = 2 : i64, tpu.core_type = #tpu.core_type<tc>, window_params = [{transform_indices = @transform_0, window_bounds = array<i64: 1000, 128>}, {transform_indices = @transform_1, window_bounds = array<i64: 1000, 128>}, {transform_indices = @transform_2, window_bounds = array<i64: 1000, 128>}, {transform_indices = @transform_3, window_bounds = array<i64: 1000, 128>}, {transform_indices = @transform_4, window_bounds = array<i64: 1000, 1>}, {pipeline_mode = #tpu.pipeline_mode<synchronous>, transform_indices = @transform_5, window_bounds = array<i64: 1, 128>}, {pipeline_mode = #tpu.pipeline_mode<synchronous>, transform_indices = @transform_6, window_bounds = array<i64: 1, 128>}, {transform_indices = @transform_7, window_bounds = array<i64: 1000, 1>}, {pipeline_mode = #tpu.pipeline_mode<synchronous>, transform_indices = @transform_8, window_bounds = array<i64: 256, 32>}, {pipeline_mode = #tpu.pipeline_mode<synchronous>, transform_indices = @transform_9, window_bounds = array<i64: 1, 32>}, {pipeline_mode = #tpu.pipeline_mode<synchronous>, transform_indices = @transform_10, window_bounds = array<i64: 64, 32>}]} {
    %eq3A = arith.constant 0 : i32
    %eq3A_0 = arith.cmpi eq, %arg0, %eq3A : i32
    %convert_element_type3A = arith.extui %eq3A_0 : i1 to i32
    %cond3A = arith.constant 0 : i32
    %cond3A_1 = arith.cmpi ne, %convert_element_type3A, %cond3A : i32
    scf.if %cond3A_1 {
      %broadcast_in_dim3A_64 = arith.constant 0.000000e+00 : f32
      %broadcast_in_dim3A_65 = vector.broadcast %broadcast_in_dim3A_64 : f32 to vector<64x256xf32>
      %swap3A_66 = arith.constant 0 : index
      %swap3A_67 = arith.constant 0 : index
      %swap3A_68 = vector.load %arg12[%swap3A_66, %swap3A_67] : memref<64x256xf32, #tpu.memory_space<vmem>>, vector<64x256xf32>
      tpu.vector_store %arg12[%swap3A_66, %swap3A_67], %broadcast_in_dim3A_65 {strides = array<i32>} : memref<64x256xf32, #tpu.memory_space<vmem>>, vector<64x256xf32>,
      %broadcast_in_dim3A_69 = arith.constant 0.000000e+00 : f32
      %broadcast_in_dim3A_70 = vector.broadcast %broadcast_in_dim3A_69 : f32 to vector<64x128xf32>
      %swap3A_71 = arith.constant 0 : index
      %swap3A_72 = arith.constant 0 : index
      %swap3A_73 = vector.load %arg13[%swap3A_71, %swap3A_72] : memref<64x128xf32, #tpu.memory_space<vmem>>, vector<64x128xf32>
      tpu.vector_store %arg13[%swap3A_71, %swap3A_72], %broadcast_in_dim3A_70 {strides = array<i32>} : memref<64x128xf32, #tpu.memory_space<vmem>>, vector<64x128xf32>,
    } else {
    }
    %get3A = arith.constant 0 : index
    %get3A_2 = arith.constant 0 : index
    %get3A_3 = vector.load %arg5[%get3A, %get3A_2] : memref<1000x1xf32, #tpu.memory_space<vmem>>, vector<1000x1xf32>
    %get3A_4 = arith.constant 0 : index
    %get3A_5 = arith.constant 0 : index
    %get3A_6 = vector.load %arg1[%get3A_4, %get3A_5] : memref<1000x128xf32, #tpu.memory_space<vmem>>, vector<1000x128xf32>
    %get3A_7 = arith.constant 0 : index
    %get3A_8 = arith.constant 0 : index
    %get3A_9 = vector.load %arg3[%get3A_7, %get3A_8] : memref<1000x128xf32, #tpu.memory_space<vmem>>, vector<1000x128xf32>
    %add3A = arith.addf %get3A_6, %get3A_9 : vector<1000x128xf32>
    %mul3A = vector.broadcast %get3A_3 : vector<1000x1xf32> to vector<1000x128xf32>
    %mul3A_10 = arith.mulf %mul3A, %add3A : vector<1000x128xf32>
    %get3A_11 = arith.constant 0 : index
    %get3A_12 = arith.constant 0 : index
    %get3A_13 = vector.load %arg6[%get3A_11, %get3A_12] : memref<1x128xf32, #tpu.memory_space<vmem>>, vector<1x128xf32>
    %add3A_14 = vector.broadcast %get3A_13 : vector<1x128xf32> to vector<1000x128xf32>
    %add3A_15 = arith.addf %mul3A_10, %add3A_14 : vector<1000x128xf32>
    %max3A = arith.constant 0.000000e+00 : f32
    %max3A_16 = vector.broadcast %max3A : f32 to vector<1000x128xf32>
    %max3A_17 = arith.maximumf %add3A_15, %max3A_16 : vector<1000x128xf32>
    %get3A_18 = arith.constant 0 : index
    %get3A_19 = arith.constant 0 : index
    %get3A_20 = vector.load %arg2[%get3A_18, %get3A_19] : memref<1000x128xf32, #tpu.memory_space<vmem>>, vector<1000x128xf32>
    %get3A_21 = arith.constant 0 : index
    %get3A_22 = arith.constant 0 : index
    %get3A_23 = vector.load %arg4[%get3A_21, %get3A_22] : memref<1000x128xf32, #tpu.memory_space<vmem>>, vector<1000x128xf32>
    %add3A_24 = arith.addf %get3A_20, %get3A_23 : vector<1000x128xf32>
    %mul3A_25 = vector.broadcast %get3A_3 : vector<1000x1xf32> to vector<1000x128xf32>
    %mul3A_26 = arith.mulf %mul3A_25, %add3A_24 : vector<1000x128xf32>
    %get3A_27 = arith.constant 0 : index
    %get3A_28 = arith.constant 0 : index
    %get3A_29 = vector.load %arg7[%get3A_27, %get3A_28] : memref<1x128xf32, #tpu.memory_space<vmem>>, vector<1x128xf32>
    %add3A_30 = vector.broadcast %get3A_29 : vector<1x128xf32> to vector<1000x128xf32>
    %add3A_31 = arith.addf %mul3A_26, %add3A_30 : vector<1000x128xf32>
    %max3A_32 = arith.constant 0.000000e+00 : f32
    %max3A_33 = vector.broadcast %max3A_32 : f32 to vector<1000x128xf32>
    %max3A_34 = arith.maximumf %add3A_31, %max3A_33 : vector<1000x128xf32>
    %concatenate3A = tpu.concatenate %max3A_17, %max3A_34 in 1 : vector<1000x128xf32>, vector<1000x128xf32> -> vector<1000x256xf32>
    %iota3A = tpu.iota {dimensions = array<i32: 1>} : vector<1000x64xi32>
    %get3A_35 = arith.constant 0 : index
    %get3A_36 = arith.constant 0 : index
    %get3A_37 = vector.load %arg8[%get3A_35, %get3A_36] : memref<1000x1xi32, #tpu.memory_space<vmem>>, vector<1000x1xi32>
    %eq3A_38 = vector.broadcast %get3A_37 : vector<1000x1xi32> to vector<1000x64xi32>
    %eq3A_39 = arith.cmpi eq, %eq3A_38, %iota3A : vector<1000x64xi32>
    %convert_element_type3A_40 = arith.extui %eq3A_39 : vector<1000x64xi1> to vector<1000x64xi32>
    %convert_element_type3A_41 = arith.sitofp %convert_element_type3A_40 : vector<1000x64xi32> to vector<1000x64xf32>
    %get3A_42 = arith.constant 0 : index
    %get3A_43 = arith.constant 0 : index
    %get3A_44 = vector.load %arg12[%get3A_42, %get3A_43] : memref<64x256xf32, #tpu.memory_space<vmem>>, vector<64x256xf32>
    %dot_general3A = arith.constant dense<0.000000e+00> : vector<64x256xf32>
    %dot_general3A_45 = tpu.matmul %convert_element_type3A_41, %concatenate3A, %dot_general3A {dimension_numbers = #tpu.dot_dimension_numbers<[0], [0], [1], [1], [0, 1, 1, 1], [], []>, transpose_lhs_hint = false} : vector<1000x64xf32>, vector<1000x256xf32>, vector<64x256xf32> -> vector<64x256xf32>
    %add3A_46 = arith.addf %get3A_44, %dot_general3A_45 : vector<64x256xf32>
    %swap3A = arith.constant 0 : index
    %swap3A_47 = arith.constant 0 : index
    %swap3A_48 = vector.load %arg12[%swap3A, %swap3A_47] : memref<64x256xf32, #tpu.memory_space<vmem>>, vector<64x256xf32>
    tpu.vector_store %arg12[%swap3A, %swap3A_47], %add3A_46 {strides = array<i32>} : memref<64x256xf32, #tpu.memory_space<vmem>>, vector<64x256xf32>,
    %get3A_49 = arith.constant 0 : index
    %get3A_50 = arith.constant 0 : index
    %get3A_51 = vector.load %arg13[%get3A_49, %get3A_50] : memref<64x128xf32, #tpu.memory_space<vmem>>, vector<64x128xf32>
    %broadcast_in_dim3A = arith.constant 1.000000e+00 : f32
    %broadcast_in_dim3A_52 = vector.broadcast %broadcast_in_dim3A : f32 to vector<1000x128xf32>
    %dot_general3A_53 = arith.constant dense<0.000000e+00> : vector<64x128xf32>
    %dot_general3A_54 = tpu.matmul %convert_element_type3A_41, %broadcast_in_dim3A_52, %dot_general3A_53 {dimension_numbers = #tpu.dot_dimension_numbers<[0], [0], [1], [1], [0, 1, 1, 1], [], []>, transpose_lhs_hint = false} : vector<1000x64xf32>, vector<1000x128xf32>, vector<64x128xf32> -> vector<64x128xf32>
    %add3A_55 = arith.addf %get3A_51, %dot_general3A_54 : vector<64x128xf32>
    %swap3A_56 = arith.constant 0 : index
    %swap3A_57 = arith.constant 0 : index
    %swap3A_58 = vector.load %arg13[%swap3A_56, %swap3A_57] : memref<64x128xf32, #tpu.memory_space<vmem>>, vector<64x128xf32>
    tpu.vector_store %arg13[%swap3A_56, %swap3A_57], %add3A_55 {strides = array<i32>} : memref<64x128xf32, #tpu.memory_space<vmem>>, vector<64x128xf32>,
    %eq3A_59 = arith.constant 9 : i32
    %eq3A_60 = arith.cmpi eq, %arg0, %eq3A_59 : i32
    %convert_element_type3A_61 = arith.extui %eq3A_60 : i1 to i32
    %cond3A_62 = arith.constant 0 : i32
    %cond3A_63 = arith.cmpi ne, %convert_element_type3A_61, %cond3A_62 : i32
    scf.if %cond3A_63 {
      %get3A_64 = arith.constant 0 : index
      %get3A_65 = arith.constant 0 : index
      %get3A_66 = vector.load %arg13[%get3A_64, %get3A_65] : memref<64x128xf32, #tpu.memory_space<vmem>>, vector<64x128xf32>
      %slice3A = vector.extract_strided_slice %get3A_66 {offsets = [0, 0], sizes = [64, 1], strides = [1, 1]} : vector<64x128xf32> to vector<64x1xf32>
      %get3A_67 = arith.constant 0 : index
      %get3A_68 = arith.constant 0 : index
      %get3A_69 = vector.load %arg12[%get3A_67, %get3A_68] : memref<64x256xf32, #tpu.memory_space<vmem>>, vector<64x256xf32>
      %max3A_70 = arith.constant 1.000000e+00 : f32
      %max3A_71 = vector.broadcast %max3A_70 : f32 to vector<64x1xf32>
      %max3A_72 = arith.maximumf %slice3A, %max3A_71 : vector<64x1xf32>
      %div3A = vector.broadcast %max3A_72 : vector<64x1xf32> to vector<64x256xf32>
      %div3A_73 = arith.divf %get3A_69, %div3A : vector<64x256xf32>
      %get3A_74 = arith.constant 0 : index
      %get3A_75 = arith.constant 0 : index
      %get3A_76 = vector.load %arg9[%get3A_74, %get3A_75] : memref<256x32xf32, #tpu.memory_space<vmem>>, vector<256x32xf32>
      %dot_general3A_77 = arith.constant dense<0.000000e+00> : vector<64x32xf32>
      %dot_general3A_78 = tpu.matmul %div3A_73, %get3A_76, %dot_general3A_77 {dimension_numbers = #tpu.dot_dimension_numbers<[1], [0], [0], [1], [0, 0, 1, 1], [], []>, transpose_lhs_hint = false} : vector<64x256xf32>, vector<256x32xf32>, vector<64x32xf32> -> vector<64x32xf32>
      %get3A_79 = arith.constant 0 : index
      %get3A_80 = arith.constant 0 : index
      %get3A_81 = vector.load %arg10[%get3A_79, %get3A_80] : memref<1x32xf32, #tpu.memory_space<vmem>>, vector<1x32xf32>
      %add3A_82 = vector.broadcast %get3A_81 : vector<1x32xf32> to vector<64x32xf32>
      %add3A_83 = arith.addf %dot_general3A_78, %add3A_82 : vector<64x32xf32>
      %swap3A_84 = arith.constant 0 : index
      %swap3A_85 = arith.constant 0 : index
      %swap3A_86 = vector.load %arg11[%swap3A_84, %swap3A_85] : memref<64x32xf32, #tpu.memory_space<vmem>>, vector<64x32xf32>
      tpu.vector_store %arg11[%swap3A_84, %swap3A_85], %add3A_83 {strides = array<i32>} : memref<64x32xf32, #tpu.memory_space<vmem>>, vector<64x32xf32>,
    } else {
    }
    return
  }
  func.func @transform_0(%arg0: i32) -> (i32, i32) {
    %c0_i32 = arith.constant 0 : i32
    %c0_i32_0 = arith.constant 0 : i32
    return %arg0, %c0_i32 : i32, i32
  }
  func.func @transform_1(%arg0: i32) -> (i32, i32) {
    %c0_i32 = arith.constant 0 : i32
    %c0_i32_0 = arith.constant 0 : i32
    return %arg0, %c0_i32 : i32, i32
  }
  func.func @transform_2(%arg0: i32) -> (i32, i32) {
    %c0_i32 = arith.constant 0 : i32
    %c0_i32_0 = arith.constant 0 : i32
    return %arg0, %c0_i32 : i32, i32
  }
  func.func @transform_3(%arg0: i32) -> (i32, i32) {
    %c0_i32 = arith.constant 0 : i32
    %c0_i32_0 = arith.constant 0 : i32
    return %arg0, %c0_i32 : i32, i32
  }
  func.func @transform_4(%arg0: i32) -> (i32, i32) {
    %c0_i32 = arith.constant 0 : i32
    %c0_i32_0 = arith.constant 0 : i32
    return %arg0, %c0_i32 : i32, i32
  }
  func.func @transform_5(%arg0: i32) -> (i32, i32) {
    %c0_i32 = arith.constant 0 : i32
    %c0_i32_0 = arith.constant 0 : i32
    %c0_i32_1 = arith.constant 0 : i32
    return %c0_i32, %c0_i32_0 : i32, i32
  }
  func.func @transform_6(%arg0: i32) -> (i32, i32) {
    %c0_i32 = arith.constant 0 : i32
    %c0_i32_0 = arith.constant 0 : i32
    %c0_i32_1 = arith.constant 0 : i32
    return %c0_i32, %c0_i32_0 : i32, i32
  }
  func.func @transform_7(%arg0: i32) -> (i32, i32) {
    %c0_i32 = arith.constant 0 : i32
    %c0_i32_0 = arith.constant 0 : i32
    return %arg0, %c0_i32 : i32, i32
  }
  func.func @transform_8(%arg0: i32) -> (i32, i32) {
    %c0_i32 = arith.constant 0 : i32
    %c0_i32_0 = arith.constant 0 : i32
    %c0_i32_1 = arith.constant 0 : i32
    return %c0_i32, %c0_i32_0 : i32, i32
  }
  func.func @transform_9(%arg0: i32) -> (i32, i32) {
    %c0_i32 = arith.constant 0 : i32
    %c0_i32_0 = arith.constant 0 : i32
    %c0_i32_1 = arith.constant 0 : i32
    return %c0_i32, %c0_i32_0 : i32, i32
  }
  func.func @transform_10(%arg0: i32) -> (i32, i32) {
    %c0_i32 = arith.constant 0 : i32
    %c0_i32_0 = arith.constant 0 : i32
    %c0_i32_1 = arith.constant 0 : i32
    return %c0_i32, %c0_i32_0 : i32, i32
  }
}

</mosaic_0001>

<sc_bundles>
// kernel: kernel.11.cloned.1.call-start
scs
__scs_entry_jumppad:
0x0: {  	(pc) =	sbr.rel $0x88, $3  }
0x1: {  	(tag) =	ssettag $0x0;
	lr =	simm.s32 $0x1  }
0x2: {  	[smem:$0x3F98] =	sst lr;
	_ =	strace $0xD0000000  }
0x3: {  	_ = 	snop  }
0x4: {  	_ = 	snop  }
0x5: {  	_ = 	snop  }
0x6: {  	_ = 	snop  }
0x7: {  	_ = 	snop  }
__scs_overlays_trampoline_lowered:
0x8: {  	[smem:$0x3FA7] =	sst s0  }
0x9: {  	[smem:$0x3FA8] =	sst s1  }
0xa: {  	[smem:$0x3FA9] =	sst s2  }
0xb: {  	[smem:$0x3FAA] =	sst s3  }
0xc: {  	[smem:$0x3FAB] =	sst s4  }
0xd: {  	[smem:$0x3FAC] =	sst s5  }
0xe: {  	[smem:$0x3FAD] =	sst s6  }
0xf: {  	[smem:$0x3FAE] =	sst s7  }
0x10: {  	[smem:$0x3FAF] =	sst s8  }
0x11: {  	[smem:$0x3FB0] =	sst s9;
	s0 =	simm.s32 @!p0 $0x0  }
0x12: {  	s1 =	sld [smem:$0x3F96];
	s0 =	simm.s32 @p0 $0x1  }
0x13: {  	[smem:$0x3FB1] =	sst s0;
	s0 =	simm.s32 @!p1 $0x0  }
0x14: {  	s2 =	sld [smem:$0x3F95];
	s0 =	simm.s32 @p1 $0x1  }
0x15: {  	[smem:$0x3FB2] =	sst s0;
	s0 =	simm.s32 @!p2 $0x0  }
0x16: {  	s3 =	sld [smem:$0x3FDB];
	s0 =	simm.s32 @p2 $0x1  }
0x17: {  	s4 =	simm.s32 $0x1BF5;
	[smem:$0x3FB4] =	sst s0  }
0x18: {  	s0 =	sld [smem:$0x3F97];
	_ =	swait.ge [sflag:s4], $0x0  }
0x19: {  	s7 =	sld [smem:$0x3F98]  }
0x1a: {  	s8 =	sadd.s32 $0xFFFFE003, lr  }
0x1b: {  	s9 =	sadd.s32 $0xFFFFFEF7, lr;
	s5 =	simm.s32 $0xFFFFFFFF;
	p2 =	slt.u32 s8, $0xFFFFF086  }
0x1c: {  	p1 =	slt.u32 s9, $0xF7A;
	s5 =	simm.s32 @!p2 $0x0  }
0x1d: {  	s5 =	simm.s32 @p1 $0x1;
	p0 =	seq.s32 s7, s2  }
0x1e: {  	s7 =	smul.u32 @!p0 $0xF7A, s2;
	p2 =	seq.s32 @!p0 s5, $0x0  }
0x1f: {  	s9 =	smul.u32 $0xF7A, s1;
	s8 =	simm.s32 @!p0 $0x1BF5;
	p2 =	por !p2, p0  }
0x20: {  	[sflag:s8] =	ssyncset.s32 @!p0 $0xFFFFF086;
	s6 =	sadd.s32 @!p0 s3, s7;
	s7 =	simm.s32 @!p0 $0x108  }
0x21: {  	s3 =	sadd.s32 s3, s9;
	s6 =	sadd.s32 @!p0 $0x88, s6;
	s7 =	simm.s32 @p2 $0x1082  }
0x22: {  	[simem:s7], [sflag:s8] =	dma.local @!p0 [hbm:s6], $0xF7A  }
0x23: {  	s9 =	sor.u32 $0xD0000000, s2;
	s6 =	simm.s32 $0x108;
	_ =	swait.ge @!p0 [sflag:s8], $0x0  }
0x24: {  	s3 =	sadd.s32 $0x88, s3;
	s6 =	simm.s32 @!p1 $0x1082;
	[sflag:s4] =	ssyncset.s32 $0xFFFFF086  }
0x25: {  	[simem:s6], [sflag:s4] =	dma.local [hbm:s3], $0xF7A  }
0x26: {  	[smem:$0x3F98] =	sst s1;
	(tag) =	ssettag s2;
	_ =	strace s9  }
0x27: {  	s1 =	sld [smem:$0x3FA8]  }
0x28: {  	s2 =	sld [smem:$0x3FA9]  }
0x29: {  	s4 =	sld [smem:$0x3FAB]  }
0x2a: {  	p0 =	seq.s32 s5, $0x0;
	s5 =	sld [smem:$0x3FAC]  }
0x2b: {  	s6 =	sld [smem:$0x3FAD]  }
0x2c: {  	s7 =	sld [smem:$0x3FAE]  }
0x2d: {  	s3 =	simm.s32 $0x108;
	s8 =	sld [smem:$0x3FAF]  }
0x2e: {  	s3 =	simm.s32 @!p0 $0x1082;
	s9 =	sld [smem:$0x3FB0]  }
0x2f: {  	lr =	sadd.s32 s0, s3;
	s0 =	sld [smem:$0x3FA7]  }
0x30: {  	s3 =	sld [smem:$0x3FAA]  }
0x31: {  	[smem:$0x3FB3] =	sst s10  }
0x32: {  	s10 =	sld [smem:$0x3FB1];
	_ =	sdelay $0x3  }
0x33: {  	p0 =	seq.s32 s10, $0x1;
	s10 =	sld [smem:$0x3FB3];
	_ =	sdelay $0x3  }
0x34: {  	[smem:$0x3FB3] =	sst s10  }
0x35: {  	s10 =	sld [smem:$0x3FB2];
	_ =	sdelay $0x3  }
0x36: {  	p1 =	seq.s32 s10, $0x1;
	s10 =	sld [smem:$0x3FB3];
	_ =	sdelay $0x3  }
0x37: {  	[smem:$0x3FB3] =	sst s10  }
0x38: {  	s10 =	sld [smem:$0x3FB4]  }
0x39: {  	_ = 	snop;
	(pc) =	sbr.ind lr, $3  }
0x3a: {  	_ = 	snop  }
0x3b: {  	_ = 	snop  }
0x3c: {  	p2 =	seq.s32 s10, $0x1;
	s10 =	sld [smem:$0x3FB3]  }
0x3d: {  	_ =	shalt  }
0x3e: {  	_ =	shalt  }
0x3f: {  	_ =	shalt  }
0x40: {  	_ =	shalt  }
0x41: {  	_ =	shalt  }
0x42: {  	_ =	shalt  }
0x43: {  	_ =	shalt  }
0x44: {  	_ =	shalt  }
0x45: {  	_ =	shalt  }
0x46: {  	_ =	shalt  }
0x47: {  	_ =	shalt  }
0x48: {  	_ =	shalt  }
0x49: {  	_ =	shalt  }
0x4a: {  	_ =	shalt  }
0x4b: {  	_ =	shalt  }
0x4c: {  	_ =	shalt  }
0x4d: {  	_ =	shalt  }
0x4e: {  	_ =	shalt  }
0x4f: {  	_ =	shalt  }
0x50: {  	_ =	shalt  }
0x51: {  	_ =	shalt  }
0x52: {  	_ =	shalt  }
0x53: {  	_ =	shalt  }
0x54: {  	_ =	shalt  }
0x55: {  	_ =	shalt  }
0x56: {  	_ =	shalt  }
0x57: {  	_ =	shalt  }
0x58: {  	_ =	shalt  }
0x59: {  	_ =	shalt  }
0x5a: {  	_ =	shalt  }
0x5b: {  	_ =	shalt  }
0x5c: {  	_ =	shalt  }
0x5d: {  	_ =	shalt  }
0x5e: {  	_ =	shalt  }
0x5f: {  	_ =	shalt  }
0x60: {  	_ =	shalt  }
0x61: {  	_ =	shalt  }
0x62: {  	_ =	shalt  }
0x63: {  	_ =	shalt  }
0x64: {  	_ =	shalt  }
0x65: {  	_ =	shalt  }
0x66: {  	_ =	shalt  }
0x67: {  	_ =	shalt  }
0x68: {  	_ =	shalt  }
0x69: {  	_ =	shalt  }
0x6a: {  	_ =	shalt  }
0x6b: {  	_ =	shalt  }
0x6c: {  	_ =	shalt  }
0x6d: {  	_ =	shalt  }
0x6e: {  	_ =	shalt  }
0x6f: {  	_ =	shalt  }
0x70: {  	_ =	shalt  }
0x71: {  	_ =	shalt  }
0x72: {  	_ =	shalt  }
0x73: {  	_ =	shalt  }
0x74: {  	_ =	shalt  }
0x75: {  	_ =	shalt  }
0x76: {  	_ =	shalt  }
0x77: {  	_ =	shalt  }
0x78: {  	_ =	shalt  }
0x79: {  	_ =	shalt  }
0x7a: {  	_ =	shalt  }
0x7b: {  	_ =	shalt  }
0x7c: {  	_ =	shalt  }
0x7d: {  	_ =	shalt  }
0x7e: {  	_ =	shalt  }
0x7f: {  	_ =	shalt  }
0x80: {  	_ =	shalt  }
0x81: {  	_ =	shalt  }
0x82: {  	_ =	shalt  }
0x83: {  	_ =	shalt  }
0x84: {  	_ =	shalt  }
0x85: {  	_ =	shalt  }
0x86: {  	_ =	shalt  }
0x87: {  	_ =	shalt  }
.Lfunc_end0:
.L_simem_size_0:
called_computation.1_lowered:
.L_overlay_start_0:
0x88: {  	s2 =	sld [smem:$0x3FD9]  }
0x89: {  	s3 =	sld [smem:$0x3FFE];
	_ =	sdelay $0x1  }
0x8a: {  	s1 =	srdreg.scid  }
0x8b: {  	s0 =	sand.u32 $0x1, s1  }
0x8c: {  	s16 =	sshll.u32 s0, $0xA;
	s2 =	sadd.s32 s3, s2  }
0x8d: {  	s2 =	sadd.s32 s2, s16  }
0x8e: {  	[smem:$0x3FBF] =	sst s2  }
0x8f: {  	_ = 	snop  }
0x90: {  	(tm) =	ssettm $0x1  }
0x91: {  	s17 =	sld [smem:$0x3FFB];
	_ =	sdelay $0x3  }
0x92: {  	_ =	strace s17  }
0x93: {  	s2 =	sld [smem:$0x3FFC];
	_ =	sdelay $0x3  }
0x94: {  	_ =	strace s2  }
0x95: {  	s2 =	sld [smem:$0x3FFD];
	_ =	sdelay $0x3  }
0x96: {  	_ =	strace s2  }
0x97: {  	_ =	strace $0x8FFFFFFF  }
0x98: {  	s18 =	sld [smem:$0x3FDB];
	_ =	sdelay $0x1  }
0x99: {  	s19 =	simm.s32 $_scs_section_size  }
0x9a: {  	s4 =	simm.s32 $_size__tile_overlayer_lowered;
	s5 =	simm.s32 $_tile_overlayer_lowered  }
0x9b: {  	s22 =	simm.s32 $0x1BFF;
	s21 =	sshll.u32 s5, $0x1;
	s2 =	sadd.s32 s19, s18  }
0x9c: {  	s6 =	simm.s32 $0x0;
	s20 =	sshll.u32 s4, $0x1;
	s4 =	sadd.s32 s21, s2  }
0x9d: {  	[timem:s6], [sflag:s22] =	dma.local [hbm:s4], s20  }
0x9e: {  	_ =	swait.ge [sflag:s22], s20  }
0x9f: {  	s3 =	ssub.s32 $0x0, s20;
	[sflag:s22] =	ssyncset.done $0x0  }
0xa0: {  	[sflag:s22] =	ssyncadd.s32 s3;
	_ =	sdelay $0x1  }
0xa1: {  	s23 =	simm.s32 $0x1B8B  }
0xa2: {  	_ =	swait.ge [sflag:s23], $0x1  }
0xa3: {  	[sflag:s23] =	ssyncset.done $0x0  }
0xa4: {  	s25 =	simm.s32 $0x1B8E;
	s24 =	sld [smem:$0x3FFE];
	[sflag:s23] =	ssyncadd.s32 $0xFFFFFFFF  }
0xa5: {  	s26 =	simm.s32 $execute0_lowered;
	[smem:$0x3FD2] =	sst s25  }
0xa6: {  	s4 =	sshll.u32 s26, $0x1;
	_ =	strace $0x80000049;
	[dreg:$0x1] =	wrdreg $0xFFFFFFFF  }
0xa7: {  	s28 =	simm.s32 $_size_execute0_lowered;
	s2 =	sadd.s32 s2, s4;
	[dreg:$0x0] =	wrdreg $0x0  }
0xa8: {  	s4 =	sshll.u32 s28, $0x1;
	[dreg:$0x2] =	wrdreg s2  }
0xa9: {  	[dreg:$0x3] =	wrdreg s4  }
0xaa: {  	[dreg:$0x4] =	wrdreg $0xC0  }
0xab: {  	_ =	task [dreg:s6], $0x5FFFF  }
0xac: {  	[dreg:$0x1] =	wrdreg $0xFFFFFFFF  }
0xad: {  	[dreg:$0x0] =	wrdreg $0x60  }
0xae: {  	[dreg:$0x2] =	wrdreg s24  }
0xaf: {  	[dreg:$0x3] =	wrdreg $0xC0000  }
0xb0: {  	[dreg:$0x4] =	wrdreg $0x9  }
0xb1: {  	_ =	task.clear_ibuf [dreg:s6], $0x5FFFF;
	_ =	strace $0x90000049  }
0xb2: {  	s29 =	simm.s32 $0x9;
	_ =	strace $0x8000004B  }
0xb3: {  	_ =	swait.ge [sflag:s29], $0x1  }
0xb4: {  	[sflag:s29] =	ssyncadd.s32 $0xFFFFFFFF  }
0xb5: {  	_ =	strace $0x9000004B  }
0xb6: {  	_ =	sfence  }
0xb7: {  	s30 =	sld [smem:$0x0];
	_ =	sdelay $0x2  }
0xb8: {  	s31 =	sshll.u32 s1, $0xD;
	s1 =	sshrl.u32 s1, $0x2  }
0xb9: {  	s3 =	sand.u32 $0x4000, s31;
	s1 =	sadd.s32 s1, s30  }
0xba: {  	s0 =	sor.u32 s3, s0;
	s1 =	sshll.u32 s1, $0x11  }
0xbb: {  	s0 =	sor.u32 s1, s0  }
0xbc: {  	s0 =	sadd.s32 $0x8F2B, s0  }
0xbd: {  	[sflag:s0] =	ssyncadd.remote.s32 $0x1  }
0xbe: {  	_ =	sfence.sel $0xFFFF  }
0xbf: {  	[dreg:$0x0] =	wrdreg $0xFFFFFFFF;
	(pc) =	sbr.abs _section_cstart, $3  }
0xc0: {  	[dreg:$0x1] =	wrdreg $0xFFFFFFFF  }
0xc1: {  	_ =	task.clear_ibuf [dreg:s6], $0x2FFFF;
	_ =	strace $0x9FFFFFFF  }
0xc2: {  	(tm) =	ssettm $0x7FFFFFFF  }
0xc3: {  	_ =	shalt  }
tec
execute0_lowered:
.L_overlay_start_1:
0x0: {  	(tag) =	ssettag $0x1  }
0x1: {  	s0 =	rddreg [dreg:$0x0]  }
0x2: {  	s1 =	rddreg [dreg:$0x1];
	s3 =	simm.s32 $0x0  }
0x3: {  	s2 =	srdreg.scid;
	s6 =	stileid.u32;
	s28 =	simm.s32 $0x1  }
0x4: {  	s29 =	simm.s32 $0x2;
	s30 =	simm.s32 $0x6000;
	s31 =	simm.s32 $0x3  }
0x5: {  	s10 =	simm.s32 $0x5;
	[smem:$0x7FF] =	sst s3;
	s2 =	sand.u32 $0x1, s2  }
0x6: {  	s8 =	smul.u32 $0x13C00, s6;
	s4 =	sadd.s32 $0x37000, s0;
	s5 =	sadd.s32 $0x5E200, s0  }
0x7: {  	s9 =	smul.u32 $0x4F000, s6;
	s15 =	sadd.s32 $0x23000, s0;
	s16 =	sadd.s32 $0xF000, s0  }
0x8: {  	s6 =	smul.u32 $0xA000, s6;
	_ =	strace $0x8000004A;
	[dreg:$0x3] =	wrdreg s15  }
0x9: {  	s11 =	smul.u32 $0x13C000, s2;
	s12 =	ssub.s32 $0x2, s2;
	[dreg:$0x4] =	wrdreg s16  }
0xa: {  	s9 =	sshrl.u32 s9, $0x2;
	[dreg:$0xd] =	wrdreg s6;
	s25 =	sor.u32 $0x1000, s6  }
0xb: {  	p0 =	seq.s32 s2, $0x1;
	s7 =	sadd.s32 s9, s1;
	[dreg:$0x10] =	wrdreg s25  }
0xc: {  	s2 =	simm.s32 $0x4;
	s14 =	sadd.s32 $0x2000, s7;
	[dreg:$0x5] =	wrdreg s7  }
0xd: {  	s13 =	sshrl.u32 s12, $0x1;
	s17 =	sadd.s32 $0x4000, s7;
	[dreg:$0x6] =	wrdreg s14  }
0xe: {  	s6 =	simm.s32 $0x0;
	s18 =	sadd.s32 $0x6000, s7;
	[dreg:$0x7] =	wrdreg s17  }
0xf: {  	s3 =	sadd.s32 s8, s11;
	s19 =	sadd.s32 $0x8000, s7;
	[dreg:$0x8] =	wrdreg s18  }
0x10: {  	s25 =	simm.s32 $0x40;
	s20 =	sadd.s32 $0xA000, s7;
	[dreg:$0x9] =	wrdreg s19  }
0x11: {  	s11 =	simm.s32 $0x6;
	s21 =	sadd.s32 $0xC000, s7;
	[dreg:$0xa] =	wrdreg s20  }
0x12: {  	s3 =	sshrl.u32 s3, $0x3;
	s22 =	sadd.s32 $0xE000, s7;
	[dreg:$0xb] =	wrdreg s21  }
0x13: {  	s23 =	sadd.s32 $0x10000, s7;
	s24 =	sadd.s32 $0x12000, s7;
	[dreg:$0xc] =	wrdreg s22  }
.Ltmp0:
0x14: {  	s0 =	sadd.s32 s3, s0;
	[dreg:$0xe] =	wrdreg s23;
	(pc) =	sbr.rel .LBB2_1-.Ltmp0, $4  }
0x15: {  	s3 =	ssub.s32 s12, s13;
	[dreg:$0xf] =	wrdreg s24;
	s22 =	simm.s32 $0x4000  }
0x16: {  	s23 =	simm.s32 $0x9;
	s12 =	simm.s32 $0x7;
	s0 =	sadd.s32 $0xAC600, s0  }
0x17: {  	s13 =	simm.s32 $0x8;
	s26 =	smax.u32 s3, $0x1;
	[dreg:$0x11] =	wrdreg s0  }
0x18: {  	v0 =	vimm.f32 $0.0e+00;
	[dreg:$0x12] =	wrdreg s26;
	s26 =	simm.s32 $0xA000;
	s0 =	simm.s32 $0x8000  }
.LBB2_14:
0x19: {  	_ =	swait.ge [sflag:s10], $0x2000  }
0x1a: {  	[sflag:s10] =	ssyncset.done $0x0  }
0x1b: {  	[sflag:s10] =	ssyncadd.s32 $0xFFFFE000  }
0x1c: {  	_ =	swait.ge [sflag:s11], $0x2000  }
0x1d: {  	[sflag:s11] =	ssyncset.done $0x0  }
0x1e: {  	[sflag:s11] =	ssyncadd.s32 $0xFFFFE000  }
0x1f: {  	_ =	swait.ge [sflag:s12], $0x2000  }
0x20: {  	[sflag:s12] =	ssyncset.done $0x0  }
0x21: {  	[sflag:s12] =	ssyncadd.s32 $0xFFFFE000  }
0x22: {  	_ =	swait.ge [sflag:s13], $0x2000  }
0x23: {  	[sflag:s13] =	ssyncset.done $0x0  }
0x24: {  	[sflag:s13] =	ssyncadd.s32 $0xFFFFE000  }
0x25: {  	s3 =	stileid.u32;
	[bflag:$0x0] =	sbarrier.arrive $0xFFFF  }
0x26: {  	s3 =	sshll.u32 s3, $0x6;
	s7 =	rddreg [dreg:$0x5]  }
0x27: {  	s3 =	sor.u32 $0x1C09, s3;
	s8 =	rddreg [dreg:$0x11];
	s6 =	sshrl.u32 s7, $0x3  }
0x28: {  	[hbm:s8], [sflag:s3] =	dma.local [spmem:s6], $0x2780  }
0x29: {  	_ =	swait.ge [sflag:s23], $0x2780  }
0x2a: {  	s21 =	rddreg [dreg:$0x13]  }
0x2b: {  	s24 =	rddreg [dreg:$0x12];
	s6 =	sadd.s32 $0x1, s21  }
0x2c: {  	p1 =	sne.s32 s6, s24  }
.Ltmp1:
0x2d: {  	_ = 	snop;
	(pc) =	sbr.rel @!p1 .LBB2_15-.Ltmp1, $3  }
0x2e: {  	_ =	sdelay $0x1  }
0x2f: {  	[sflag:s23] =	ssyncset.done $0x0  }
0x30: {  	[sflag:s23] =	ssyncadd.s32 $0xFFFFD880  }
.LBB2_1:
0x31: {  	s24 =	simm.s32 $0x0  }
0x32: {  	s3 =	sand.u32 $0x7E00, s24  }
0x33: {  	[dreg:$0x13] =	wrdreg s6;
	s8 =	sand.u32 $0x70, s24;
	s9 =	sshrl.u32 s3, $0x2  }
0x34: {  	s3 =	simm.s32 $0x40;
	s9 =	sor.u32 s8, s9;
	s8 =	simm.s32 $0x0  }
.LBB2_2:
0x35: {  	p1 =	sne.s32 s3, $0x7FC0  }
0x36: {  	[tilespmem:s9+$0x4000] =	vst v0;
	s8 =	sadd.s32 $0x10, s8;
	s9 =	smov.u32 s3;
	s3 =	sadd.s32 $0x40, s3  }
.Ltmp2:
0x37: {  	(pc) =	sbr.rel @p1 .LBB2_2-.Ltmp2, $4  }
0x38: {  	_ = 	snop  }
0x39: {  	s9 =	sand.u32 $0x7E00, s9  }
0x3a: {  	s14 =	sand.u32 $0x70, s8;
	s9 =	sshrl.u32 s9, $0x2  }
0x3b: {  	s9 =	sor.u32 s14, s9  }
0x3c: {  	[tilespmem:s9+$0x4000] =	vst v0  }
0x3d: {  	[spmem:s7] =	stream.linear.scatter [tilespmem:s22], [sflag:$0x9], $0x2000, $0x38;
	[tilespmem:$0x1FC00] =	vst v63  }
0x3e: {  	_ =	swait.ge [sflag:s23], $0x2000  }
0x3f: {  	[sflag:s23] =	ssyncset.done $0x0  }
0x40: {  	s3 =	rddreg [dreg:$0x6];
	[sflag:s23] =	ssyncadd.s32 $0xFFFFE000  }
0x41: {  	[spmem:s3] =	stream.linear.scatter [tilespmem:s22], [sflag:$0x9], $0x2000, $0x38;
	[tilespmem:$0x1FC00] =	vst v63  }
0x42: {  	_ =	swait.ge [sflag:s23], $0x2000  }
0x43: {  	[sflag:s23] =	ssyncset.done $0x0  }
0x44: {  	s9 =	rddreg [dreg:$0x7];
	[sflag:s23] =	ssyncadd.s32 $0xFFFFE000  }
0x45: {  	[spmem:s9] =	stream.linear.scatter [tilespmem:s22], [sflag:$0x9], $0x2000, $0x38;
	[tilespmem:$0x1FC00] =	vst v63  }
0x46: {  	_ =	swait.ge [sflag:s23], $0x2000  }
0x47: {  	[sflag:s23] =	ssyncset.done $0x0  }
0x48: {  	s14 =	rddreg [dreg:$0x8];
	[sflag:s23] =	ssyncadd.s32 $0xFFFFE000  }
0x49: {  	[spmem:s14] =	stream.linear.scatter [tilespmem:s22], [sflag:$0x9], $0x2000, $0x38;
	[tilespmem:$0x1FC00] =	vst v63  }
0x4a: {  	_ =	swait.ge [sflag:s23], $0x2000  }
0x4b: {  	[sflag:s23] =	ssyncset.done $0x0  }
0x4c: {  	s17 =	rddreg [dreg:$0x9];
	[sflag:s23] =	ssyncadd.s32 $0xFFFFE000  }
0x4d: {  	[spmem:s17] =	stream.linear.scatter [tilespmem:s22], [sflag:$0x9], $0x2000, $0x38;
	[tilespmem:$0x1FC00] =	vst v63  }
0x4e: {  	_ =	swait.ge [sflag:s23], $0x2000  }
0x4f: {  	[sflag:s23] =	ssyncset.done $0x0  }
0x50: {  	s18 =	rddreg [dreg:$0xa];
	[sflag:s23] =	ssyncadd.s32 $0xFFFFE000  }
0x51: {  	[spmem:s18] =	stream.linear.scatter [tilespmem:s22], [sflag:$0x9], $0x2000, $0x38;
	[tilespmem:$0x1FC00] =	vst v63  }
0x52: {  	_ =	swait.ge [sflag:s23], $0x2000  }
0x53: {  	[sflag:s23] =	ssyncset.done $0x0  }
0x54: {  	s19 =	rddreg [dreg:$0xb];
	[sflag:s23] =	ssyncadd.s32 $0xFFFFE000  }
0x55: {  	[spmem:s19] =	stream.linear.scatter [tilespmem:s22], [sflag:$0x9], $0x2000, $0x38;
	[tilespmem:$0x1FC00] =	vst v63  }
0x56: {  	_ =	swait.ge [sflag:s23], $0x2000  }
0x57: {  	[sflag:s23] =	ssyncset.done $0x0  }
0x58: {  	s20 =	rddreg [dreg:$0xc];
	[sflag:s23] =	ssyncadd.s32 $0xFFFFE000  }
0x59: {  	[spmem:s20] =	stream.linear.scatter [tilespmem:s22], [sflag:$0x9], $0x2000, $0x38;
	[tilespmem:$0x1FC00] =	vst v63  }
0x5a: {  	_ =	swait.ge [sflag:s23], $0x2000  }
0x5b: {  	[sflag:s23] =	ssyncset.done $0x0  }
0x5c: {  	s21 =	rddreg [dreg:$0xe];
	[sflag:s23] =	ssyncadd.s32 $0xFFFFE000  }
0x5d: {  	[spmem:s21] =	stream.linear.scatter [tilespmem:s22], [sflag:$0x9], $0x2000, $0x38;
	[tilespmem:$0x1FC00] =	vst v63  }
0x5e: {  	_ =	swait.ge [sflag:s23], $0x2000  }
0x5f: {  	[sflag:s23] =	ssyncset.done $0x0  }
0x60: {  	s24 =	rddreg [dreg:$0xf];
	[sflag:s23] =	ssyncadd.s32 $0xFFFFE000  }
0x61: {  	[spmem:s24] =	stream.linear.scatter [tilespmem:s22], [sflag:$0x9], $0x1C00, $0x38;
	[tilespmem:$0x1FC00] =	vst v63  }
.Ltmp3:
0x62: {  	_ =	swait.ge [sflag:s23], $0x1C00;
	(pc) =	sbr.rel @!p0 .LBB2_4-.Ltmp3, $4  }
0x63: {  	[sflag:s23] =	ssyncset.done $0x0  }
0x64: {  	[sflag:s23] =	ssyncadd.s32 $0xFFFFE400  }
0x65: {  	[bflag:$0x0] =	sbarrier.arrive $0xFFFF  }
0x66: {  	s17 =	simm.s32 $0x0;
	s18 =	simm.s32 $0x0  }
.LBB2_9:
0x67: {  	s6 =	sshll.u32 s18, $0xD;
	s3 =	rddreg [dreg:$0xd]  }
0x68: {  	s3 =	sadd.s32 s3, s6  }
0x69: {  	s3 =	sshrl.u32 s3, $0x3  }
0x6a: {  	s7 =	simm.s32 $0x0;
	[dreg:$0x14] =	wrdreg s6;
	s17 =	sadd.s32 s15, s3  }
0x6b: {  	[tilespmem:s7], [sflag:$0x9] =	stream.linear.gather [hbm4b:s17+s7], $0x1000, $0x38;
	[tilespmem:$0x1FC00] =	vst v63  }
0x6c: {  	_ =	swait.ge [sflag:s23], $0x1000  }
0x6d: {  	[sflag:s23] =	ssyncset.done $0x0  }
0x6e: {  	s19 =	simm.s32 $0x1000;
	s3 =	sadd.s32 s16, s3;
	[sflag:s23] =	ssyncadd.s32 $0xFFFFF000  }
0x6f: {  	[tilespmem:s19], [sflag:$0x9] =	stream.linear.gather [hbm4b:s3+s7], $0x1000, $0x38;
	[tilespmem:$0x1FC00] =	vst v63  }
0x70: {  	s20 =	sor.u32 s18, s7;
	_ =	swait.ge [sflag:s23], $0x1000  }
0x71: {  	p1 =	sne.s32 s20, $0x0;
	[sflag:s23] =	ssyncset.done $0x0  }
0x72: {  	s3 =	simm.s32 @p1 $0x5;
	[sflag:s23] =	ssyncadd.s32 $0xFFFFF000  }
0x73: {  	_ =	swait.ge @p1 [sflag:s3], $0x2000  }
0x74: {  	s6 =	simm.s32 @p1 $0x4000;
	s8 =	simm.s32 @p1 $0x40;
	[sflag:s3] =	ssyncset.done @p1 $0x0  }
0x75: {  	s7 =	simm.s32 @p1 $0x6;
	[sflag:s3] =	ssyncadd.s32 @p1 $0xFFFFE000;
	s3 =	simm.s32 @p1 $0x0  }
0x76: {  	[tilespmem:s6], [sflag:$0x1] =	stream.indirect.gather @p1 [hbm4b:s5+s8], $0x80, s3, s8, $0xb8;
	[tilespmem:$0x1FC00] =	vst v63  }
0x77: {  	_ =	swait.ge @p1 [sflag:s7], $0x2000  }
0x78: {  	s3 =	simm.s32 @p1 $0x7;
	[sflag:s7] =	ssyncset.done @p1 $0x0  }
0x79: {  	s6 =	simm.s32 @p1 $0x80;
	[sflag:s7] =	ssyncadd.s32 @p1 $0xFFFFE000;
	s7 =	simm.s32 @p1 $0x6000  }
0x7a: {  	[tilespmem:s7], [sflag:$0x2] =	stream.indirect.gather @p1 [hbm4b:s5+s8], $0x80, s6, s8, $0xb8;
	[tilespmem:$0x1FC00] =	vst v63  }
0x7b: {  	_ =	swait.ge @p1 [sflag:s3], $0x2000  }
0x7c: {  	s20 =	simm.s32 $0x100;
	[sflag:s3] =	ssyncset.done @p1 $0x0  }
0x7d: {  	s6 =	simm.s32 @p1 $0x8;
	[sflag:s3] =	ssyncadd.s32 @p1 $0xFFFFE000;
	s3 =	simm.s32 @p1 $0x8000  }
0x7e: {  	[tilespmem:s3], [sflag:$0x3] =	stream.indirect.gather @p1 [hbm4b:s5+s8], $0x80, s20, s8, $0xb8;
	[tilespmem:$0x1FC00] =	vst v63  }
0x7f: {  	_ =	swait.ge @p1 [sflag:s6], $0x2000  }
0x80: {  	s7 =	simm.s32 @!p1 $0x0;
	[sflag:s6] =	ssyncset.done @p1 $0x0  }
0x81: {  	s3 =	simm.s32 @!p1 $0x4000;
	[sflag:s6] =	ssyncadd.s32 @p1 $0xFFFFE000;
	s6 =	simm.s32 @!p1 $0x40  }
0x82: {  	[tilespmem:s3], [sflag:$0x1] =	stream.indirect.gather @!p1 [hbm4b:s5+s6], $0x80, s7, s6, $0xb8;
	[tilespmem:$0x1FC00] =	vst v63  }
0x83: {  	s8 =	simm.s32 @!p1 $0x6000;
	s3 =	simm.s32 @p1 $0x0;
	s7 =	simm.s32 @!p1 $0x80  }
0x84: {  	[tilespmem:s8], [sflag:$0x2] =	stream.indirect.gather @!p1 [hbm4b:s5+s6], $0x80, s7, s6, $0xb8;
	[tilespmem:$0x1FC00] =	vst v63  }
0x85: {  	s3 =	simm.s32 @!p1 $0x0;
	s7 =	simm.s32 @!p1 $0x100;
	s8 =	simm.s32 @!p1 $0x8000  }
0x86: {  	[tilespmem:s8], [sflag:$0x3] =	stream.indirect.gather @!p1 [hbm4b:s5+s6], $0x80, s7, s6, $0xb8;
	[tilespmem:$0x1FC00] =	vst v63  }
0x87: {  	s21 =	sor.u32 $0x180, s3  }
0x88: {  	[tilespmem:s26], [sflag:$0x4] =	stream.indirect.gather [hbm4b:s5+s25], $0x80, s21, s25, $0xb8;
	[tilespmem:$0x1FC00] =	vst v63  }
0x89: {  	_ =	swait.ge [sflag:s28], $0x2000  }
0x8a: {  	[sflag:s28] =	ssyncset.done $0x0  }
0x8b: {  	s24 =	sadd.s32 $0x1000, s3;
	[sflag:s28] =	ssyncadd.s32 $0xFFFFE000  }
0x8c: {  	[spmem:s1] =	stream.indirect.scatter.add.f32 [tilespmem:s22], [sflag:$0x5], $0x80, s24, s25, $0xb8;
	[tilespmem:$0x1FC00] =	vst v63  }
0x8d: {  	s6 =	simm.s32 @p1 $0x80;
	_ =	swait.ge [sflag:s29], $0x2000  }
0x8e: {  	s6 =	simm.s32 @!p1 $0x80;
	[sflag:s29] =	ssyncset.done $0x0  }
0x8f: {  	s6 =	sadd.s32 $0x1000, s6;
	[sflag:s29] =	ssyncadd.s32 $0xFFFFE000  }
0x90: {  	[spmem:s1] =	stream.indirect.scatter.add.f32 [tilespmem:s30], [sflag:$0x6], $0x80, s6, s25, $0xb8;
	[tilespmem:$0x1FC00] =	vst v63  }
0x91: {  	s6 =	simm.s32 $0x100;
	_ =	swait.ge [sflag:s31], $0x2000  }
0x92: {  	s6 =	simm.s32 @!p1 $0x100;
	[sflag:s31] =	ssyncset.done $0x0  }
0x93: {  	s14 =	simm.s32 $0x1;
	s6 =	sadd.s32 $0x1000, s6;
	[sflag:s31] =	ssyncadd.s32 $0xFFFFE000  }
0x94: {  	[spmem:s1] =	stream.indirect.scatter.add.f32 [tilespmem:s0], [sflag:$0x7], $0x80, s6, s25, $0xb8;
	[tilespmem:$0x1FC00] =	vst v63  }
0x95: {  	s8 =	simm.s32 $0x500;
	s21 =	simm.s32 $0x300;
	_ =	swait.ge [sflag:s2], $0x2000  }
0x96: {  	s24 =	sadd.s32 $0x1180, s3;
	s3 =	sor.u32 s18, s14;
	[sflag:s2] =	ssyncset.done $0x0  }
.LBB2_10:
0x97: {  	p1 =	sne.s32 s3, $0x0;
	s20 =	sadd.s32 $0x200, s20  }
0x98: {  	s6 =	smov.u32 s8;
	s8 =	sadd.s32 $0x200, s8;
	s16 =	smov.u32 s21  }
0x99: {  	s7 =	simm.s32 @p1 $0x5;
	s9 =	sadd.s32 @p1 $0xFFFFFF00, s21;
	[sflag:s2] =	ssyncadd.s32 $0xFFFFE000  }
0x9a: {  	[spmem:s1] =	stream.indirect.scatter.add.f32 [tilespmem:s26], [sflag:$0x8], $0x80, s24, s25, $0xb8;
	[tilespmem:$0x1FC00] =	vst v63  }
0x9b: {  	s3 =	sadd.s32 @p1 $0xFFFFFF80, s21;
	s9 =	simm.s32 @!p1 $0x0;
	_ =	swait.ge @p1 [sflag:s7], $0x2000  }
0x9c: {  	s15 =	simm.s32 @p1 $0x4000;
	s19 =	simm.s32 @p1 $0x6;
	[sflag:s7] =	ssyncset.done @p1 $0x0  }
0x9d: {  	s17 =	simm.s32 @p1 $0x40;
	[sflag:s7] =	ssyncadd.s32 @p1 $0xFFFFE000;
	s7 =	sadd.s32 @p1 $0xFFFFFF00, s20  }
0x9e: {  	[tilespmem:s15], [sflag:$0x1] =	stream.indirect.gather @p1 [hbm4b:s5+s17], $0x80, s7, s17, $0xb8;
	[tilespmem:$0x1FC00] =	vst v63  }
0x9f: {  	s16 =	simm.s32 @!p1 $0x100;
	s3 =	simm.s32 @!p1 $0x80;
	_ =	swait.ge @p1 [sflag:s19], $0x2000  }
0xa0: {  	s24 =	sadd.s32 $0x1180, s9;
	s7 =	simm.s32 @p1 $0x7;
	[sflag:s19] =	ssyncset.done @p1 $0x0  }
0xa1: {  	s15 =	sadd.s32 @p1 $0xFFFFFF80, s20;
	[sflag:s19] =	ssyncadd.s32 @p1 $0xFFFFE000;
	s19 =	simm.s32 @p1 $0x6000  }
0xa2: {  	[tilespmem:s19], [sflag:$0x2] =	stream.indirect.gather @p1 [hbm4b:s5+s17], $0x80, s15, s17, $0xb8;
	[tilespmem:$0x1FC00] =	vst v63  }
0xa3: {  	p2 =	sne.s32 s8, $0x1100;
	s21 =	smov.u32 s6;
	_ =	swait.ge @p1 [sflag:s7], $0x2000  }
0xa4: {  	[sflag:s7] =	ssyncset.done @p1 $0x0  }
0xa5: {  	s6 =	simm.s32 @p1 $0x8000;
	[sflag:s7] =	ssyncadd.s32 @p1 $0xFFFFE000;
	s7 =	simm.s32 @p1 $0x8  }
0xa6: {  	[tilespmem:s6], [sflag:$0x3] =	stream.indirect.gather @p1 [hbm4b:s5+s17], $0x80, s20, s17, $0xb8;
	[tilespmem:$0x1FC00] =	vst v63  }
0xa7: {  	_ =	swait.ge @p1 [sflag:s7], $0x2000  }
0xa8: {  	s6 =	simm.s32 @!p1 $0x4000;
	[sflag:s7] =	ssyncset.done @p1 $0x0  }
0xa9: {  	s15 =	simm.s32 @!p1 $0x0;
	[sflag:s7] =	ssyncadd.s32 @p1 $0xFFFFE000;
	s7 =	simm.s32 @!p1 $0x40  }
0xaa: {  	[tilespmem:s6], [sflag:$0x1] =	stream.indirect.gather @!p1 [hbm4b:s5+s7], $0x80, s15, s7, $0xb8;
	[tilespmem:$0x1FC00] =	vst v63  }
0xab: {  	s6 =	simm.s32 @!p1 $0x80;
	s15 =	simm.s32 @!p1 $0x6000  }
0xac: {  	[tilespmem:s15], [sflag:$0x2] =	stream.indirect.gather @!p1 [hbm4b:s5+s7], $0x80, s6, s7, $0xb8;
	[tilespmem:$0x1FC00] =	vst v63  }
0xad: {  	s6 =	simm.s32 @!p1 $0x100;
	s15 =	simm.s32 @!p1 $0x8000  }
0xae: {  	[tilespmem:s15], [sflag:$0x3] =	stream.indirect.gather @!p1 [hbm4b:s5+s7], $0x80, s6, s7, $0xb8;
	[tilespmem:$0x1FC00] =	vst v63  }
0xaf: {  	s6 =	sor.u32 $0x180, s9  }
0xb0: {  	[tilespmem:s26], [sflag:$0x4] =	stream.indirect.gather [hbm4b:s5+s25], $0x80, s6, s25, $0xb8;
	[tilespmem:$0x1FC00] =	vst v63  }
0xb1: {  	_ =	swait.ge [sflag:s28], $0x2000  }
0xb2: {  	[sflag:s28] =	ssyncset.done $0x0  }
0xb3: {  	s6 =	sadd.s32 $0x1000, s9;
	[sflag:s28] =	ssyncadd.s32 $0xFFFFE000  }
0xb4: {  	[spmem:s1] =	stream.indirect.scatter.add.f32 [tilespmem:s22], [sflag:$0x5], $0x80, s6, s25, $0xb8;
	[tilespmem:$0x1FC00] =	vst v63  }
0xb5: {  	_ =	swait.ge [sflag:s29], $0x2000  }
0xb6: {  	[sflag:s29] =	ssyncset.done $0x0  }
0xb7: {  	s3 =	sadd.s32 $0x1000, s3;
	[sflag:s29] =	ssyncadd.s32 $0xFFFFE000  }
0xb8: {  	[spmem:s1] =	stream.indirect.scatter.add.f32 [tilespmem:s30], [sflag:$0x6], $0x80, s3, s25, $0xb8;
	[tilespmem:$0x1FC00] =	vst v63  }
0xb9: {  	_ =	swait.ge [sflag:s31], $0x2000  }
.Ltmp4:
0xba: {  	[sflag:s31] =	ssyncset.done $0x0;
	(pc) =	sbr.rel @p2 .LBB2_10-.Ltmp4, $4  }
0xbb: {  	s3 =	sadd.s32 $0x1000, s16;
	[sflag:s31] =	ssyncadd.s32 $0xFFFFE000  }
0xbc: {  	[spmem:s1] =	stream.indirect.scatter.add.f32 [tilespmem:s0], [sflag:$0x7], $0x80, s3, s25, $0xb8;
	[tilespmem:$0x1FC00] =	vst v63  }
0xbd: {  	s14 =	sadd.s32 $0x1, s14;
	_ =	swait.ge [sflag:s2], $0x2000  }
0xbe: {  	s3 =	sor.u32 s18, s14;
	[sflag:s2] =	ssyncset.done $0x0  }
0xbf: {  	p1 =	sne.s32 s3, $0x0  }
0xc0: {  	[sflag:s2] =	ssyncadd.s32 $0xFFFFE000;
	s3 =	simm.s32 @p1 $0x5  }
0xc1: {  	[spmem:s1] =	stream.indirect.scatter.add.f32 [tilespmem:s26], [sflag:$0x8], $0x80, s24, s25, $0xb8;
	[tilespmem:$0x1FC00] =	vst v63  }
0xc2: {  	_ =	swait.ge @p1 [sflag:s3], $0x2000  }
0xc3: {  	s6 =	sadd.s32 $0x200, s20;
	s7 =	simm.s32 @p1 $0x4000;
	[sflag:s3] =	ssyncset.done @p1 $0x0  }
0xc4: {  	s8 =	simm.s32 @p1 $0x40;
	[sflag:s3] =	ssyncadd.s32 @p1 $0xFFFFE000;
	s3 =	sadd.s32 @p1 $0xFFFFFF00, s6  }
0xc5: {  	[tilespmem:s7], [sflag:$0x1] =	stream.indirect.gather @p1 [hbm4b:s5+s8], $0x80, s3, s8, $0xb8;
	[tilespmem:$0x1FC00] =	vst v63  }
0xc6: {  	s3 =	simm.s32 @p1 $0x6  }
0xc7: {  	_ =	swait.ge @p1 [sflag:s3], $0x2000  }
0xc8: {  	[sflag:s3] =	ssyncset.done @p1 $0x0  }
0xc9: {  	s7 =	simm.s32 @p1 $0x6000;
	[sflag:s3] =	ssyncadd.s32 @p1 $0xFFFFE000;
	s3 =	sadd.s32 @p1 $0xFFFFFF80, s6  }
0xca: {  	[tilespmem:s7], [sflag:$0x2] =	stream.indirect.gather @p1 [hbm4b:s5+s8], $0x80, s3, s8, $0xb8;
	[tilespmem:$0x1FC00] =	vst v63  }
0xcb: {  	s3 =	simm.s32 @p1 $0x7  }
0xcc: {  	_ =	swait.ge @p1 [sflag:s3], $0x2000  }
0xcd: {  	[sflag:s3] =	ssyncset.done @p1 $0x0  }
0xce: {  	[sflag:s3] =	ssyncadd.s32 @p1 $0xFFFFE000;
	s3 =	simm.s32 @p1 $0x8000  }
0xcf: {  	[tilespmem:s3], [sflag:$0x3] =	stream.indirect.gather @p1 [hbm4b:s5+s8], $0x80, s6, s8, $0xb8;
	[tilespmem:$0x1FC00] =	vst v63  }
0xd0: {  	s3 =	simm.s32 @p1 $0x8  }
0xd1: {  	_ =	swait.ge @p1 [sflag:s3], $0x2000  }
0xd2: {  	s7 =	simm.s32 @!p1 $0x0;
	[sflag:s3] =	ssyncset.done @p1 $0x0  }
0xd3: {  	s6 =	simm.s32 @!p1 $0x4000;
	[sflag:s3] =	ssyncadd.s32 @p1 $0xFFFFE000;
	s3 =	simm.s32 @!p1 $0x40  }
0xd4: {  	[tilespmem:s6], [sflag:$0x1] =	stream.indirect.gather @!p1 [hbm4b:s5+s3], $0x80, s7, s3, $0xb8;
	[tilespmem:$0x1FC00] =	vst v63  }
0xd5: {  	s6 =	simm.s32 @!p1 $0x80;
	s7 =	simm.s32 @!p1 $0x6000  }
0xd6: {  	[tilespmem:s7], [sflag:$0x2] =	stream.indirect.gather @!p1 [hbm4b:s5+s3], $0x80, s6, s3, $0xb8;
	[tilespmem:$0x1FC00] =	vst v63  }
0xd7: {  	s6 =	simm.s32 @!p1 $0x100;
	s7 =	simm.s32 @!p1 $0x8000  }
0xd8: {  	[tilespmem:s7], [sflag:$0x3] =	stream.indirect.gather @!p1 [hbm4b:s5+s3], $0x80, s6, s3, $0xb8;
	[tilespmem:$0x1FC00] =	vst v63  }
0xd9: {  	s3 =	sadd.s32 @p1 $0xFFFFFF00, s21  }
0xda: {  	s3 =	simm.s32 @!p1 $0x0  }
0xdb: {  	s14 =	sor.u32 $0x180, s3  }
0xdc: {  	[tilespmem:s26], [sflag:$0x4] =	stream.indirect.gather [hbm4b:s5+s25], $0x80, s14, s25, $0xb8;
	[tilespmem:$0x1FC00] =	vst v63  }
0xdd: {  	_ =	swait.ge [sflag:s28], $0x2000  }
0xde: {  	[sflag:s28] =	ssyncset.done $0x0  }
0xdf: {  	s15 =	sadd.s32 $0x1000, s3;
	[sflag:s28] =	ssyncadd.s32 $0xFFFFE000  }
0xe0: {  	[spmem:s1] =	stream.indirect.scatter.add.f32 [tilespmem:s22], [sflag:$0x5], $0x80, s15, s25, $0xb8;
	[tilespmem:$0x1FC00] =	vst v63  }
0xe1: {  	s6 =	sadd.s32 @p1 $0xFFFFFF80, s21;
	_ =	swait.ge [sflag:s29], $0x2000  }
0xe2: {  	s6 =	simm.s32 @!p1 $0x80;
	[sflag:s29] =	ssyncset.done $0x0  }
0xe3: {  	s6 =	sadd.s32 $0x1000, s6;
	[sflag:s29] =	ssyncadd.s32 $0xFFFFE000  }
0xe4: {  	[spmem:s1] =	stream.indirect.scatter.add.f32 [tilespmem:s30], [sflag:$0x6], $0x80, s6, s25, $0xb8;
	[tilespmem:$0x1FC00] =	vst v63  }
0xe5: {  	_ =	swait.ge [sflag:s31], $0x2000  }
0xe6: {  	s21 =	simm.s32 @!p1 $0x100;
	[sflag:s31] =	ssyncset.done $0x0  }
0xe7: {  	s16 =	sadd.s32 $0x1000, s21;
	[sflag:s31] =	ssyncadd.s32 $0xFFFFE000  }
0xe8: {  	[spmem:s1] =	stream.indirect.scatter.add.f32 [tilespmem:s0], [sflag:$0x7], $0x80, s16, s25, $0xb8;
	[tilespmem:$0x1FC00] =	vst v63  }
0xe9: {  	_ =	swait.ge [sflag:s2], $0x2000  }
0xea: {  	[sflag:s2] =	ssyncset.done $0x0;
	s17 =	rddreg [dreg:$0x10]  }
0xeb: {  	s3 =	sadd.s32 $0x1180, s3;
	s19 =	rddreg [dreg:$0x14];
	[sflag:s2] =	ssyncadd.s32 $0xFFFFE000  }
0xec: {  	[spmem:s1] =	stream.indirect.scatter.add.f32 [tilespmem:s26], [sflag:$0x8], $0x80, s3, s25, $0xb8;
	[tilespmem:$0x1FC00] =	vst v63  }
0xed: {  	s3 =	sadd.s32 s19, s17  }
0xee: {  	s15 =	rddreg [dreg:$0x3];
	s3 =	sshrl.u32 s3, $0x3  }
0xef: {  	s24 =	simm.s32 $0x2000;
	s21 =	simm.s32 $0x0;
	s20 =	sadd.s32 s15, s3  }
0xf0: {  	[tilespmem:s24], [sflag:$0x9] =	stream.linear.gather [hbm4b:s20+s21], $0x1000, $0x38;
	[tilespmem:$0x1FC00] =	vst v63  }
0xf1: {  	_ =	swait.ge [sflag:s23], $0x1000  }
0xf2: {  	[sflag:s23] =	ssyncset.done $0x0;
	s16 =	rddreg [dreg:$0x4]  }
0xf3: {  	s8 =	simm.s32 $0x3000;
	[sflag:s23] =	ssyncadd.s32 $0xFFFFF000;
	s3 =	sadd.s32 s16, s3  }
0xf4: {  	[tilespmem:s8], [sflag:$0x9] =	stream.linear.gather [hbm4b:s3+s21], $0x1000, $0x38;
	[tilespmem:$0x1FC00] =	vst v63  }
0xf5: {  	_ =	swait.ge [sflag:s23], $0x1000  }
0xf6: {  	[sflag:s23] =	ssyncset.done $0x0  }
0xf7: {  	[sflag:s23] =	ssyncadd.s32 $0xFFFFF000  }
0xf8: {  	_ =	swait.ge [sflag:s10], $0x2000  }
0xf9: {  	[sflag:s10] =	ssyncset.done $0x0  }
0xfa: {  	s9 =	simm.s32 $0x2000;
	[sflag:s10] =	ssyncadd.s32 $0xFFFFE000  }
0xfb: {  	[tilespmem:s22], [sflag:$0x1] =	stream.indirect.gather [hbm4b:s5+s25], $0x80, s9, s25, $0xb8;
	[tilespmem:$0x1FC00] =	vst v63  }
0xfc: {  	_ =	swait.ge [sflag:s11], $0x2000  }
0xfd: {  	[sflag:s11] =	ssyncset.done $0x0  }
0xfe: {  	s14 =	simm.s32 $0x2080;
	[sflag:s11] =	ssyncadd.s32 $0xFFFFE000  }
0xff: {  	[tilespmem:s30], [sflag:$0x2] =	stream.indirect.gather [hbm4b:s5+s25], $0x80, s14, s25, $0xb8;
	[tilespmem:$0x1FC00] =	vst v63  }
0x100: {  	_ =	swait.ge [sflag:s12], $0x2000  }
0x101: {  	[sflag:s12] =	ssyncset.done $0x0  }
0x102: {  	s17 =	simm.s32 $0x2100;
	[sflag:s12] =	ssyncadd.s32 $0xFFFFE000  }
0x103: {  	[tilespmem:s0], [sflag:$0x3] =	stream.indirect.gather [hbm4b:s5+s25], $0x80, s17, s25, $0xb8;
	[tilespmem:$0x1FC00] =	vst v63  }
0x104: {  	_ =	swait.ge [sflag:s13], $0x2000  }
0x105: {  	[sflag:s13] =	ssyncset.done $0x0  }
0x106: {  	s19 =	simm.s32 $0x2180;
	[sflag:s13] =	ssyncadd.s32 $0xFFFFE000  }
0x107: {  	[tilespmem:s26], [sflag:$0x4] =	stream.indirect.gather [hbm4b:s5+s25], $0x80, s19, s25, $0xb8;
	[tilespmem:$0x1FC00] =	vst v63  }
0x108: {  	_ =	swait.ge [sflag:s28], $0x2000  }
0x109: {  	[sflag:s28] =	ssyncset.done $0x0  }
0x10a: {  	s20 =	simm.s32 $0x3000;
	[sflag:s28] =	ssyncadd.s32 $0xFFFFE000  }
0x10b: {  	[spmem:s1] =	stream.indirect.scatter.add.f32 [tilespmem:s22], [sflag:$0x5], $0x80, s20, s25, $0xb8;
	[tilespmem:$0x1FC00] =	vst v63  }
0x10c: {  	_ =	swait.ge [sflag:s29], $0x2000  }
0x10d: {  	[sflag:s29] =	ssyncset.done $0x0  }
0x10e: {  	s21 =	simm.s32 $0x3080;
	[sflag:s29] =	ssyncadd.s32 $0xFFFFE000  }
0x10f: {  	[spmem:s1] =	stream.indirect.scatter.add.f32 [tilespmem:s30], [sflag:$0x6], $0x80, s21, s25, $0xb8;
	[tilespmem:$0x1FC00] =	vst v63  }
0x110: {  	_ =	swait.ge [sflag:s31], $0x2000  }
0x111: {  	[sflag:s31] =	ssyncset.done $0x0  }
0x112: {  	s24 =	simm.s32 $0x3100;
	[sflag:s31] =	ssyncadd.s32 $0xFFFFE000  }
0x113: {  	[spmem:s1] =	stream.indirect.scatter.add.f32 [tilespmem:s0], [sflag:$0x7], $0x80, s24, s25, $0xb8;
	[tilespmem:$0x1FC00] =	vst v63  }
0x114: {  	_ =	swait.ge [sflag:s2], $0x2000  }
0x115: {  	[sflag:s2] =	ssyncset.done $0x0  }
0x116: {  	s8 =	simm.s32 $0x800;
	s3 =	simm.s32 $0x3180;
	[sflag:s2] =	ssyncadd.s32 $0xFFFFE000  }
.LBB2_12:
0x117: {  	[spmem:s1] =	stream.indirect.scatter.add.f32 [tilespmem:s26], [sflag:$0x8], $0x80, s3, s25, $0xb8;
	[tilespmem:$0x1FC00] =	vst v63  }
0x118: {  	s3 =	smov.u32 s8  }
0x119: {  	p1 =	sne.s32 s8, $0x3800;
	s8 =	sadd.s32 $0x800, s8;
	_ =	swait.ge [sflag:s10], $0x2000  }
0x11a: {  	s3 =	sshra.s32 s3, $0x2;
	[sflag:s10] =	ssyncset.done $0x0  }
0x11b: {  	s6 =	sadd.s32 $0x2000, s3;
	[sflag:s10] =	ssyncadd.s32 $0xFFFFE000  }
0x11c: {  	[tilespmem:s22], [sflag:$0x1] =	stream.indirect.gather [hbm4b:s5+s25], $0x80, s6, s25, $0xb8;
	[tilespmem:$0x1FC00] =	vst v63  }
0x11d: {  	_ =	swait.ge [sflag:s11], $0x2000  }
0x11e: {  	[sflag:s11] =	ssyncset.done $0x0  }
0x11f: {  	s6 =	sadd.s32 $0x2080, s3;
	[sflag:s11] =	ssyncadd.s32 $0xFFFFE000  }
0x120: {  	[tilespmem:s30], [sflag:$0x2] =	stream.indirect.gather [hbm4b:s5+s25], $0x80, s6, s25, $0xb8;
	[tilespmem:$0x1FC00] =	vst v63  }
0x121: {  	_ =	swait.ge [sflag:s12], $0x2000  }
0x122: {  	[sflag:s12] =	ssyncset.done $0x0  }
0x123: {  	s6 =	sadd.s32 $0x2100, s3;
	[sflag:s12] =	ssyncadd.s32 $0xFFFFE000  }
0x124: {  	[tilespmem:s0], [sflag:$0x3] =	stream.indirect.gather [hbm4b:s5+s25], $0x80, s6, s25, $0xb8;
	[tilespmem:$0x1FC00] =	vst v63  }
0x125: {  	_ =	swait.ge [sflag:s13], $0x2000  }
0x126: {  	[sflag:s13] =	ssyncset.done $0x0  }
0x127: {  	s6 =	sadd.s32 $0x2180, s3;
	[sflag:s13] =	ssyncadd.s32 $0xFFFFE000  }
0x128: {  	[tilespmem:s26], [sflag:$0x4] =	stream.indirect.gather [hbm4b:s5+s25], $0x80, s6, s25, $0xb8;
	[tilespmem:$0x1FC00] =	vst v63  }
0x129: {  	_ =	swait.ge [sflag:s28], $0x2000  }
0x12a: {  	[sflag:s28] =	ssyncset.done $0x0  }
0x12b: {  	s6 =	sadd.s32 $0x3000, s3;
	[sflag:s28] =	ssyncadd.s32 $0xFFFFE000  }
0x12c: {  	[spmem:s1] =	stream.indirect.scatter.add.f32 [tilespmem:s22], [sflag:$0x5], $0x80, s6, s25, $0xb8;
	[tilespmem:$0x1FC00] =	vst v63  }
0x12d: {  	_ =	swait.ge [sflag:s29], $0x2000  }
0x12e: {  	[sflag:s29] =	ssyncset.done $0x0  }
0x12f: {  	s6 =	sadd.s32 $0x3080, s3;
	[sflag:s29] =	ssyncadd.s32 $0xFFFFE000  }
0x130: {  	[spmem:s1] =	stream.indirect.scatter.add.f32 [tilespmem:s30], [sflag:$0x6], $0x80, s6, s25, $0xb8;
	[tilespmem:$0x1FC00] =	vst v63  }
0x131: {  	_ =	swait.ge [sflag:s31], $0x2000  }
0x132: {  	[sflag:s31] =	ssyncset.done $0x0  }
.Ltmp5:
0x133: {  	s6 =	sadd.s32 $0x3100, s3;
	[sflag:s31] =	ssyncadd.s32 $0xFFFFE000;
	(pc) =	sbr.rel @p1 .LBB2_12-.Ltmp5, $4  }
0x134: {  	[spmem:s1] =	stream.indirect.scatter.add.f32 [tilespmem:s0], [sflag:$0x7], $0x80, s6, s25, $0xb8;
	[tilespmem:$0x1FC00] =	vst v63  }
0x135: {  	_ =	swait.ge [sflag:s2], $0x2000  }
0x136: {  	[sflag:s2] =	ssyncset.done $0x0  }
0x137: {  	s3 =	sadd.s32 $0x3180, s3;
	[sflag:s2] =	ssyncadd.s32 $0xFFFFE000  }
0x138: {  	s18 =	sadd.s32 $0x1, s18  }
0x139: {  	p1 =	sne.s32 s18, $0x5  }
.Ltmp6:
0x13a: {  	_ = 	snop;
	(pc) =	sbr.rel @p1 .LBB2_9-.Ltmp6, $4  }
.Ltmp7:
0x13b: {  	_ = 	snop;
	(pc) =	sbr.rel @!p1 .LBB2_14-.Ltmp7, $4  }
0x13c: {  	_ = 	snop  }
0x13d: {  	_ = 	snop  }
0x13e: {  	[spmem:s1] =	stream.indirect.scatter.add.f32 [tilespmem:s26], [sflag:$0x8], $0x80, s3, s25, $0xb8;
	[tilespmem:$0x1FC00] =	vst v63  }
0x13f: {  	_ = 	snop  }
.LBB2_4:
0x140: {  	s18 =	sshll.u32 s17, $0xD;
	s3 =	rddreg [dreg:$0xd]  }
0x141: {  	s3 =	sadd.s32 s3, s18  }
0x142: {  	s3 =	sshrl.u32 s3, $0x3  }
0x143: {  	s7 =	simm.s32 $0x0;
	s8 =	sadd.s32 s15, s3  }
0x144: {  	[tilespmem:s7], [sflag:$0x9] =	stream.linear.gather [hbm4b:s8+s7], $0x1000, $0x38;
	[tilespmem:$0x1FC00] =	vst v63  }
0x145: {  	_ =	swait.ge [sflag:s23], $0x1000  }
0x146: {  	[sflag:s23] =	ssyncset.done $0x0  }
0x147: {  	s6 =	simm.s32 $0x1000;
	s3 =	sadd.s32 s16, s3;
	[sflag:s23] =	ssyncadd.s32 $0xFFFFF000  }
0x148: {  	[tilespmem:s6], [sflag:$0x9] =	stream.linear.gather [hbm4b:s3+s7], $0x1000, $0x38;
	[tilespmem:$0x1FC00] =	vst v63  }
0x149: {  	s20 =	sor.u32 s17, s7;
	_ =	swait.ge [sflag:s23], $0x1000  }
0x14a: {  	p1 =	sne.s32 s20, $0x0;
	[sflag:s23] =	ssyncset.done $0x0  }
0x14b: {  	s3 =	simm.s32 @p1 $0x5;
	[sflag:s23] =	ssyncadd.s32 $0xFFFFF000  }
0x14c: {  	_ =	swait.ge @p1 [sflag:s3], $0x2000  }
0x14d: {  	s9 =	simm.s32 @p1 $0x6;
	s14 =	simm.s32 @p1 $0x40;
	[sflag:s3] =	ssyncset.done @p1 $0x0  }
0x14e: {  	s8 =	simm.s32 @p1 $0x4000;
	[sflag:s3] =	ssyncadd.s32 @p1 $0xFFFFE000;
	s3 =	simm.s32 @p1 $0x0  }
0x14f: {  	[tilespmem:s8], [sflag:$0x1] =	stream.indirect.gather @p1 [hbm4b:s4+s14], $0x80, s3, s14, $0xb8;
	[tilespmem:$0x1FC00] =	vst v63  }
0x150: {  	_ =	swait.ge @p1 [sflag:s9], $0x2000  }
0x151: {  	s3 =	simm.s32 @p1 $0x7;
	[sflag:s9] =	ssyncset.done @p1 $0x0  }
0x152: {  	s8 =	simm.s32 @p1 $0x80;
	[sflag:s9] =	ssyncadd.s32 @p1 $0xFFFFE000;
	s9 =	simm.s32 @p1 $0x6000  }
0x153: {  	[tilespmem:s9], [sflag:$0x2] =	stream.indirect.gather @p1 [hbm4b:s4+s14], $0x80, s8, s14, $0xb8;
	[tilespmem:$0x1FC00] =	vst v63  }
0x154: {  	_ =	swait.ge @p1 [sflag:s3], $0x2000  }
0x155: {  	s20 =	simm.s32 $0x100;
	[sflag:s3] =	ssyncset.done @p1 $0x0  }
0x156: {  	s8 =	simm.s32 @p1 $0x8;
	[sflag:s3] =	ssyncadd.s32 @p1 $0xFFFFE000;
	s3 =	simm.s32 @p1 $0x8000  }
0x157: {  	[tilespmem:s3], [sflag:$0x3] =	stream.indirect.gather @p1 [hbm4b:s4+s14], $0x80, s20, s14, $0xb8;
	[tilespmem:$0x1FC00] =	vst v63  }
0x158: {  	_ =	swait.ge @p1 [sflag:s8], $0x2000  }
0x159: {  	s9 =	simm.s32 @!p1 $0x0;
	[sflag:s8] =	ssyncset.done @p1 $0x0  }
0x15a: {  	s3 =	simm.s32 @!p1 $0x4000;
	[sflag:s8] =	ssyncadd.s32 @p1 $0xFFFFE000;
	s8 =	simm.s32 @!p1 $0x40  }
0x15b: {  	[tilespmem:s3], [sflag:$0x1] =	stream.indirect.gather @!p1 [hbm4b:s4+s8], $0x80, s9, s8, $0xb8;
	[tilespmem:$0x1FC00] =	vst v63  }
0x15c: {  	s14 =	simm.s32 @!p1 $0x6000;
	s3 =	simm.s32 @p1 $0x0;
	s9 =	simm.s32 @!p1 $0x80  }
0x15d: {  	[tilespmem:s14], [sflag:$0x2] =	stream.indirect.gather @!p1 [hbm4b:s4+s8], $0x80, s9, s8, $0xb8;
	[tilespmem:$0x1FC00] =	vst v63  }
0x15e: {  	s3 =	simm.s32 @!p1 $0x0;
	s9 =	simm.s32 @!p1 $0x100;
	s14 =	simm.s32 @!p1 $0x8000  }
0x15f: {  	[tilespmem:s14], [sflag:$0x3] =	stream.indirect.gather @!p1 [hbm4b:s4+s8], $0x80, s9, s8, $0xb8;
	[tilespmem:$0x1FC00] =	vst v63  }
0x160: {  	s21 =	sor.u32 $0x180, s3  }
0x161: {  	[tilespmem:s26], [sflag:$0x4] =	stream.indirect.gather [hbm4b:s4+s25], $0x80, s21, s25, $0xb8;
	[tilespmem:$0x1FC00] =	vst v63  }
0x162: {  	_ =	swait.ge [sflag:s28], $0x2000  }
0x163: {  	[sflag:s28] =	ssyncset.done $0x0  }
0x164: {  	s24 =	sadd.s32 $0x1000, s3;
	[sflag:s28] =	ssyncadd.s32 $0xFFFFE000  }
0x165: {  	[spmem:s1] =	stream.indirect.scatter.add.f32 [tilespmem:s22], [sflag:$0x5], $0x80, s24, s25, $0xb8;
	[tilespmem:$0x1FC00] =	vst v63  }
0x166: {  	s8 =	simm.s32 @p1 $0x80;
	_ =	swait.ge [sflag:s29], $0x2000  }
0x167: {  	s8 =	simm.s32 @!p1 $0x80;
	[sflag:s29] =	ssyncset.done $0x0  }
0x168: {  	s8 =	sadd.s32 $0x1000, s8;
	[sflag:s29] =	ssyncadd.s32 $0xFFFFE000  }
0x169: {  	[spmem:s1] =	stream.indirect.scatter.add.f32 [tilespmem:s30], [sflag:$0x6], $0x80, s8, s25, $0xb8;
	[tilespmem:$0x1FC00] =	vst v63  }
0x16a: {  	s8 =	simm.s32 $0x100;
	_ =	swait.ge [sflag:s31], $0x2000  }
0x16b: {  	s8 =	simm.s32 @!p1 $0x100;
	[sflag:s31] =	ssyncset.done $0x0  }
0x16c: {  	s16 =	simm.s32 $0x300;
	s8 =	sadd.s32 $0x1000, s8;
	[sflag:s31] =	ssyncadd.s32 $0xFFFFE000  }
0x16d: {  	[spmem:s1] =	stream.indirect.scatter.add.f32 [tilespmem:s0], [sflag:$0x7], $0x80, s8, s25, $0xb8;
	[tilespmem:$0x1FC00] =	vst v63  }
0x16e: {  	s14 =	simm.s32 $0x1;
	s24 =	sadd.s32 $0x1180, s3;
	_ =	swait.ge [sflag:s2], $0x2000  }
0x16f: {  	s3 =	sor.u32 s17, s14;
	s8 =	simm.s32 $0x500;
	[sflag:s2] =	ssyncset.done $0x0  }
.LBB2_5:
0x170: {  	p1 =	sne.s32 s3, $0x0  }
0x171: {  	s20 =	sadd.s32 $0x200, s20;
	s19 =	smov.u32 s8;
	s8 =	sadd.s32 $0x200, s8  }
0x172: {  	s21 =	simm.s32 @p1 $0x5;
	s9 =	sadd.s32 @p1 $0xFFFFFF00, s16;
	[sflag:s2] =	ssyncadd.s32 $0xFFFFE000  }
0x173: {  	[spmem:s1] =	stream.indirect.scatter.add.f32 [tilespmem:s26], [sflag:$0x8], $0x80, s24, s25, $0xb8;
	[tilespmem:$0x1FC00] =	vst v63  }
0x174: {  	s3 =	sadd.s32 @p1 $0xFFFFFF80, s16;
	s9 =	simm.s32 @!p1 $0x0;
	_ =	swait.ge @p1 [sflag:s21], $0x2000  }
0x175: {  	s15 =	simm.s32 @p1 $0x6;
	s24 =	simm.s32 @p1 $0x4000;
	[sflag:s21] =	ssyncset.done @p1 $0x0  }
0x176: {  	s6 =	simm.s32 @p1 $0x40;
	[sflag:s21] =	ssyncadd.s32 @p1 $0xFFFFE000;
	s21 =	sadd.s32 @p1 $0xFFFFFF00, s20  }
0x177: {  	[tilespmem:s24], [sflag:$0x1] =	stream.indirect.gather @p1 [hbm4b:s4+s6], $0x80, s21, s6, $0xb8;
	[tilespmem:$0x1FC00] =	vst v63  }
0x178: {  	s21 =	smov.u32 s16  }
0x179: {  	s3 =	simm.s32 @!p1 $0x80;
	_ =	swait.ge @p1 [sflag:s15], $0x2000;
	s21 =	simm.s32 @!p1 $0x100  }
0x17a: {  	s7 =	simm.s32 @p1 $0x7;
	s24 =	sadd.s32 $0x1180, s9;
	[sflag:s15] =	ssyncset.done @p1 $0x0  }
0x17b: {  	s16 =	simm.s32 @p1 $0x6000;
	[sflag:s15] =	ssyncadd.s32 @p1 $0xFFFFE000;
	s15 =	sadd.s32 @p1 $0xFFFFFF80, s20  }
0x17c: {  	[tilespmem:s16], [sflag:$0x2] =	stream.indirect.gather @p1 [hbm4b:s4+s6], $0x80, s15, s6, $0xb8;
	[tilespmem:$0x1FC00] =	vst v63  }
0x17d: {  	p2 =	sne.s32 s8, $0x1100;
	s16 =	smov.u32 s19;
	_ =	swait.ge @p1 [sflag:s7], $0x2000  }
0x17e: {  	[sflag:s7] =	ssyncset.done @p1 $0x0  }
0x17f: {  	s15 =	simm.s32 @p1 $0x8;
	[sflag:s7] =	ssyncadd.s32 @p1 $0xFFFFE000;
	s7 =	simm.s32 @p1 $0x8000  }
0x180: {  	[tilespmem:s7], [sflag:$0x3] =	stream.indirect.gather @p1 [hbm4b:s4+s6], $0x80, s20, s6, $0xb8;
	[tilespmem:$0x1FC00] =	vst v63  }
0x181: {  	_ =	swait.ge @p1 [sflag:s15], $0x2000  }
0x182: {  	s6 =	simm.s32 @!p1 $0x4000;
	[sflag:s15] =	ssyncset.done @p1 $0x0  }
0x183: {  	s7 =	simm.s32 @!p1 $0x40;
	[sflag:s15] =	ssyncadd.s32 @p1 $0xFFFFE000;
	s15 =	simm.s32 @!p1 $0x0  }
0x184: {  	[tilespmem:s6], [sflag:$0x1] =	stream.indirect.gather @!p1 [hbm4b:s4+s7], $0x80, s15, s7, $0xb8;
	[tilespmem:$0x1FC00] =	vst v63  }
0x185: {  	s6 =	simm.s32 @!p1 $0x80;
	s15 =	simm.s32 @!p1 $0x6000  }
0x186: {  	[tilespmem:s15], [sflag:$0x2] =	stream.indirect.gather @!p1 [hbm4b:s4+s7], $0x80, s6, s7, $0xb8;
	[tilespmem:$0x1FC00] =	vst v63  }
0x187: {  	s6 =	simm.s32 @!p1 $0x100;
	s15 =	simm.s32 @!p1 $0x8000  }
0x188: {  	[tilespmem:s15], [sflag:$0x3] =	stream.indirect.gather @!p1 [hbm4b:s4+s7], $0x80, s6, s7, $0xb8;
	[tilespmem:$0x1FC00] =	vst v63  }
0x189: {  	s6 =	sor.u32 $0x180, s9  }
0x18a: {  	[tilespmem:s26], [sflag:$0x4] =	stream.indirect.gather [hbm4b:s4+s25], $0x80, s6, s25, $0xb8;
	[tilespmem:$0x1FC00] =	vst v63  }
0x18b: {  	_ =	swait.ge [sflag:s28], $0x2000  }
0x18c: {  	[sflag:s28] =	ssyncset.done $0x0  }
0x18d: {  	s6 =	sadd.s32 $0x1000, s9;
	[sflag:s28] =	ssyncadd.s32 $0xFFFFE000  }
0x18e: {  	[spmem:s1] =	stream.indirect.scatter.add.f32 [tilespmem:s22], [sflag:$0x5], $0x80, s6, s25, $0xb8;
	[tilespmem:$0x1FC00] =	vst v63  }
0x18f: {  	_ =	swait.ge [sflag:s29], $0x2000  }
0x190: {  	[sflag:s29] =	ssyncset.done $0x0  }
0x191: {  	s3 =	sadd.s32 $0x1000, s3;
	[sflag:s29] =	ssyncadd.s32 $0xFFFFE000  }
0x192: {  	[spmem:s1] =	stream.indirect.scatter.add.f32 [tilespmem:s30], [sflag:$0x6], $0x80, s3, s25, $0xb8;
	[tilespmem:$0x1FC00] =	vst v63  }
0x193: {  	_ =	swait.ge [sflag:s31], $0x2000  }
.Ltmp8:
0x194: {  	[sflag:s31] =	ssyncset.done $0x0;
	(pc) =	sbr.rel @p2 .LBB2_5-.Ltmp8, $4  }
0x195: {  	s3 =	sadd.s32 $0x1000, s21;
	[sflag:s31] =	ssyncadd.s32 $0xFFFFE000  }
0x196: {  	[spmem:s1] =	stream.indirect.scatter.add.f32 [tilespmem:s0], [sflag:$0x7], $0x80, s3, s25, $0xb8;
	[tilespmem:$0x1FC00] =	vst v63  }
0x197: {  	s14 =	sadd.s32 $0x1, s14;
	_ =	swait.ge [sflag:s2], $0x2000  }
0x198: {  	s3 =	sor.u32 s17, s14;
	[sflag:s2] =	ssyncset.done $0x0  }
0x199: {  	p1 =	sne.s32 s3, $0x0  }
0x19a: {  	[sflag:s2] =	ssyncadd.s32 $0xFFFFE000;
	s3 =	simm.s32 @p1 $0x5  }
0x19b: {  	[spmem:s1] =	stream.indirect.scatter.add.f32 [tilespmem:s26], [sflag:$0x8], $0x80, s24, s25, $0xb8;
	[tilespmem:$0x1FC00] =	vst v63  }
0x19c: {  	_ =	swait.ge @p1 [sflag:s3], $0x2000  }
0x19d: {  	s6 =	sadd.s32 $0x200, s20;
	s7 =	simm.s32 @p1 $0x4000;
	[sflag:s3] =	ssyncset.done @p1 $0x0  }
0x19e: {  	s8 =	simm.s32 @p1 $0x40;
	[sflag:s3] =	ssyncadd.s32 @p1 $0xFFFFE000;
	s3 =	sadd.s32 @p1 $0xFFFFFF00, s6  }
0x19f: {  	[tilespmem:s7], [sflag:$0x1] =	stream.indirect.gather @p1 [hbm4b:s4+s8], $0x80, s3, s8, $0xb8;
	[tilespmem:$0x1FC00] =	vst v63  }
0x1a0: {  	s3 =	simm.s32 @p1 $0x6  }
0x1a1: {  	_ =	swait.ge @p1 [sflag:s3], $0x2000  }
0x1a2: {  	[sflag:s3] =	ssyncset.done @p1 $0x0  }
0x1a3: {  	s7 =	simm.s32 @p1 $0x6000;
	[sflag:s3] =	ssyncadd.s32 @p1 $0xFFFFE000;
	s3 =	sadd.s32 @p1 $0xFFFFFF80, s6  }
0x1a4: {  	[tilespmem:s7], [sflag:$0x2] =	stream.indirect.gather @p1 [hbm4b:s4+s8], $0x80, s3, s8, $0xb8;
	[tilespmem:$0x1FC00] =	vst v63  }
0x1a5: {  	s3 =	simm.s32 @p1 $0x7  }
0x1a6: {  	_ =	swait.ge @p1 [sflag:s3], $0x2000  }
0x1a7: {  	[sflag:s3] =	ssyncset.done @p1 $0x0  }
0x1a8: {  	[sflag:s3] =	ssyncadd.s32 @p1 $0xFFFFE000;
	s3 =	simm.s32 @p1 $0x8000  }
0x1a9: {  	[tilespmem:s3], [sflag:$0x3] =	stream.indirect.gather @p1 [hbm4b:s4+s8], $0x80, s6, s8, $0xb8;
	[tilespmem:$0x1FC00] =	vst v63  }
0x1aa: {  	s3 =	simm.s32 @p1 $0x8  }
0x1ab: {  	_ =	swait.ge @p1 [sflag:s3], $0x2000  }
0x1ac: {  	s7 =	simm.s32 @!p1 $0x0;
	[sflag:s3] =	ssyncset.done @p1 $0x0  }
0x1ad: {  	s6 =	simm.s32 @!p1 $0x4000;
	[sflag:s3] =	ssyncadd.s32 @p1 $0xFFFFE000;
	s3 =	simm.s32 @!p1 $0x40  }
0x1ae: {  	[tilespmem:s6], [sflag:$0x1] =	stream.indirect.gather @!p1 [hbm4b:s4+s3], $0x80, s7, s3, $0xb8;
	[tilespmem:$0x1FC00] =	vst v63  }
0x1af: {  	s6 =	simm.s32 @!p1 $0x80;
	s7 =	simm.s32 @!p1 $0x6000  }
0x1b0: {  	[tilespmem:s7], [sflag:$0x2] =	stream.indirect.gather @!p1 [hbm4b:s4+s3], $0x80, s6, s3, $0xb8;
	[tilespmem:$0x1FC00] =	vst v63  }
0x1b1: {  	s6 =	simm.s32 @!p1 $0x100;
	s7 =	simm.s32 @!p1 $0x8000  }
0x1b2: {  	[tilespmem:s7], [sflag:$0x3] =	stream.indirect.gather @!p1 [hbm4b:s4+s3], $0x80, s6, s3, $0xb8;
	[tilespmem:$0x1FC00] =	vst v63  }
0x1b3: {  	s3 =	sadd.s32 @p1 $0xFFFFFF00, s16  }
0x1b4: {  	s3 =	simm.s32 @!p1 $0x0  }
0x1b5: {  	s14 =	sor.u32 $0x180, s3  }
0x1b6: {  	[tilespmem:s26], [sflag:$0x4] =	stream.indirect.gather [hbm4b:s4+s25], $0x80, s14, s25, $0xb8;
	[tilespmem:$0x1FC00] =	vst v63  }
0x1b7: {  	_ =	swait.ge [sflag:s28], $0x2000  }
0x1b8: {  	[sflag:s28] =	ssyncset.done $0x0  }
0x1b9: {  	s15 =	sadd.s32 $0x1000, s3;
	[sflag:s28] =	ssyncadd.s32 $0xFFFFE000  }
0x1ba: {  	[spmem:s1] =	stream.indirect.scatter.add.f32 [tilespmem:s22], [sflag:$0x5], $0x80, s15, s25, $0xb8;
	[tilespmem:$0x1FC00] =	vst v63  }
0x1bb: {  	s6 =	sadd.s32 @p1 $0xFFFFFF80, s16;
	_ =	swait.ge [sflag:s29], $0x2000  }
0x1bc: {  	s6 =	simm.s32 @!p1 $0x80;
	[sflag:s29] =	ssyncset.done $0x0  }
0x1bd: {  	s6 =	sadd.s32 $0x1000, s6;
	[sflag:s29] =	ssyncadd.s32 $0xFFFFE000  }
0x1be: {  	[spmem:s1] =	stream.indirect.scatter.add.f32 [tilespmem:s30], [sflag:$0x6], $0x80, s6, s25, $0xb8;
	[tilespmem:$0x1FC00] =	vst v63  }
0x1bf: {  	_ =	swait.ge [sflag:s31], $0x2000  }
0x1c0: {  	s16 =	simm.s32 @!p1 $0x100;
	[sflag:s31] =	ssyncset.done $0x0  }
0x1c1: {  	s16 =	sadd.s32 $0x1000, s16;
	[sflag:s31] =	ssyncadd.s32 $0xFFFFE000  }
0x1c2: {  	[spmem:s1] =	stream.indirect.scatter.add.f32 [tilespmem:s0], [sflag:$0x7], $0x80, s16, s25, $0xb8;
	[tilespmem:$0x1FC00] =	vst v63  }
0x1c3: {  	_ =	swait.ge [sflag:s2], $0x2000  }
0x1c4: {  	[sflag:s2] =	ssyncset.done $0x0  }
0x1c5: {  	s3 =	sadd.s32 $0x1180, s3;
	s19 =	rddreg [dreg:$0x10];
	[sflag:s2] =	ssyncadd.s32 $0xFFFFE000  }
0x1c6: {  	[spmem:s1] =	stream.indirect.scatter.add.f32 [tilespmem:s26], [sflag:$0x8], $0x80, s3, s25, $0xb8;
	[tilespmem:$0x1FC00] =	vst v63  }
0x1c7: {  	s3 =	sadd.s32 s18, s19  }
0x1c8: {  	s15 =	rddreg [dreg:$0x3];
	s3 =	sshrl.u32 s3, $0x3  }
0x1c9: {  	s21 =	simm.s32 $0x0;
	s24 =	simm.s32 $0x2000;
	s20 =	sadd.s32 s15, s3  }
0x1ca: {  	[tilespmem:s24], [sflag:$0x9] =	stream.linear.gather [hbm4b:s20+s21], $0x1000, $0x38;
	[tilespmem:$0x1FC00] =	vst v63  }
0x1cb: {  	_ =	swait.ge [sflag:s23], $0x1000  }
0x1cc: {  	[sflag:s23] =	ssyncset.done $0x0;
	s16 =	rddreg [dreg:$0x4]  }
0x1cd: {  	s8 =	simm.s32 $0x3000;
	[sflag:s23] =	ssyncadd.s32 $0xFFFFF000;
	s3 =	sadd.s32 s16, s3  }
0x1ce: {  	[tilespmem:s8], [sflag:$0x9] =	stream.linear.gather [hbm4b:s3+s21], $0x1000, $0x38;
	[tilespmem:$0x1FC00] =	vst v63  }
0x1cf: {  	_ =	swait.ge [sflag:s23], $0x1000  }
0x1d0: {  	[sflag:s23] =	ssyncset.done $0x0  }
0x1d1: {  	[sflag:s23] =	ssyncadd.s32 $0xFFFFF000  }
0x1d2: {  	_ =	swait.ge [sflag:s10], $0x2000  }
0x1d3: {  	[sflag:s10] =	ssyncset.done $0x0  }
0x1d4: {  	s9 =	simm.s32 $0x2000;
	[sflag:s10] =	ssyncadd.s32 $0xFFFFE000  }
0x1d5: {  	[tilespmem:s22], [sflag:$0x1] =	stream.indirect.gather [hbm4b:s4+s25], $0x80, s9, s25, $0xb8;
	[tilespmem:$0x1FC00] =	vst v63  }
0x1d6: {  	_ =	swait.ge [sflag:s11], $0x2000  }
0x1d7: {  	[sflag:s11] =	ssyncset.done $0x0  }
0x1d8: {  	s14 =	simm.s32 $0x2080;
	[sflag:s11] =	ssyncadd.s32 $0xFFFFE000  }
0x1d9: {  	[tilespmem:s30], [sflag:$0x2] =	stream.indirect.gather [hbm4b:s4+s25], $0x80, s14, s25, $0xb8;
	[tilespmem:$0x1FC00] =	vst v63  }
0x1da: {  	_ =	swait.ge [sflag:s12], $0x2000  }
0x1db: {  	[sflag:s12] =	ssyncset.done $0x0  }
0x1dc: {  	s18 =	simm.s32 $0x2100;
	[sflag:s12] =	ssyncadd.s32 $0xFFFFE000  }
0x1dd: {  	[tilespmem:s0], [sflag:$0x3] =	stream.indirect.gather [hbm4b:s4+s25], $0x80, s18, s25, $0xb8;
	[tilespmem:$0x1FC00] =	vst v63  }
0x1de: {  	_ =	swait.ge [sflag:s13], $0x2000  }
0x1df: {  	[sflag:s13] =	ssyncset.done $0x0  }
0x1e0: {  	s19 =	simm.s32 $0x2180;
	[sflag:s13] =	ssyncadd.s32 $0xFFFFE000  }
0x1e1: {  	[tilespmem:s26], [sflag:$0x4] =	stream.indirect.gather [hbm4b:s4+s25], $0x80, s19, s25, $0xb8;
	[tilespmem:$0x1FC00] =	vst v63  }
0x1e2: {  	_ =	swait.ge [sflag:s28], $0x2000  }
0x1e3: {  	[sflag:s28] =	ssyncset.done $0x0  }
0x1e4: {  	s20 =	simm.s32 $0x3000;
	[sflag:s28] =	ssyncadd.s32 $0xFFFFE000  }
0x1e5: {  	[spmem:s1] =	stream.indirect.scatter.add.f32 [tilespmem:s22], [sflag:$0x5], $0x80, s20, s25, $0xb8;
	[tilespmem:$0x1FC00] =	vst v63  }
0x1e6: {  	_ =	swait.ge [sflag:s29], $0x2000  }
0x1e7: {  	[sflag:s29] =	ssyncset.done $0x0  }
0x1e8: {  	s21 =	simm.s32 $0x3080;
	[sflag:s29] =	ssyncadd.s32 $0xFFFFE000  }
0x1e9: {  	[spmem:s1] =	stream.indirect.scatter.add.f32 [tilespmem:s30], [sflag:$0x6], $0x80, s21, s25, $0xb8;
	[tilespmem:$0x1FC00] =	vst v63  }
0x1ea: {  	_ =	swait.ge [sflag:s31], $0x2000  }
0x1eb: {  	[sflag:s31] =	ssyncset.done $0x0  }
0x1ec: {  	s24 =	simm.s32 $0x3100;
	[sflag:s31] =	ssyncadd.s32 $0xFFFFE000  }
0x1ed: {  	[spmem:s1] =	stream.indirect.scatter.add.f32 [tilespmem:s0], [sflag:$0x7], $0x80, s24, s25, $0xb8;
	[tilespmem:$0x1FC00] =	vst v63  }
0x1ee: {  	_ =	swait.ge [sflag:s2], $0x2000  }
0x1ef: {  	[sflag:s2] =	ssyncset.done $0x0  }
0x1f0: {  	s8 =	simm.s32 $0x800;
	s3 =	simm.s32 $0x3180;
	[sflag:s2] =	ssyncadd.s32 $0xFFFFE000  }
.LBB2_7:
0x1f1: {  	[spmem:s1] =	stream.indirect.scatter.add.f32 [tilespmem:s26], [sflag:$0x8], $0x80, s3, s25, $0xb8;
	[tilespmem:$0x1FC00] =	vst v63  }
0x1f2: {  	s3 =	smov.u32 s8  }
0x1f3: {  	p1 =	sne.s32 s8, $0x3800;
	s8 =	sadd.s32 $0x800, s8;
	_ =	swait.ge [sflag:s10], $0x2000  }
0x1f4: {  	s3 =	sshra.s32 s3, $0x2;
	[sflag:s10] =	ssyncset.done $0x0  }
0x1f5: {  	s6 =	sadd.s32 $0x2000, s3;
	[sflag:s10] =	ssyncadd.s32 $0xFFFFE000  }
0x1f6: {  	[tilespmem:s22], [sflag:$0x1] =	stream.indirect.gather [hbm4b:s4+s25], $0x80, s6, s25, $0xb8;
	[tilespmem:$0x1FC00] =	vst v63  }
0x1f7: {  	_ =	swait.ge [sflag:s11], $0x2000  }
0x1f8: {  	[sflag:s11] =	ssyncset.done $0x0  }
0x1f9: {  	s6 =	sadd.s32 $0x2080, s3;
	[sflag:s11] =	ssyncadd.s32 $0xFFFFE000  }
0x1fa: {  	[tilespmem:s30], [sflag:$0x2] =	stream.indirect.gather [hbm4b:s4+s25], $0x80, s6, s25, $0xb8;
	[tilespmem:$0x1FC00] =	vst v63  }
0x1fb: {  	_ =	swait.ge [sflag:s12], $0x2000  }
0x1fc: {  	[sflag:s12] =	ssyncset.done $0x0  }
0x1fd: {  	s6 =	sadd.s32 $0x2100, s3;
	[sflag:s12] =	ssyncadd.s32 $0xFFFFE000  }
0x1fe: {  	[tilespmem:s0], [sflag:$0x3] =	stream.indirect.gather [hbm4b:s4+s25], $0x80, s6, s25, $0xb8;
	[tilespmem:$0x1FC00] =	vst v63  }
0x1ff: {  	_ =	swait.ge [sflag:s13], $0x2000  }
0x200: {  	[sflag:s13] =	ssyncset.done $0x0  }
0x201: {  	s6 =	sadd.s32 $0x2180, s3;
	[sflag:s13] =	ssyncadd.s32 $0xFFFFE000  }
0x202: {  	[tilespmem:s26], [sflag:$0x4] =	stream.indirect.gather [hbm4b:s4+s25], $0x80, s6, s25, $0xb8;
	[tilespmem:$0x1FC00] =	vst v63  }
0x203: {  	_ =	swait.ge [sflag:s28], $0x2000  }
0x204: {  	[sflag:s28] =	ssyncset.done $0x0  }
0x205: {  	s6 =	sadd.s32 $0x3000, s3;
	[sflag:s28] =	ssyncadd.s32 $0xFFFFE000  }
0x206: {  	[spmem:s1] =	stream.indirect.scatter.add.f32 [tilespmem:s22], [sflag:$0x5], $0x80, s6, s25, $0xb8;
	[tilespmem:$0x1FC00] =	vst v63  }
0x207: {  	_ =	swait.ge [sflag:s29], $0x2000  }
0x208: {  	[sflag:s29] =	ssyncset.done $0x0  }
0x209: {  	s6 =	sadd.s32 $0x3080, s3;
	[sflag:s29] =	ssyncadd.s32 $0xFFFFE000  }
0x20a: {  	[spmem:s1] =	stream.indirect.scatter.add.f32 [tilespmem:s30], [sflag:$0x6], $0x80, s6, s25, $0xb8;
	[tilespmem:$0x1FC00] =	vst v63  }
0x20b: {  	_ =	swait.ge [sflag:s31], $0x2000  }
0x20c: {  	[sflag:s31] =	ssyncset.done $0x0  }
.Ltmp9:
0x20d: {  	s6 =	sadd.s32 $0x3100, s3;
	[sflag:s31] =	ssyncadd.s32 $0xFFFFE000;
	(pc) =	sbr.rel @p1 .LBB2_7-.Ltmp9, $4  }
0x20e: {  	[spmem:s1] =	stream.indirect.scatter.add.f32 [tilespmem:s0], [sflag:$0x7], $0x80, s6, s25, $0xb8;
	[tilespmem:$0x1FC00] =	vst v63  }
0x20f: {  	_ =	swait.ge [sflag:s2], $0x2000  }
0x210: {  	[sflag:s2] =	ssyncset.done $0x0  }
0x211: {  	s3 =	sadd.s32 $0x3180, s3;
	[sflag:s2] =	ssyncadd.s32 $0xFFFFE000  }
0x212: {  	s17 =	sadd.s32 $0x1, s17  }
0x213: {  	p1 =	seq.s32 s17, $0x5  }
.Ltmp10:
0x214: {  	_ = 	snop;
	(pc) =	sbr.rel @!p1 .LBB2_4-.Ltmp10, $4  }
.Ltmp11:
0x215: {  	_ = 	snop;
	(pc) =	sbr.rel @p1 .LBB2_14-.Ltmp11, $4  }
0x216: {  	_ = 	snop  }
0x217: {  	_ = 	snop  }
0x218: {  	[spmem:s1] =	stream.indirect.scatter.add.f32 [tilespmem:s26], [sflag:$0x8], $0x80, s3, s25, $0xb8;
	[tilespmem:$0x1FC00] =	vst v63  }
0x219: {  	_ = 	snop  }
.LBB2_15:
0x21a: {  	_ =	sfence.sel $0x180000  }
0x21b: {  	[bflag:$0x0] =	sbarrier.arrive $0xFFFF  }
0x21c: {  	_ =	strace $0x9000004A  }
0x21d: {  	s0 =	stileid.u32;
	[bflag:$0x2] =	sbarrier.arrive $0xFFFF  }
0x21e: {  	p0 =	sne.s32 s0, $0x0;
	s0 =	rddreg [dreg:$0x2]  }
0x21f: {  	s0 =	sadd.s32 @!p0 $0x100000, s0  }
0x220: {  	[sflag:s0] =	ssyncadd.tile.s32 @!p0 $0x1;
	_ =	shalt  }
.Lfunc_end2:
_tile_overlayer_lowered:
.L_overlay_start_2:
0x221: {  	(tag) =	ssettag $0x2  }
0x222: {  	s0 =	rddreg [dreg:$0x0];
	s2 =	stileid.u32  }
0x223: {  	s1 =	rddreg [dreg:$0x1];
	p0 =	sne.s32 s2, $0x0  }
0x224: {  	s3 =	rddreg [dreg:$0x2];
	[bflag:$0x3] =	sbarrier.arrive $0xFFFF;
	s2 =	simm.s32 @!p0 $0x1C09  }
0x225: {  	[timem:s3], [sflag:s2] =	dma.local @!p0 [hbm:s0], s1  }
0x226: {  	s0 =	simm.s32 @!p0 $0x9  }
0x227: {  	_ =	swait.ge @!p0 [sflag:s0], s1  }
0x228: {  	s1 =	ssub.s32 @!p0 $0x0, s1;
	[sflag:s0] =	ssyncset.done @!p0 $0x0  }
0x229: {  	[sflag:s0] =	ssyncadd.s32 @!p0 s1  }
0x22a: {  	[bflag:$0x3] =	sbarrier.arrive $0xFFFF  }
0x22b: {  	_ =	shalt  }

// kernel: kernel.14.cloned.1.call-start
scs
__scs_entry_jumppad:
0x0: {  	(pc) =	sbr.rel $0x88, $3  }
0x1: {  	(tag) =	ssettag $0x0;
	lr =	simm.s32 $0x1  }
0x2: {  	[smem:$0x3F98] =	sst lr;
	_ =	strace $0xD0000000  }
0x3: {  	_ = 	snop  }
0x4: {  	_ = 	snop  }
0x5: {  	_ = 	snop  }
0x6: {  	_ = 	snop  }
0x7: {  	_ = 	snop  }
__scs_overlays_trampoline_lowered:
0x8: {  	[smem:$0x3FA7] =	sst s0  }
0x9: {  	[smem:$0x3FA8] =	sst s1  }
0xa: {  	[smem:$0x3FA9] =	sst s2  }
0xb: {  	[smem:$0x3FAA] =	sst s3  }
0xc: {  	[smem:$0x3FAB] =	sst s4  }
0xd: {  	[smem:$0x3FAC] =	sst s5  }
0xe: {  	[smem:$0x3FAD] =	sst s6  }
0xf: {  	[smem:$0x3FAE] =	sst s7  }
0x10: {  	[smem:$0x3FAF] =	sst s8  }
0x11: {  	[smem:$0x3FB0] =	sst s9;
	s0 =	simm.s32 @!p0 $0x0  }
0x12: {  	s1 =	sld [smem:$0x3F96];
	s0 =	simm.s32 @p0 $0x1  }
0x13: {  	[smem:$0x3FB1] =	sst s0;
	s0 =	simm.s32 @!p1 $0x0  }
0x14: {  	s2 =	sld [smem:$0x3F95];
	s0 =	simm.s32 @p1 $0x1  }
0x15: {  	[smem:$0x3FB2] =	sst s0;
	s0 =	simm.s32 @!p2 $0x0  }
0x16: {  	s3 =	sld [smem:$0x3FDB];
	s0 =	simm.s32 @p2 $0x1  }
0x17: {  	s4 =	simm.s32 $0x1BF5;
	[smem:$0x3FB4] =	sst s0  }
0x18: {  	s0 =	sld [smem:$0x3F97];
	_ =	swait.ge [sflag:s4], $0x0  }
0x19: {  	s7 =	sld [smem:$0x3F98]  }
0x1a: {  	s8 =	sadd.s32 $0xFFFFE003, lr  }
0x1b: {  	s9 =	sadd.s32 $0xFFFFFEF7, lr;
	s5 =	simm.s32 $0xFFFFFFFF;
	p2 =	slt.u32 s8, $0xFFFFF086  }
0x1c: {  	p1 =	slt.u32 s9, $0xF7A;
	s5 =	simm.s32 @!p2 $0x0  }
0x1d: {  	s5 =	simm.s32 @p1 $0x1;
	p0 =	seq.s32 s7, s2  }
0x1e: {  	s7 =	smul.u32 @!p0 $0xF7A, s2;
	p2 =	seq.s32 @!p0 s5, $0x0  }
0x1f: {  	s9 =	smul.u32 $0xF7A, s1;
	s8 =	simm.s32 @!p0 $0x1BF5;
	p2 =	por !p2, p0  }
0x20: {  	[sflag:s8] =	ssyncset.s32 @!p0 $0xFFFFF086;
	s6 =	sadd.s32 @!p0 s3, s7;
	s7 =	simm.s32 @!p0 $0x108  }
0x21: {  	s3 =	sadd.s32 s3, s9;
	s6 =	sadd.s32 @!p0 $0x88, s6;
	s7 =	simm.s32 @p2 $0x1082  }
0x22: {  	[simem:s7], [sflag:s8] =	dma.local @!p0 [hbm:s6], $0xF7A  }
0x23: {  	s9 =	sor.u32 $0xD0000000, s2;
	s6 =	simm.s32 $0x108;
	_ =	swait.ge @!p0 [sflag:s8], $0x0  }
0x24: {  	s3 =	sadd.s32 $0x88, s3;
	s6 =	simm.s32 @!p1 $0x1082;
	[sflag:s4] =	ssyncset.s32 $0xFFFFF086  }
0x25: {  	[simem:s6], [sflag:s4] =	dma.local [hbm:s3], $0xF7A  }
0x26: {  	[smem:$0x3F98] =	sst s1;
	(tag) =	ssettag s2;
	_ =	strace s9  }
0x27: {  	s1 =	sld [smem:$0x3FA8]  }
0x28: {  	s2 =	sld [smem:$0x3FA9]  }
0x29: {  	s4 =	sld [smem:$0x3FAB]  }
0x2a: {  	p0 =	seq.s32 s5, $0x0;
	s5 =	sld [smem:$0x3FAC]  }
0x2b: {  	s6 =	sld [smem:$0x3FAD]  }
0x2c: {  	s7 =	sld [smem:$0x3FAE]  }
0x2d: {  	s3 =	simm.s32 $0x108;
	s8 =	sld [smem:$0x3FAF]  }
0x2e: {  	s3 =	simm.s32 @!p0 $0x1082;
	s9 =	sld [smem:$0x3FB0]  }
0x2f: {  	lr =	sadd.s32 s0, s3;
	s0 =	sld [smem:$0x3FA7]  }
0x30: {  	s3 =	sld [smem:$0x3FAA]  }
0x31: {  	[smem:$0x3FB3] =	sst s10  }
0x32: {  	s10 =	sld [smem:$0x3FB1];
	_ =	sdelay $0x3  }
0x33: {  	p0 =	seq.s32 s10, $0x1;
	s10 =	sld [smem:$0x3FB3];
	_ =	sdelay $0x3  }
0x34: {  	[smem:$0x3FB3] =	sst s10  }
0x35: {  	s10 =	sld [smem:$0x3FB2];
	_ =	sdelay $0x3  }
0x36: {  	p1 =	seq.s32 s10, $0x1;
	s10 =	sld [smem:$0x3FB3];
	_ =	sdelay $0x3  }
0x37: {  	[smem:$0x3FB3] =	sst s10  }
0x38: {  	s10 =	sld [smem:$0x3FB4]  }
0x39: {  	_ = 	snop;
	(pc) =	sbr.ind lr, $3  }
0x3a: {  	_ = 	snop  }
0x3b: {  	_ = 	snop  }
0x3c: {  	p2 =	seq.s32 s10, $0x1;
	s10 =	sld [smem:$0x3FB3]  }
0x3d: {  	_ =	shalt  }
0x3e: {  	_ =	shalt  }
0x3f: {  	_ =	shalt  }
0x40: {  	_ =	shalt  }
0x41: {  	_ =	shalt  }
0x42: {  	_ =	shalt  }
0x43: {  	_ =	shalt  }
0x44: {  	_ =	shalt  }
0x45: {  	_ =	shalt  }
0x46: {  	_ =	shalt  }
0x47: {  	_ =	shalt  }
0x48: {  	_ =	shalt  }
0x49: {  	_ =	shalt  }
0x4a: {  	_ =	shalt  }
0x4b: {  	_ =	shalt  }
0x4c: {  	_ =	shalt  }
0x4d: {  	_ =	shalt  }
0x4e: {  	_ =	shalt  }
0x4f: {  	_ =	shalt  }
0x50: {  	_ =	shalt  }
0x51: {  	_ =	shalt  }
0x52: {  	_ =	shalt  }
0x53: {  	_ =	shalt  }
0x54: {  	_ =	shalt  }
0x55: {  	_ =	shalt  }
0x56: {  	_ =	shalt  }
0x57: {  	_ =	shalt  }
0x58: {  	_ =	shalt  }
0x59: {  	_ =	shalt  }
0x5a: {  	_ =	shalt  }
0x5b: {  	_ =	shalt  }
0x5c: {  	_ =	shalt  }
0x5d: {  	_ =	shalt  }
0x5e: {  	_ =	shalt  }
0x5f: {  	_ =	shalt  }
0x60: {  	_ =	shalt  }
0x61: {  	_ =	shalt  }
0x62: {  	_ =	shalt  }
0x63: {  	_ =	shalt  }
0x64: {  	_ =	shalt  }
0x65: {  	_ =	shalt  }
0x66: {  	_ =	shalt  }
0x67: {  	_ =	shalt  }
0x68: {  	_ =	shalt  }
0x69: {  	_ =	shalt  }
0x6a: {  	_ =	shalt  }
0x6b: {  	_ =	shalt  }
0x6c: {  	_ =	shalt  }
0x6d: {  	_ =	shalt  }
0x6e: {  	_ =	shalt  }
0x6f: {  	_ =	shalt  }
0x70: {  	_ =	shalt  }
0x71: {  	_ =	shalt  }
0x72: {  	_ =	shalt  }
0x73: {  	_ =	shalt  }
0x74: {  	_ =	shalt  }
0x75: {  	_ =	shalt  }
0x76: {  	_ =	shalt  }
0x77: {  	_ =	shalt  }
0x78: {  	_ =	shalt  }
0x79: {  	_ =	shalt  }
0x7a: {  	_ =	shalt  }
0x7b: {  	_ =	shalt  }
0x7c: {  	_ =	shalt  }
0x7d: {  	_ =	shalt  }
0x7e: {  	_ =	shalt  }
0x7f: {  	_ =	shalt  }
0x80: {  	_ =	shalt  }
0x81: {  	_ =	shalt  }
0x82: {  	_ =	shalt  }
0x83: {  	_ =	shalt  }
0x84: {  	_ =	shalt  }
0x85: {  	_ =	shalt  }
0x86: {  	_ =	shalt  }
0x87: {  	_ =	shalt  }
.Lfunc_end0:
.L_simem_size_0:
called_computation.2_lowered:
.L_overlay_start_0:
0x88: {  	s2 =	sld [smem:$0x3FD9]  }
0x89: {  	s3 =	sld [smem:$0x3FFE];
	_ =	sdelay $0x1  }
0x8a: {  	s1 =	srdreg.scid  }
0x8b: {  	s0 =	sand.u32 $0x1, s1  }
0x8c: {  	s16 =	sshll.u32 s0, $0xA;
	s2 =	sadd.s32 s3, s2  }
0x8d: {  	s2 =	sadd.s32 s2, s16  }
0x8e: {  	[smem:$0x3FBF] =	sst s2  }
0x8f: {  	_ = 	snop  }
0x90: {  	(tm) =	ssettm $0x1  }
0x91: {  	s17 =	sld [smem:$0x3FFB];
	_ =	sdelay $0x3  }
0x92: {  	_ =	strace s17  }
0x93: {  	s2 =	sld [smem:$0x3FFC];
	_ =	sdelay $0x3  }
0x94: {  	_ =	strace s2  }
0x95: {  	s2 =	sld [smem:$0x3FFD];
	_ =	sdelay $0x3  }
0x96: {  	_ =	strace s2  }
0x97: {  	_ =	strace $0x8FFFFFFF  }
0x98: {  	s18 =	sld [smem:$0x3FDB];
	_ =	sdelay $0x1  }
0x99: {  	s19 =	simm.s32 $_scs_section_size  }
0x9a: {  	s4 =	simm.s32 $_size__tile_overlayer_lowered;
	s5 =	simm.s32 $_tile_overlayer_lowered  }
0x9b: {  	s22 =	simm.s32 $0x1BFF;
	s21 =	sshll.u32 s5, $0x1;
	s2 =	sadd.s32 s19, s18  }
0x9c: {  	s6 =	simm.s32 $0x0;
	s20 =	sshll.u32 s4, $0x1;
	s4 =	sadd.s32 s21, s2  }
0x9d: {  	[timem:s6], [sflag:s22] =	dma.local [hbm:s4], s20  }
0x9e: {  	_ =	swait.ge [sflag:s22], s20  }
0x9f: {  	s3 =	ssub.s32 $0x0, s20;
	[sflag:s22] =	ssyncset.done $0x0  }
0xa0: {  	[sflag:s22] =	ssyncadd.s32 s3;
	_ =	sdelay $0x1  }
0xa1: {  	s23 =	simm.s32 $0x1B8B  }
0xa2: {  	_ =	swait.ge [sflag:s23], $0x1  }
0xa3: {  	[sflag:s23] =	ssyncset.done $0x0  }
0xa4: {  	s25 =	simm.s32 $0x1B8E;
	s24 =	sld [smem:$0x3FFE];
	[sflag:s23] =	ssyncadd.s32 $0xFFFFFFFF  }
0xa5: {  	s26 =	simm.s32 $execute0_lowered;
	[smem:$0x3FD2] =	sst s25  }
0xa6: {  	s4 =	sshll.u32 s26, $0x1;
	_ =	strace $0x8000004C;
	[dreg:$0x1] =	wrdreg $0xFFFFFFFF  }
0xa7: {  	s28 =	simm.s32 $_size_execute0_lowered;
	s2 =	sadd.s32 s2, s4;
	[dreg:$0x0] =	wrdreg $0x0  }
0xa8: {  	s4 =	sshll.u32 s28, $0x1;
	[dreg:$0x2] =	wrdreg s2  }
0xa9: {  	[dreg:$0x3] =	wrdreg s4  }
0xaa: {  	[dreg:$0x4] =	wrdreg $0xC0  }
0xab: {  	_ =	task [dreg:s6], $0x5FFFF  }
0xac: {  	[dreg:$0x1] =	wrdreg $0xFFFFFFFF  }
0xad: {  	[dreg:$0x0] =	wrdreg $0x60  }
0xae: {  	[dreg:$0x2] =	wrdreg s24  }
0xaf: {  	[dreg:$0x3] =	wrdreg $0xC0000  }
0xb0: {  	[dreg:$0x4] =	wrdreg $0x9  }
0xb1: {  	_ =	task.clear_ibuf [dreg:s6], $0x5FFFF;
	_ =	strace $0x9000004C  }
0xb2: {  	s29 =	simm.s32 $0x9;
	_ =	strace $0x8000004E  }
0xb3: {  	_ =	swait.ge [sflag:s29], $0x1  }
0xb4: {  	[sflag:s29] =	ssyncadd.s32 $0xFFFFFFFF  }
0xb5: {  	_ =	strace $0x9000004E  }
0xb6: {  	_ =	sfence  }
0xb7: {  	s30 =	sld [smem:$0x0];
	_ =	sdelay $0x2  }
0xb8: {  	s31 =	sshll.u32 s1, $0xD;
	s1 =	sshrl.u32 s1, $0x2  }
0xb9: {  	s3 =	sand.u32 $0x4000, s31;
	s1 =	sadd.s32 s1, s30  }
0xba: {  	s0 =	sor.u32 s3, s0;
	s1 =	sshll.u32 s1, $0x11  }
0xbb: {  	s0 =	sor.u32 s1, s0  }
0xbc: {  	s0 =	sadd.s32 $0x8F2B, s0  }
0xbd: {  	[sflag:s0] =	ssyncadd.remote.s32 $0x1  }
0xbe: {  	_ =	sfence.sel $0xFFFF  }
0xbf: {  	[dreg:$0x0] =	wrdreg $0xFFFFFFFF;
	(pc) =	sbr.abs _section_cstart, $3  }
0xc0: {  	[dreg:$0x1] =	wrdreg $0xFFFFFFFF  }
0xc1: {  	_ =	task.clear_ibuf [dreg:s6], $0x2FFFF;
	_ =	strace $0x9FFFFFFF  }
0xc2: {  	(tm) =	ssettm $0x7FFFFFFF  }
0xc3: {  	_ =	shalt  }
tec
execute0_lowered:
.L_overlay_start_1:
0x0: {  	(tag) =	ssettag $0x1  }
0x1: {  	s0 =	rddreg [dreg:$0x0]  }
0x2: {  	s1 =	rddreg [dreg:$0x1];
	s3 =	simm.s32 $0x0  }
0x3: {  	s2 =	srdreg.scid;
	s6 =	stileid.u32;
	s28 =	simm.s32 $0x1  }
0x4: {  	s29 =	simm.s32 $0x2;
	s30 =	simm.s32 $0x6000;
	s31 =	simm.s32 $0x3  }
0x5: {  	s10 =	simm.s32 $0x5;
	[smem:$0x7FF] =	sst s3;
	s2 =	sand.u32 $0x1, s2  }
0x6: {  	s8 =	smul.u32 $0x13C00, s6;
	s4 =	sadd.s32 $0x37000, s0;
	s5 =	sadd.s32 $0x5E200, s0  }
0x7: {  	s9 =	smul.u32 $0x4F000, s6;
	s15 =	sadd.s32 $0x23000, s0;
	s16 =	sadd.s32 $0xF000, s0  }
0x8: {  	s6 =	smul.u32 $0xA000, s6;
	_ =	strace $0x8000004D;
	[dreg:$0x3] =	wrdreg s15  }
0x9: {  	s11 =	smul.u32 $0x13C000, s2;
	s12 =	ssub.s32 $0x2, s2;
	[dreg:$0x4] =	wrdreg s16  }
0xa: {  	s9 =	sshrl.u32 s9, $0x2;
	[dreg:$0xd] =	wrdreg s6;
	s25 =	sor.u32 $0x1000, s6  }
0xb: {  	p0 =	seq.s32 s2, $0x1;
	s7 =	sadd.s32 s9, s1;
	[dreg:$0x10] =	wrdreg s25  }
0xc: {  	s2 =	simm.s32 $0x4;
	s14 =	sadd.s32 $0x2000, s7;
	[dreg:$0x5] =	wrdreg s7  }
0xd: {  	s13 =	sshrl.u32 s12, $0x1;
	s17 =	sadd.s32 $0x4000, s7;
	[dreg:$0x6] =	wrdreg s14  }
0xe: {  	s6 =	simm.s32 $0x0;
	s18 =	sadd.s32 $0x6000, s7;
	[dreg:$0x7] =	wrdreg s17  }
0xf: {  	s3 =	sadd.s32 s8, s11;
	s19 =	sadd.s32 $0x8000, s7;
	[dreg:$0x8] =	wrdreg s18  }
0x10: {  	s25 =	simm.s32 $0x40;
	s20 =	sadd.s32 $0xA000, s7;
	[dreg:$0x9] =	wrdreg s19  }
0x11: {  	s11 =	simm.s32 $0x6;
	s21 =	sadd.s32 $0xC000, s7;
	[dreg:$0xa] =	wrdreg s20  }
0x12: {  	s3 =	sshrl.u32 s3, $0x3;
	s22 =	sadd.s32 $0xE000, s7;
	[dreg:$0xb] =	wrdreg s21  }
0x13: {  	s23 =	sadd.s32 $0x10000, s7;
	s24 =	sadd.s32 $0x12000, s7;
	[dreg:$0xc] =	wrdreg s22  }
.Ltmp0:
0x14: {  	s0 =	sadd.s32 s3, s0;
	[dreg:$0xe] =	wrdreg s23;
	(pc) =	sbr.rel .LBB2_1-.Ltmp0, $4  }
0x15: {  	s3 =	ssub.s32 s12, s13;
	[dreg:$0xf] =	wrdreg s24;
	s22 =	simm.s32 $0x4000  }
0x16: {  	s23 =	simm.s32 $0x9;
	s12 =	simm.s32 $0x7;
	s0 =	sadd.s32 $0xAC600, s0  }
0x17: {  	s13 =	simm.s32 $0x8;
	s26 =	smax.u32 s3, $0x1;
	[dreg:$0x11] =	wrdreg s0  }
0x18: {  	v0 =	vimm.f32 $0.0e+00;
	[dreg:$0x12] =	wrdreg s26;
	s26 =	simm.s32 $0xA000;
	s0 =	simm.s32 $0x8000  }
.LBB2_14:
0x19: {  	_ =	swait.ge [sflag:s10], $0x2000  }
0x1a: {  	[sflag:s10] =	ssyncset.done $0x0  }
0x1b: {  	[sflag:s10] =	ssyncadd.s32 $0xFFFFE000  }
0x1c: {  	_ =	swait.ge [sflag:s11], $0x2000  }
0x1d: {  	[sflag:s11] =	ssyncset.done $0x0  }
0x1e: {  	[sflag:s11] =	ssyncadd.s32 $0xFFFFE000  }
0x1f: {  	_ =	swait.ge [sflag:s12], $0x2000  }
0x20: {  	[sflag:s12] =	ssyncset.done $0x0  }
0x21: {  	[sflag:s12] =	ssyncadd.s32 $0xFFFFE000  }
0x22: {  	_ =	swait.ge [sflag:s13], $0x2000  }
0x23: {  	[sflag:s13] =	ssyncset.done $0x0  }
0x24: {  	[sflag:s13] =	ssyncadd.s32 $0xFFFFE000  }
0x25: {  	s3 =	stileid.u32;
	[bflag:$0x0] =	sbarrier.arrive $0xFFFF  }
0x26: {  	s3 =	sshll.u32 s3, $0x6;
	s7 =	rddreg [dreg:$0x5]  }
0x27: {  	s3 =	sor.u32 $0x1C09, s3;
	s8 =	rddreg [dreg:$0x11];
	s6 =	sshrl.u32 s7, $0x3  }
0x28: {  	[hbm:s8], [sflag:s3] =	dma.local [spmem:s6], $0x2780  }
0x29: {  	_ =	swait.ge [sflag:s23], $0x2780  }
0x2a: {  	s21 =	rddreg [dreg:$0x13]  }
0x2b: {  	s24 =	rddreg [dreg:$0x12];
	s6 =	sadd.s32 $0x1, s21  }
0x2c: {  	p1 =	sne.s32 s6, s24  }
.Ltmp1:
0x2d: {  	_ = 	snop;
	(pc) =	sbr.rel @!p1 .LBB2_15-.Ltmp1, $3  }
0x2e: {  	_ =	sdelay $0x1  }
0x2f: {  	[sflag:s23] =	ssyncset.done $0x0  }
0x30: {  	[sflag:s23] =	ssyncadd.s32 $0xFFFFD880  }
.LBB2_1:
0x31: {  	s24 =	simm.s32 $0x0  }
0x32: {  	s3 =	sand.u32 $0x7E00, s24  }
0x33: {  	[dreg:$0x13] =	wrdreg s6;
	s8 =	sand.u32 $0x70, s24;
	s9 =	sshrl.u32 s3, $0x2  }
0x34: {  	s3 =	simm.s32 $0x40;
	s9 =	sor.u32 s8, s9;
	s8 =	simm.s32 $0x0  }
.LBB2_2:
0x35: {  	p1 =	sne.s32 s3, $0x7FC0  }
0x36: {  	[tilespmem:s9+$0x4000] =	vst v0;
	s8 =	sadd.s32 $0x10, s8;
	s9 =	smov.u32 s3;
	s3 =	sadd.s32 $0x40, s3  }
.Ltmp2:
0x37: {  	(pc) =	sbr.rel @p1 .LBB2_2-.Ltmp2, $4  }
0x38: {  	_ = 	snop  }
0x39: {  	s9 =	sand.u32 $0x7E00, s9  }
0x3a: {  	s14 =	sand.u32 $0x70, s8;
	s9 =	sshrl.u32 s9, $0x2  }
0x3b: {  	s9 =	sor.u32 s14, s9  }
0x3c: {  	[tilespmem:s9+$0x4000] =	vst v0  }
0x3d: {  	[spmem:s7] =	stream.linear.scatter [tilespmem:s22], [sflag:$0x9], $0x2000, $0x38;
	[tilespmem:$0x1FC00] =	vst v63  }
0x3e: {  	_ =	swait.ge [sflag:s23], $0x2000  }
0x3f: {  	[sflag:s23] =	ssyncset.done $0x0  }
0x40: {  	s3 =	rddreg [dreg:$0x6];
	[sflag:s23] =	ssyncadd.s32 $0xFFFFE000  }
0x41: {  	[spmem:s3] =	stream.linear.scatter [tilespmem:s22], [sflag:$0x9], $0x2000, $0x38;
	[tilespmem:$0x1FC00] =	vst v63  }
0x42: {  	_ =	swait.ge [sflag:s23], $0x2000  }
0x43: {  	[sflag:s23] =	ssyncset.done $0x0  }
0x44: {  	s9 =	rddreg [dreg:$0x7];
	[sflag:s23] =	ssyncadd.s32 $0xFFFFE000  }
0x45: {  	[spmem:s9] =	stream.linear.scatter [tilespmem:s22], [sflag:$0x9], $0x2000, $0x38;
	[tilespmem:$0x1FC00] =	vst v63  }
0x46: {  	_ =	swait.ge [sflag:s23], $0x2000  }
0x47: {  	[sflag:s23] =	ssyncset.done $0x0  }
0x48: {  	s14 =	rddreg [dreg:$0x8];
	[sflag:s23] =	ssyncadd.s32 $0xFFFFE000  }
0x49: {  	[spmem:s14] =	stream.linear.scatter [tilespmem:s22], [sflag:$0x9], $0x2000, $0x38;
	[tilespmem:$0x1FC00] =	vst v63  }
0x4a: {  	_ =	swait.ge [sflag:s23], $0x2000  }
0x4b: {  	[sflag:s23] =	ssyncset.done $0x0  }
0x4c: {  	s17 =	rddreg [dreg:$0x9];
	[sflag:s23] =	ssyncadd.s32 $0xFFFFE000  }
0x4d: {  	[spmem:s17] =	stream.linear.scatter [tilespmem:s22], [sflag:$0x9], $0x2000, $0x38;
	[tilespmem:$0x1FC00] =	vst v63  }
0x4e: {  	_ =	swait.ge [sflag:s23], $0x2000  }
0x4f: {  	[sflag:s23] =	ssyncset.done $0x0  }
0x50: {  	s18 =	rddreg [dreg:$0xa];
	[sflag:s23] =	ssyncadd.s32 $0xFFFFE000  }
0x51: {  	[spmem:s18] =	stream.linear.scatter [tilespmem:s22], [sflag:$0x9], $0x2000, $0x38;
	[tilespmem:$0x1FC00] =	vst v63  }
0x52: {  	_ =	swait.ge [sflag:s23], $0x2000  }
0x53: {  	[sflag:s23] =	ssyncset.done $0x0  }
0x54: {  	s19 =	rddreg [dreg:$0xb];
	[sflag:s23] =	ssyncadd.s32 $0xFFFFE000  }
0x55: {  	[spmem:s19] =	stream.linear.scatter [tilespmem:s22], [sflag:$0x9], $0x2000, $0x38;
	[tilespmem:$0x1FC00] =	vst v63  }
0x56: {  	_ =	swait.ge [sflag:s23], $0x2000  }
0x57: {  	[sflag:s23] =	ssyncset.done $0x0  }
0x58: {  	s20 =	rddreg [dreg:$0xc];
	[sflag:s23] =	ssyncadd.s32 $0xFFFFE000  }
0x59: {  	[spmem:s20] =	stream.linear.scatter [tilespmem:s22], [sflag:$0x9], $0x2000, $0x38;
	[tilespmem:$0x1FC00] =	vst v63  }
0x5a: {  	_ =	swait.ge [sflag:s23], $0x2000  }
0x5b: {  	[sflag:s23] =	ssyncset.done $0x0  }
0x5c: {  	s21 =	rddreg [dreg:$0xe];
	[sflag:s23] =	ssyncadd.s32 $0xFFFFE000  }
0x5d: {  	[spmem:s21] =	stream.linear.scatter [tilespmem:s22], [sflag:$0x9], $0x2000, $0x38;
	[tilespmem:$0x1FC00] =	vst v63  }
0x5e: {  	_ =	swait.ge [sflag:s23], $0x2000  }
0x5f: {  	[sflag:s23] =	ssyncset.done $0x0  }
0x60: {  	s24 =	rddreg [dreg:$0xf];
	[sflag:s23] =	ssyncadd.s32 $0xFFFFE000  }
0x61: {  	[spmem:s24] =	stream.linear.scatter [tilespmem:s22], [sflag:$0x9], $0x1C00, $0x38;
	[tilespmem:$0x1FC00] =	vst v63  }
.Ltmp3:
0x62: {  	_ =	swait.ge [sflag:s23], $0x1C00;
	(pc) =	sbr.rel @!p0 .LBB2_4-.Ltmp3, $4  }
0x63: {  	[sflag:s23] =	ssyncset.done $0x0  }
0x64: {  	[sflag:s23] =	ssyncadd.s32 $0xFFFFE400  }
0x65: {  	[bflag:$0x0] =	sbarrier.arrive $0xFFFF  }
0x66: {  	s17 =	simm.s32 $0x0;
	s18 =	simm.s32 $0x0  }
.LBB2_9:
0x67: {  	s6 =	sshll.u32 s18, $0xD;
	s3 =	rddreg [dreg:$0xd]  }
0x68: {  	s3 =	sadd.s32 s3, s6  }
0x69: {  	s3 =	sshrl.u32 s3, $0x3  }
0x6a: {  	s7 =	simm.s32 $0x0;
	[dreg:$0x14] =	wrdreg s6;
	s17 =	sadd.s32 s15, s3  }
0x6b: {  	[tilespmem:s7], [sflag:$0x9] =	stream.linear.gather [hbm4b:s17+s7], $0x1000, $0x38;
	[tilespmem:$0x1FC00] =	vst v63  }
0x6c: {  	_ =	swait.ge [sflag:s23], $0x1000  }
0x6d: {  	[sflag:s23] =	ssyncset.done $0x0  }
0x6e: {  	s19 =	simm.s32 $0x1000;
	s3 =	sadd.s32 s16, s3;
	[sflag:s23] =	ssyncadd.s32 $0xFFFFF000  }
0x6f: {  	[tilespmem:s19], [sflag:$0x9] =	stream.linear.gather [hbm4b:s3+s7], $0x1000, $0x38;
	[tilespmem:$0x1FC00] =	vst v63  }
0x70: {  	s20 =	sor.u32 s18, s7;
	_ =	swait.ge [sflag:s23], $0x1000  }
0x71: {  	p1 =	sne.s32 s20, $0x0;
	[sflag:s23] =	ssyncset.done $0x0  }
0x72: {  	s3 =	simm.s32 @p1 $0x5;
	[sflag:s23] =	ssyncadd.s32 $0xFFFFF000  }
0x73: {  	_ =	swait.ge @p1 [sflag:s3], $0x2000  }
0x74: {  	s6 =	simm.s32 @p1 $0x4000;
	s8 =	simm.s32 @p1 $0x40;
	[sflag:s3] =	ssyncset.done @p1 $0x0  }
0x75: {  	s7 =	simm.s32 @p1 $0x6;
	[sflag:s3] =	ssyncadd.s32 @p1 $0xFFFFE000;
	s3 =	simm.s32 @p1 $0x0  }
0x76: {  	[tilespmem:s6], [sflag:$0x1] =	stream.indirect.gather @p1 [hbm4b:s5+s8], $0x80, s3, s8, $0xb8;
	[tilespmem:$0x1FC00] =	vst v63  }
0x77: {  	_ =	swait.ge @p1 [sflag:s7], $0x2000  }
0x78: {  	s3 =	simm.s32 @p1 $0x7;
	[sflag:s7] =	ssyncset.done @p1 $0x0  }
0x79: {  	s6 =	simm.s32 @p1 $0x80;
	[sflag:s7] =	ssyncadd.s32 @p1 $0xFFFFE000;
	s7 =	simm.s32 @p1 $0x6000  }
0x7a: {  	[tilespmem:s7], [sflag:$0x2] =	stream.indirect.gather @p1 [hbm4b:s5+s8], $0x80, s6, s8, $0xb8;
	[tilespmem:$0x1FC00] =	vst v63  }
0x7b: {  	_ =	swait.ge @p1 [sflag:s3], $0x2000  }
0x7c: {  	s20 =	simm.s32 $0x100;
	[sflag:s3] =	ssyncset.done @p1 $0x0  }
0x7d: {  	s6 =	simm.s32 @p1 $0x8;
	[sflag:s3] =	ssyncadd.s32 @p1 $0xFFFFE000;
	s3 =	simm.s32 @p1 $0x8000  }
0x7e: {  	[tilespmem:s3], [sflag:$0x3] =	stream.indirect.gather @p1 [hbm4b:s5+s8], $0x80, s20, s8, $0xb8;
	[tilespmem:$0x1FC00] =	vst v63  }
0x7f: {  	_ =	swait.ge @p1 [sflag:s6], $0x2000  }
0x80: {  	s7 =	simm.s32 @!p1 $0x0;
	[sflag:s6] =	ssyncset.done @p1 $0x0  }
0x81: {  	s3 =	simm.s32 @!p1 $0x4000;
	[sflag:s6] =	ssyncadd.s32 @p1 $0xFFFFE000;
	s6 =	simm.s32 @!p1 $0x40  }
0x82: {  	[tilespmem:s3], [sflag:$0x1] =	stream.indirect.gather @!p1 [hbm4b:s5+s6], $0x80, s7, s6, $0xb8;
	[tilespmem:$0x1FC00] =	vst v63  }
0x83: {  	s8 =	simm.s32 @!p1 $0x6000;
	s3 =	simm.s32 @p1 $0x0;
	s7 =	simm.s32 @!p1 $0x80  }
0x84: {  	[tilespmem:s8], [sflag:$0x2] =	stream.indirect.gather @!p1 [hbm4b:s5+s6], $0x80, s7, s6, $0xb8;
	[tilespmem:$0x1FC00] =	vst v63  }
0x85: {  	s3 =	simm.s32 @!p1 $0x0;
	s7 =	simm.s32 @!p1 $0x100;
	s8 =	simm.s32 @!p1 $0x8000  }
0x86: {  	[tilespmem:s8], [sflag:$0x3] =	stream.indirect.gather @!p1 [hbm4b:s5+s6], $0x80, s7, s6, $0xb8;
	[tilespmem:$0x1FC00] =	vst v63  }
0x87: {  	s21 =	sor.u32 $0x180, s3  }
0x88: {  	[tilespmem:s26], [sflag:$0x4] =	stream.indirect.gather [hbm4b:s5+s25], $0x80, s21, s25, $0xb8;
	[tilespmem:$0x1FC00] =	vst v63  }
0x89: {  	_ =	swait.ge [sflag:s28], $0x2000  }
0x8a: {  	[sflag:s28] =	ssyncset.done $0x0  }
0x8b: {  	s24 =	sadd.s32 $0x1000, s3;
	[sflag:s28] =	ssyncadd.s32 $0xFFFFE000  }
0x8c: {  	[spmem:s1] =	stream.indirect.scatter.add.f32 [tilespmem:s22], [sflag:$0x5], $0x80, s24, s25, $0xb8;
	[tilespmem:$0x1FC00] =	vst v63  }
0x8d: {  	s6 =	simm.s32 @p1 $0x80;
	_ =	swait.ge [sflag:s29], $0x2000  }
0x8e: {  	s6 =	simm.s32 @!p1 $0x80;
	[sflag:s29] =	ssyncset.done $0x0  }
0x8f: {  	s6 =	sadd.s32 $0x1000, s6;
	[sflag:s29] =	ssyncadd.s32 $0xFFFFE000  }
0x90: {  	[spmem:s1] =	stream.indirect.scatter.add.f32 [tilespmem:s30], [sflag:$0x6], $0x80, s6, s25, $0xb8;
	[tilespmem:$0x1FC00] =	vst v63  }
0x91: {  	s6 =	simm.s32 $0x100;
	_ =	swait.ge [sflag:s31], $0x2000  }
0x92: {  	s6 =	simm.s32 @!p1 $0x100;
	[sflag:s31] =	ssyncset.done $0x0  }
0x93: {  	s14 =	simm.s32 $0x1;
	s6 =	sadd.s32 $0x1000, s6;
	[sflag:s31] =	ssyncadd.s32 $0xFFFFE000  }
0x94: {  	[spmem:s1] =	stream.indirect.scatter.add.f32 [tilespmem:s0], [sflag:$0x7], $0x80, s6, s25, $0xb8;
	[tilespmem:$0x1FC00] =	vst v63  }
0x95: {  	s8 =	simm.s32 $0x500;
	s21 =	simm.s32 $0x300;
	_ =	swait.ge [sflag:s2], $0x2000  }
0x96: {  	s24 =	sadd.s32 $0x1180, s3;
	s3 =	sor.u32 s18, s14;
	[sflag:s2] =	ssyncset.done $0x0  }
.LBB2_10:
0x97: {  	p1 =	sne.s32 s3, $0x0;
	s20 =	sadd.s32 $0x200, s20  }
0x98: {  	s6 =	smov.u32 s8;
	s8 =	sadd.s32 $0x200, s8;
	s16 =	smov.u32 s21  }
0x99: {  	s7 =	simm.s32 @p1 $0x5;
	s9 =	sadd.s32 @p1 $0xFFFFFF00, s21;
	[sflag:s2] =	ssyncadd.s32 $0xFFFFE000  }
0x9a: {  	[spmem:s1] =	stream.indirect.scatter.add.f32 [tilespmem:s26], [sflag:$0x8], $0x80, s24, s25, $0xb8;
	[tilespmem:$0x1FC00] =	vst v63  }
0x9b: {  	s3 =	sadd.s32 @p1 $0xFFFFFF80, s21;
	s9 =	simm.s32 @!p1 $0x0;
	_ =	swait.ge @p1 [sflag:s7], $0x2000  }
0x9c: {  	s15 =	simm.s32 @p1 $0x4000;
	s19 =	simm.s32 @p1 $0x6;
	[sflag:s7] =	ssyncset.done @p1 $0x0  }
0x9d: {  	s17 =	simm.s32 @p1 $0x40;
	[sflag:s7] =	ssyncadd.s32 @p1 $0xFFFFE000;
	s7 =	sadd.s32 @p1 $0xFFFFFF00, s20  }
0x9e: {  	[tilespmem:s15], [sflag:$0x1] =	stream.indirect.gather @p1 [hbm4b:s5+s17], $0x80, s7, s17, $0xb8;
	[tilespmem:$0x1FC00] =	vst v63  }
0x9f: {  	s16 =	simm.s32 @!p1 $0x100;
	s3 =	simm.s32 @!p1 $0x80;
	_ =	swait.ge @p1 [sflag:s19], $0x2000  }
0xa0: {  	s24 =	sadd.s32 $0x1180, s9;
	s7 =	simm.s32 @p1 $0x7;
	[sflag:s19] =	ssyncset.done @p1 $0x0  }
0xa1: {  	s15 =	sadd.s32 @p1 $0xFFFFFF80, s20;
	[sflag:s19] =	ssyncadd.s32 @p1 $0xFFFFE000;
	s19 =	simm.s32 @p1 $0x6000  }
0xa2: {  	[tilespmem:s19], [sflag:$0x2] =	stream.indirect.gather @p1 [hbm4b:s5+s17], $0x80, s15, s17, $0xb8;
	[tilespmem:$0x1FC00] =	vst v63  }
0xa3: {  	p2 =	sne.s32 s8, $0x1100;
	s21 =	smov.u32 s6;
	_ =	swait.ge @p1 [sflag:s7], $0x2000  }
0xa4: {  	[sflag:s7] =	ssyncset.done @p1 $0x0  }
0xa5: {  	s6 =	simm.s32 @p1 $0x8000;
	[sflag:s7] =	ssyncadd.s32 @p1 $0xFFFFE000;
	s7 =	simm.s32 @p1 $0x8  }
0xa6: {  	[tilespmem:s6], [sflag:$0x3] =	stream.indirect.gather @p1 [hbm4b:s5+s17], $0x80, s20, s17, $0xb8;
	[tilespmem:$0x1FC00] =	vst v63  }
0xa7: {  	_ =	swait.ge @p1 [sflag:s7], $0x2000  }
0xa8: {  	s6 =	simm.s32 @!p1 $0x4000;
	[sflag:s7] =	ssyncset.done @p1 $0x0  }
0xa9: {  	s15 =	simm.s32 @!p1 $0x0;
	[sflag:s7] =	ssyncadd.s32 @p1 $0xFFFFE000;
	s7 =	simm.s32 @!p1 $0x40  }
0xaa: {  	[tilespmem:s6], [sflag:$0x1] =	stream.indirect.gather @!p1 [hbm4b:s5+s7], $0x80, s15, s7, $0xb8;
	[tilespmem:$0x1FC00] =	vst v63  }
0xab: {  	s6 =	simm.s32 @!p1 $0x80;
	s15 =	simm.s32 @!p1 $0x6000  }
0xac: {  	[tilespmem:s15], [sflag:$0x2] =	stream.indirect.gather @!p1 [hbm4b:s5+s7], $0x80, s6, s7, $0xb8;
	[tilespmem:$0x1FC00] =	vst v63  }
0xad: {  	s6 =	simm.s32 @!p1 $0x100;
	s15 =	simm.s32 @!p1 $0x8000  }
0xae: {  	[tilespmem:s15], [sflag:$0x3] =	stream.indirect.gather @!p1 [hbm4b:s5+s7], $0x80, s6, s7, $0xb8;
	[tilespmem:$0x1FC00] =	vst v63  }
0xaf: {  	s6 =	sor.u32 $0x180, s9  }
0xb0: {  	[tilespmem:s26], [sflag:$0x4] =	stream.indirect.gather [hbm4b:s5+s25], $0x80, s6, s25, $0xb8;
	[tilespmem:$0x1FC00] =	vst v63  }
0xb1: {  	_ =	swait.ge [sflag:s28], $0x2000  }
0xb2: {  	[sflag:s28] =	ssyncset.done $0x0  }
0xb3: {  	s6 =	sadd.s32 $0x1000, s9;
	[sflag:s28] =	ssyncadd.s32 $0xFFFFE000  }
0xb4: {  	[spmem:s1] =	stream.indirect.scatter.add.f32 [tilespmem:s22], [sflag:$0x5], $0x80, s6, s25, $0xb8;
	[tilespmem:$0x1FC00] =	vst v63  }
0xb5: {  	_ =	swait.ge [sflag:s29], $0x2000  }
0xb6: {  	[sflag:s29] =	ssyncset.done $0x0  }
0xb7: {  	s3 =	sadd.s32 $0x1000, s3;
	[sflag:s29] =	ssyncadd.s32 $0xFFFFE000  }
0xb8: {  	[spmem:s1] =	stream.indirect.scatter.add.f32 [tilespmem:s30], [sflag:$0x6], $0x80, s3, s25, $0xb8;
	[tilespmem:$0x1FC00] =	vst v63  }
0xb9: {  	_ =	swait.ge [sflag:s31], $0x2000  }
.Ltmp4:
0xba: {  	[sflag:s31] =	ssyncset.done $0x0;
	(pc) =	sbr.rel @p2 .LBB2_10-.Ltmp4, $4  }
0xbb: {  	s3 =	sadd.s32 $0x1000, s16;
	[sflag:s31] =	ssyncadd.s32 $0xFFFFE000  }
0xbc: {  	[spmem:s1] =	stream.indirect.scatter.add.f32 [tilespmem:s0], [sflag:$0x7], $0x80, s3, s25, $0xb8;
	[tilespmem:$0x1FC00] =	vst v63  }
0xbd: {  	s14 =	sadd.s32 $0x1, s14;
	_ =	swait.ge [sflag:s2], $0x2000  }
0xbe: {  	s3 =	sor.u32 s18, s14;
	[sflag:s2] =	ssyncset.done $0x0  }
0xbf: {  	p1 =	sne.s32 s3, $0x0  }
0xc0: {  	[sflag:s2] =	ssyncadd.s32 $0xFFFFE000;
	s3 =	simm.s32 @p1 $0x5  }
0xc1: {  	[spmem:s1] =	stream.indirect.scatter.add.f32 [tilespmem:s26], [sflag:$0x8], $0x80, s24, s25, $0xb8;
	[tilespmem:$0x1FC00] =	vst v63  }
0xc2: {  	_ =	swait.ge @p1 [sflag:s3], $0x2000  }
0xc3: {  	s6 =	sadd.s32 $0x200, s20;
	s7 =	simm.s32 @p1 $0x4000;
	[sflag:s3] =	ssyncset.done @p1 $0x0  }
0xc4: {  	s8 =	simm.s32 @p1 $0x40;
	[sflag:s3] =	ssyncadd.s32 @p1 $0xFFFFE000;
	s3 =	sadd.s32 @p1 $0xFFFFFF00, s6  }
0xc5: {  	[tilespmem:s7], [sflag:$0x1] =	stream.indirect.gather @p1 [hbm4b:s5+s8], $0x80, s3, s8, $0xb8;
	[tilespmem:$0x1FC00] =	vst v63  }
0xc6: {  	s3 =	simm.s32 @p1 $0x6  }
0xc7: {  	_ =	swait.ge @p1 [sflag:s3], $0x2000  }
0xc8: {  	[sflag:s3] =	ssyncset.done @p1 $0x0  }
0xc9: {  	s7 =	simm.s32 @p1 $0x6000;
	[sflag:s3] =	ssyncadd.s32 @p1 $0xFFFFE000;
	s3 =	sadd.s32 @p1 $0xFFFFFF80, s6  }
0xca: {  	[tilespmem:s7], [sflag:$0x2] =	stream.indirect.gather @p1 [hbm4b:s5+s8], $0x80, s3, s8, $0xb8;
	[tilespmem:$0x1FC00] =	vst v63  }
0xcb: {  	s3 =	simm.s32 @p1 $0x7  }
0xcc: {  	_ =	swait.ge @p1 [sflag:s3], $0x2000  }
0xcd: {  	[sflag:s3] =	ssyncset.done @p1 $0x0  }
0xce: {  	[sflag:s3] =	ssyncadd.s32 @p1 $0xFFFFE000;
	s3 =	simm.s32 @p1 $0x8000  }
0xcf: {  	[tilespmem:s3], [sflag:$0x3] =	stream.indirect.gather @p1 [hbm4b:s5+s8], $0x80, s6, s8, $0xb8;
	[tilespmem:$0x1FC00] =	vst v63  }
0xd0: {  	s3 =	simm.s32 @p1 $0x8  }
0xd1: {  	_ =	swait.ge @p1 [sflag:s3], $0x2000  }
0xd2: {  	s7 =	simm.s32 @!p1 $0x0;
	[sflag:s3] =	ssyncset.done @p1 $0x0  }
0xd3: {  	s6 =	simm.s32 @!p1 $0x4000;
	[sflag:s3] =	ssyncadd.s32 @p1 $0xFFFFE000;
	s3 =	simm.s32 @!p1 $0x40  }
0xd4: {  	[tilespmem:s6], [sflag:$0x1] =	stream.indirect.gather @!p1 [hbm4b:s5+s3], $0x80, s7, s3, $0xb8;
	[tilespmem:$0x1FC00] =	vst v63  }
0xd5: {  	s6 =	simm.s32 @!p1 $0x80;
	s7 =	simm.s32 @!p1 $0x6000  }
0xd6: {  	[tilespmem:s7], [sflag:$0x2] =	stream.indirect.gather @!p1 [hbm4b:s5+s3], $0x80, s6, s3, $0xb8;
	[tilespmem:$0x1FC00] =	vst v63  }
0xd7: {  	s6 =	simm.s32 @!p1 $0x100;
	s7 =	simm.s32 @!p1 $0x8000  }
0xd8: {  	[tilespmem:s7], [sflag:$0x3] =	stream.indirect.gather @!p1 [hbm4b:s5+s3], $0x80, s6, s3, $0xb8;
	[tilespmem:$0x1FC00] =	vst v63  }
0xd9: {  	s3 =	sadd.s32 @p1 $0xFFFFFF00, s21  }
0xda: {  	s3 =	simm.s32 @!p1 $0x0  }
0xdb: {  	s14 =	sor.u32 $0x180, s3  }
0xdc: {  	[tilespmem:s26], [sflag:$0x4] =	stream.indirect.gather [hbm4b:s5+s25], $0x80, s14, s25, $0xb8;
	[tilespmem:$0x1FC00] =	vst v63  }
0xdd: {  	_ =	swait.ge [sflag:s28], $0x2000  }
0xde: {  	[sflag:s28] =	ssyncset.done $0x0  }
0xdf: {  	s15 =	sadd.s32 $0x1000, s3;
	[sflag:s28] =	ssyncadd.s32 $0xFFFFE000  }
0xe0: {  	[spmem:s1] =	stream.indirect.scatter.add.f32 [tilespmem:s22], [sflag:$0x5], $0x80, s15, s25, $0xb8;
	[tilespmem:$0x1FC00] =	vst v63  }
0xe1: {  	s6 =	sadd.s32 @p1 $0xFFFFFF80, s21;
	_ =	swait.ge [sflag:s29], $0x2000  }
0xe2: {  	s6 =	simm.s32 @!p1 $0x80;
	[sflag:s29] =	ssyncset.done $0x0  }
0xe3: {  	s6 =	sadd.s32 $0x1000, s6;
	[sflag:s29] =	ssyncadd.s32 $0xFFFFE000  }
0xe4: {  	[spmem:s1] =	stream.indirect.scatter.add.f32 [tilespmem:s30], [sflag:$0x6], $0x80, s6, s25, $0xb8;
	[tilespmem:$0x1FC00] =	vst v63  }
0xe5: {  	_ =	swait.ge [sflag:s31], $0x2000  }
0xe6: {  	s21 =	simm.s32 @!p1 $0x100;
	[sflag:s31] =	ssyncset.done $0x0  }
0xe7: {  	s16 =	sadd.s32 $0x1000, s21;
	[sflag:s31] =	ssyncadd.s32 $0xFFFFE000  }
0xe8: {  	[spmem:s1] =	stream.indirect.scatter.add.f32 [tilespmem:s0], [sflag:$0x7], $0x80, s16, s25, $0xb8;
	[tilespmem:$0x1FC00] =	vst v63  }
0xe9: {  	_ =	swait.ge [sflag:s2], $0x2000  }
0xea: {  	[sflag:s2] =	ssyncset.done $0x0;
	s17 =	rddreg [dreg:$0x10]  }
0xeb: {  	s3 =	sadd.s32 $0x1180, s3;
	s19 =	rddreg [dreg:$0x14];
	[sflag:s2] =	ssyncadd.s32 $0xFFFFE000  }
0xec: {  	[spmem:s1] =	stream.indirect.scatter.add.f32 [tilespmem:s26], [sflag:$0x8], $0x80, s3, s25, $0xb8;
	[tilespmem:$0x1FC00] =	vst v63  }
0xed: {  	s3 =	sadd.s32 s19, s17  }
0xee: {  	s15 =	rddreg [dreg:$0x3];
	s3 =	sshrl.u32 s3, $0x3  }
0xef: {  	s24 =	simm.s32 $0x2000;
	s21 =	simm.s32 $0x0;
	s20 =	sadd.s32 s15, s3  }
0xf0: {  	[tilespmem:s24], [sflag:$0x9] =	stream.linear.gather [hbm4b:s20+s21], $0x1000, $0x38;
	[tilespmem:$0x1FC00] =	vst v63  }
0xf1: {  	_ =	swait.ge [sflag:s23], $0x1000  }
0xf2: {  	[sflag:s23] =	ssyncset.done $0x0;
	s16 =	rddreg [dreg:$0x4]  }
0xf3: {  	s8 =	simm.s32 $0x3000;
	[sflag:s23] =	ssyncadd.s32 $0xFFFFF000;
	s3 =	sadd.s32 s16, s3  }
0xf4: {  	[tilespmem:s8], [sflag:$0x9] =	stream.linear.gather [hbm4b:s3+s21], $0x1000, $0x38;
	[tilespmem:$0x1FC00] =	vst v63  }
0xf5: {  	_ =	swait.ge [sflag:s23], $0x1000  }
0xf6: {  	[sflag:s23] =	ssyncset.done $0x0  }
0xf7: {  	[sflag:s23] =	ssyncadd.s32 $0xFFFFF000  }
0xf8: {  	_ =	swait.ge [sflag:s10], $0x2000  }
0xf9: {  	[sflag:s10] =	ssyncset.done $0x0  }
0xfa: {  	s9 =	simm.s32 $0x2000;
	[sflag:s10] =	ssyncadd.s32 $0xFFFFE000  }
0xfb: {  	[tilespmem:s22], [sflag:$0x1] =	stream.indirect.gather [hbm4b:s5+s25], $0x80, s9, s25, $0xb8;
	[tilespmem:$0x1FC00] =	vst v63  }
0xfc: {  	_ =	swait.ge [sflag:s11], $0x2000  }
0xfd: {  	[sflag:s11] =	ssyncset.done $0x0  }
0xfe: {  	s14 =	simm.s32 $0x2080;
	[sflag:s11] =	ssyncadd.s32 $0xFFFFE000  }
0xff: {  	[tilespmem:s30], [sflag:$0x2] =	stream.indirect.gather [hbm4b:s5+s25], $0x80, s14, s25, $0xb8;
	[tilespmem:$0x1FC00] =	vst v63  }
0x100: {  	_ =	swait.ge [sflag:s12], $0x2000  }
0x101: {  	[sflag:s12] =	ssyncset.done $0x0  }
0x102: {  	s17 =	simm.s32 $0x2100;
	[sflag:s12] =	ssyncadd.s32 $0xFFFFE000  }
0x103: {  	[tilespmem:s0], [sflag:$0x3] =	stream.indirect.gather [hbm4b:s5+s25], $0x80, s17, s25, $0xb8;
	[tilespmem:$0x1FC00] =	vst v63  }
0x104: {  	_ =	swait.ge [sflag:s13], $0x2000  }
0x105: {  	[sflag:s13] =	ssyncset.done $0x0  }
0x106: {  	s19 =	simm.s32 $0x2180;
	[sflag:s13] =	ssyncadd.s32 $0xFFFFE000  }
0x107: {  	[tilespmem:s26], [sflag:$0x4] =	stream.indirect.gather [hbm4b:s5+s25], $0x80, s19, s25, $0xb8;
	[tilespmem:$0x1FC00] =	vst v63  }
0x108: {  	_ =	swait.ge [sflag:s28], $0x2000  }
0x109: {  	[sflag:s28] =	ssyncset.done $0x0  }
0x10a: {  	s20 =	simm.s32 $0x3000;
	[sflag:s28] =	ssyncadd.s32 $0xFFFFE000  }
0x10b: {  	[spmem:s1] =	stream.indirect.scatter.add.f32 [tilespmem:s22], [sflag:$0x5], $0x80, s20, s25, $0xb8;
	[tilespmem:$0x1FC00] =	vst v63  }
0x10c: {  	_ =	swait.ge [sflag:s29], $0x2000  }
0x10d: {  	[sflag:s29] =	ssyncset.done $0x0  }
0x10e: {  	s21 =	simm.s32 $0x3080;
	[sflag:s29] =	ssyncadd.s32 $0xFFFFE000  }
0x10f: {  	[spmem:s1] =	stream.indirect.scatter.add.f32 [tilespmem:s30], [sflag:$0x6], $0x80, s21, s25, $0xb8;
	[tilespmem:$0x1FC00] =	vst v63  }
0x110: {  	_ =	swait.ge [sflag:s31], $0x2000  }
0x111: {  	[sflag:s31] =	ssyncset.done $0x0  }
0x112: {  	s24 =	simm.s32 $0x3100;
	[sflag:s31] =	ssyncadd.s32 $0xFFFFE000  }
0x113: {  	[spmem:s1] =	stream.indirect.scatter.add.f32 [tilespmem:s0], [sflag:$0x7], $0x80, s24, s25, $0xb8;
	[tilespmem:$0x1FC00] =	vst v63  }
0x114: {  	_ =	swait.ge [sflag:s2], $0x2000  }
0x115: {  	[sflag:s2] =	ssyncset.done $0x0  }
0x116: {  	s8 =	simm.s32 $0x800;
	s3 =	simm.s32 $0x3180;
	[sflag:s2] =	ssyncadd.s32 $0xFFFFE000  }
.LBB2_12:
0x117: {  	[spmem:s1] =	stream.indirect.scatter.add.f32 [tilespmem:s26], [sflag:$0x8], $0x80, s3, s25, $0xb8;
	[tilespmem:$0x1FC00] =	vst v63  }
0x118: {  	s3 =	smov.u32 s8  }
0x119: {  	p1 =	sne.s32 s8, $0x3800;
	s8 =	sadd.s32 $0x800, s8;
	_ =	swait.ge [sflag:s10], $0x2000  }
0x11a: {  	s3 =	sshra.s32 s3, $0x2;
	[sflag:s10] =	ssyncset.done $0x0  }
0x11b: {  	s6 =	sadd.s32 $0x2000, s3;
	[sflag:s10] =	ssyncadd.s32 $0xFFFFE000  }
0x11c: {  	[tilespmem:s22], [sflag:$0x1] =	stream.indirect.gather [hbm4b:s5+s25], $0x80, s6, s25, $0xb8;
	[tilespmem:$0x1FC00] =	vst v63  }
0x11d: {  	_ =	swait.ge [sflag:s11], $0x2000  }
0x11e: {  	[sflag:s11] =	ssyncset.done $0x0  }
0x11f: {  	s6 =	sadd.s32 $0x2080, s3;
	[sflag:s11] =	ssyncadd.s32 $0xFFFFE000  }
0x120: {  	[tilespmem:s30], [sflag:$0x2] =	stream.indirect.gather [hbm4b:s5+s25], $0x80, s6, s25, $0xb8;
	[tilespmem:$0x1FC00] =	vst v63  }
0x121: {  	_ =	swait.ge [sflag:s12], $0x2000  }
0x122: {  	[sflag:s12] =	ssyncset.done $0x0  }
0x123: {  	s6 =	sadd.s32 $0x2100, s3;
	[sflag:s12] =	ssyncadd.s32 $0xFFFFE000  }
0x124: {  	[tilespmem:s0], [sflag:$0x3] =	stream.indirect.gather [hbm4b:s5+s25], $0x80, s6, s25, $0xb8;
	[tilespmem:$0x1FC00] =	vst v63  }
0x125: {  	_ =	swait.ge [sflag:s13], $0x2000  }
0x126: {  	[sflag:s13] =	ssyncset.done $0x0  }
0x127: {  	s6 =	sadd.s32 $0x2180, s3;
	[sflag:s13] =	ssyncadd.s32 $0xFFFFE000  }
0x128: {  	[tilespmem:s26], [sflag:$0x4] =	stream.indirect.gather [hbm4b:s5+s25], $0x80, s6, s25, $0xb8;
	[tilespmem:$0x1FC00] =	vst v63  }
0x129: {  	_ =	swait.ge [sflag:s28], $0x2000  }
0x12a: {  	[sflag:s28] =	ssyncset.done $0x0  }
0x12b: {  	s6 =	sadd.s32 $0x3000, s3;
	[sflag:s28] =	ssyncadd.s32 $0xFFFFE000  }
0x12c: {  	[spmem:s1] =	stream.indirect.scatter.add.f32 [tilespmem:s22], [sflag:$0x5], $0x80, s6, s25, $0xb8;
	[tilespmem:$0x1FC00] =	vst v63  }
0x12d: {  	_ =	swait.ge [sflag:s29], $0x2000  }
0x12e: {  	[sflag:s29] =	ssyncset.done $0x0  }
0x12f: {  	s6 =	sadd.s32 $0x3080, s3;
	[sflag:s29] =	ssyncadd.s32 $0xFFFFE000  }
0x130: {  	[spmem:s1] =	stream.indirect.scatter.add.f32 [tilespmem:s30], [sflag:$0x6], $0x80, s6, s25, $0xb8;
	[tilespmem:$0x1FC00] =	vst v63  }
0x131: {  	_ =	swait.ge [sflag:s31], $0x2000  }
0x132: {  	[sflag:s31] =	ssyncset.done $0x0  }
.Ltmp5:
0x133: {  	s6 =	sadd.s32 $0x3100, s3;
	[sflag:s31] =	ssyncadd.s32 $0xFFFFE000;
	(pc) =	sbr.rel @p1 .LBB2_12-.Ltmp5, $4  }
0x134: {  	[spmem:s1] =	stream.indirect.scatter.add.f32 [tilespmem:s0], [sflag:$0x7], $0x80, s6, s25, $0xb8;
	[tilespmem:$0x1FC00] =	vst v63  }
0x135: {  	_ =	swait.ge [sflag:s2], $0x2000  }
0x136: {  	[sflag:s2] =	ssyncset.done $0x0  }
0x137: {  	s3 =	sadd.s32 $0x3180, s3;
	[sflag:s2] =	ssyncadd.s32 $0xFFFFE000  }
0x138: {  	s18 =	sadd.s32 $0x1, s18  }
0x139: {  	p1 =	sne.s32 s18, $0x5  }
.Ltmp6:
0x13a: {  	_ = 	snop;
	(pc) =	sbr.rel @p1 .LBB2_9-.Ltmp6, $4  }
.Ltmp7:
0x13b: {  	_ = 	snop;
	(pc) =	sbr.rel @!p1 .LBB2_14-.Ltmp7, $4  }
0x13c: {  	_ = 	snop  }
0x13d: {  	_ = 	snop  }
0x13e: {  	[spmem:s1] =	stream.indirect.scatter.add.f32 [tilespmem:s26], [sflag:$0x8], $0x80, s3, s25, $0xb8;
	[tilespmem:$0x1FC00] =	vst v63  }
0x13f: {  	_ = 	snop  }
.LBB2_4:
0x140: {  	s18 =	sshll.u32 s17, $0xD;
	s3 =	rddreg [dreg:$0xd]  }
0x141: {  	s3 =	sadd.s32 s3, s18  }
0x142: {  	s3 =	sshrl.u32 s3, $0x3  }
0x143: {  	s7 =	simm.s32 $0x0;
	s8 =	sadd.s32 s15, s3  }
0x144: {  	[tilespmem:s7], [sflag:$0x9] =	stream.linear.gather [hbm4b:s8+s7], $0x1000, $0x38;
	[tilespmem:$0x1FC00] =	vst v63  }
0x145: {  	_ =	swait.ge [sflag:s23], $0x1000  }
0x146: {  	[sflag:s23] =	ssyncset.done $0x0  }
0x147: {  	s6 =	simm.s32 $0x1000;
	s3 =	sadd.s32 s16, s3;
	[sflag:s23] =	ssyncadd.s32 $0xFFFFF000  }
0x148: {  	[tilespmem:s6], [sflag:$0x9] =	stream.linear.gather [hbm4b:s3+s7], $0x1000, $0x38;
	[tilespmem:$0x1FC00] =	vst v63  }
0x149: {  	s20 =	sor.u32 s17, s7;
	_ =	swait.ge [sflag:s23], $0x1000  }
0x14a: {  	p1 =	sne.s32 s20, $0x0;
	[sflag:s23] =	ssyncset.done $0x0  }
0x14b: {  	s3 =	simm.s32 @p1 $0x5;
	[sflag:s23] =	ssyncadd.s32 $0xFFFFF000  }
0x14c: {  	_ =	swait.ge @p1 [sflag:s3], $0x2000  }
0x14d: {  	s9 =	simm.s32 @p1 $0x6;
	s14 =	simm.s32 @p1 $0x40;
	[sflag:s3] =	ssyncset.done @p1 $0x0  }
0x14e: {  	s8 =	simm.s32 @p1 $0x4000;
	[sflag:s3] =	ssyncadd.s32 @p1 $0xFFFFE000;
	s3 =	simm.s32 @p1 $0x0  }
0x14f: {  	[tilespmem:s8], [sflag:$0x1] =	stream.indirect.gather @p1 [hbm4b:s4+s14], $0x80, s3, s14, $0xb8;
	[tilespmem:$0x1FC00] =	vst v63  }
0x150: {  	_ =	swait.ge @p1 [sflag:s9], $0x2000  }
0x151: {  	s3 =	simm.s32 @p1 $0x7;
	[sflag:s9] =	ssyncset.done @p1 $0x0  }
0x152: {  	s8 =	simm.s32 @p1 $0x80;
	[sflag:s9] =	ssyncadd.s32 @p1 $0xFFFFE000;
	s9 =	simm.s32 @p1 $0x6000  }
0x153: {  	[tilespmem:s9], [sflag:$0x2] =	stream.indirect.gather @p1 [hbm4b:s4+s14], $0x80, s8, s14, $0xb8;
	[tilespmem:$0x1FC00] =	vst v63  }
0x154: {  	_ =	swait.ge @p1 [sflag:s3], $0x2000  }
0x155: {  	s20 =	simm.s32 $0x100;
	[sflag:s3] =	ssyncset.done @p1 $0x0  }
0x156: {  	s8 =	simm.s32 @p1 $0x8;
	[sflag:s3] =	ssyncadd.s32 @p1 $0xFFFFE000;
	s3 =	simm.s32 @p1 $0x8000  }
0x157: {  	[tilespmem:s3], [sflag:$0x3] =	stream.indirect.gather @p1 [hbm4b:s4+s14], $0x80, s20, s14, $0xb8;
	[tilespmem:$0x1FC00] =	vst v63  }
0x158: {  	_ =	swait.ge @p1 [sflag:s8], $0x2000  }
0x159: {  	s9 =	simm.s32 @!p1 $0x0;
	[sflag:s8] =	ssyncset.done @p1 $0x0  }
0x15a: {  	s3 =	simm.s32 @!p1 $0x4000;
	[sflag:s8] =	ssyncadd.s32 @p1 $0xFFFFE000;
	s8 =	simm.s32 @!p1 $0x40  }
0x15b: {  	[tilespmem:s3], [sflag:$0x1] =	stream.indirect.gather @!p1 [hbm4b:s4+s8], $0x80, s9, s8, $0xb8;
	[tilespmem:$0x1FC00] =	vst v63  }
0x15c: {  	s14 =	simm.s32 @!p1 $0x6000;
	s3 =	simm.s32 @p1 $0x0;
	s9 =	simm.s32 @!p1 $0x80  }
0x15d: {  	[tilespmem:s14], [sflag:$0x2] =	stream.indirect.gather @!p1 [hbm4b:s4+s8], $0x80, s9, s8, $0xb8;
	[tilespmem:$0x1FC00] =	vst v63  }
0x15e: {  	s3 =	simm.s32 @!p1 $0x0;
	s9 =	simm.s32 @!p1 $0x100;
	s14 =	simm.s32 @!p1 $0x8000  }
0x15f: {  	[tilespmem:s14], [sflag:$0x3] =	stream.indirect.gather @!p1 [hbm4b:s4+s8], $0x80, s9, s8, $0xb8;
	[tilespmem:$0x1FC00] =	vst v63  }
0x160: {  	s21 =	sor.u32 $0x180, s3  }
0x161: {  	[tilespmem:s26], [sflag:$0x4] =	stream.indirect.gather [hbm4b:s4+s25], $0x80, s21, s25, $0xb8;
	[tilespmem:$0x1FC00] =	vst v63  }
0x162: {  	_ =	swait.ge [sflag:s28], $0x2000  }
0x163: {  	[sflag:s28] =	ssyncset.done $0x0  }
0x164: {  	s24 =	sadd.s32 $0x1000, s3;
	[sflag:s28] =	ssyncadd.s32 $0xFFFFE000  }
0x165: {  	[spmem:s1] =	stream.indirect.scatter.add.f32 [tilespmem:s22], [sflag:$0x5], $0x80, s24, s25, $0xb8;
	[tilespmem:$0x1FC00] =	vst v63  }
0x166: {  	s8 =	simm.s32 @p1 $0x80;
	_ =	swait.ge [sflag:s29], $0x2000  }
0x167: {  	s8 =	simm.s32 @!p1 $0x80;
	[sflag:s29] =	ssyncset.done $0x0  }
0x168: {  	s8 =	sadd.s32 $0x1000, s8;
	[sflag:s29] =	ssyncadd.s32 $0xFFFFE000  }
0x169: {  	[spmem:s1] =	stream.indirect.scatter.add.f32 [tilespmem:s30], [sflag:$0x6], $0x80, s8, s25, $0xb8;
	[tilespmem:$0x1FC00] =	vst v63  }
0x16a: {  	s8 =	simm.s32 $0x100;
	_ =	swait.ge [sflag:s31], $0x2000  }
0x16b: {  	s8 =	simm.s32 @!p1 $0x100;
	[sflag:s31] =	ssyncset.done $0x0  }
0x16c: {  	s16 =	simm.s32 $0x300;
	s8 =	sadd.s32 $0x1000, s8;
	[sflag:s31] =	ssyncadd.s32 $0xFFFFE000  }
0x16d: {  	[spmem:s1] =	stream.indirect.scatter.add.f32 [tilespmem:s0], [sflag:$0x7], $0x80, s8, s25, $0xb8;
	[tilespmem:$0x1FC00] =	vst v63  }
0x16e: {  	s14 =	simm.s32 $0x1;
	s24 =	sadd.s32 $0x1180, s3;
	_ =	swait.ge [sflag:s2], $0x2000  }
0x16f: {  	s3 =	sor.u32 s17, s14;
	s8 =	simm.s32 $0x500;
	[sflag:s2] =	ssyncset.done $0x0  }
.LBB2_5:
0x170: {  	p1 =	sne.s32 s3, $0x0  }
0x171: {  	s20 =	sadd.s32 $0x200, s20;
	s19 =	smov.u32 s8;
	s8 =	sadd.s32 $0x200, s8  }
0x172: {  	s21 =	simm.s32 @p1 $0x5;
	s9 =	sadd.s32 @p1 $0xFFFFFF00, s16;
	[sflag:s2] =	ssyncadd.s32 $0xFFFFE000  }
0x173: {  	[spmem:s1] =	stream.indirect.scatter.add.f32 [tilespmem:s26], [sflag:$0x8], $0x80, s24, s25, $0xb8;
	[tilespmem:$0x1FC00] =	vst v63  }
0x174: {  	s3 =	sadd.s32 @p1 $0xFFFFFF80, s16;
	s9 =	simm.s32 @!p1 $0x0;
	_ =	swait.ge @p1 [sflag:s21], $0x2000  }
0x175: {  	s15 =	simm.s32 @p1 $0x6;
	s24 =	simm.s32 @p1 $0x4000;
	[sflag:s21] =	ssyncset.done @p1 $0x0  }
0x176: {  	s6 =	simm.s32 @p1 $0x40;
	[sflag:s21] =	ssyncadd.s32 @p1 $0xFFFFE000;
	s21 =	sadd.s32 @p1 $0xFFFFFF00, s20  }
0x177: {  	[tilespmem:s24], [sflag:$0x1] =	stream.indirect.gather @p1 [hbm4b:s4+s6], $0x80, s21, s6, $0xb8;
	[tilespmem:$0x1FC00] =	vst v63  }
0x178: {  	s21 =	smov.u32 s16  }
0x179: {  	s3 =	simm.s32 @!p1 $0x80;
	_ =	swait.ge @p1 [sflag:s15], $0x2000;
	s21 =	simm.s32 @!p1 $0x100  }
0x17a: {  	s7 =	simm.s32 @p1 $0x7;
	s24 =	sadd.s32 $0x1180, s9;
	[sflag:s15] =	ssyncset.done @p1 $0x0  }
0x17b: {  	s16 =	simm.s32 @p1 $0x6000;
	[sflag:s15] =	ssyncadd.s32 @p1 $0xFFFFE000;
	s15 =	sadd.s32 @p1 $0xFFFFFF80, s20  }
0x17c: {  	[tilespmem:s16], [sflag:$0x2] =	stream.indirect.gather @p1 [hbm4b:s4+s6], $0x80, s15, s6, $0xb8;
	[tilespmem:$0x1FC00] =	vst v63  }
0x17d: {  	p2 =	sne.s32 s8, $0x1100;
	s16 =	smov.u32 s19;
	_ =	swait.ge @p1 [sflag:s7], $0x2000  }
0x17e: {  	[sflag:s7] =	ssyncset.done @p1 $0x0  }
0x17f: {  	s15 =	simm.s32 @p1 $0x8;
	[sflag:s7] =	ssyncadd.s32 @p1 $0xFFFFE000;
	s7 =	simm.s32 @p1 $0x8000  }
0x180: {  	[tilespmem:s7], [sflag:$0x3] =	stream.indirect.gather @p1 [hbm4b:s4+s6], $0x80, s20, s6, $0xb8;
	[tilespmem:$0x1FC00] =	vst v63  }
0x181: {  	_ =	swait.ge @p1 [sflag:s15], $0x2000  }
0x182: {  	s6 =	simm.s32 @!p1 $0x4000;
	[sflag:s15] =	ssyncset.done @p1 $0x0  }
0x183: {  	s7 =	simm.s32 @!p1 $0x40;
	[sflag:s15] =	ssyncadd.s32 @p1 $0xFFFFE000;
	s15 =	simm.s32 @!p1 $0x0  }
0x184: {  	[tilespmem:s6], [sflag:$0x1] =	stream.indirect.gather @!p1 [hbm4b:s4+s7], $0x80, s15, s7, $0xb8;
	[tilespmem:$0x1FC00] =	vst v63  }
0x185: {  	s6 =	simm.s32 @!p1 $0x80;
	s15 =	simm.s32 @!p1 $0x6000  }
0x186: {  	[tilespmem:s15], [sflag:$0x2] =	stream.indirect.gather @!p1 [hbm4b:s4+s7], $0x80, s6, s7, $0xb8;
	[tilespmem:$0x1FC00] =	vst v63  }
0x187: {  	s6 =	simm.s32 @!p1 $0x100;
	s15 =	simm.s32 @!p1 $0x8000  }
0x188: {  	[tilespmem:s15], [sflag:$0x3] =	stream.indirect.gather @!p1 [hbm4b:s4+s7], $0x80, s6, s7, $0xb8;
	[tilespmem:$0x1FC00] =	vst v63  }
0x189: {  	s6 =	sor.u32 $0x180, s9  }
0x18a: {  	[tilespmem:s26], [sflag:$0x4] =	stream.indirect.gather [hbm4b:s4+s25], $0x80, s6, s25, $0xb8;
	[tilespmem:$0x1FC00] =	vst v63  }
0x18b: {  	_ =	swait.ge [sflag:s28], $0x2000  }
0x18c: {  	[sflag:s28] =	ssyncset.done $0x0  }
0x18d: {  	s6 =	sadd.s32 $0x1000, s9;
	[sflag:s28] =	ssyncadd.s32 $0xFFFFE000  }
0x18e: {  	[spmem:s1] =	stream.indirect.scatter.add.f32 [tilespmem:s22], [sflag:$0x5], $0x80, s6, s25, $0xb8;
	[tilespmem:$0x1FC00] =	vst v63  }
0x18f: {  	_ =	swait.ge [sflag:s29], $0x2000  }
0x190: {  	[sflag:s29] =	ssyncset.done $0x0  }
0x191: {  	s3 =	sadd.s32 $0x1000, s3;
	[sflag:s29] =	ssyncadd.s32 $0xFFFFE000  }
0x192: {  	[spmem:s1] =	stream.indirect.scatter.add.f32 [tilespmem:s30], [sflag:$0x6], $0x80, s3, s25, $0xb8;
	[tilespmem:$0x1FC00] =	vst v63  }
0x193: {  	_ =	swait.ge [sflag:s31], $0x2000  }
.Ltmp8:
0x194: {  	[sflag:s31] =	ssyncset.done $0x0;
	(pc) =	sbr.rel @p2 .LBB2_5-.Ltmp8, $4  }
0x195: {  	s3 =	sadd.s32 $0x1000, s21;
	[sflag:s31] =	ssyncadd.s32 $0xFFFFE000  }
0x196: {  	[spmem:s1] =	stream.indirect.scatter.add.f32 [tilespmem:s0], [sflag:$0x7], $0x80, s3, s25, $0xb8;
	[tilespmem:$0x1FC00] =	vst v63  }
0x197: {  	s14 =	sadd.s32 $0x1, s14;
	_ =	swait.ge [sflag:s2], $0x2000  }
0x198: {  	s3 =	sor.u32 s17, s14;
	[sflag:s2] =	ssyncset.done $0x0  }
0x199: {  	p1 =	sne.s32 s3, $0x0  }
0x19a: {  	[sflag:s2] =	ssyncadd.s32 $0xFFFFE000;
	s3 =	simm.s32 @p1 $0x5  }
0x19b: {  	[spmem:s1] =	stream.indirect.scatter.add.f32 [tilespmem:s26], [sflag:$0x8], $0x80, s24, s25, $0xb8;
	[tilespmem:$0x1FC00] =	vst v63  }
0x19c: {  	_ =	swait.ge @p1 [sflag:s3], $0x2000  }
0x19d: {  	s6 =	sadd.s32 $0x200, s20;
	s7 =	simm.s32 @p1 $0x4000;
	[sflag:s3] =	ssyncset.done @p1 $0x0  }
0x19e: {  	s8 =	simm.s32 @p1 $0x40;
	[sflag:s3] =	ssyncadd.s32 @p1 $0xFFFFE000;
	s3 =	sadd.s32 @p1 $0xFFFFFF00, s6  }
0x19f: {  	[tilespmem:s7], [sflag:$0x1] =	stream.indirect.gather @p1 [hbm4b:s4+s8], $0x80, s3, s8, $0xb8;
	[tilespmem:$0x1FC00] =	vst v63  }
0x1a0: {  	s3 =	simm.s32 @p1 $0x6  }
0x1a1: {  	_ =	swait.ge @p1 [sflag:s3], $0x2000  }
0x1a2: {  	[sflag:s3] =	ssyncset.done @p1 $0x0  }
0x1a3: {  	s7 =	simm.s32 @p1 $0x6000;
	[sflag:s3] =	ssyncadd.s32 @p1 $0xFFFFE000;
	s3 =	sadd.s32 @p1 $0xFFFFFF80, s6  }
0x1a4: {  	[tilespmem:s7], [sflag:$0x2] =	stream.indirect.gather @p1 [hbm4b:s4+s8], $0x80, s3, s8, $0xb8;
	[tilespmem:$0x1FC00] =	vst v63  }
0x1a5: {  	s3 =	simm.s32 @p1 $0x7  }
0x1a6: {  	_ =	swait.ge @p1 [sflag:s3], $0x2000  }
0x1a7: {  	[sflag:s3] =	ssyncset.done @p1 $0x0  }
0x1a8: {  	[sflag:s3] =	ssyncadd.s32 @p1 $0xFFFFE000;
	s3 =	simm.s32 @p1 $0x8000  }
0x1a9: {  	[tilespmem:s3], [sflag:$0x3] =	stream.indirect.gather @p1 [hbm4b:s4+s8], $0x80, s6, s8, $0xb8;
	[tilespmem:$0x1FC00] =	vst v63  }
0x1aa: {  	s3 =	simm.s32 @p1 $0x8  }
0x1ab: {  	_ =	swait.ge @p1 [sflag:s3], $0x2000  }
0x1ac: {  	s7 =	simm.s32 @!p1 $0x0;
	[sflag:s3] =	ssyncset.done @p1 $0x0  }
0x1ad: {  	s6 =	simm.s32 @!p1 $0x4000;
	[sflag:s3] =	ssyncadd.s32 @p1 $0xFFFFE000;
	s3 =	simm.s32 @!p1 $0x40  }
0x1ae: {  	[tilespmem:s6], [sflag:$0x1] =	stream.indirect.gather @!p1 [hbm4b:s4+s3], $0x80, s7, s3, $0xb8;
	[tilespmem:$0x1FC00] =	vst v63  }
0x1af: {  	s6 =	simm.s32 @!p1 $0x80;
	s7 =	simm.s32 @!p1 $0x6000  }
0x1b0: {  	[tilespmem:s7], [sflag:$0x2] =	stream.indirect.gather @!p1 [hbm4b:s4+s3], $0x80, s6, s3, $0xb8;
	[tilespmem:$0x1FC00] =	vst v63  }
0x1b1: {  	s6 =	simm.s32 @!p1 $0x100;
	s7 =	simm.s32 @!p1 $0x8000  }
0x1b2: {  	[tilespmem:s7], [sflag:$0x3] =	stream.indirect.gather @!p1 [hbm4b:s4+s3], $0x80, s6, s3, $0xb8;
	[tilespmem:$0x1FC00] =	vst v63  }
0x1b3: {  	s3 =	sadd.s32 @p1 $0xFFFFFF00, s16  }
0x1b4: {  	s3 =	simm.s32 @!p1 $0x0  }
0x1b5: {  	s14 =	sor.u32 $0x180, s3  }
0x1b6: {  	[tilespmem:s26], [sflag:$0x4] =	stream.indirect.gather [hbm4b:s4+s25], $0x80, s14, s25, $0xb8;
	[tilespmem:$0x1FC00] =	vst v63  }
0x1b7: {  	_ =	swait.ge [sflag:s28], $0x2000  }
0x1b8: {  	[sflag:s28] =	ssyncset.done $0x0  }
0x1b9: {  	s15 =	sadd.s32 $0x1000, s3;
	[sflag:s28] =	ssyncadd.s32 $0xFFFFE000  }
0x1ba: {  	[spmem:s1] =	stream.indirect.scatter.add.f32 [tilespmem:s22], [sflag:$0x5], $0x80, s15, s25, $0xb8;
	[tilespmem:$0x1FC00] =	vst v63  }
0x1bb: {  	s6 =	sadd.s32 @p1 $0xFFFFFF80, s16;
	_ =	swait.ge [sflag:s29], $0x2000  }
0x1bc: {  	s6 =	simm.s32 @!p1 $0x80;
	[sflag:s29] =	ssyncset.done $0x0  }
0x1bd: {  	s6 =	sadd.s32 $0x1000, s6;
	[sflag:s29] =	ssyncadd.s32 $0xFFFFE000  }
0x1be: {  	[spmem:s1] =	stream.indirect.scatter.add.f32 [tilespmem:s30], [sflag:$0x6], $0x80, s6, s25, $0xb8;
	[tilespmem:$0x1FC00] =	vst v63  }
0x1bf: {  	_ =	swait.ge [sflag:s31], $0x2000  }
0x1c0: {  	s16 =	simm.s32 @!p1 $0x100;
	[sflag:s31] =	ssyncset.done $0x0  }
0x1c1: {  	s16 =	sadd.s32 $0x1000, s16;
	[sflag:s31] =	ssyncadd.s32 $0xFFFFE000  }
0x1c2: {  	[spmem:s1] =	stream.indirect.scatter.add.f32 [tilespmem:s0], [sflag:$0x7], $0x80, s16, s25, $0xb8;
	[tilespmem:$0x1FC00] =	vst v63  }
0x1c3: {  	_ =	swait.ge [sflag:s2], $0x2000  }
0x1c4: {  	[sflag:s2] =	ssyncset.done $0x0  }
0x1c5: {  	s3 =	sadd.s32 $0x1180, s3;
	s19 =	rddreg [dreg:$0x10];
	[sflag:s2] =	ssyncadd.s32 $0xFFFFE000  }
0x1c6: {  	[spmem:s1] =	stream.indirect.scatter.add.f32 [tilespmem:s26], [sflag:$0x8], $0x80, s3, s25, $0xb8;
	[tilespmem:$0x1FC00] =	vst v63  }
0x1c7: {  	s3 =	sadd.s32 s18, s19  }
0x1c8: {  	s15 =	rddreg [dreg:$0x3];
	s3 =	sshrl.u32 s3, $0x3  }
0x1c9: {  	s21 =	simm.s32 $0x0;
	s24 =	simm.s32 $0x2000;
	s20 =	sadd.s32 s15, s3  }
0x1ca: {  	[tilespmem:s24], [sflag:$0x9] =	stream.linear.gather [hbm4b:s20+s21], $0x1000, $0x38;
	[tilespmem:$0x1FC00] =	vst v63  }
0x1cb: {  	_ =	swait.ge [sflag:s23], $0x1000  }
0x1cc: {  	[sflag:s23] =	ssyncset.done $0x0;
	s16 =	rddreg [dreg:$0x4]  }
0x1cd: {  	s8 =	simm.s32 $0x3000;
	[sflag:s23] =	ssyncadd.s32 $0xFFFFF000;
	s3 =	sadd.s32 s16, s3  }
0x1ce: {  	[tilespmem:s8], [sflag:$0x9] =	stream.linear.gather [hbm4b:s3+s21], $0x1000, $0x38;
	[tilespmem:$0x1FC00] =	vst v63  }
0x1cf: {  	_ =	swait.ge [sflag:s23], $0x1000  }
0x1d0: {  	[sflag:s23] =	ssyncset.done $0x0  }
0x1d1: {  	[sflag:s23] =	ssyncadd.s32 $0xFFFFF000  }
0x1d2: {  	_ =	swait.ge [sflag:s10], $0x2000  }
0x1d3: {  	[sflag:s10] =	ssyncset.done $0x0  }
0x1d4: {  	s9 =	simm.s32 $0x2000;
	[sflag:s10] =	ssyncadd.s32 $0xFFFFE000  }
0x1d5: {  	[tilespmem:s22], [sflag:$0x1] =	stream.indirect.gather [hbm4b:s4+s25], $0x80, s9, s25, $0xb8;
	[tilespmem:$0x1FC00] =	vst v63  }
0x1d6: {  	_ =	swait.ge [sflag:s11], $0x2000  }
0x1d7: {  	[sflag:s11] =	ssyncset.done $0x0  }
0x1d8: {  	s14 =	simm.s32 $0x2080;
	[sflag:s11] =	ssyncadd.s32 $0xFFFFE000  }
0x1d9: {  	[tilespmem:s30], [sflag:$0x2] =	stream.indirect.gather [hbm4b:s4+s25], $0x80, s14, s25, $0xb8;
	[tilespmem:$0x1FC00] =	vst v63  }
0x1da: {  	_ =	swait.ge [sflag:s12], $0x2000  }
0x1db: {  	[sflag:s12] =	ssyncset.done $0x0  }
0x1dc: {  	s18 =	simm.s32 $0x2100;
	[sflag:s12] =	ssyncadd.s32 $0xFFFFE000  }
0x1dd: {  	[tilespmem:s0], [sflag:$0x3] =	stream.indirect.gather [hbm4b:s4+s25], $0x80, s18, s25, $0xb8;
	[tilespmem:$0x1FC00] =	vst v63  }
0x1de: {  	_ =	swait.ge [sflag:s13], $0x2000  }
0x1df: {  	[sflag:s13] =	ssyncset.done $0x0  }
0x1e0: {  	s19 =	simm.s32 $0x2180;
	[sflag:s13] =	ssyncadd.s32 $0xFFFFE000  }
0x1e1: {  	[tilespmem:s26], [sflag:$0x4] =	stream.indirect.gather [hbm4b:s4+s25], $0x80, s19, s25, $0xb8;
	[tilespmem:$0x1FC00] =	vst v63  }
0x1e2: {  	_ =	swait.ge [sflag:s28], $0x2000  }
0x1e3: {  	[sflag:s28] =	ssyncset.done $0x0  }
0x1e4: {  	s20 =	simm.s32 $0x3000;
	[sflag:s28] =	ssyncadd.s32 $0xFFFFE000  }
0x1e5: {  	[spmem:s1] =	stream.indirect.scatter.add.f32 [tilespmem:s22], [sflag:$0x5], $0x80, s20, s25, $0xb8;
	[tilespmem:$0x1FC00] =	vst v63  }
0x1e6: {  	_ =	swait.ge [sflag:s29], $0x2000  }
0x1e7: {  	[sflag:s29] =	ssyncset.done $0x0  }
0x1e8: {  	s21 =	simm.s32 $0x3080;
	[sflag:s29] =	ssyncadd.s32 $0xFFFFE000  }
0x1e9: {  	[spmem:s1] =	stream.indirect.scatter.add.f32 [tilespmem:s30], [sflag:$0x6], $0x80, s21, s25, $0xb8;
	[tilespmem:$0x1FC00] =	vst v63  }
0x1ea: {  	_ =	swait.ge [sflag:s31], $0x2000  }
0x1eb: {  	[sflag:s31] =	ssyncset.done $0x0  }
0x1ec: {  	s24 =	simm.s32 $0x3100;
	[sflag:s31] =	ssyncadd.s32 $0xFFFFE000  }
0x1ed: {  	[spmem:s1] =	stream.indirect.scatter.add.f32 [tilespmem:s0], [sflag:$0x7], $0x80, s24, s25, $0xb8;
	[tilespmem:$0x1FC00] =	vst v63  }
0x1ee: {  	_ =	swait.ge [sflag:s2], $0x2000  }
0x1ef: {  	[sflag:s2] =	ssyncset.done $0x0  }
0x1f0: {  	s8 =	simm.s32 $0x800;
	s3 =	simm.s32 $0x3180;
	[sflag:s2] =	ssyncadd.s32 $0xFFFFE000  }
.LBB2_7:
0x1f1: {  	[spmem:s1] =	stream.indirect.scatter.add.f32 [tilespmem:s26], [sflag:$0x8], $0x80, s3, s25, $0xb8;
	[tilespmem:$0x1FC00] =	vst v63  }
0x1f2: {  	s3 =	smov.u32 s8  }
0x1f3: {  	p1 =	sne.s32 s8, $0x3800;
	s8 =	sadd.s32 $0x800, s8;
	_ =	swait.ge [sflag:s10], $0x2000  }
0x1f4: {  	s3 =	sshra.s32 s3, $0x2;
	[sflag:s10] =	ssyncset.done $0x0  }
0x1f5: {  	s6 =	sadd.s32 $0x2000, s3;
	[sflag:s10] =	ssyncadd.s32 $0xFFFFE000  }
0x1f6: {  	[tilespmem:s22], [sflag:$0x1] =	stream.indirect.gather [hbm4b:s4+s25], $0x80, s6, s25, $0xb8;
	[tilespmem:$0x1FC00] =	vst v63  }
0x1f7: {  	_ =	swait.ge [sflag:s11], $0x2000  }
0x1f8: {  	[sflag:s11] =	ssyncset.done $0x0  }
0x1f9: {  	s6 =	sadd.s32 $0x2080, s3;
	[sflag:s11] =	ssyncadd.s32 $0xFFFFE000  }
0x1fa: {  	[tilespmem:s30], [sflag:$0x2] =	stream.indirect.gather [hbm4b:s4+s25], $0x80, s6, s25, $0xb8;
	[tilespmem:$0x1FC00] =	vst v63  }
0x1fb: {  	_ =	swait.ge [sflag:s12], $0x2000  }
0x1fc: {  	[sflag:s12] =	ssyncset.done $0x0  }
0x1fd: {  	s6 =	sadd.s32 $0x2100, s3;
	[sflag:s12] =	ssyncadd.s32 $0xFFFFE000  }
0x1fe: {  	[tilespmem:s0], [sflag:$0x3] =	stream.indirect.gather [hbm4b:s4+s25], $0x80, s6, s25, $0xb8;
	[tilespmem:$0x1FC00] =	vst v63  }
0x1ff: {  	_ =	swait.ge [sflag:s13], $0x2000  }
0x200: {  	[sflag:s13] =	ssyncset.done $0x0  }
0x201: {  	s6 =	sadd.s32 $0x2180, s3;
	[sflag:s13] =	ssyncadd.s32 $0xFFFFE000  }
0x202: {  	[tilespmem:s26], [sflag:$0x4] =	stream.indirect.gather [hbm4b:s4+s25], $0x80, s6, s25, $0xb8;
	[tilespmem:$0x1FC00] =	vst v63  }
0x203: {  	_ =	swait.ge [sflag:s28], $0x2000  }
0x204: {  	[sflag:s28] =	ssyncset.done $0x0  }
0x205: {  	s6 =	sadd.s32 $0x3000, s3;
	[sflag:s28] =	ssyncadd.s32 $0xFFFFE000  }
0x206: {  	[spmem:s1] =	stream.indirect.scatter.add.f32 [tilespmem:s22], [sflag:$0x5], $0x80, s6, s25, $0xb8;
	[tilespmem:$0x1FC00] =	vst v63  }
0x207: {  	_ =	swait.ge [sflag:s29], $0x2000  }
0x208: {  	[sflag:s29] =	ssyncset.done $0x0  }
0x209: {  	s6 =	sadd.s32 $0x3080, s3;
	[sflag:s29] =	ssyncadd.s32 $0xFFFFE000  }
0x20a: {  	[spmem:s1] =	stream.indirect.scatter.add.f32 [tilespmem:s30], [sflag:$0x6], $0x80, s6, s25, $0xb8;
	[tilespmem:$0x1FC00] =	vst v63  }
0x20b: {  	_ =	swait.ge [sflag:s31], $0x2000  }
0x20c: {  	[sflag:s31] =	ssyncset.done $0x0  }
.Ltmp9:
0x20d: {  	s6 =	sadd.s32 $0x3100, s3;
	[sflag:s31] =	ssyncadd.s32 $0xFFFFE000;
	(pc) =	sbr.rel @p1 .LBB2_7-.Ltmp9, $4  }
0x20e: {  	[spmem:s1] =	stream.indirect.scatter.add.f32 [tilespmem:s0], [sflag:$0x7], $0x80, s6, s25, $0xb8;
	[tilespmem:$0x1FC00] =	vst v63  }
0x20f: {  	_ =	swait.ge [sflag:s2], $0x2000  }
0x210: {  	[sflag:s2] =	ssyncset.done $0x0  }
0x211: {  	s3 =	sadd.s32 $0x3180, s3;
	[sflag:s2] =	ssyncadd.s32 $0xFFFFE000  }
0x212: {  	s17 =	sadd.s32 $0x1, s17  }
0x213: {  	p1 =	seq.s32 s17, $0x5  }
.Ltmp10:
0x214: {  	_ = 	snop;
	(pc) =	sbr.rel @!p1 .LBB2_4-.Ltmp10, $4  }
.Ltmp11:
0x215: {  	_ = 	snop;
	(pc) =	sbr.rel @p1 .LBB2_14-.Ltmp11, $4  }
0x216: {  	_ = 	snop  }
0x217: {  	_ = 	snop  }
0x218: {  	[spmem:s1] =	stream.indirect.scatter.add.f32 [tilespmem:s26], [sflag:$0x8], $0x80, s3, s25, $0xb8;
	[tilespmem:$0x1FC00] =	vst v63  }
0x219: {  	_ = 	snop  }
.LBB2_15:
0x21a: {  	_ =	sfence.sel $0x180000  }
0x21b: {  	[bflag:$0x0] =	sbarrier.arrive $0xFFFF  }
0x21c: {  	_ =	strace $0x9000004D  }
0x21d: {  	s0 =	stileid.u32;
	[bflag:$0x2] =	sbarrier.arrive $0xFFFF  }
0x21e: {  	p0 =	sne.s32 s0, $0x0;
	s0 =	rddreg [dreg:$0x2]  }
0x21f: {  	s0 =	sadd.s32 @!p0 $0x100000, s0  }
0x220: {  	[sflag:s0] =	ssyncadd.tile.s32 @!p0 $0x1;
	_ =	shalt  }
.Lfunc_end2:
_tile_overlayer_lowered:
.L_overlay_start_2:
0x221: {  	(tag) =	ssettag $0x2  }
0x222: {  	s0 =	rddreg [dreg:$0x0];
	s2 =	stileid.u32  }
0x223: {  	s1 =	rddreg [dreg:$0x1];
	p0 =	sne.s32 s2, $0x0  }
0x224: {  	s3 =	rddreg [dreg:$0x2];
	[bflag:$0x3] =	sbarrier.arrive $0xFFFF;
	s2 =	simm.s32 @!p0 $0x1C09  }
0x225: {  	[timem:s3], [sflag:s2] =	dma.local @!p0 [hbm:s0], s1  }
0x226: {  	s0 =	simm.s32 @!p0 $0x9  }
0x227: {  	_ =	swait.ge @!p0 [sflag:s0], s1  }
0x228: {  	s1 =	ssub.s32 @!p0 $0x0, s1;
	[sflag:s0] =	ssyncset.done @!p0 $0x0  }
0x229: {  	[sflag:s0] =	ssyncadd.s32 @!p0 s1  }
0x22a: {  	[bflag:$0x3] =	sbarrier.arrive $0xFFFF  }
0x22b: {  	_ =	shalt  }

// kernel: kernel.8.cloned.1.call-start
scs
__scs_entry_jumppad:
0x0: {  	(pc) =	sbr.rel $0x88, $3  }
0x1: {  	(tag) =	ssettag $0x0;
	lr =	simm.s32 $0x1  }
0x2: {  	[smem:$0x3F98] =	sst lr;
	_ =	strace $0xD0000000  }
0x3: {  	_ = 	snop  }
0x4: {  	_ = 	snop  }
0x5: {  	_ = 	snop  }
0x6: {  	_ = 	snop  }
0x7: {  	_ = 	snop  }
__scs_overlays_trampoline_lowered:
0x8: {  	[smem:$0x3FA7] =	sst s0  }
0x9: {  	[smem:$0x3FA8] =	sst s1  }
0xa: {  	[smem:$0x3FA9] =	sst s2  }
0xb: {  	[smem:$0x3FAA] =	sst s3  }
0xc: {  	[smem:$0x3FAB] =	sst s4  }
0xd: {  	[smem:$0x3FAC] =	sst s5  }
0xe: {  	[smem:$0x3FAD] =	sst s6  }
0xf: {  	[smem:$0x3FAE] =	sst s7  }
0x10: {  	[smem:$0x3FAF] =	sst s8  }
0x11: {  	[smem:$0x3FB0] =	sst s9;
	s0 =	simm.s32 @!p0 $0x0  }
0x12: {  	s1 =	sld [smem:$0x3F96];
	s0 =	simm.s32 @p0 $0x1  }
0x13: {  	[smem:$0x3FB1] =	sst s0;
	s0 =	simm.s32 @!p1 $0x0  }
0x14: {  	s2 =	sld [smem:$0x3F95];
	s0 =	simm.s32 @p1 $0x1  }
0x15: {  	[smem:$0x3FB2] =	sst s0;
	s0 =	simm.s32 @!p2 $0x0  }
0x16: {  	s3 =	sld [smem:$0x3FDB];
	s0 =	simm.s32 @p2 $0x1  }
0x17: {  	s4 =	simm.s32 $0x1BF5;
	[smem:$0x3FB4] =	sst s0  }
0x18: {  	s0 =	sld [smem:$0x3F97];
	_ =	swait.ge [sflag:s4], $0x0  }
0x19: {  	s7 =	sld [smem:$0x3F98]  }
0x1a: {  	s8 =	sadd.s32 $0xFFFFE003, lr  }
0x1b: {  	s9 =	sadd.s32 $0xFFFFFEF7, lr;
	s5 =	simm.s32 $0xFFFFFFFF;
	p2 =	slt.u32 s8, $0xFFFFF086  }
0x1c: {  	p1 =	slt.u32 s9, $0xF7A;
	s5 =	simm.s32 @!p2 $0x0  }
0x1d: {  	s5 =	simm.s32 @p1 $0x1;
	p0 =	seq.s32 s7, s2  }
0x1e: {  	s7 =	smul.u32 @!p0 $0xF7A, s2;
	p2 =	seq.s32 @!p0 s5, $0x0  }
0x1f: {  	s9 =	smul.u32 $0xF7A, s1;
	s8 =	simm.s32 @!p0 $0x1BF5;
	p2 =	por !p2, p0  }
0x20: {  	[sflag:s8] =	ssyncset.s32 @!p0 $0xFFFFF086;
	s6 =	sadd.s32 @!p0 s3, s7;
	s7 =	simm.s32 @!p0 $0x108  }
0x21: {  	s3 =	sadd.s32 s3, s9;
	s6 =	sadd.s32 @!p0 $0x88, s6;
	s7 =	simm.s32 @p2 $0x1082  }
0x22: {  	[simem:s7], [sflag:s8] =	dma.local @!p0 [hbm:s6], $0xF7A  }
0x23: {  	s9 =	sor.u32 $0xD0000000, s2;
	s6 =	simm.s32 $0x108;
	_ =	swait.ge @!p0 [sflag:s8], $0x0  }
0x24: {  	s3 =	sadd.s32 $0x88, s3;
	s6 =	simm.s32 @!p1 $0x1082;
	[sflag:s4] =	ssyncset.s32 $0xFFFFF086  }
0x25: {  	[simem:s6], [sflag:s4] =	dma.local [hbm:s3], $0xF7A  }
0x26: {  	[smem:$0x3F98] =	sst s1;
	(tag) =	ssettag s2;
	_ =	strace s9  }
0x27: {  	s1 =	sld [smem:$0x3FA8]  }
0x28: {  	s2 =	sld [smem:$0x3FA9]  }
0x29: {  	s4 =	sld [smem:$0x3FAB]  }
0x2a: {  	p0 =	seq.s32 s5, $0x0;
	s5 =	sld [smem:$0x3FAC]  }
0x2b: {  	s6 =	sld [smem:$0x3FAD]  }
0x2c: {  	s7 =	sld [smem:$0x3FAE]  }
0x2d: {  	s3 =	simm.s32 $0x108;
	s8 =	sld [smem:$0x3FAF]  }
0x2e: {  	s3 =	simm.s32 @!p0 $0x1082;
	s9 =	sld [smem:$0x3FB0]  }
0x2f: {  	lr =	sadd.s32 s0, s3;
	s0 =	sld [smem:$0x3FA7]  }
0x30: {  	s3 =	sld [smem:$0x3FAA]  }
0x31: {  	[smem:$0x3FB3] =	sst s10  }
0x32: {  	s10 =	sld [smem:$0x3FB1];
	_ =	sdelay $0x3  }
0x33: {  	p0 =	seq.s32 s10, $0x1;
	s10 =	sld [smem:$0x3FB3];
	_ =	sdelay $0x3  }
0x34: {  	[smem:$0x3FB3] =	sst s10  }
0x35: {  	s10 =	sld [smem:$0x3FB2];
	_ =	sdelay $0x3  }
0x36: {  	p1 =	seq.s32 s10, $0x1;
	s10 =	sld [smem:$0x3FB3];
	_ =	sdelay $0x3  }
0x37: {  	[smem:$0x3FB3] =	sst s10  }
0x38: {  	s10 =	sld [smem:$0x3FB4]  }
0x39: {  	_ = 	snop;
	(pc) =	sbr.ind lr, $3  }
0x3a: {  	_ = 	snop  }
0x3b: {  	_ = 	snop  }
0x3c: {  	p2 =	seq.s32 s10, $0x1;
	s10 =	sld [smem:$0x3FB3]  }
0x3d: {  	_ =	shalt  }
0x3e: {  	_ =	shalt  }
0x3f: {  	_ =	shalt  }
0x40: {  	_ =	shalt  }
0x41: {  	_ =	shalt  }
0x42: {  	_ =	shalt  }
0x43: {  	_ =	shalt  }
0x44: {  	_ =	shalt  }
0x45: {  	_ =	shalt  }
0x46: {  	_ =	shalt  }
0x47: {  	_ =	shalt  }
0x48: {  	_ =	shalt  }
0x49: {  	_ =	shalt  }
0x4a: {  	_ =	shalt  }
0x4b: {  	_ =	shalt  }
0x4c: {  	_ =	shalt  }
0x4d: {  	_ =	shalt  }
0x4e: {  	_ =	shalt  }
0x4f: {  	_ =	shalt  }
0x50: {  	_ =	shalt  }
0x51: {  	_ =	shalt  }
0x52: {  	_ =	shalt  }
0x53: {  	_ =	shalt  }
0x54: {  	_ =	shalt  }
0x55: {  	_ =	shalt  }
0x56: {  	_ =	shalt  }
0x57: {  	_ =	shalt  }
0x58: {  	_ =	shalt  }
0x59: {  	_ =	shalt  }
0x5a: {  	_ =	shalt  }
0x5b: {  	_ =	shalt  }
0x5c: {  	_ =	shalt  }
0x5d: {  	_ =	shalt  }
0x5e: {  	_ =	shalt  }
0x5f: {  	_ =	shalt  }
0x60: {  	_ =	shalt  }
0x61: {  	_ =	shalt  }
0x62: {  	_ =	shalt  }
0x63: {  	_ =	shalt  }
0x64: {  	_ =	shalt  }
0x65: {  	_ =	shalt  }
0x66: {  	_ =	shalt  }
0x67: {  	_ =	shalt  }
0x68: {  	_ =	shalt  }
0x69: {  	_ =	shalt  }
0x6a: {  	_ =	shalt  }
0x6b: {  	_ =	shalt  }
0x6c: {  	_ =	shalt  }
0x6d: {  	_ =	shalt  }
0x6e: {  	_ =	shalt  }
0x6f: {  	_ =	shalt  }
0x70: {  	_ =	shalt  }
0x71: {  	_ =	shalt  }
0x72: {  	_ =	shalt  }
0x73: {  	_ =	shalt  }
0x74: {  	_ =	shalt  }
0x75: {  	_ =	shalt  }
0x76: {  	_ =	shalt  }
0x77: {  	_ =	shalt  }
0x78: {  	_ =	shalt  }
0x79: {  	_ =	shalt  }
0x7a: {  	_ =	shalt  }
0x7b: {  	_ =	shalt  }
0x7c: {  	_ =	shalt  }
0x7d: {  	_ =	shalt  }
0x7e: {  	_ =	shalt  }
0x7f: {  	_ =	shalt  }
0x80: {  	_ =	shalt  }
0x81: {  	_ =	shalt  }
0x82: {  	_ =	shalt  }
0x83: {  	_ =	shalt  }
0x84: {  	_ =	shalt  }
0x85: {  	_ =	shalt  }
0x86: {  	_ =	shalt  }
0x87: {  	_ =	shalt  }
.Lfunc_end0:
.L_simem_size_0:
called_computation_lowered:
.L_overlay_start_0:
0x88: {  	s2 =	sld [smem:$0x3FD9]  }
0x89: {  	s3 =	sld [smem:$0x3FFE];
	_ =	sdelay $0x1  }
0x8a: {  	s1 =	srdreg.scid  }
0x8b: {  	s0 =	sand.u32 $0x1, s1  }
0x8c: {  	s16 =	sshll.u32 s0, $0xA;
	s2 =	sadd.s32 s3, s2  }
0x8d: {  	s2 =	sadd.s32 s2, s16  }
0x8e: {  	[smem:$0x3FBF] =	sst s2  }
0x8f: {  	_ = 	snop  }
0x90: {  	(tm) =	ssettm $0x1  }
0x91: {  	s17 =	sld [smem:$0x3FFB];
	_ =	sdelay $0x3  }
0x92: {  	_ =	strace s17  }
0x93: {  	s2 =	sld [smem:$0x3FFC];
	_ =	sdelay $0x3  }
0x94: {  	_ =	strace s2  }
0x95: {  	s2 =	sld [smem:$0x3FFD];
	_ =	sdelay $0x3  }
0x96: {  	_ =	strace s2  }
0x97: {  	_ =	strace $0x8FFFFFFF  }
0x98: {  	s18 =	sld [smem:$0x3FDB];
	_ =	sdelay $0x1  }
0x99: {  	s19 =	simm.s32 $_scs_section_size  }
0x9a: {  	s4 =	simm.s32 $_size__tile_overlayer_lowered;
	s5 =	simm.s32 $_tile_overlayer_lowered  }
0x9b: {  	s22 =	simm.s32 $0x1BFF;
	s21 =	sshll.u32 s5, $0x1;
	s2 =	sadd.s32 s19, s18  }
0x9c: {  	s6 =	simm.s32 $0x0;
	s20 =	sshll.u32 s4, $0x1;
	s4 =	sadd.s32 s21, s2  }
0x9d: {  	[timem:s6], [sflag:s22] =	dma.local [hbm:s4], s20  }
0x9e: {  	_ =	swait.ge [sflag:s22], s20  }
0x9f: {  	s3 =	ssub.s32 $0x0, s20;
	[sflag:s22] =	ssyncset.done $0x0  }
0xa0: {  	[sflag:s22] =	ssyncadd.s32 s3;
	_ =	sdelay $0x1  }
0xa1: {  	s23 =	simm.s32 $0x1B8B  }
0xa2: {  	_ =	swait.ge [sflag:s23], $0x1  }
0xa3: {  	[sflag:s23] =	ssyncset.done $0x0  }
0xa4: {  	s25 =	simm.s32 $0x1B8E;
	s24 =	sld [smem:$0x3FFE];
	[sflag:s23] =	ssyncadd.s32 $0xFFFFFFFF  }
0xa5: {  	s26 =	simm.s32 $execute0_lowered;
	[smem:$0x3FD2] =	sst s25  }
0xa6: {  	s4 =	sshll.u32 s26, $0x1;
	_ =	strace $0x80000046;
	[dreg:$0x1] =	wrdreg $0xFFFFFFFF  }
0xa7: {  	s28 =	simm.s32 $_size_execute0_lowered;
	s2 =	sadd.s32 s2, s4;
	[dreg:$0x0] =	wrdreg $0x0  }
0xa8: {  	s4 =	sshll.u32 s28, $0x1;
	[dreg:$0x2] =	wrdreg s2  }
0xa9: {  	[dreg:$0x3] =	wrdreg s4  }
0xaa: {  	[dreg:$0x4] =	wrdreg $0xC0  }
0xab: {  	_ =	task [dreg:s6], $0x5FFFF  }
0xac: {  	[dreg:$0x1] =	wrdreg $0xFFFFFFFF  }
0xad: {  	[dreg:$0x0] =	wrdreg $0x60  }
0xae: {  	[dreg:$0x2] =	wrdreg s24  }
0xaf: {  	[dreg:$0x3] =	wrdreg $0x7A800  }
0xb0: {  	[dreg:$0x4] =	wrdreg $0x9  }
0xb1: {  	_ =	task.clear_ibuf [dreg:s6], $0x5FFFF;
	_ =	strace $0x90000046  }
0xb2: {  	s29 =	simm.s32 $0x9;
	_ =	strace $0x80000048  }
0xb3: {  	_ =	swait.ge [sflag:s29], $0x1  }
0xb4: {  	[sflag:s29] =	ssyncadd.s32 $0xFFFFFFFF  }
0xb5: {  	_ =	strace $0x90000048  }
0xb6: {  	_ =	sfence  }
0xb7: {  	s30 =	sld [smem:$0x0];
	_ =	sdelay $0x2  }
0xb8: {  	s31 =	sshll.u32 s1, $0xD;
	s1 =	sshrl.u32 s1, $0x2  }
0xb9: {  	s3 =	sand.u32 $0x4000, s31;
	s1 =	sadd.s32 s1, s30  }
0xba: {  	s0 =	sor.u32 s3, s0;
	s1 =	sshll.u32 s1, $0x11  }
0xbb: {  	s0 =	sor.u32 s1, s0  }
0xbc: {  	s0 =	sadd.s32 $0x8F2B, s0  }
0xbd: {  	[sflag:s0] =	ssyncadd.remote.s32 $0x1  }
0xbe: {  	_ =	sfence.sel $0xFFFF  }
0xbf: {  	[dreg:$0x0] =	wrdreg $0xFFFFFFFF;
	(pc) =	sbr.abs _section_cstart, $3  }
0xc0: {  	[dreg:$0x1] =	wrdreg $0xFFFFFFFF  }
0xc1: {  	_ =	task.clear_ibuf [dreg:s6], $0x2FFFF;
	_ =	strace $0x9FFFFFFF  }
0xc2: {  	(tm) =	ssettm $0x7FFFFFFF  }
0xc3: {  	_ =	shalt  }
tec
execute0_lowered:
.L_overlay_start_1:
0x0: {  	(tag) =	ssettag $0x1  }
0x1: {  	s0 =	srdreg.scid;
	s4 =	rddreg [dreg:$0x0]  }
0x2: {  	s5 =	rddreg [dreg:$0x1];
	s2 =	simm.s32 $0x0;
	s11 =	simm.s32 $0x400  }
0x3: {  	s12 =	simm.s32 $0x1400;
	s13 =	simm.s32 $0x14000;
	s14 =	simm.s32 $0x5000  }
0x4: {  	s15 =	simm.s32 $0x100;
	s16 =	simm.s32 $0x7800;
	s17 =	simm.s32 $0x0  }
0x5: {  	s3 =	sand.u32 $0x1, s0;
	s0 =	stileid.u32;
	[smem:$0x7FF] =	sst s2  }
0x6: {  	s1 =	sshll.u32 s3, $0x4;
	s7 =	smul.u32 $0x500, s0;
	s8 =	sshll.u32 s3, $0x7  }
0x7: {  	s26 =	sshrl.u32 s0, $0x3;
	s3 =	ssub.s32 $0x2, s3;
	s9 =	smul.u32 $0x5000, s0  }
0x8: {  	s29 =	sshll.u32 s0, $0x7;
	s6 =	sor.u32 s0, s1;
	s1 =	rddreg [dreg:$0x2]  }
0x9: {  	_ =	strace $0x80000047;
	s28 =	sshrl.u32 s3, $0x1;
	s6 =	smul.u32 $0x500, s6  }
0xa: {  	s31 =	sand.u32 $0x380, s29;
	s7 =	sor.u32 s8, s7;
	s8 =	smul.u32 $0x50000, s26  }
0xb: {  	s10 =	ssub.s32 s3, s28;
	s9 =	sshrl.u32 s9, $0x2;
	s7 =	sshrl.u32 s7, $0x3  }
0xc: {  	s6 =	sadd.s32 s6, s4;
	s7 =	sadd.s32 s7, s4;
	s30 =	sshrl.u32 s8, $0x2  }
0xd: {  	s8 =	simm.s32 $0x1;
	s4 =	sadd.s32 s30, s5;
	s3 =	sadd.s32 $0x4600, s6  }
0xe: {  	s5 =	sadd.s32 s9, s5;
	s6 =	sadd.s32 $0xE600, s7;
	s7 =	smax.u32 s10, $0x1  }
0xf: {  	v0 =	vimm.f32 $0.0e+00;
	v1 =	vimm.f32 $1.000000000e+00;
	s9 =	simm.s32 $0x2800;
	s10 =	simm.s32 $0x80;
	s4 =	sadd.s32 s31, s4  }
.LBB2_1:
0x10: {  	[tilespmem:s2], [sflag:$0x1] =	stream.linear.gather [hbm4b:s3+s2], $0x2800, $0x38;
	[tilespmem:$0xA280] =	vst v63  }
0x11: {  	_ =	swait.ge [sflag:s8], $0x2800  }
0x12: {  	[sflag:s8] =	ssyncset.done $0x0  }
0x13: {  	s18 =	simm.s32 $0x0;
	[sflag:s8] =	ssyncadd.s32 $0xFFFFD800  }
.LBB2_2:
0x14: {  	p0 =	sne.s32 s18, $0x9FC0  }
.Ltmp0:
0x15: {  	_ = 	snop;
	(pc) =	sbr.rel @p0 .LBB2_2-.Ltmp0, $3  }
0x16: {  	_ =	sdelay $0x1  }
0x17: {  	s19 =	sshra.s32 s18, $0x2  }
0x18: {  	s18 =	sadd.s32 $0x40, s18;
	[tilespmem:s19+$0x2800] =	vst v0  }
0x19: {  	s19 =	simm.s32 $0x0;
	s18 =	simm.s32 $0x40  }
.LBB2_4:
0x1a: {  	p0 =	sne.s32 s18, $0x9FC0;
	v2 =	vld [tilespmem:s19+$0x0];
	_ =	sdelay $0x3  }
.Ltmp1:
0x1b: {  	(pc) =	sbr.rel @p0 .LBB2_4-.Ltmp1, $2  }
0x1c: {  	_ =	sdelay $0x2  }
0x1d: {  	s19 =	sshra.s32 s18, $0x2;
	s18 =	sadd.s32 $0x40, s18;
	[tilespmem:v2+s9+$0x0] =	vst.idx.add.f32.msk $0xffff, v1  }
0x1e: {  	v2 =	vld [tilespmem:s19+$0x0];
	_ =	sdelay $0x7  }
0x1f: {  	[tilespmem:v2+s9+$0x0] =	vst.idx.add.f32.msk $0xffff, v1  }
0x20: {  	[spmem:s4] =	stream.strided.scatter [tilespmem:s9], [sflag:$0x1], $0x2800, s11, s10, $0x38;
	[tilespmem:$0xA280] =	vst v63  }
0x21: {  	_ =	swait.ge [sflag:s8], $0x2800  }
0x22: {  	[sflag:s8] =	ssyncset.done $0x0  }
0x23: {  	[sflag:s8] =	ssyncadd.s32 $0xFFFFD800  }
0x24: {  	[bflag:$0x0] =	sbarrier.arrive $0xFFFF  }
0x25: {  	[tilespmem:s14], [sflag:$0x1] =	stream.strided.gather [spmem:s5], $0x2800, s13, s12, $0x38;
	[tilespmem:$0xA280] =	vst v63  }
0x26: {  	s18 =	simm.s32 $0x0;
	_ =	swait.ge [sflag:s8], $0x2800  }
0x27: {  	s30 =	sand.u32 $0x70, s18;
	s18 =	sand.u32 $0x1C00, s18;
	[sflag:s8] =	ssyncset.done $0x0  }
0x28: {  	s18 =	sor.u32 s30, s18;
	[sflag:s8] =	ssyncadd.s32 $0xFFFFD800  }
0x29: {  	v2 =	vld [tilespmem:s18+$0x5080]  }
0x2a: {  	v3 =	vld [tilespmem:s18+$0x5000];
	_ =	sdelay $0x1  }
0x2b: {  	v4 =	vld [tilespmem:s18+$0x5100];
	_ =	sdelay $0x1  }
0x2c: {  	v5 =	vld [tilespmem:s18+$0x5180]  }
0x2d: {  	v2 =	vadd.f32 v2, v3  }
0x2e: {  	v3 =	vld [tilespmem:s18+$0x5200]  }
0x2f: {  	v2 =	vadd.f32 v4, v2  }
0x30: {  	v56 =	vld [tilespmem:s18+$0x5280]  }
0x31: {  	v2 =	vadd.f32 v5, v2  }
0x32: {  	v57 =	vld [tilespmem:s18+$0x5300]  }
0x33: {  	v2 =	vadd.f32 v3, v2  }
0x34: {  	v3 =	vld [tilespmem:s18+$0x5380]  }
0x35: {  	v2 =	vadd.f32 v56, v2  }
0x36: {  	v58 =	vld [tilespmem:s18+$0x6400]  }
0x37: {  	v2 =	vadd.f32 v57, v2  }
0x38: {  	v59 =	vld [tilespmem:s18+$0x6480]  }
0x39: {  	v2 =	vadd.f32 v3, v2  }
0x3a: {  	v3 =	vld [tilespmem:s18+$0x6500]  }
0x3b: {  	v2 =	vadd.f32 v58, v2  }
0x3c: {  	v60 =	vld [tilespmem:s18+$0x6580]  }
0x3d: {  	v2 =	vadd.f32 v59, v2  }
0x3e: {  	v61 =	vld [tilespmem:s18+$0x6600]  }
0x3f: {  	v2 =	vadd.f32 v3, v2  }
0x40: {  	v3 =	vld [tilespmem:s18+$0x6680]  }
0x41: {  	v2 =	vadd.f32 v60, v2  }
0x42: {  	v62 =	vld [tilespmem:s18+$0x6700]  }
0x43: {  	v2 =	vadd.f32 v61, v2  }
0x44: {  	v63 =	vld [tilespmem:s18+$0x6780]  }
0x45: {  	v2 =	vadd.f32 v3, v2;
	_ =	sdelay $0x1  }
0x46: {  	v2 =	vadd.f32 v62, v2;
	_ =	sdelay $0x1  }
0x47: {  	s31 =	simm.s32 $0x10;
	s20 =	simm.s32 $0x80;
	v2 =	vadd.f32 v63, v2  }
0x48: {  	s19 =	sand.u32 $0x70, s31;
	s21 =	sand.u32 $0x1C00, s20;
	s18 =	simm.s32 $0x7800  }
0x49: {  	s19 =	sor.u32 s19, s21;
	s21 =	simm.s32 $0x20;
	[tilespmem:s18+$0x0] =	vst v2  }
.LBB2_6:
0x4a: {  	p0 =	sne.s32 s21, $0x270;
	v2 =	vld [tilespmem:s19+$0x5080]  }
0x4b: {  	v3 =	vld [tilespmem:s19+$0x5000];
	_ =	sdelay $0x1  }
0x4c: {  	v4 =	vld [tilespmem:s19+$0x5100];
	_ =	sdelay $0x1  }
0x4d: {  	v5 =	vld [tilespmem:s19+$0x5180]  }
0x4e: {  	v2 =	vadd.f32 v2, v3  }
0x4f: {  	v3 =	vld [tilespmem:s19+$0x5200]  }
0x50: {  	v2 =	vadd.f32 v4, v2  }
0x51: {  	v4 =	vld [tilespmem:s19+$0x5280]  }
0x52: {  	v2 =	vadd.f32 v5, v2  }
0x53: {  	v5 =	vld [tilespmem:s19+$0x5300]  }
0x54: {  	v2 =	vadd.f32 v3, v2  }
0x55: {  	v3 =	vld [tilespmem:s19+$0x5380]  }
0x56: {  	v2 =	vadd.f32 v4, v2  }
0x57: {  	v4 =	vld [tilespmem:s19+$0x6400]  }
0x58: {  	v2 =	vadd.f32 v5, v2  }
0x59: {  	v5 =	vld [tilespmem:s19+$0x6480]  }
0x5a: {  	v2 =	vadd.f32 v3, v2  }
0x5b: {  	v3 =	vld [tilespmem:s19+$0x6500]  }
0x5c: {  	v2 =	vadd.f32 v4, v2  }
0x5d: {  	v4 =	vld [tilespmem:s19+$0x6580]  }
0x5e: {  	v2 =	vadd.f32 v5, v2  }
0x5f: {  	v5 =	vld [tilespmem:s19+$0x6600]  }
0x60: {  	v2 =	vadd.f32 v3, v2  }
0x61: {  	v3 =	vld [tilespmem:s19+$0x6680]  }
0x62: {  	v2 =	vadd.f32 v4, v2  }
0x63: {  	v4 =	vld [tilespmem:s19+$0x6700]  }
0x64: {  	v2 =	vadd.f32 v5, v2  }
0x65: {  	v5 =	vld [tilespmem:s19+$0x6780]  }
0x66: {  	v2 =	vadd.f32 v3, v2;
	_ =	sdelay $0x1  }
.Ltmp2:
0x67: {  	v2 =	vadd.f32 v4, v2;
	(pc) =	sbr.rel @p0 .LBB2_6-.Ltmp2, $4  }
0x68: {  	_ = 	snop  }
0x69: {  	s20 =	sadd.s32 $0x80, s20;
	v2 =	vadd.f32 v5, v2  }
0x6a: {  	s18 =	sadd.s32 $0x10, s18;
	s22 =	sand.u32 $0x1C00, s20;
	s19 =	sand.u32 $0x70, s21  }
0x6b: {  	s21 =	sadd.s32 $0x10, s21;
	s19 =	sor.u32 s19, s22;
	[tilespmem:s18+$0x0] =	vst v2  }
0x6c: {  	v2 =	vld [tilespmem:s19+$0x5080]  }
0x6d: {  	v3 =	vld [tilespmem:s19+$0x5000];
	_ =	sdelay $0x1  }
0x6e: {  	v4 =	vld [tilespmem:s19+$0x5100];
	_ =	sdelay $0x1  }
0x6f: {  	v5 =	vld [tilespmem:s19+$0x5180]  }
0x70: {  	v2 =	vadd.f32 v2, v3  }
0x71: {  	v3 =	vld [tilespmem:s19+$0x5200]  }
0x72: {  	v2 =	vadd.f32 v4, v2  }
0x73: {  	v56 =	vld [tilespmem:s19+$0x5280]  }
0x74: {  	v2 =	vadd.f32 v5, v2  }
0x75: {  	v57 =	vld [tilespmem:s19+$0x5300]  }
0x76: {  	v2 =	vadd.f32 v3, v2  }
0x77: {  	v3 =	vld [tilespmem:s19+$0x5380]  }
0x78: {  	v2 =	vadd.f32 v56, v2  }
0x79: {  	v58 =	vld [tilespmem:s19+$0x6400]  }
0x7a: {  	v2 =	vadd.f32 v57, v2  }
0x7b: {  	v59 =	vld [tilespmem:s19+$0x6480]  }
0x7c: {  	v2 =	vadd.f32 v3, v2  }
0x7d: {  	v3 =	vld [tilespmem:s19+$0x6500]  }
0x7e: {  	v2 =	vadd.f32 v58, v2  }
0x7f: {  	v60 =	vld [tilespmem:s19+$0x6580]  }
0x80: {  	v2 =	vadd.f32 v59, v2  }
0x81: {  	v61 =	vld [tilespmem:s19+$0x6600]  }
0x82: {  	v2 =	vadd.f32 v3, v2  }
0x83: {  	v3 =	vld [tilespmem:s19+$0x6680]  }
0x84: {  	v2 =	vadd.f32 v60, v2  }
0x85: {  	v62 =	vld [tilespmem:s19+$0x6700]  }
0x86: {  	v2 =	vadd.f32 v61, v2  }
0x87: {  	v63 =	vld [tilespmem:s19+$0x6780]  }
0x88: {  	v2 =	vadd.f32 v3, v2;
	_ =	sdelay $0x1  }
0x89: {  	v2 =	vadd.f32 v62, v2;
	_ =	sdelay $0x1  }
0x8a: {  	s17 =	sadd.s32 $0x1, s17;
	v2 =	vadd.f32 v63, v2  }
0x8b: {  	s18 =	sadd.s32 $0x10, s18;
	p0 =	sne.s32 s17, s7  }
.Ltmp3:
0x8c: {  	[tilespmem:s18+$0x0] =	vst v2;
	(pc) =	sbr.rel @p0 .LBB2_1-.Ltmp3, $4  }
0x8d: {  	[hbm4b:s6+s10] =	stream.strided.scatter [tilespmem:s16], [sflag:$0x1], $0x280, s15, s10, $0x38;
	[tilespmem:$0xA280] =	vst v63  }
0x8e: {  	_ =	swait.ge [sflag:s8], $0x280  }
0x8f: {  	[sflag:s8] =	ssyncset.done $0x0  }
0x90: {  	[sflag:s8] =	ssyncadd.s32 $0xFFFFFD80  }
0x91: {  	_ =	sfence.sel $0x180000  }
0x92: {  	[bflag:$0x0] =	sbarrier.arrive $0xFFFF  }
0x93: {  	p0 =	sne.s32 s0, $0x0;
	_ =	strace $0x90000047  }
0x94: {  	s0 =	sadd.s32 @!p0 $0x100000, s1;
	[bflag:$0x2] =	sbarrier.arrive $0xFFFF  }
0x95: {  	[sflag:s0] =	ssyncadd.tile.s32 @!p0 $0x1;
	_ =	shalt  }
.Lfunc_end2:
_tile_overlayer_lowered:
.L_overlay_start_2:
0x96: {  	(tag) =	ssettag $0x2  }
0x97: {  	s0 =	rddreg [dreg:$0x0];
	s2 =	stileid.u32  }
0x98: {  	s1 =	rddreg [dreg:$0x1];
	p0 =	sne.s32 s2, $0x0  }
0x99: {  	s3 =	rddreg [dreg:$0x2];
	[bflag:$0x3] =	sbarrier.arrive $0xFFFF;
	s2 =	simm.s32 @!p0 $0x1C01  }
0x9a: {  	[timem:s3], [sflag:s2] =	dma.local @!p0 [hbm:s0], s1  }
0x9b: {  	s0 =	simm.s32 @!p0 $0x1  }
0x9c: {  	_ =	swait.ge @!p0 [sflag:s0], s1  }
0x9d: {  	s1 =	ssub.s32 @!p0 $0x0, s1;
	[sflag:s0] =	ssyncset.done @!p0 $0x0  }
0x9e: {  	[sflag:s0] =	ssyncadd.s32 @!p0 s1  }
0x9f: {  	[bflag:$0x3] =	sbarrier.arrive $0xFFFF  }
0xa0: {  	_ =	shalt  }

</sc_bundles>
